<compile_context>
chip_gen: v7x
topology: tpu7x:2x2x1
jax: 0.10.2.dev20260603
libtpu: 0.0.44.dev20260713+nightly
codegen_flags: <defaults>
</compile_context>

<pallas_src>
import functools

import jax
import jax.numpy as jnp
from jax import lax
from jax.experimental import pallas as pl
from jax.experimental.pallas import tpu as pltpu
from jax.experimental.pallas import tpu_sc as plsc

N = 10000
E = 320000
D = 128
NC = 2
NS = 16
NW = NC * NS
EPT = E // NW
CHUNK = 125
NCHUNK = EPT // CHUNK
ACHUNK = (E // CHUNK) // NS
DH2 = D // NC
NPAD = 10240
B, M, P = 100, 4, 100
N_HEADS = 4
DH = D // N_HEADS
D_FF = 256
_ATT_SCALE = 1.0 / (float(DH) ** 0.5)

def _deg_body(dst_hbm, out_hbm, dstv, onesb, zbuf, bounce, degsh):
    c = lax.axis_index("c")
    s = lax.axis_index("s")
    wid = s * NC + c

    def fill(r, _):
        onesb[r] = jnp.ones((16,), jnp.float32)
        return 0
    lax.fori_loop(0, CHUNK, fill, 0)

    def zfill(r, _):
        zbuf[r] = jnp.zeros((16,), jnp.float32)
        return 0
    lax.fori_loop(0, 80, zfill, 0)
    for z in range(8):
        pltpu.sync_copy(zbuf, degsh.at[pl.ds(s * 640 + z * 80, 80)])
    plsc.subcore_barrier()

    pltpu.sync_copy(dst_hbm.at[pl.ds(wid * NCHUNK, NCHUNK)], dstv)

    def body(j, _):
        pltpu.sync_copy(onesb, degsh.at[dstv.at[j]], add=True)
        return 0
    lax.fori_loop(0, NCHUNK, body, 0)
    plsc.subcore_barrier()

    pltpu.sync_copy(degsh.at[pl.ds(s * 640, 640)], bounce)
    pltpu.sync_copy(bounce, out_hbm.at[c, pl.ds(s * 640, 640)])


def _agg_body(hs_hbm, src_hbm, dst_hbm, out_hbm,
              srcv, dstv, rows0, rows1, bounce, aggsh, sem0, sem1):
    c = lax.axis_index("c")
    s = lax.axis_index("s")

    def zrow(r, _):
        for cc in range(DH2 // 16):
            rows0[r, pl.ds(cc * 16, 16)] = jnp.zeros((16,), jnp.float32)
        return 0
    lax.fori_loop(0, CHUNK, zrow, 0)
    for z in range(8):
        pltpu.sync_copy(rows0.at[pl.ds(0, 80)],
                        aggsh.at[pl.ds(s * 640 + z * 80, 80)])
    plsc.subcore_barrier()

    pltpu.sync_copy(src_hbm.at[pl.ds(s * ACHUNK, ACHUNK)], srcv)
    pltpu.sync_copy(dst_hbm.at[pl.ds(s * ACHUNK, ACHUNK)], dstv)

    table = hs_hbm.at[c]

    def gather(j, buf, sem):
        pltpu.async_copy(table.at[srcv.at[j]], buf, sem)

    def wait(buf, sem):
        pltpu.make_async_copy(table.at[srcv.at[0]], buf, sem).wait()

    gather(0, rows0, sem0)

    def outer(g, _):
        c0 = 2 * g
        gather(c0 + 1, rows1, sem1)
        wait(rows0, sem0)
        pltpu.sync_copy(rows0, aggsh.at[dstv.at[c0]], add=True)

        @pl.when(g + 1 < ACHUNK // 2)
        def _():
            gather(c0 + 2, rows0, sem0)
        wait(rows1, sem1)
        pltpu.sync_copy(rows1, aggsh.at[dstv.at[c0 + 1]], add=True)
        return 0
    lax.fori_loop(0, ACHUNK // 2, outer, 0)
    plsc.subcore_barrier()

    off = s * 640
    pltpu.sync_copy(aggsh.at[pl.ds(off, 320)], bounce)
    pltpu.sync_copy(bounce, out_hbm.at[c, pl.ds(off, 320)])

    @pl.when(s < NS - 1)
    def _():
        pltpu.sync_copy(aggsh.at[pl.ds(off + 320, 320)], bounce)
        pltpu.sync_copy(bounce, out_hbm.at[c, pl.ds(off + 320, 320)])

    @pl.when(s == NS - 1)
    def _():
        b80 = bounce.at[pl.ds(0, 80)]
        pltpu.sync_copy(aggsh.at[pl.ds(N - 80, 80)], b80)
        pltpu.sync_copy(b80, out_hbm.at[c, pl.ds(N - 80, 80)])


@functools.cache
def _sc_kernels():
    mesh = plsc.VectorSubcoreMesh(core_axis_name="c", subcore_axis_name="s",
                                  num_cores=NC, num_subcores=NS)
    params = pltpu.CompilerParams(use_tc_tiling_on_sc=False)
    deg = pl.kernel(
        _deg_body,
        out_type=jax.ShapeDtypeStruct((NC, NPAD, 16), jnp.float32),
        mesh=mesh,
        compiler_params=params,
        scratch_types=[
            pltpu.VMEM((NCHUNK, CHUNK), jnp.int32),
            pltpu.VMEM((CHUNK, 16), jnp.float32),
            pltpu.VMEM((80, 16), jnp.float32),
            pltpu.VMEM((640, 16), jnp.float32),
            pltpu.VMEM_SHARED((NPAD, 16), jnp.float32),
        ],
    )
    agg = pl.kernel(
        _agg_body,
        out_type=jax.ShapeDtypeStruct((NC, N, DH2), jnp.float32),
        mesh=mesh,
        compiler_params=params,
        scratch_types=[
            pltpu.VMEM((ACHUNK, CHUNK), jnp.int32),
            pltpu.VMEM((ACHUNK, CHUNK), jnp.int32),
            pltpu.VMEM((CHUNK, DH2), jnp.float32),
            pltpu.VMEM((CHUNK, DH2), jnp.float32),
            pltpu.VMEM((320, DH2), jnp.float32),
            pltpu.VMEM_SHARED((NPAD, DH2), jnp.float32),
            pltpu.SemaphoreType.DMA,
            pltpu.SemaphoreType.DMA,
        ],
    )
    return deg, agg


def _tc1_body(x_ref, w_ref, degp_ref, o_ref):
    deg = jnp.sum(degp_ref[...], axis=0) + 1.0
    dinv = lax.rsqrt(deg)
    h = jnp.dot(x_ref[...], w_ref[...], preferred_element_type=jnp.float32)
    h = h * dinv
    o_ref[...] = jnp.stack([h[:, :DH2], h[:, DH2:]])


def _tc2_body(aggp_ref, h1s_ref, degp_ref, b1_ref, w2_ref, o_ref):
    deg = jnp.sum(degp_ref[...], axis=0) + 1.0
    dinv = lax.rsqrt(deg)
    agg = jnp.concatenate([aggp_ref[0] + h1s_ref[0],
                           aggp_ref[1] + h1s_ref[1]], axis=-1)
    x1 = jnp.maximum(agg * dinv + b1_ref[...], 0.0)
    h2 = jnp.dot(x1, w2_ref[...], preferred_element_type=jnp.float32) * dinv
    o_ref[...] = jnp.stack([h2[:, :DH2], h2[:, DH2:]])


def _ln(x, g, b, ones_col):
    inv_n = 1.0 / x.shape[-1]
    mu = jnp.dot(x, ones_col, preferred_element_type=jnp.float32) * inv_n
    xc = x - mu
    var = jnp.dot(xc * xc, ones_col,
                  preferred_element_type=jnp.float32) * inv_n
    return xc * lax.rsqrt(var + 1e-5) * g + b


_BB = 4


def _tc3_body(aggp, h2s, degp, enc, b2, wq, bq, wk, bk, wv, bv, wo, bo,
              wf1, bf1, wf2, bf2, g1, be1, g2, be2, o_ref):
    f32 = jnp.float32
    for bb in range(_BB):
        _tc3_one(bb, aggp, h2s, degp, enc, b2, wq, bq, wk, bk, wv, bv,
                 wo, bo, wf1, bf1, wf2, bf2, g1, be1, g2, be2, o_ref)


def _tc3_one(bb, aggp, h2s, degp, enc, b2, wq, bq, wk, bk, wv, bv, wo, bo,
             wf1, bf1, wf2, bf2, g1, be1, g2, be2, o_ref):
    f32 = jnp.float32
    deg = jnp.sum(degp[:, bb], axis=0) + 1.0
    dinv = lax.rsqrt(deg)
    agg = jnp.concatenate([aggp[0, bb] + h2s[0, bb],
                           aggp[1, bb] + h2s[1, bb]], axis=-1)
    x2 = jnp.maximum(agg * dinv + b2[...], 0.0)
    xin = enc[bb] + x2[None]
    xf = xin.reshape(M * P, D)
    q = jnp.dot(xf, wq[...], preferred_element_type=f32) + bq[...]
    k = jnp.dot(xf, wk[...], preferred_element_type=f32) + bk[...]
    v = jnp.dot(xf, wv[...], preferred_element_type=f32) + bv[...]
    ones_p = jnp.ones((P, 1), f32)
    blocks = []
    for m in range(M):
        rs = slice(m * P, (m + 1) * P)
        heads = []
        for h in range(N_HEADS):
            cs = slice(h * DH, (h + 1) * DH)
            qh, kh, vh = q[rs, cs], k[rs, cs], v[rs, cs]
            sc = lax.dot_general(qh, kh, (((1,), (1,)), ((), ())),
                                 preferred_element_type=f32)
            e = jnp.exp(sc)
            va = jnp.concatenate([vh, ones_p], axis=-1)
            num = jnp.dot(e, va, preferred_element_type=f32)
            heads.append(num[:, :DH] / num[:, DH:DH + 1])
        blocks.append(jnp.concatenate(heads, axis=-1))
    attn = jnp.concatenate(blocks, axis=0)
    attn = jnp.dot(attn, wo[...], preferred_element_type=f32) + bo[...]
    ones_d = jnp.ones((D, 1), f32)
    x = _ln(xf + attn, g1[...], be1[...], ones_d)
    ff = jnp.maximum(jnp.dot(x, wf1[...], preferred_element_type=f32)
                     + bf1[...], 0.0)
    ff = jnp.dot(ff, wf2[...], preferred_element_type=f32) + bf2[...]
    x = _ln(x + ff, g2[...], be2[...], ones_d)
    o_ref[bb] = x.reshape(M, P, D)


_RB = 1000

_tc1 = pl.pallas_call(
    _tc1_body,
    grid=(N // _RB,),
    in_specs=[
        pl.BlockSpec((_RB, D), lambda i: (i, 0)),
        pl.BlockSpec((D, D), lambda i: (0, 0)),
        pl.BlockSpec((NC, _RB, 1), lambda i: (0, i, 0)),
    ],
    out_specs=pl.BlockSpec((NC, _RB, DH2), lambda i: (0, i, 0)),
    out_shape=jax.ShapeDtypeStruct((NC, N, DH2), jnp.float32),
)

_tc2 = pl.pallas_call(
    _tc2_body,
    grid=(N // _RB,),
    in_specs=[
        pl.BlockSpec((NC, _RB, DH2), lambda i: (0, i, 0)),
        pl.BlockSpec((NC, _RB, DH2), lambda i: (0, i, 0)),
        pl.BlockSpec((NC, _RB, 1), lambda i: (0, i, 0)),
        pl.BlockSpec((1, D), lambda i: (0, 0)),
        pl.BlockSpec((D, D), lambda i: (0, 0)),
    ],
    out_specs=pl.BlockSpec((NC, _RB, DH2), lambda i: (0, i, 0)),
    out_shape=jax.ShapeDtypeStruct((NC, N, DH2), jnp.float32),
)

_full = lambda *shape: pl.BlockSpec(shape, lambda b: (0,) * len(shape))

_tc3 = pl.pallas_call(
    _tc3_body,
    grid=(B // _BB,),
    in_specs=[
        pl.BlockSpec((NC, _BB, P, DH2), lambda b: (0, b, 0, 0)),
        pl.BlockSpec((NC, _BB, P, DH2), lambda b: (0, b, 0, 0)),
        pl.BlockSpec((NC, _BB, P, 1), lambda b: (0, b, 0, 0)),
        pl.BlockSpec((_BB, M, P, D), lambda b: (b, 0, 0, 0)),
        _full(1, D),
        _full(D, D), _full(1, D),
        _full(D, D), _full(1, D),
        _full(D, D), _full(1, D),
        _full(D, D), _full(1, D),
        _full(D, D_FF), _full(1, D_FF),
        _full(D_FF, D), _full(1, D),
        _full(1, D), _full(1, D),
        _full(1, D), _full(1, D),
    ],
    out_specs=pl.BlockSpec((_BB, M, P, D), lambda b: (b, 0, 0, 0)),
    out_shape=jax.ShapeDtypeStruct((B, M, P, D), jnp.float32),
)


def kernel(enc_out_time, enc_in, x_raw, edge_index, Wc1, bc1, Wc2, bc2,
           Wq, bq, Wk, bk, Wv, bv, Wo, bo, Wf1, bf1, Wf2, bf2,
           g1, be1, g2, be2):
    src = edge_index[0].reshape(E // CHUNK, CHUNK)
    dst = edge_index[1].reshape(E // CHUNK, CHUNK)
    _deg_kernel, _agg_kernel = _sc_kernels()

    degp = _deg_kernel(dst)
    degp = degp[:, :N, 0].reshape(NC, N, 1)

    h1s = _tc1(x_raw, Wc1, degp)
    agg1 = _agg_kernel(h1s, src, dst)
    h2s = _tc2(agg1, h1s, degp, bc1.reshape(1, D), Wc2)
    agg2 = _agg_kernel(h2s, src, dst)

    r2 = lambda t: t.reshape(1, -1)
    return _tc3(
        agg2.reshape(NC, B, P, DH2), h2s.reshape(NC, B, P, DH2),
        degp.reshape(NC, B, P, 1), enc_in,
        r2(bc2), Wq * _ATT_SCALE, r2(bq) * _ATT_SCALE,
        Wk, r2(bk), Wv, r2(bv), Wo, r2(bo),
        Wf1, r2(bf1), Wf2, r2(bf2), r2(g1), r2(be1), r2(g2), r2(be2))

# --- scband reference (transcript-rebuilt; emitter-appended) ---
"""Pipeline reference for scband-gcn-2078764171905 (READ-ONLY COPY).

The authoritative reference and input builder live on the scoring server;
editing this copy changes nothing except your own understanding.
"""

import jax, jax.numpy as jnp
import numpy as np

N_NODES = 10000
N_EDGES = 320000
D = 128
B, M, P = 100, 4, 100
N_HEADS = 4
D_FF = 256


def _gcn_conv(x, edge_index, W, b):
    n = x.shape[0]
    loop = jnp.arange(n, dtype=edge_index.dtype)
    src = jnp.concatenate([edge_index[0], loop])
    dst = jnp.concatenate([edge_index[1], loop])
    deg = jax.ops.segment_sum(jnp.ones(src.shape[0], dtype=x.dtype), dst, num_segments=n)
    dinv = jnp.where(deg > 0, 1.0 / jnp.sqrt(deg), 0.0)
    norm = dinv[src] * dinv[dst]
    h = x @ W
    msg = h[src] * norm[:, None]
    out = jax.ops.segment_sum(msg, dst, num_segments=n)
    return out + b


def _layer_norm(x, g, b):
    mu = jnp.mean(x, axis=-1, keepdims=True)
    var = jnp.mean((x - mu) ** 2, axis=-1, keepdims=True)
    return (x - mu) / jnp.sqrt(var + 1e-5) * g + b


def _mha(q, kv, Wq, bq, Wk, bk, Wv, bv, Wo, bo):
    Bq, S, Dm = q.shape
    dh = Dm // N_HEADS
    def split(t):
        return t.reshape(Bq, S, N_HEADS, dh).transpose(0, 2, 1, 3)
    Q = split(q @ Wq + bq)
    K = split(kv @ Wk + bk)
    V = split(kv @ Wv + bv)
    scores = jnp.einsum('bhqd,bhkd->bhqk', Q, K) / (float(dh) ** 0.5)
    A = jax.nn.softmax(scores, axis=-1)
    O = jnp.einsum('bhqk,bhkd->bhqd', A, V)
    O = O.transpose(0, 2, 1, 3).reshape(Bq, S, Dm)
    return O @ Wo + bo


def setup_inputs(seed: int = 0):
    key = jax.random.key(seed)
    ks = jax.random.split(key, 16)
    def w(k, shape):
        return jax.random.normal(k, shape, dtype=jnp.float32) * 0.05
    inp = {}
    inp['enc_out_time'] = jax.random.normal(ks[0], (B, M, P, D), dtype=jnp.float32)
    inp['enc_in'] = jax.random.normal(ks[1], (B, M, P, D), dtype=jnp.float32)
    inp['x_raw'] = jax.random.normal(ks[2], (N_NODES, D), dtype=jnp.float32)
    inp['edge_index'] = jax.random.randint(ks[3], (2, N_EDGES), 0, N_NODES, dtype=jnp.int32)
    inp['Wc1'] = w(ks[4], (D, D)); inp['bc1'] = jnp.zeros((D,), jnp.float32)
    inp['Wc2'] = w(ks[5], (D, D)); inp['bc2'] = jnp.zeros((D,), jnp.float32)
    inp['Wq'] = w(ks[6], (D, D)); inp['bq'] = jnp.zeros((D,), jnp.float32)
    inp['Wk'] = w(ks[7], (D, D)); inp['bk'] = jnp.zeros((D,), jnp.float32)
    inp['Wv'] = w(ks[8], (D, D)); inp['bv'] = jnp.zeros((D,), jnp.float32)
    inp['Wo'] = w(ks[9], (D, D)); inp['bo'] = jnp.zeros((D,), jnp.float32)
    inp['Wf1'] = w(ks[10], (D, D_FF)); inp['bf1'] = jnp.zeros((D_FF,), jnp.float32)
    inp['Wf2'] = w(ks[11], (D_FF, D)); inp['bf2'] = jnp.zeros((D,), jnp.float32)
    inp['g1'] = jnp.ones((D,), jnp.float32); inp['be1'] = jnp.zeros((D,), jnp.float32)
    inp['g2'] = jnp.ones((D,), jnp.float32); inp['be2'] = jnp.zeros((D,), jnp.float32)
    return inp


def reference(enc_out_time, enc_in, x_raw, edge_index, Wc1, bc1, Wc2, bc2, Wq, bq, Wk, bk, Wv, bv, Wo, bo, Wf1, bf1, Wf2, bf2, g1, be1, g2, be2):
    Bs, Ms, Ps, Ds = enc_in.shape
    x1 = jax.nn.relu(_gcn_conv(x_raw, edge_index, Wc1, bc1))
    x2 = jax.nn.relu(_gcn_conv(x1, edge_index, Wc2, bc2))
    x = x2.reshape(-1, Ps, Ds).reshape(Bs, Ps, Ds)
    x = x[:, None, :, :] + enc_in
    x = x.reshape(-1, Ps, Ds)
    attn = _mha(x, x, Wq, bq, Wk, bk, Wv, bv, Wo, bo)
    x = _layer_norm(x + attn, g1, be1)
    ff = jax.nn.relu(x @ Wf1 + bf1) @ Wf2 + bf2
    x = _layer_norm(x + ff, g2, be2)
    return x.reshape(Bs, Ms, Ps, Ds)

if __name__ == "__main__":
    import jax
    _d = setup_inputs()
    print(jax.jit(kernel)(*tuple(_d.values())))

</pallas_src>

<mosaic_0001>
#map = affine_map<(d0, d1) -> (0, 0, 0)>
#map1 = affine_map<(d0, d1) -> (0, 0)>
module attributes {stable_mosaic.version = 14 : i64} {
  func.func @_agg_body(%arg0: i32, %arg1: i32, %arg2: memref<2x10000x64xf32, #tpu.memory_space<hbm>>, %arg3: memref<2560x125xi32, #tpu.memory_space<hbm>>, %arg4: memref<2560x125xi32, #tpu.memory_space<hbm>>, %arg5: memref<2x10000x64xf32, #tpu.memory_space<hbm>>, %arg6: memref<160x125xi32, #tpu.memory_space<vmem>>, %arg7: memref<160x125xi32, #tpu.memory_space<vmem>>, %arg8: memref<125x64xf32, #tpu.memory_space<vmem>>, %arg9: memref<125x64xf32, #tpu.memory_space<vmem>>, %arg10: memref<320x64xf32, #tpu.memory_space<vmem>>, %arg11: memref<10240x64xf32, #tpu.memory_space<vmem_shared>>, %arg12: memref<!tpu.dma_semaphore, #tpu.memory_space<semaphore_mem>>, %arg13: memref<!tpu.dma_semaphore, #tpu.memory_space<semaphore_mem>>) attributes {dimension_semantics = [#tpu.dimension_semantics<core_parallel>, #tpu.dimension_semantics<subcore_parallel>], iteration_bounds = array<i64: 2, 16>, scalar_prefetch = 0 : i64, scratch_operands = 8 : i64, tpu.core_type = #tpu.core_type<sc_vector_subcore>, window_params = [{transform_indices = #map}, {transform_indices = #map1}, {transform_indices = #map1}, {transform_indices = #map}]} {
    %scan3A = arith.constant 0 : i32
    %scan3A_0 = arith.constant 0 : i32
    %scan3A_1 = arith.constant 125 : i32
    %scan3A_2 = arith.addi %scan3A_0, %scan3A_1 : i32
    %scan3A_3 = arith.constant 1 : i32
    %scan3A_4 = scf.for %scan3A_66 = %scan3A_0 to %scan3A_2 step %scan3A_3 iter_args(%scan3A_67 = %scan3A) -> (i32)  : i32 {
      %broadcast_in_dim3A = arith.constant 0.000000e+00 : f32
      %broadcast_in_dim3A_68 = vector.broadcast %broadcast_in_dim3A : f32 to vector<16xf32>
      %swap3A = arith.index_cast %scan3A_66 : i32 to index
      %swap3A_69 = arith.constant 0 : index
      %swap3A_70 = tpu.vector_load %arg8[%swap3A, %swap3A_69] {strides = array<i32>} : memref<125x64xf32, #tpu.memory_space<vmem>>, vector<1x16xf32>,
      %swap3A_71 = vector.shape_cast %swap3A_70 : vector<1x16xf32> to vector<16xf32>
      %swap3A_72 = vector.shape_cast %broadcast_in_dim3A_68 : vector<16xf32> to vector<1x16xf32>
      tpu.vector_store %arg8[%swap3A, %swap3A_69], %swap3A_72 {strides = array<i32>} : memref<125x64xf32, #tpu.memory_space<vmem>>, vector<1x16xf32>,
      %broadcast_in_dim3A_73 = arith.constant 0.000000e+00 : f32
      %broadcast_in_dim3A_74 = vector.broadcast %broadcast_in_dim3A_73 : f32 to vector<16xf32>
      %swap3A_75 = arith.index_cast %scan3A_66 : i32 to index
      %swap3A_76 = arith.constant 16 : index
      %swap3A_77 = tpu.vector_load %arg8[%swap3A_75, %swap3A_76] {strides = array<i32>} : memref<125x64xf32, #tpu.memory_space<vmem>>, vector<1x16xf32>,
      %swap3A_78 = vector.shape_cast %swap3A_77 : vector<1x16xf32> to vector<16xf32>
      %swap3A_79 = vector.shape_cast %broadcast_in_dim3A_74 : vector<16xf32> to vector<1x16xf32>
      tpu.vector_store %arg8[%swap3A_75, %swap3A_76], %swap3A_79 {strides = array<i32>} : memref<125x64xf32, #tpu.memory_space<vmem>>, vector<1x16xf32>,
      %broadcast_in_dim3A_80 = arith.constant 0.000000e+00 : f32
      %broadcast_in_dim3A_81 = vector.broadcast %broadcast_in_dim3A_80 : f32 to vector<16xf32>
      %swap3A_82 = arith.index_cast %scan3A_66 : i32 to index
      %swap3A_83 = arith.constant 32 : index
      %swap3A_84 = tpu.vector_load %arg8[%swap3A_82, %swap3A_83] {strides = array<i32>} : memref<125x64xf32, #tpu.memory_space<vmem>>, vector<1x16xf32>,
      %swap3A_85 = vector.shape_cast %swap3A_84 : vector<1x16xf32> to vector<16xf32>
      %swap3A_86 = vector.shape_cast %broadcast_in_dim3A_81 : vector<16xf32> to vector<1x16xf32>
      tpu.vector_store %arg8[%swap3A_82, %swap3A_83], %swap3A_86 {strides = array<i32>} : memref<125x64xf32, #tpu.memory_space<vmem>>, vector<1x16xf32>,
      %broadcast_in_dim3A_87 = arith.constant 0.000000e+00 : f32
      %broadcast_in_dim3A_88 = vector.broadcast %broadcast_in_dim3A_87 : f32 to vector<16xf32>
      %swap3A_89 = arith.index_cast %scan3A_66 : i32 to index
      %swap3A_90 = arith.constant 48 : index
      %swap3A_91 = tpu.vector_load %arg8[%swap3A_89, %swap3A_90] {strides = array<i32>} : memref<125x64xf32, #tpu.memory_space<vmem>>, vector<1x16xf32>,
      %swap3A_92 = vector.shape_cast %swap3A_91 : vector<1x16xf32> to vector<16xf32>
      %swap3A_93 = vector.shape_cast %broadcast_in_dim3A_88 : vector<16xf32> to vector<1x16xf32>
      tpu.vector_store %arg8[%swap3A_89, %swap3A_90], %swap3A_93 {strides = array<i32>} : memref<125x64xf32, #tpu.memory_space<vmem>>, vector<1x16xf32>,
      %scan3A_94 = arith.constant 0 : i32
      scf.yield %scan3A_94 : i32
    }
    %scan3A_5 = arith.constant 125 : i32
    %mul3A = arith.constant 640 : i32
    %mul3A_6 = arith.muli %arg1, %mul3A : i32
    %add3A = arith.constant 0 : i32
    %add3A_7 = arith.addi %mul3A_6, %add3A : i32
    "tpu.region"() ({
      %run_scoped3A = tpu.sem_alloc : memref<!tpu.dma_semaphore, #tpu.memory_space<semaphore_mem>>
      %dma_start3A_66 = arith.constant 0 : i32
      %dma_start3A_67 = arith.constant 0 : i32
      %dma_start3A_68 = tpu.memref_slice %arg8[%dma_start3A_66, %dma_start3A_67] : memref<125x64xf32, #tpu.memory_space<vmem>> -> memref<80x64xf32, #tpu.memory_space<vmem>>
      %dma_start3A_69 = arith.constant 0 : i32
      %dma_start3A_70 = tpu.memref_slice %arg11[%add3A_7, %dma_start3A_69] : memref<10240x64xf32, #tpu.memory_space<vmem_shared>> -> memref<80x64xf32, #tpu.memory_space<vmem_shared>>
      %dma_start3A_71 = arith.constant 0 : i32
      %dma_start3A_72 = tpu.memref_slice %arg11[%add3A_7, %dma_start3A_71] : memref<10240x64xf32, #tpu.memory_space<vmem_shared>> -> memref<80x64xf32, #tpu.memory_space<vmem_shared>>
      %dma_start3A_73 = arith.constant 0 : i32
      %dma_start3A_74 = arith.constant 0 : i32
      %dma_start3A_75 = tpu.memref_slice %arg8[%dma_start3A_73, %dma_start3A_74] : memref<125x64xf32, #tpu.memory_space<vmem>> -> memref<80x64xf32, #tpu.memory_space<vmem>>
      tpu.enqueue_dma source(%dma_start3A_75 : memref<80x64xf32, #tpu.memory_space<vmem>>) target(%dma_start3A_72 : memref<80x64xf32, #tpu.memory_space<vmem_shared>>) target_semaphore(%run_scoped3A : memref<!tpu.dma_semaphore, #tpu.memory_space<semaphore_mem>>)
      %dma_wait3A = arith.constant 0 : i32
      %dma_wait3A_76 = arith.constant 0 : i32
      %dma_wait3A_77 = tpu.memref_slice %arg8[%dma_wait3A, %dma_wait3A_76] : memref<125x64xf32, #tpu.memory_space<vmem>> -> memref<80x64xf32, #tpu.memory_space<vmem>>
      %dma_wait3A_78 = arith.constant 0 : i32
      %dma_wait3A_79 = tpu.memref_slice %arg11[%add3A_7, %dma_wait3A_78] : memref<10240x64xf32, #tpu.memory_space<vmem_shared>> -> memref<80x64xf32, #tpu.memory_space<vmem_shared>>
      %dma_wait3A_80 = arith.constant 0 : i32
      %dma_wait3A_81 = tpu.memref_slice %arg11[%add3A_7, %dma_wait3A_80] : memref<10240x64xf32, #tpu.memory_space<vmem_shared>> -> memref<80x64xf32, #tpu.memory_space<vmem_shared>>
      %dma_wait3A_82 = arith.constant 0 : i32
      %dma_wait3A_83 = arith.constant 0 : i32
      %dma_wait3A_84 = tpu.memref_slice %arg8[%dma_wait3A_82, %dma_wait3A_83] : memref<125x64xf32, #tpu.memory_space<vmem>> -> memref<80x64xf32, #tpu.memory_space<vmem>>
      tpu.wait_dma2 semaphore(%run_scoped3A : memref<!tpu.dma_semaphore, #tpu.memory_space<semaphore_mem>>) src(%dma_wait3A_84 : memref<80x64xf32, #tpu.memory_space<vmem>>) dst(%dma_wait3A_81 : memref<80x64xf32, #tpu.memory_space<vmem_shared>>)
      tpu.yield
    }) : () -> ()
    %mul3A_8 = arith.constant 640 : i32
    %mul3A_9 = arith.muli %arg1, %mul3A_8 : i32
    %add3A_10 = arith.constant 80 : i32
    %add3A_11 = arith.addi %mul3A_9, %add3A_10 : i32
    "tpu.region"() ({
      %run_scoped3A = tpu.sem_alloc : memref<!tpu.dma_semaphore, #tpu.memory_space<semaphore_mem>>
      %dma_start3A_66 = arith.constant 0 : i32
      %dma_start3A_67 = arith.constant 0 : i32
      %dma_start3A_68 = tpu.memref_slice %arg8[%dma_start3A_66, %dma_start3A_67] : memref<125x64xf32, #tpu.memory_space<vmem>> -> memref<80x64xf32, #tpu.memory_space<vmem>>
      %dma_start3A_69 = arith.constant 0 : i32
      %dma_start3A_70 = tpu.memref_slice %arg11[%add3A_11, %dma_start3A_69] : memref<10240x64xf32, #tpu.memory_space<vmem_shared>> -> memref<80x64xf32, #tpu.memory_space<vmem_shared>>
      %dma_start3A_71 = arith.constant 0 : i32
      %dma_start3A_72 = tpu.memref_slice %arg11[%add3A_11, %dma_start3A_71] : memref<10240x64xf32, #tpu.memory_space<vmem_shared>> -> memref<80x64xf32, #tpu.memory_space<vmem_shared>>
      %dma_start3A_73 = arith.constant 0 : i32
      %dma_start3A_74 = arith.constant 0 : i32
      %dma_start3A_75 = tpu.memref_slice %arg8[%dma_start3A_73, %dma_start3A_74] : memref<125x64xf32, #tpu.memory_space<vmem>> -> memref<80x64xf32, #tpu.memory_space<vmem>>
      tpu.enqueue_dma source(%dma_start3A_75 : memref<80x64xf32, #tpu.memory_space<vmem>>) target(%dma_start3A_72 : memref<80x64xf32, #tpu.memory_space<vmem_shared>>) target_semaphore(%run_scoped3A : memref<!tpu.dma_semaphore, #tpu.memory_space<semaphore_mem>>)
      %dma_wait3A = arith.constant 0 : i32
      %dma_wait3A_76 = arith.constant 0 : i32
      %dma_wait3A_77 = tpu.memref_slice %arg8[%dma_wait3A, %dma_wait3A_76] : memref<125x64xf32, #tpu.memory_space<vmem>> -> memref<80x64xf32, #tpu.memory_space<vmem>>
      %dma_wait3A_78 = arith.constant 0 : i32
      %dma_wait3A_79 = tpu.memref_slice %arg11[%add3A_11, %dma_wait3A_78] : memref<10240x64xf32, #tpu.memory_space<vmem_shared>> -> memref<80x64xf32, #tpu.memory_space<vmem_shared>>
      %dma_wait3A_80 = arith.constant 0 : i32
      %dma_wait3A_81 = tpu.memref_slice %arg11[%add3A_11, %dma_wait3A_80] : memref<10240x64xf32, #tpu.memory_space<vmem_shared>> -> memref<80x64xf32, #tpu.memory_space<vmem_shared>>
      %dma_wait3A_82 = arith.constant 0 : i32
      %dma_wait3A_83 = arith.constant 0 : i32
      %dma_wait3A_84 = tpu.memref_slice %arg8[%dma_wait3A_82, %dma_wait3A_83] : memref<125x64xf32, #tpu.memory_space<vmem>> -> memref<80x64xf32, #tpu.memory_space<vmem>>
      tpu.wait_dma2 semaphore(%run_scoped3A : memref<!tpu.dma_semaphore, #tpu.memory_space<semaphore_mem>>) src(%dma_wait3A_84 : memref<80x64xf32, #tpu.memory_space<vmem>>) dst(%dma_wait3A_81 : memref<80x64xf32, #tpu.memory_space<vmem_shared>>)
      tpu.yield
    }) : () -> ()
    %mul3A_12 = arith.constant 640 : i32
    %mul3A_13 = arith.muli %arg1, %mul3A_12 : i32
    %add3A_14 = arith.constant 160 : i32
    %add3A_15 = arith.addi %mul3A_13, %add3A_14 : i32
    "tpu.region"() ({
      %run_scoped3A = tpu.sem_alloc : memref<!tpu.dma_semaphore, #tpu.memory_space<semaphore_mem>>
      %dma_start3A_66 = arith.constant 0 : i32
      %dma_start3A_67 = arith.constant 0 : i32
      %dma_start3A_68 = tpu.memref_slice %arg8[%dma_start3A_66, %dma_start3A_67] : memref<125x64xf32, #tpu.memory_space<vmem>> -> memref<80x64xf32, #tpu.memory_space<vmem>>
      %dma_start3A_69 = arith.constant 0 : i32
      %dma_start3A_70 = tpu.memref_slice %arg11[%add3A_15, %dma_start3A_69] : memref<10240x64xf32, #tpu.memory_space<vmem_shared>> -> memref<80x64xf32, #tpu.memory_space<vmem_shared>>
      %dma_start3A_71 = arith.constant 0 : i32
      %dma_start3A_72 = tpu.memref_slice %arg11[%add3A_15, %dma_start3A_71] : memref<10240x64xf32, #tpu.memory_space<vmem_shared>> -> memref<80x64xf32, #tpu.memory_space<vmem_shared>>
      %dma_start3A_73 = arith.constant 0 : i32
      %dma_start3A_74 = arith.constant 0 : i32
      %dma_start3A_75 = tpu.memref_slice %arg8[%dma_start3A_73, %dma_start3A_74] : memref<125x64xf32, #tpu.memory_space<vmem>> -> memref<80x64xf32, #tpu.memory_space<vmem>>
      tpu.enqueue_dma source(%dma_start3A_75 : memref<80x64xf32, #tpu.memory_space<vmem>>) target(%dma_start3A_72 : memref<80x64xf32, #tpu.memory_space<vmem_shared>>) target_semaphore(%run_scoped3A : memref<!tpu.dma_semaphore, #tpu.memory_space<semaphore_mem>>)
      %dma_wait3A = arith.constant 0 : i32
      %dma_wait3A_76 = arith.constant 0 : i32
      %dma_wait3A_77 = tpu.memref_slice %arg8[%dma_wait3A, %dma_wait3A_76] : memref<125x64xf32, #tpu.memory_space<vmem>> -> memref<80x64xf32, #tpu.memory_space<vmem>>
      %dma_wait3A_78 = arith.constant 0 : i32
      %dma_wait3A_79 = tpu.memref_slice %arg11[%add3A_15, %dma_wait3A_78] : memref<10240x64xf32, #tpu.memory_space<vmem_shared>> -> memref<80x64xf32, #tpu.memory_space<vmem_shared>>
      %dma_wait3A_80 = arith.constant 0 : i32
      %dma_wait3A_81 = tpu.memref_slice %arg11[%add3A_15, %dma_wait3A_80] : memref<10240x64xf32, #tpu.memory_space<vmem_shared>> -> memref<80x64xf32, #tpu.memory_space<vmem_shared>>
      %dma_wait3A_82 = arith.constant 0 : i32
      %dma_wait3A_83 = arith.constant 0 : i32
      %dma_wait3A_84 = tpu.memref_slice %arg8[%dma_wait3A_82, %dma_wait3A_83] : memref<125x64xf32, #tpu.memory_space<vmem>> -> memref<80x64xf32, #tpu.memory_space<vmem>>
      tpu.wait_dma2 semaphore(%run_scoped3A : memref<!tpu.dma_semaphore, #tpu.memory_space<semaphore_mem>>) src(%dma_wait3A_84 : memref<80x64xf32, #tpu.memory_space<vmem>>) dst(%dma_wait3A_81 : memref<80x64xf32, #tpu.memory_space<vmem_shared>>)
      tpu.yield
    }) : () -> ()
    %mul3A_16 = arith.constant 640 : i32
    %mul3A_17 = arith.muli %arg1, %mul3A_16 : i32
    %add3A_18 = arith.constant 240 : i32
    %add3A_19 = arith.addi %mul3A_17, %add3A_18 : i32
    "tpu.region"() ({
      %run_scoped3A = tpu.sem_alloc : memref<!tpu.dma_semaphore, #tpu.memory_space<semaphore_mem>>
      %dma_start3A_66 = arith.constant 0 : i32
      %dma_start3A_67 = arith.constant 0 : i32
      %dma_start3A_68 = tpu.memref_slice %arg8[%dma_start3A_66, %dma_start3A_67] : memref<125x64xf32, #tpu.memory_space<vmem>> -> memref<80x64xf32, #tpu.memory_space<vmem>>
      %dma_start3A_69 = arith.constant 0 : i32
      %dma_start3A_70 = tpu.memref_slice %arg11[%add3A_19, %dma_start3A_69] : memref<10240x64xf32, #tpu.memory_space<vmem_shared>> -> memref<80x64xf32, #tpu.memory_space<vmem_shared>>
      %dma_start3A_71 = arith.constant 0 : i32
      %dma_start3A_72 = tpu.memref_slice %arg11[%add3A_19, %dma_start3A_71] : memref<10240x64xf32, #tpu.memory_space<vmem_shared>> -> memref<80x64xf32, #tpu.memory_space<vmem_shared>>
      %dma_start3A_73 = arith.constant 0 : i32
      %dma_start3A_74 = arith.constant 0 : i32
      %dma_start3A_75 = tpu.memref_slice %arg8[%dma_start3A_73, %dma_start3A_74] : memref<125x64xf32, #tpu.memory_space<vmem>> -> memref<80x64xf32, #tpu.memory_space<vmem>>
      tpu.enqueue_dma source(%dma_start3A_75 : memref<80x64xf32, #tpu.memory_space<vmem>>) target(%dma_start3A_72 : memref<80x64xf32, #tpu.memory_space<vmem_shared>>) target_semaphore(%run_scoped3A : memref<!tpu.dma_semaphore, #tpu.memory_space<semaphore_mem>>)
      %dma_wait3A = arith.constant 0 : i32
      %dma_wait3A_76 = arith.constant 0 : i32
      %dma_wait3A_77 = tpu.memref_slice %arg8[%dma_wait3A, %dma_wait3A_76] : memref<125x64xf32, #tpu.memory_space<vmem>> -> memref<80x64xf32, #tpu.memory_space<vmem>>
      %dma_wait3A_78 = arith.constant 0 : i32
      %dma_wait3A_79 = tpu.memref_slice %arg11[%add3A_19, %dma_wait3A_78] : memref<10240x64xf32, #tpu.memory_space<vmem_shared>> -> memref<80x64xf32, #tpu.memory_space<vmem_shared>>
      %dma_wait3A_80 = arith.constant 0 : i32
      %dma_wait3A_81 = tpu.memref_slice %arg11[%add3A_19, %dma_wait3A_80] : memref<10240x64xf32, #tpu.memory_space<vmem_shared>> -> memref<80x64xf32, #tpu.memory_space<vmem_shared>>
      %dma_wait3A_82 = arith.constant 0 : i32
      %dma_wait3A_83 = arith.constant 0 : i32
      %dma_wait3A_84 = tpu.memref_slice %arg8[%dma_wait3A_82, %dma_wait3A_83] : memref<125x64xf32, #tpu.memory_space<vmem>> -> memref<80x64xf32, #tpu.memory_space<vmem>>
      tpu.wait_dma2 semaphore(%run_scoped3A : memref<!tpu.dma_semaphore, #tpu.memory_space<semaphore_mem>>) src(%dma_wait3A_84 : memref<80x64xf32, #tpu.memory_space<vmem>>) dst(%dma_wait3A_81 : memref<80x64xf32, #tpu.memory_space<vmem_shared>>)
      tpu.yield
    }) : () -> ()
    %mul3A_20 = arith.constant 640 : i32
    %mul3A_21 = arith.muli %arg1, %mul3A_20 : i32
    %add3A_22 = arith.constant 320 : i32
    %add3A_23 = arith.addi %mul3A_21, %add3A_22 : i32
    "tpu.region"() ({
      %run_scoped3A = tpu.sem_alloc : memref<!tpu.dma_semaphore, #tpu.memory_space<semaphore_mem>>
      %dma_start3A_66 = arith.constant 0 : i32
      %dma_start3A_67 = arith.constant 0 : i32
      %dma_start3A_68 = tpu.memref_slice %arg8[%dma_start3A_66, %dma_start3A_67] : memref<125x64xf32, #tpu.memory_space<vmem>> -> memref<80x64xf32, #tpu.memory_space<vmem>>
      %dma_start3A_69 = arith.constant 0 : i32
      %dma_start3A_70 = tpu.memref_slice %arg11[%add3A_23, %dma_start3A_69] : memref<10240x64xf32, #tpu.memory_space<vmem_shared>> -> memref<80x64xf32, #tpu.memory_space<vmem_shared>>
      %dma_start3A_71 = arith.constant 0 : i32
      %dma_start3A_72 = tpu.memref_slice %arg11[%add3A_23, %dma_start3A_71] : memref<10240x64xf32, #tpu.memory_space<vmem_shared>> -> memref<80x64xf32, #tpu.memory_space<vmem_shared>>
      %dma_start3A_73 = arith.constant 0 : i32
      %dma_start3A_74 = arith.constant 0 : i32
      %dma_start3A_75 = tpu.memref_slice %arg8[%dma_start3A_73, %dma_start3A_74] : memref<125x64xf32, #tpu.memory_space<vmem>> -> memref<80x64xf32, #tpu.memory_space<vmem>>
      tpu.enqueue_dma source(%dma_start3A_75 : memref<80x64xf32, #tpu.memory_space<vmem>>) target(%dma_start3A_72 : memref<80x64xf32, #tpu.memory_space<vmem_shared>>) target_semaphore(%run_scoped3A : memref<!tpu.dma_semaphore, #tpu.memory_space<semaphore_mem>>)
      %dma_wait3A = arith.constant 0 : i32
      %dma_wait3A_76 = arith.constant 0 : i32
      %dma_wait3A_77 = tpu.memref_slice %arg8[%dma_wait3A, %dma_wait3A_76] : memref<125x64xf32, #tpu.memory_space<vmem>> -> memref<80x64xf32, #tpu.memory_space<vmem>>
      %dma_wait3A_78 = arith.constant 0 : i32
      %dma_wait3A_79 = tpu.memref_slice %arg11[%add3A_23, %dma_wait3A_78] : memref<10240x64xf32, #tpu.memory_space<vmem_shared>> -> memref<80x64xf32, #tpu.memory_space<vmem_shared>>
      %dma_wait3A_80 = arith.constant 0 : i32
      %dma_wait3A_81 = tpu.memref_slice %arg11[%add3A_23, %dma_wait3A_80] : memref<10240x64xf32, #tpu.memory_space<vmem_shared>> -> memref<80x64xf32, #tpu.memory_space<vmem_shared>>
      %dma_wait3A_82 = arith.constant 0 : i32
      %dma_wait3A_83 = arith.constant 0 : i32
      %dma_wait3A_84 = tpu.memref_slice %arg8[%dma_wait3A_82, %dma_wait3A_83] : memref<125x64xf32, #tpu.memory_space<vmem>> -> memref<80x64xf32, #tpu.memory_space<vmem>>
      tpu.wait_dma2 semaphore(%run_scoped3A : memref<!tpu.dma_semaphore, #tpu.memory_space<semaphore_mem>>) src(%dma_wait3A_84 : memref<80x64xf32, #tpu.memory_space<vmem>>) dst(%dma_wait3A_81 : memref<80x64xf32, #tpu.memory_space<vmem_shared>>)
      tpu.yield
    }) : () -> ()
    %mul3A_24 = arith.constant 640 : i32
    %mul3A_25 = arith.muli %arg1, %mul3A_24 : i32
    %add3A_26 = arith.constant 400 : i32
    %add3A_27 = arith.addi %mul3A_25, %add3A_26 : i32
    "tpu.region"() ({
      %run_scoped3A = tpu.sem_alloc : memref<!tpu.dma_semaphore, #tpu.memory_space<semaphore_mem>>
      %dma_start3A_66 = arith.constant 0 : i32
      %dma_start3A_67 = arith.constant 0 : i32
      %dma_start3A_68 = tpu.memref_slice %arg8[%dma_start3A_66, %dma_start3A_67] : memref<125x64xf32, #tpu.memory_space<vmem>> -> memref<80x64xf32, #tpu.memory_space<vmem>>
      %dma_start3A_69 = arith.constant 0 : i32
      %dma_start3A_70 = tpu.memref_slice %arg11[%add3A_27, %dma_start3A_69] : memref<10240x64xf32, #tpu.memory_space<vmem_shared>> -> memref<80x64xf32, #tpu.memory_space<vmem_shared>>
      %dma_start3A_71 = arith.constant 0 : i32
      %dma_start3A_72 = tpu.memref_slice %arg11[%add3A_27, %dma_start3A_71] : memref<10240x64xf32, #tpu.memory_space<vmem_shared>> -> memref<80x64xf32, #tpu.memory_space<vmem_shared>>
      %dma_start3A_73 = arith.constant 0 : i32
      %dma_start3A_74 = arith.constant 0 : i32
      %dma_start3A_75 = tpu.memref_slice %arg8[%dma_start3A_73, %dma_start3A_74] : memref<125x64xf32, #tpu.memory_space<vmem>> -> memref<80x64xf32, #tpu.memory_space<vmem>>
      tpu.enqueue_dma source(%dma_start3A_75 : memref<80x64xf32, #tpu.memory_space<vmem>>) target(%dma_start3A_72 : memref<80x64xf32, #tpu.memory_space<vmem_shared>>) target_semaphore(%run_scoped3A : memref<!tpu.dma_semaphore, #tpu.memory_space<semaphore_mem>>)
      %dma_wait3A = arith.constant 0 : i32
      %dma_wait3A_76 = arith.constant 0 : i32
      %dma_wait3A_77 = tpu.memref_slice %arg8[%dma_wait3A, %dma_wait3A_76] : memref<125x64xf32, #tpu.memory_space<vmem>> -> memref<80x64xf32, #tpu.memory_space<vmem>>
      %dma_wait3A_78 = arith.constant 0 : i32
      %dma_wait3A_79 = tpu.memref_slice %arg11[%add3A_27, %dma_wait3A_78] : memref<10240x64xf32, #tpu.memory_space<vmem_shared>> -> memref<80x64xf32, #tpu.memory_space<vmem_shared>>
      %dma_wait3A_80 = arith.constant 0 : i32
      %dma_wait3A_81 = tpu.memref_slice %arg11[%add3A_27, %dma_wait3A_80] : memref<10240x64xf32, #tpu.memory_space<vmem_shared>> -> memref<80x64xf32, #tpu.memory_space<vmem_shared>>
      %dma_wait3A_82 = arith.constant 0 : i32
      %dma_wait3A_83 = arith.constant 0 : i32
      %dma_wait3A_84 = tpu.memref_slice %arg8[%dma_wait3A_82, %dma_wait3A_83] : memref<125x64xf32, #tpu.memory_space<vmem>> -> memref<80x64xf32, #tpu.memory_space<vmem>>
      tpu.wait_dma2 semaphore(%run_scoped3A : memref<!tpu.dma_semaphore, #tpu.memory_space<semaphore_mem>>) src(%dma_wait3A_84 : memref<80x64xf32, #tpu.memory_space<vmem>>) dst(%dma_wait3A_81 : memref<80x64xf32, #tpu.memory_space<vmem_shared>>)
      tpu.yield
    }) : () -> ()
    %mul3A_28 = arith.constant 640 : i32
    %mul3A_29 = arith.muli %arg1, %mul3A_28 : i32
    %add3A_30 = arith.constant 480 : i32
    %add3A_31 = arith.addi %mul3A_29, %add3A_30 : i32
    "tpu.region"() ({
      %run_scoped3A = tpu.sem_alloc : memref<!tpu.dma_semaphore, #tpu.memory_space<semaphore_mem>>
      %dma_start3A_66 = arith.constant 0 : i32
      %dma_start3A_67 = arith.constant 0 : i32
      %dma_start3A_68 = tpu.memref_slice %arg8[%dma_start3A_66, %dma_start3A_67] : memref<125x64xf32, #tpu.memory_space<vmem>> -> memref<80x64xf32, #tpu.memory_space<vmem>>
      %dma_start3A_69 = arith.constant 0 : i32
      %dma_start3A_70 = tpu.memref_slice %arg11[%add3A_31, %dma_start3A_69] : memref<10240x64xf32, #tpu.memory_space<vmem_shared>> -> memref<80x64xf32, #tpu.memory_space<vmem_shared>>
      %dma_start3A_71 = arith.constant 0 : i32
      %dma_start3A_72 = tpu.memref_slice %arg11[%add3A_31, %dma_start3A_71] : memref<10240x64xf32, #tpu.memory_space<vmem_shared>> -> memref<80x64xf32, #tpu.memory_space<vmem_shared>>
      %dma_start3A_73 = arith.constant 0 : i32
      %dma_start3A_74 = arith.constant 0 : i32
      %dma_start3A_75 = tpu.memref_slice %arg8[%dma_start3A_73, %dma_start3A_74] : memref<125x64xf32, #tpu.memory_space<vmem>> -> memref<80x64xf32, #tpu.memory_space<vmem>>
      tpu.enqueue_dma source(%dma_start3A_75 : memref<80x64xf32, #tpu.memory_space<vmem>>) target(%dma_start3A_72 : memref<80x64xf32, #tpu.memory_space<vmem_shared>>) target_semaphore(%run_scoped3A : memref<!tpu.dma_semaphore, #tpu.memory_space<semaphore_mem>>)
      %dma_wait3A = arith.constant 0 : i32
      %dma_wait3A_76 = arith.constant 0 : i32
      %dma_wait3A_77 = tpu.memref_slice %arg8[%dma_wait3A, %dma_wait3A_76] : memref<125x64xf32, #tpu.memory_space<vmem>> -> memref<80x64xf32, #tpu.memory_space<vmem>>
      %dma_wait3A_78 = arith.constant 0 : i32
      %dma_wait3A_79 = tpu.memref_slice %arg11[%add3A_31, %dma_wait3A_78] : memref<10240x64xf32, #tpu.memory_space<vmem_shared>> -> memref<80x64xf32, #tpu.memory_space<vmem_shared>>
      %dma_wait3A_80 = arith.constant 0 : i32
      %dma_wait3A_81 = tpu.memref_slice %arg11[%add3A_31, %dma_wait3A_80] : memref<10240x64xf32, #tpu.memory_space<vmem_shared>> -> memref<80x64xf32, #tpu.memory_space<vmem_shared>>
      %dma_wait3A_82 = arith.constant 0 : i32
      %dma_wait3A_83 = arith.constant 0 : i32
      %dma_wait3A_84 = tpu.memref_slice %arg8[%dma_wait3A_82, %dma_wait3A_83] : memref<125x64xf32, #tpu.memory_space<vmem>> -> memref<80x64xf32, #tpu.memory_space<vmem>>
      tpu.wait_dma2 semaphore(%run_scoped3A : memref<!tpu.dma_semaphore, #tpu.memory_space<semaphore_mem>>) src(%dma_wait3A_84 : memref<80x64xf32, #tpu.memory_space<vmem>>) dst(%dma_wait3A_81 : memref<80x64xf32, #tpu.memory_space<vmem_shared>>)
      tpu.yield
    }) : () -> ()
    %mul3A_32 = arith.constant 640 : i32
    %mul3A_33 = arith.muli %arg1, %mul3A_32 : i32
    %add3A_34 = arith.constant 560 : i32
    %add3A_35 = arith.addi %mul3A_33, %add3A_34 : i32
    "tpu.region"() ({
      %run_scoped3A = tpu.sem_alloc : memref<!tpu.dma_semaphore, #tpu.memory_space<semaphore_mem>>
      %dma_start3A_66 = arith.constant 0 : i32
      %dma_start3A_67 = arith.constant 0 : i32
      %dma_start3A_68 = tpu.memref_slice %arg8[%dma_start3A_66, %dma_start3A_67] : memref<125x64xf32, #tpu.memory_space<vmem>> -> memref<80x64xf32, #tpu.memory_space<vmem>>
      %dma_start3A_69 = arith.constant 0 : i32
      %dma_start3A_70 = tpu.memref_slice %arg11[%add3A_35, %dma_start3A_69] : memref<10240x64xf32, #tpu.memory_space<vmem_shared>> -> memref<80x64xf32, #tpu.memory_space<vmem_shared>>
      %dma_start3A_71 = arith.constant 0 : i32
      %dma_start3A_72 = tpu.memref_slice %arg11[%add3A_35, %dma_start3A_71] : memref<10240x64xf32, #tpu.memory_space<vmem_shared>> -> memref<80x64xf32, #tpu.memory_space<vmem_shared>>
      %dma_start3A_73 = arith.constant 0 : i32
      %dma_start3A_74 = arith.constant 0 : i32
      %dma_start3A_75 = tpu.memref_slice %arg8[%dma_start3A_73, %dma_start3A_74] : memref<125x64xf32, #tpu.memory_space<vmem>> -> memref<80x64xf32, #tpu.memory_space<vmem>>
      tpu.enqueue_dma source(%dma_start3A_75 : memref<80x64xf32, #tpu.memory_space<vmem>>) target(%dma_start3A_72 : memref<80x64xf32, #tpu.memory_space<vmem_shared>>) target_semaphore(%run_scoped3A : memref<!tpu.dma_semaphore, #tpu.memory_space<semaphore_mem>>)
      %dma_wait3A = arith.constant 0 : i32
      %dma_wait3A_76 = arith.constant 0 : i32
      %dma_wait3A_77 = tpu.memref_slice %arg8[%dma_wait3A, %dma_wait3A_76] : memref<125x64xf32, #tpu.memory_space<vmem>> -> memref<80x64xf32, #tpu.memory_space<vmem>>
      %dma_wait3A_78 = arith.constant 0 : i32
      %dma_wait3A_79 = tpu.memref_slice %arg11[%add3A_35, %dma_wait3A_78] : memref<10240x64xf32, #tpu.memory_space<vmem_shared>> -> memref<80x64xf32, #tpu.memory_space<vmem_shared>>
      %dma_wait3A_80 = arith.constant 0 : i32
      %dma_wait3A_81 = tpu.memref_slice %arg11[%add3A_35, %dma_wait3A_80] : memref<10240x64xf32, #tpu.memory_space<vmem_shared>> -> memref<80x64xf32, #tpu.memory_space<vmem_shared>>
      %dma_wait3A_82 = arith.constant 0 : i32
      %dma_wait3A_83 = arith.constant 0 : i32
      %dma_wait3A_84 = tpu.memref_slice %arg8[%dma_wait3A_82, %dma_wait3A_83] : memref<125x64xf32, #tpu.memory_space<vmem>> -> memref<80x64xf32, #tpu.memory_space<vmem>>
      tpu.wait_dma2 semaphore(%run_scoped3A : memref<!tpu.dma_semaphore, #tpu.memory_space<semaphore_mem>>) src(%dma_wait3A_84 : memref<80x64xf32, #tpu.memory_space<vmem>>) dst(%dma_wait3A_81 : memref<80x64xf32, #tpu.memory_space<vmem_shared>>)
      tpu.yield
    }) : () -> ()
    %barrier3A = arith.constant 0 : index
    tpu.barrier barrier_id(%barrier3A)
    %mul3A_36 = arith.constant 160 : i32
    %mul3A_37 = arith.muli %arg1, %mul3A_36 : i32
    "tpu.region"() ({
      %run_scoped3A = tpu.sem_alloc : memref<!tpu.dma_semaphore, #tpu.memory_space<semaphore_mem>>
      %dma_start3A_66 = arith.constant 0 : i32
      %dma_start3A_67 = tpu.memref_slice %arg3[%mul3A_37, %dma_start3A_66] : memref<2560x125xi32, #tpu.memory_space<hbm>> -> memref<160x125xi32, #tpu.memory_space<hbm>>
      %dma_start3A_68 = arith.constant 0 : i32
      %dma_start3A_69 = tpu.memref_slice %arg3[%mul3A_37, %dma_start3A_68] : memref<2560x125xi32, #tpu.memory_space<hbm>> -> memref<160x125xi32, #tpu.memory_space<hbm>>
      tpu.enqueue_dma source(%dma_start3A_69 : memref<160x125xi32, #tpu.memory_space<hbm>>) target(%arg6 : memref<160x125xi32, #tpu.memory_space<vmem>>) target_semaphore(%run_scoped3A : memref<!tpu.dma_semaphore, #tpu.memory_space<semaphore_mem>>)
      %dma_wait3A = arith.constant 0 : i32
      %dma_wait3A_70 = tpu.memref_slice %arg3[%mul3A_37, %dma_wait3A] : memref<2560x125xi32, #tpu.memory_space<hbm>> -> memref<160x125xi32, #tpu.memory_space<hbm>>
      %dma_wait3A_71 = arith.constant 0 : i32
      %dma_wait3A_72 = tpu.memref_slice %arg3[%mul3A_37, %dma_wait3A_71] : memref<2560x125xi32, #tpu.memory_space<hbm>> -> memref<160x125xi32, #tpu.memory_space<hbm>>
      tpu.wait_dma2 semaphore(%run_scoped3A : memref<!tpu.dma_semaphore, #tpu.memory_space<semaphore_mem>>) src(%dma_wait3A_72 : memref<160x125xi32, #tpu.memory_space<hbm>>) dst(%arg6 : memref<160x125xi32, #tpu.memory_space<vmem>>)
      tpu.yield
    }) : () -> ()
    %mul3A_38 = arith.constant 160 : i32
    %mul3A_39 = arith.muli %arg1, %mul3A_38 : i32
    "tpu.region"() ({
      %run_scoped3A = tpu.sem_alloc : memref<!tpu.dma_semaphore, #tpu.memory_space<semaphore_mem>>
      %dma_start3A_66 = arith.constant 0 : i32
      %dma_start3A_67 = tpu.memref_slice %arg4[%mul3A_39, %dma_start3A_66] : memref<2560x125xi32, #tpu.memory_space<hbm>> -> memref<160x125xi32, #tpu.memory_space<hbm>>
      %dma_start3A_68 = arith.constant 0 : i32
      %dma_start3A_69 = tpu.memref_slice %arg4[%mul3A_39, %dma_start3A_68] : memref<2560x125xi32, #tpu.memory_space<hbm>> -> memref<160x125xi32, #tpu.memory_space<hbm>>
      tpu.enqueue_dma source(%dma_start3A_69 : memref<160x125xi32, #tpu.memory_space<hbm>>) target(%arg7 : memref<160x125xi32, #tpu.memory_space<vmem>>) target_semaphore(%run_scoped3A : memref<!tpu.dma_semaphore, #tpu.memory_space<semaphore_mem>>)
      %dma_wait3A = arith.constant 0 : i32
      %dma_wait3A_70 = tpu.memref_slice %arg4[%mul3A_39, %dma_wait3A] : memref<2560x125xi32, #tpu.memory_space<hbm>> -> memref<160x125xi32, #tpu.memory_space<hbm>>
      %dma_wait3A_71 = arith.constant 0 : i32
      %dma_wait3A_72 = tpu.memref_slice %arg4[%mul3A_39, %dma_wait3A_71] : memref<2560x125xi32, #tpu.memory_space<hbm>> -> memref<160x125xi32, #tpu.memory_space<hbm>>
      tpu.wait_dma2 semaphore(%run_scoped3A : memref<!tpu.dma_semaphore, #tpu.memory_space<semaphore_mem>>) src(%dma_wait3A_72 : memref<160x125xi32, #tpu.memory_space<hbm>>) dst(%arg7 : memref<160x125xi32, #tpu.memory_space<vmem>>)
      tpu.yield
    }) : () -> ()
    %dma_start3A = arith.constant 0 : i32
    %dma_start3A_40 = arith.constant 0 : i32
    %dma_start3A_41 = tpu.memref_slice %arg6[%dma_start3A, %dma_start3A_40] : memref<160x125xi32, #tpu.memory_space<vmem>> -> memref<1x125xi32, #tpu.memory_space<vmem>>
    %dma_start3A_42 = tpu.memref_squeeze %dma_start3A_41 : memref<1x125xi32, #tpu.memory_space<vmem>> -> memref<125xi32, #tpu.memory_space<vmem>>
    %dma_start3A_43 = arith.constant 0 : i32
    %dma_start3A_44 = arith.constant 0 : i32
    %dma_start3A_45 = tpu.memref_slice %arg2[%arg0, %dma_start3A_43, %dma_start3A_44] : memref<2x10000x64xf32, #tpu.memory_space<hbm>> -> memref<1x10000x64xf32, #tpu.memory_space<hbm>>
    %dma_start3A_46 = tpu.memref_squeeze %dma_start3A_45 : memref<1x10000x64xf32, #tpu.memory_space<hbm>> -> memref<10000x64xf32, #tpu.memory_space<hbm>>
    %dma_start3A_47 = arith.constant 0 : i32
    %dma_start3A_48 = arith.constant 0 : i32
    %dma_start3A_49 = tpu.memref_slice %dma_start3A_46[%dma_start3A_47, %dma_start3A_48] : memref<10000x64xf32, #tpu.memory_space<hbm>> -> memref<10000x64xf32, #tpu.memory_space<hbm>>
    tpu.enqueue_indirect_dma source(%dma_start3A_49 : memref<10000x64xf32, #tpu.memory_space<hbm>>) target(%arg8 : memref<125x64xf32, #tpu.memory_space<vmem>>) offsets(%dma_start3A_42 : memref<125xi32, #tpu.memory_space<vmem>>) semaphore(%arg12 : memref<!tpu.dma_semaphore, #tpu.memory_space<semaphore_mem>>)
    %scan3A_50 = arith.constant 0 : i32
    %scan3A_51 = arith.constant 0 : i32
    %scan3A_52 = arith.constant 80 : i32
    %scan3A_53 = arith.addi %scan3A_51, %scan3A_52 : i32
    %scan3A_54 = arith.constant 1 : i32
    %scan3A_55 = scf.for %scan3A_66 = %scan3A_51 to %scan3A_53 step %scan3A_54 iter_args(%scan3A_67 = %scan3A_50) -> (i32)  : i32 {
      %mul3A_68 = arith.constant 2 : i32
      %mul3A_69 = arith.muli %mul3A_68, %scan3A_66 : i32
      %add3A_70 = arith.constant 1 : i32
      %add3A_71 = arith.addi %mul3A_69, %add3A_70 : i32
      %dma_start3A_72 = arith.constant 0 : i32
      %dma_start3A_73 = tpu.memref_slice %arg6[%add3A_71, %dma_start3A_72] : memref<160x125xi32, #tpu.memory_space<vmem>> -> memref<1x125xi32, #tpu.memory_space<vmem>>
      %dma_start3A_74 = tpu.memref_squeeze %dma_start3A_73 : memref<1x125xi32, #tpu.memory_space<vmem>> -> memref<125xi32, #tpu.memory_space<vmem>>
      %dma_start3A_75 = arith.constant 0 : i32
      %dma_start3A_76 = arith.constant 0 : i32
      %dma_start3A_77 = tpu.memref_slice %arg2[%arg0, %dma_start3A_75, %dma_start3A_76] : memref<2x10000x64xf32, #tpu.memory_space<hbm>> -> memref<1x10000x64xf32, #tpu.memory_space<hbm>>
      %dma_start3A_78 = tpu.memref_squeeze %dma_start3A_77 : memref<1x10000x64xf32, #tpu.memory_space<hbm>> -> memref<10000x64xf32, #tpu.memory_space<hbm>>
      %dma_start3A_79 = arith.constant 0 : i32
      %dma_start3A_80 = arith.constant 0 : i32
      %dma_start3A_81 = tpu.memref_slice %dma_start3A_78[%dma_start3A_79, %dma_start3A_80] : memref<10000x64xf32, #tpu.memory_space<hbm>> -> memref<10000x64xf32, #tpu.memory_space<hbm>>
      tpu.enqueue_indirect_dma source(%dma_start3A_81 : memref<10000x64xf32, #tpu.memory_space<hbm>>) target(%arg9 : memref<125x64xf32, #tpu.memory_space<vmem>>) offsets(%dma_start3A_74 : memref<125xi32, #tpu.memory_space<vmem>>) semaphore(%arg13 : memref<!tpu.dma_semaphore, #tpu.memory_space<semaphore_mem>>)
      %dma_wait3A = arith.constant 0 : i32
      %dma_wait3A_82 = arith.constant 0 : i32
      %dma_wait3A_83 = tpu.memref_slice %arg6[%dma_wait3A, %dma_wait3A_82] : memref<160x125xi32, #tpu.memory_space<vmem>> -> memref<1x125xi32, #tpu.memory_space<vmem>>
      %dma_wait3A_84 = tpu.memref_squeeze %dma_wait3A_83 : memref<1x125xi32, #tpu.memory_space<vmem>> -> memref<125xi32, #tpu.memory_space<vmem>>
      %dma_wait3A_85 = arith.constant 0 : i32
      %dma_wait3A_86 = arith.constant 0 : i32
      %dma_wait3A_87 = tpu.memref_slice %arg2[%arg0, %dma_wait3A_85, %dma_wait3A_86] : memref<2x10000x64xf32, #tpu.memory_space<hbm>> -> memref<1x10000x64xf32, #tpu.memory_space<hbm>>
      %dma_wait3A_88 = tpu.memref_squeeze %dma_wait3A_87 : memref<1x10000x64xf32, #tpu.memory_space<hbm>> -> memref<10000x64xf32, #tpu.memory_space<hbm>>
      %dma_wait3A_89 = arith.constant 0 : i32
      %dma_wait3A_90 = arith.constant 0 : i32
      %dma_wait3A_91 = tpu.memref_slice %dma_wait3A_88[%dma_wait3A_89, %dma_wait3A_90] : memref<10000x64xf32, #tpu.memory_space<hbm>> -> memref<10000x64xf32, #tpu.memory_space<hbm>>
      tpu.wait_indirect_dma semaphore(%arg12 : memref<!tpu.dma_semaphore, #tpu.memory_space<semaphore_mem>>) src(%dma_wait3A_91 : memref<10000x64xf32, #tpu.memory_space<hbm>>) dst(%arg8 : memref<125x64xf32, #tpu.memory_space<vmem>>)
      "tpu.region"() ({
        %run_scoped3A = tpu.sem_alloc : memref<!tpu.dma_semaphore, #tpu.memory_space<semaphore_mem>>
        %dma_start3A_113 = arith.constant 0 : i32
        %dma_start3A_114 = tpu.memref_slice %arg7[%mul3A_69, %dma_start3A_113] : memref<160x125xi32, #tpu.memory_space<vmem>> -> memref<1x125xi32, #tpu.memory_space<vmem>>
        %dma_start3A_115 = tpu.memref_squeeze %dma_start3A_114 : memref<1x125xi32, #tpu.memory_space<vmem>> -> memref<125xi32, #tpu.memory_space<vmem>>
        %dma_start3A_116 = arith.constant 0 : i32
        %dma_start3A_117 = arith.constant 0 : i32
        %dma_start3A_118 = tpu.memref_slice %arg11[%dma_start3A_116, %dma_start3A_117] : memref<10240x64xf32, #tpu.memory_space<vmem_shared>> -> memref<10240x64xf32, #tpu.memory_space<vmem_shared>>
        tpu.enqueue_indirect_dma source(%arg8 : memref<125x64xf32, #tpu.memory_space<vmem>>) target(%dma_start3A_118 : memref<10240x64xf32, #tpu.memory_space<vmem_shared>>) offsets(%dma_start3A_115 : memref<125xi32, #tpu.memory_space<vmem>>) semaphore(%run_scoped3A : memref<!tpu.dma_semaphore, #tpu.memory_space<semaphore_mem>>) {add = true}
        %dma_wait3A_119 = arith.constant 0 : i32
        %dma_wait3A_120 = tpu.memref_slice %arg7[%mul3A_69, %dma_wait3A_119] : memref<160x125xi32, #tpu.memory_space<vmem>> -> memref<1x125xi32, #tpu.memory_space<vmem>>
        %dma_wait3A_121 = tpu.memref_squeeze %dma_wait3A_120 : memref<1x125xi32, #tpu.memory_space<vmem>> -> memref<125xi32, #tpu.memory_space<vmem>>
        %dma_wait3A_122 = arith.constant 0 : i32
        %dma_wait3A_123 = arith.constant 0 : i32
        %dma_wait3A_124 = tpu.memref_slice %arg11[%dma_wait3A_122, %dma_wait3A_123] : memref<10240x64xf32, #tpu.memory_space<vmem_shared>> -> memref<10240x64xf32, #tpu.memory_space<vmem_shared>>
        tpu.wait_indirect_dma semaphore(%run_scoped3A : memref<!tpu.dma_semaphore, #tpu.memory_space<semaphore_mem>>) src(%arg8 : memref<125x64xf32, #tpu.memory_space<vmem>>) dst(%dma_wait3A_124 : memref<10240x64xf32, #tpu.memory_space<vmem_shared>>)
        tpu.yield
      }) : () -> ()
      %add3A_92 = arith.constant 1 : i32
      %add3A_93 = arith.addi %scan3A_66, %add3A_92 : i32
      %lt3A_94 = arith.constant 80 : i32
      %lt3A_95 = arith.cmpi slt, %add3A_93, %lt3A_94 : i32
      %convert_element_type3A_96 = arith.extui %lt3A_95 : i1 to i32
      %cond3A_97 = arith.constant 0 : i32
      %cond3A_98 = arith.cmpi ne, %convert_element_type3A_96, %cond3A_97 : i32
      scf.if %cond3A_98 {
        %add3A_113 = arith.constant 2 : i32
        %add3A_114 = arith.addi %mul3A_69, %add3A_113 : i32
        %dma_start3A_115 = arith.constant 0 : i32
        %dma_start3A_116 = tpu.memref_slice %arg6[%add3A_114, %dma_start3A_115] : memref<160x125xi32, #tpu.memory_space<vmem>> -> memref<1x125xi32, #tpu.memory_space<vmem>>
        %dma_start3A_117 = tpu.memref_squeeze %dma_start3A_116 : memref<1x125xi32, #tpu.memory_space<vmem>> -> memref<125xi32, #tpu.memory_space<vmem>>
        %dma_start3A_118 = arith.constant 0 : i32
        %dma_start3A_119 = arith.constant 0 : i32
        %dma_start3A_120 = tpu.memref_slice %arg2[%arg0, %dma_start3A_118, %dma_start3A_119] : memref<2x10000x64xf32, #tpu.memory_space<hbm>> -> memref<1x10000x64xf32, #tpu.memory_space<hbm>>
        %dma_start3A_121 = tpu.memref_squeeze %dma_start3A_120 : memref<1x10000x64xf32, #tpu.memory_space<hbm>> -> memref<10000x64xf32, #tpu.memory_space<hbm>>
        %dma_start3A_122 = arith.constant 0 : i32
        %dma_start3A_123 = arith.constant 0 : i32
        %dma_start3A_124 = tpu.memref_slice %dma_start3A_121[%dma_start3A_122, %dma_start3A_123] : memref<10000x64xf32, #tpu.memory_space<hbm>> -> memref<10000x64xf32, #tpu.memory_space<hbm>>
        tpu.enqueue_indirect_dma source(%dma_start3A_124 : memref<10000x64xf32, #tpu.memory_space<hbm>>) target(%arg8 : memref<125x64xf32, #tpu.memory_space<vmem>>) offsets(%dma_start3A_117 : memref<125xi32, #tpu.memory_space<vmem>>) semaphore(%arg12 : memref<!tpu.dma_semaphore, #tpu.memory_space<semaphore_mem>>)
      } else {
      }
      %dma_wait3A_99 = arith.constant 0 : i32
      %dma_wait3A_100 = arith.constant 0 : i32
      %dma_wait3A_101 = tpu.memref_slice %arg6[%dma_wait3A_99, %dma_wait3A_100] : memref<160x125xi32, #tpu.memory_space<vmem>> -> memref<1x125xi32, #tpu.memory_space<vmem>>
      %dma_wait3A_102 = tpu.memref_squeeze %dma_wait3A_101 : memref<1x125xi32, #tpu.memory_space<vmem>> -> memref<125xi32, #tpu.memory_space<vmem>>
      %dma_wait3A_103 = arith.constant 0 : i32
      %dma_wait3A_104 = arith.constant 0 : i32
      %dma_wait3A_105 = tpu.memref_slice %arg2[%arg0, %dma_wait3A_103, %dma_wait3A_104] : memref<2x10000x64xf32, #tpu.memory_space<hbm>> -> memref<1x10000x64xf32, #tpu.memory_space<hbm>>
      %dma_wait3A_106 = tpu.memref_squeeze %dma_wait3A_105 : memref<1x10000x64xf32, #tpu.memory_space<hbm>> -> memref<10000x64xf32, #tpu.memory_space<hbm>>
      %dma_wait3A_107 = arith.constant 0 : i32
      %dma_wait3A_108 = arith.constant 0 : i32
      %dma_wait3A_109 = tpu.memref_slice %dma_wait3A_106[%dma_wait3A_107, %dma_wait3A_108] : memref<10000x64xf32, #tpu.memory_space<hbm>> -> memref<10000x64xf32, #tpu.memory_space<hbm>>
      tpu.wait_indirect_dma semaphore(%arg13 : memref<!tpu.dma_semaphore, #tpu.memory_space<semaphore_mem>>) src(%dma_wait3A_109 : memref<10000x64xf32, #tpu.memory_space<hbm>>) dst(%arg9 : memref<125x64xf32, #tpu.memory_space<vmem>>)
      %add3A_110 = arith.constant 1 : i32
      %add3A_111 = arith.addi %mul3A_69, %add3A_110 : i32
      "tpu.region"() ({
        %run_scoped3A = tpu.sem_alloc : memref<!tpu.dma_semaphore, #tpu.memory_space<semaphore_mem>>
        %dma_start3A_113 = arith.constant 0 : i32
        %dma_start3A_114 = tpu.memref_slice %arg7[%add3A_111, %dma_start3A_113] : memref<160x125xi32, #tpu.memory_space<vmem>> -> memref<1x125xi32, #tpu.memory_space<vmem>>
        %dma_start3A_115 = tpu.memref_squeeze %dma_start3A_114 : memref<1x125xi32, #tpu.memory_space<vmem>> -> memref<125xi32, #tpu.memory_space<vmem>>
        %dma_start3A_116 = arith.constant 0 : i32
        %dma_start3A_117 = arith.constant 0 : i32
        %dma_start3A_118 = tpu.memref_slice %arg11[%dma_start3A_116, %dma_start3A_117] : memref<10240x64xf32, #tpu.memory_space<vmem_shared>> -> memref<10240x64xf32, #tpu.memory_space<vmem_shared>>
        tpu.enqueue_indirect_dma source(%arg9 : memref<125x64xf32, #tpu.memory_space<vmem>>) target(%dma_start3A_118 : memref<10240x64xf32, #tpu.memory_space<vmem_shared>>) offsets(%dma_start3A_115 : memref<125xi32, #tpu.memory_space<vmem>>) semaphore(%run_scoped3A : memref<!tpu.dma_semaphore, #tpu.memory_space<semaphore_mem>>) {add = true}
        %dma_wait3A_119 = arith.constant 0 : i32
        %dma_wait3A_120 = tpu.memref_slice %arg7[%add3A_111, %dma_wait3A_119] : memref<160x125xi32, #tpu.memory_space<vmem>> -> memref<1x125xi32, #tpu.memory_space<vmem>>
        %dma_wait3A_121 = tpu.memref_squeeze %dma_wait3A_120 : memref<1x125xi32, #tpu.memory_space<vmem>> -> memref<125xi32, #tpu.memory_space<vmem>>
        %dma_wait3A_122 = arith.constant 0 : i32
        %dma_wait3A_123 = arith.constant 0 : i32
        %dma_wait3A_124 = tpu.memref_slice %arg11[%dma_wait3A_122, %dma_wait3A_123] : memref<10240x64xf32, #tpu.memory_space<vmem_shared>> -> memref<10240x64xf32, #tpu.memory_space<vmem_shared>>
        tpu.wait_indirect_dma semaphore(%run_scoped3A : memref<!tpu.dma_semaphore, #tpu.memory_space<semaphore_mem>>) src(%arg9 : memref<125x64xf32, #tpu.memory_space<vmem>>) dst(%dma_wait3A_124 : memref<10240x64xf32, #tpu.memory_space<vmem_shared>>)
        tpu.yield
      }) : () -> ()
      %scan3A_112 = arith.constant 0 : i32
      scf.yield %scan3A_112 : i32
    }
    %scan3A_56 = arith.constant 80 : i32
    %barrier3A_57 = arith.constant 0 : index
    tpu.barrier barrier_id(%barrier3A_57)
    %mul3A_58 = arith.constant 640 : i32
    %mul3A_59 = arith.muli %arg1, %mul3A_58 : i32
    "tpu.region"() ({
      %run_scoped3A = tpu.sem_alloc : memref<!tpu.dma_semaphore, #tpu.memory_space<semaphore_mem>>
      %dma_start3A_66 = arith.constant 0 : i32
      %dma_start3A_67 = tpu.memref_slice %arg11[%mul3A_59, %dma_start3A_66] : memref<10240x64xf32, #tpu.memory_space<vmem_shared>> -> memref<320x64xf32, #tpu.memory_space<vmem_shared>>
      %dma_start3A_68 = arith.constant 0 : i32
      %dma_start3A_69 = tpu.memref_slice %arg11[%mul3A_59, %dma_start3A_68] : memref<10240x64xf32, #tpu.memory_space<vmem_shared>> -> memref<320x64xf32, #tpu.memory_space<vmem_shared>>
      tpu.enqueue_dma source(%dma_start3A_69 : memref<320x64xf32, #tpu.memory_space<vmem_shared>>) target(%arg10 : memref<320x64xf32, #tpu.memory_space<vmem>>) target_semaphore(%run_scoped3A : memref<!tpu.dma_semaphore, #tpu.memory_space<semaphore_mem>>)
      %dma_wait3A = arith.constant 0 : i32
      %dma_wait3A_70 = tpu.memref_slice %arg11[%mul3A_59, %dma_wait3A] : memref<10240x64xf32, #tpu.memory_space<vmem_shared>> -> memref<320x64xf32, #tpu.memory_space<vmem_shared>>
      %dma_wait3A_71 = arith.constant 0 : i32
      %dma_wait3A_72 = tpu.memref_slice %arg11[%mul3A_59, %dma_wait3A_71] : memref<10240x64xf32, #tpu.memory_space<vmem_shared>> -> memref<320x64xf32, #tpu.memory_space<vmem_shared>>
      tpu.wait_dma2 semaphore(%run_scoped3A : memref<!tpu.dma_semaphore, #tpu.memory_space<semaphore_mem>>) src(%dma_wait3A_72 : memref<320x64xf32, #tpu.memory_space<vmem_shared>>) dst(%arg10 : memref<320x64xf32, #tpu.memory_space<vmem>>)
      tpu.yield
    }) : () -> ()
    "tpu.region"() ({
      %run_scoped3A = tpu.sem_alloc : memref<!tpu.dma_semaphore, #tpu.memory_space<semaphore_mem>>
      %dma_start3A_66 = arith.constant 0 : i32
      %dma_start3A_67 = tpu.memref_slice %arg5[%arg0, %mul3A_59, %dma_start3A_66] : memref<2x10000x64xf32, #tpu.memory_space<hbm>> -> memref<1x320x64xf32, #tpu.memory_space<hbm>>
      %dma_start3A_68 = tpu.memref_squeeze %dma_start3A_67 : memref<1x320x64xf32, #tpu.memory_space<hbm>> -> memref<320x64xf32, #tpu.memory_space<hbm>>
      %dma_start3A_69 = arith.constant 0 : i32
      %dma_start3A_70 = tpu.memref_slice %arg5[%arg0, %mul3A_59, %dma_start3A_69] : memref<2x10000x64xf32, #tpu.memory_space<hbm>> -> memref<1x320x64xf32, #tpu.memory_space<hbm>>
      %dma_start3A_71 = tpu.memref_squeeze %dma_start3A_70 : memref<1x320x64xf32, #tpu.memory_space<hbm>> -> memref<320x64xf32, #tpu.memory_space<hbm>>
      tpu.enqueue_dma source(%arg10 : memref<320x64xf32, #tpu.memory_space<vmem>>) target(%dma_start3A_71 : memref<320x64xf32, #tpu.memory_space<hbm>>) target_semaphore(%run_scoped3A : memref<!tpu.dma_semaphore, #tpu.memory_space<semaphore_mem>>)
      %dma_wait3A = arith.constant 0 : i32
      %dma_wait3A_72 = tpu.memref_slice %arg5[%arg0, %mul3A_59, %dma_wait3A] : memref<2x10000x64xf32, #tpu.memory_space<hbm>> -> memref<1x320x64xf32, #tpu.memory_space<hbm>>
      %dma_wait3A_73 = tpu.memref_squeeze %dma_wait3A_72 : memref<1x320x64xf32, #tpu.memory_space<hbm>> -> memref<320x64xf32, #tpu.memory_space<hbm>>
      %dma_wait3A_74 = arith.constant 0 : i32
      %dma_wait3A_75 = tpu.memref_slice %arg5[%arg0, %mul3A_59, %dma_wait3A_74] : memref<2x10000x64xf32, #tpu.memory_space<hbm>> -> memref<1x320x64xf32, #tpu.memory_space<hbm>>
      %dma_wait3A_76 = tpu.memref_squeeze %dma_wait3A_75 : memref<1x320x64xf32, #tpu.memory_space<hbm>> -> memref<320x64xf32, #tpu.memory_space<hbm>>
      tpu.wait_dma2 semaphore(%run_scoped3A : memref<!tpu.dma_semaphore, #tpu.memory_space<semaphore_mem>>) src(%arg10 : memref<320x64xf32, #tpu.memory_space<vmem>>) dst(%dma_wait3A_76 : memref<320x64xf32, #tpu.memory_space<hbm>>)
      tpu.yield
    }) : () -> ()
    %lt3A = arith.constant 15 : i32
    %lt3A_60 = arith.cmpi slt, %arg1, %lt3A : i32
    %convert_element_type3A = arith.extui %lt3A_60 : i1 to i32
    %cond3A = arith.constant 0 : i32
    %cond3A_61 = arith.cmpi ne, %convert_element_type3A, %cond3A : i32
    scf.if %cond3A_61 {
      %add3A_66 = arith.constant 320 : i32
      %add3A_67 = arith.addi %mul3A_59, %add3A_66 : i32
      "tpu.region"() ({
        %run_scoped3A = tpu.sem_alloc : memref<!tpu.dma_semaphore, #tpu.memory_space<semaphore_mem>>
        %dma_start3A_70 = arith.constant 0 : i32
        %dma_start3A_71 = tpu.memref_slice %arg11[%add3A_67, %dma_start3A_70] : memref<10240x64xf32, #tpu.memory_space<vmem_shared>> -> memref<320x64xf32, #tpu.memory_space<vmem_shared>>
        %dma_start3A_72 = arith.constant 0 : i32
        %dma_start3A_73 = tpu.memref_slice %arg11[%add3A_67, %dma_start3A_72] : memref<10240x64xf32, #tpu.memory_space<vmem_shared>> -> memref<320x64xf32, #tpu.memory_space<vmem_shared>>
        tpu.enqueue_dma source(%dma_start3A_73 : memref<320x64xf32, #tpu.memory_space<vmem_shared>>) target(%arg10 : memref<320x64xf32, #tpu.memory_space<vmem>>) target_semaphore(%run_scoped3A : memref<!tpu.dma_semaphore, #tpu.memory_space<semaphore_mem>>)
        %dma_wait3A = arith.constant 0 : i32
        %dma_wait3A_74 = tpu.memref_slice %arg11[%add3A_67, %dma_wait3A] : memref<10240x64xf32, #tpu.memory_space<vmem_shared>> -> memref<320x64xf32, #tpu.memory_space<vmem_shared>>
        %dma_wait3A_75 = arith.constant 0 : i32
        %dma_wait3A_76 = tpu.memref_slice %arg11[%add3A_67, %dma_wait3A_75] : memref<10240x64xf32, #tpu.memory_space<vmem_shared>> -> memref<320x64xf32, #tpu.memory_space<vmem_shared>>
        tpu.wait_dma2 semaphore(%run_scoped3A : memref<!tpu.dma_semaphore, #tpu.memory_space<semaphore_mem>>) src(%dma_wait3A_76 : memref<320x64xf32, #tpu.memory_space<vmem_shared>>) dst(%arg10 : memref<320x64xf32, #tpu.memory_space<vmem>>)
        tpu.yield
      }) : () -> ()
      %add3A_68 = arith.constant 320 : i32
      %add3A_69 = arith.addi %mul3A_59, %add3A_68 : i32
      "tpu.region"() ({
        %run_scoped3A = tpu.sem_alloc : memref<!tpu.dma_semaphore, #tpu.memory_space<semaphore_mem>>
        %dma_start3A_70 = arith.constant 0 : i32
        %dma_start3A_71 = tpu.memref_slice %arg5[%arg0, %add3A_69, %dma_start3A_70] : memref<2x10000x64xf32, #tpu.memory_space<hbm>> -> memref<1x320x64xf32, #tpu.memory_space<hbm>>
        %dma_start3A_72 = tpu.memref_squeeze %dma_start3A_71 : memref<1x320x64xf32, #tpu.memory_space<hbm>> -> memref<320x64xf32, #tpu.memory_space<hbm>>
        %dma_start3A_73 = arith.constant 0 : i32
        %dma_start3A_74 = tpu.memref_slice %arg5[%arg0, %add3A_69, %dma_start3A_73] : memref<2x10000x64xf32, #tpu.memory_space<hbm>> -> memref<1x320x64xf32, #tpu.memory_space<hbm>>
        %dma_start3A_75 = tpu.memref_squeeze %dma_start3A_74 : memref<1x320x64xf32, #tpu.memory_space<hbm>> -> memref<320x64xf32, #tpu.memory_space<hbm>>
        tpu.enqueue_dma source(%arg10 : memref<320x64xf32, #tpu.memory_space<vmem>>) target(%dma_start3A_75 : memref<320x64xf32, #tpu.memory_space<hbm>>) target_semaphore(%run_scoped3A : memref<!tpu.dma_semaphore, #tpu.memory_space<semaphore_mem>>)
        %dma_wait3A = arith.constant 0 : i32
        %dma_wait3A_76 = tpu.memref_slice %arg5[%arg0, %add3A_69, %dma_wait3A] : memref<2x10000x64xf32, #tpu.memory_space<hbm>> -> memref<1x320x64xf32, #tpu.memory_space<hbm>>
        %dma_wait3A_77 = tpu.memref_squeeze %dma_wait3A_76 : memref<1x320x64xf32, #tpu.memory_space<hbm>> -> memref<320x64xf32, #tpu.memory_space<hbm>>
        %dma_wait3A_78 = arith.constant 0 : i32
        %dma_wait3A_79 = tpu.memref_slice %arg5[%arg0, %add3A_69, %dma_wait3A_78] : memref<2x10000x64xf32, #tpu.memory_space<hbm>> -> memref<1x320x64xf32, #tpu.memory_space<hbm>>
        %dma_wait3A_80 = tpu.memref_squeeze %dma_wait3A_79 : memref<1x320x64xf32, #tpu.memory_space<hbm>> -> memref<320x64xf32, #tpu.memory_space<hbm>>
        tpu.wait_dma2 semaphore(%run_scoped3A : memref<!tpu.dma_semaphore, #tpu.memory_space<semaphore_mem>>) src(%arg10 : memref<320x64xf32, #tpu.memory_space<vmem>>) dst(%dma_wait3A_80 : memref<320x64xf32, #tpu.memory_space<hbm>>)
        tpu.yield
      }) : () -> ()
    } else {
    }
    %eq3A = arith.constant 15 : i32
    %eq3A_62 = arith.cmpi eq, %arg1, %eq3A : i32
    %convert_element_type3A_63 = arith.extui %eq3A_62 : i1 to i32
    %cond3A_64 = arith.constant 0 : i32
    %cond3A_65 = arith.cmpi ne, %convert_element_type3A_63, %cond3A_64 : i32
    scf.if %cond3A_65 {
      "tpu.region"() ({
        %run_scoped3A = tpu.sem_alloc : memref<!tpu.dma_semaphore, #tpu.memory_space<semaphore_mem>>
        %dma_start3A_66 = arith.constant 0 : i32
        %dma_start3A_67 = arith.constant 0 : i32
        %dma_start3A_68 = tpu.memref_slice %arg10[%dma_start3A_66, %dma_start3A_67] : memref<320x64xf32, #tpu.memory_space<vmem>> -> memref<80x64xf32, #tpu.memory_space<vmem>>
        %dma_start3A_69 = arith.constant 9920 : i32
        %dma_start3A_70 = arith.constant 0 : i32
        %dma_start3A_71 = tpu.memref_slice %arg11[%dma_start3A_69, %dma_start3A_70] : memref<10240x64xf32, #tpu.memory_space<vmem_shared>> -> memref<80x64xf32, #tpu.memory_space<vmem_shared>>
        %dma_start3A_72 = arith.constant 0 : i32
        %dma_start3A_73 = arith.constant 0 : i32
        %dma_start3A_74 = tpu.memref_slice %arg10[%dma_start3A_72, %dma_start3A_73] : memref<320x64xf32, #tpu.memory_space<vmem>> -> memref<80x64xf32, #tpu.memory_space<vmem>>
        %dma_start3A_75 = arith.constant 9920 : i32
        %dma_start3A_76 = arith.constant 0 : i32
        %dma_start3A_77 = tpu.memref_slice %arg11[%dma_start3A_75, %dma_start3A_76] : memref<10240x64xf32, #tpu.memory_space<vmem_shared>> -> memref<80x64xf32, #tpu.memory_space<vmem_shared>>
        tpu.enqueue_dma source(%dma_start3A_77 : memref<80x64xf32, #tpu.memory_space<vmem_shared>>) target(%dma_start3A_74 : memref<80x64xf32, #tpu.memory_space<vmem>>) target_semaphore(%run_scoped3A : memref<!tpu.dma_semaphore, #tpu.memory_space<semaphore_mem>>)
        %dma_wait3A = arith.constant 0 : i32
        %dma_wait3A_78 = arith.constant 0 : i32
        %dma_wait3A_79 = tpu.memref_slice %arg10[%dma_wait3A, %dma_wait3A_78] : memref<320x64xf32, #tpu.memory_space<vmem>> -> memref<80x64xf32, #tpu.memory_space<vmem>>
        %dma_wait3A_80 = arith.constant 9920 : i32
        %dma_wait3A_81 = arith.constant 0 : i32
        %dma_wait3A_82 = tpu.memref_slice %arg11[%dma_wait3A_80, %dma_wait3A_81] : memref<10240x64xf32, #tpu.memory_space<vmem_shared>> -> memref<80x64xf32, #tpu.memory_space<vmem_shared>>
        %dma_wait3A_83 = arith.constant 0 : i32
        %dma_wait3A_84 = arith.constant 0 : i32
        %dma_wait3A_85 = tpu.memref_slice %arg10[%dma_wait3A_83, %dma_wait3A_84] : memref<320x64xf32, #tpu.memory_space<vmem>> -> memref<80x64xf32, #tpu.memory_space<vmem>>
        %dma_wait3A_86 = arith.constant 9920 : i32
        %dma_wait3A_87 = arith.constant 0 : i32
        %dma_wait3A_88 = tpu.memref_slice %arg11[%dma_wait3A_86, %dma_wait3A_87] : memref<10240x64xf32, #tpu.memory_space<vmem_shared>> -> memref<80x64xf32, #tpu.memory_space<vmem_shared>>
        tpu.wait_dma2 semaphore(%run_scoped3A : memref<!tpu.dma_semaphore, #tpu.memory_space<semaphore_mem>>) src(%dma_wait3A_88 : memref<80x64xf32, #tpu.memory_space<vmem_shared>>) dst(%dma_wait3A_85 : memref<80x64xf32, #tpu.memory_space<vmem>>)
        tpu.yield
      }) : () -> ()
      "tpu.region"() ({
        %run_scoped3A = tpu.sem_alloc : memref<!tpu.dma_semaphore, #tpu.memory_space<semaphore_mem>>
        %dma_start3A_66 = arith.constant 0 : i32
        %dma_start3A_67 = arith.constant 0 : i32
        %dma_start3A_68 = tpu.memref_slice %arg10[%dma_start3A_66, %dma_start3A_67] : memref<320x64xf32, #tpu.memory_space<vmem>> -> memref<80x64xf32, #tpu.memory_space<vmem>>
        %dma_start3A_69 = arith.constant 9920 : i32
        %dma_start3A_70 = arith.constant 0 : i32
        %dma_start3A_71 = tpu.memref_slice %arg5[%arg0, %dma_start3A_69, %dma_start3A_70] : memref<2x10000x64xf32, #tpu.memory_space<hbm>> -> memref<1x80x64xf32, #tpu.memory_space<hbm>>
        %dma_start3A_72 = tpu.memref_squeeze %dma_start3A_71 : memref<1x80x64xf32, #tpu.memory_space<hbm>> -> memref<80x64xf32, #tpu.memory_space<hbm>>
        %dma_start3A_73 = arith.constant 9920 : i32
        %dma_start3A_74 = arith.constant 0 : i32
        %dma_start3A_75 = tpu.memref_slice %arg5[%arg0, %dma_start3A_73, %dma_start3A_74] : memref<2x10000x64xf32, #tpu.memory_space<hbm>> -> memref<1x80x64xf32, #tpu.memory_space<hbm>>
        %dma_start3A_76 = tpu.memref_squeeze %dma_start3A_75 : memref<1x80x64xf32, #tpu.memory_space<hbm>> -> memref<80x64xf32, #tpu.memory_space<hbm>>
        %dma_start3A_77 = arith.constant 0 : i32
        %dma_start3A_78 = arith.constant 0 : i32
        %dma_start3A_79 = tpu.memref_slice %arg10[%dma_start3A_77, %dma_start3A_78] : memref<320x64xf32, #tpu.memory_space<vmem>> -> memref<80x64xf32, #tpu.memory_space<vmem>>
        tpu.enqueue_dma source(%dma_start3A_79 : memref<80x64xf32, #tpu.memory_space<vmem>>) target(%dma_start3A_76 : memref<80x64xf32, #tpu.memory_space<hbm>>) target_semaphore(%run_scoped3A : memref<!tpu.dma_semaphore, #tpu.memory_space<semaphore_mem>>)
        %dma_wait3A = arith.constant 0 : i32
        %dma_wait3A_80 = arith.constant 0 : i32
        %dma_wait3A_81 = tpu.memref_slice %arg10[%dma_wait3A, %dma_wait3A_80] : memref<320x64xf32, #tpu.memory_space<vmem>> -> memref<80x64xf32, #tpu.memory_space<vmem>>
        %dma_wait3A_82 = arith.constant 9920 : i32
        %dma_wait3A_83 = arith.constant 0 : i32
        %dma_wait3A_84 = tpu.memref_slice %arg5[%arg0, %dma_wait3A_82, %dma_wait3A_83] : memref<2x10000x64xf32, #tpu.memory_space<hbm>> -> memref<1x80x64xf32, #tpu.memory_space<hbm>>
        %dma_wait3A_85 = tpu.memref_squeeze %dma_wait3A_84 : memref<1x80x64xf32, #tpu.memory_space<hbm>> -> memref<80x64xf32, #tpu.memory_space<hbm>>
        %dma_wait3A_86 = arith.constant 9920 : i32
        %dma_wait3A_87 = arith.constant 0 : i32
        %dma_wait3A_88 = tpu.memref_slice %arg5[%arg0, %dma_wait3A_86, %dma_wait3A_87] : memref<2x10000x64xf32, #tpu.memory_space<hbm>> -> memref<1x80x64xf32, #tpu.memory_space<hbm>>
        %dma_wait3A_89 = tpu.memref_squeeze %dma_wait3A_88 : memref<1x80x64xf32, #tpu.memory_space<hbm>> -> memref<80x64xf32, #tpu.memory_space<hbm>>
        %dma_wait3A_90 = arith.constant 0 : i32
        %dma_wait3A_91 = arith.constant 0 : i32
        %dma_wait3A_92 = tpu.memref_slice %arg10[%dma_wait3A_90, %dma_wait3A_91] : memref<320x64xf32, #tpu.memory_space<vmem>> -> memref<80x64xf32, #tpu.memory_space<vmem>>
        tpu.wait_dma2 semaphore(%run_scoped3A : memref<!tpu.dma_semaphore, #tpu.memory_space<semaphore_mem>>) src(%dma_wait3A_92 : memref<80x64xf32, #tpu.memory_space<vmem>>) dst(%dma_wait3A_89 : memref<80x64xf32, #tpu.memory_space<hbm>>)
        tpu.yield
      }) : () -> ()
    } else {
    }
    return
  }
}

#map = affine_map<(d0, d1) -> (0, 0, 0)>
#map1 = affine_map<(d0, d1) -> (0, 0)>
module attributes {stable_mosaic.version = 14 : i64} {
  func.func @_agg_body(%arg0: i32, %arg1: i32, %arg2: memref<2x10000x64xf32, #tpu.memory_space<hbm>>, %arg3: memref<2560x125xi32, #tpu.memory_space<hbm>>, %arg4: memref<2560x125xi32, #tpu.memory_space<hbm>>, %arg5: memref<2x10000x64xf32, #tpu.memory_space<hbm>>, %arg6: memref<160x125xi32, #tpu.memory_space<vmem>>, %arg7: memref<160x125xi32, #tpu.memory_space<vmem>>, %arg8: memref<125x64xf32, #tpu.memory_space<vmem>>, %arg9: memref<125x64xf32, #tpu.memory_space<vmem>>, %arg10: memref<320x64xf32, #tpu.memory_space<vmem>>, %arg11: memref<10240x64xf32, #tpu.memory_space<vmem_shared>>, %arg12: memref<!tpu.dma_semaphore, #tpu.memory_space<semaphore_mem>>, %arg13: memref<!tpu.dma_semaphore, #tpu.memory_space<semaphore_mem>>) attributes {dimension_semantics = [#tpu.dimension_semantics<core_parallel>, #tpu.dimension_semantics<subcore_parallel>], iteration_bounds = array<i64: 2, 16>, scalar_prefetch = 0 : i64, scratch_operands = 8 : i64, tpu.core_type = #tpu.core_type<sc_vector_subcore>, window_params = [{transform_indices = #map}, {transform_indices = #map1}, {transform_indices = #map1}, {transform_indices = #map}]} {
    %scan3A = arith.constant 0 : i32
    %scan3A_0 = arith.constant 0 : i32
    %scan3A_1 = arith.constant 125 : i32
    %scan3A_2 = arith.addi %scan3A_0, %scan3A_1 : i32
    %scan3A_3 = arith.constant 1 : i32
    %scan3A_4 = scf.for %scan3A_66 = %scan3A_0 to %scan3A_2 step %scan3A_3 iter_args(%scan3A_67 = %scan3A) -> (i32)  : i32 {
      %broadcast_in_dim3A = arith.constant 0.000000e+00 : f32
      %broadcast_in_dim3A_68 = vector.broadcast %broadcast_in_dim3A : f32 to vector<16xf32>
      %swap3A = arith.index_cast %scan3A_66 : i32 to index
      %swap3A_69 = arith.constant 0 : index
      %swap3A_70 = tpu.vector_load %arg8[%swap3A, %swap3A_69] {strides = array<i32>} : memref<125x64xf32, #tpu.memory_space<vmem>>, vector<1x16xf32>,
      %swap3A_71 = vector.shape_cast %swap3A_70 : vector<1x16xf32> to vector<16xf32>
      %swap3A_72 = vector.shape_cast %broadcast_in_dim3A_68 : vector<16xf32> to vector<1x16xf32>
      tpu.vector_store %arg8[%swap3A, %swap3A_69], %swap3A_72 {strides = array<i32>} : memref<125x64xf32, #tpu.memory_space<vmem>>, vector<1x16xf32>,
      %broadcast_in_dim3A_73 = arith.constant 0.000000e+00 : f32
      %broadcast_in_dim3A_74 = vector.broadcast %broadcast_in_dim3A_73 : f32 to vector<16xf32>
      %swap3A_75 = arith.index_cast %scan3A_66 : i32 to index
      %swap3A_76 = arith.constant 16 : index
      %swap3A_77 = tpu.vector_load %arg8[%swap3A_75, %swap3A_76] {strides = array<i32>} : memref<125x64xf32, #tpu.memory_space<vmem>>, vector<1x16xf32>,
      %swap3A_78 = vector.shape_cast %swap3A_77 : vector<1x16xf32> to vector<16xf32>
      %swap3A_79 = vector.shape_cast %broadcast_in_dim3A_74 : vector<16xf32> to vector<1x16xf32>
      tpu.vector_store %arg8[%swap3A_75, %swap3A_76], %swap3A_79 {strides = array<i32>} : memref<125x64xf32, #tpu.memory_space<vmem>>, vector<1x16xf32>,
      %broadcast_in_dim3A_80 = arith.constant 0.000000e+00 : f32
      %broadcast_in_dim3A_81 = vector.broadcast %broadcast_in_dim3A_80 : f32 to vector<16xf32>
      %swap3A_82 = arith.index_cast %scan3A_66 : i32 to index
      %swap3A_83 = arith.constant 32 : index
      %swap3A_84 = tpu.vector_load %arg8[%swap3A_82, %swap3A_83] {strides = array<i32>} : memref<125x64xf32, #tpu.memory_space<vmem>>, vector<1x16xf32>,
      %swap3A_85 = vector.shape_cast %swap3A_84 : vector<1x16xf32> to vector<16xf32>
      %swap3A_86 = vector.shape_cast %broadcast_in_dim3A_81 : vector<16xf32> to vector<1x16xf32>
      tpu.vector_store %arg8[%swap3A_82, %swap3A_83], %swap3A_86 {strides = array<i32>} : memref<125x64xf32, #tpu.memory_space<vmem>>, vector<1x16xf32>,
      %broadcast_in_dim3A_87 = arith.constant 0.000000e+00 : f32
      %broadcast_in_dim3A_88 = vector.broadcast %broadcast_in_dim3A_87 : f32 to vector<16xf32>
      %swap3A_89 = arith.index_cast %scan3A_66 : i32 to index
      %swap3A_90 = arith.constant 48 : index
      %swap3A_91 = tpu.vector_load %arg8[%swap3A_89, %swap3A_90] {strides = array<i32>} : memref<125x64xf32, #tpu.memory_space<vmem>>, vector<1x16xf32>,
      %swap3A_92 = vector.shape_cast %swap3A_91 : vector<1x16xf32> to vector<16xf32>
      %swap3A_93 = vector.shape_cast %broadcast_in_dim3A_88 : vector<16xf32> to vector<1x16xf32>
      tpu.vector_store %arg8[%swap3A_89, %swap3A_90], %swap3A_93 {strides = array<i32>} : memref<125x64xf32, #tpu.memory_space<vmem>>, vector<1x16xf32>,
      %scan3A_94 = arith.constant 0 : i32
      scf.yield %scan3A_94 : i32
    }
    %scan3A_5 = arith.constant 125 : i32
    %mul3A = arith.constant 640 : i32
    %mul3A_6 = arith.muli %arg1, %mul3A : i32
    %add3A = arith.constant 0 : i32
    %add3A_7 = arith.addi %mul3A_6, %add3A : i32
    "tpu.region"() ({
      %run_scoped3A = tpu.sem_alloc : memref<!tpu.dma_semaphore, #tpu.memory_space<semaphore_mem>>
      %dma_start3A_66 = arith.constant 0 : i32
      %dma_start3A_67 = arith.constant 0 : i32
      %dma_start3A_68 = tpu.memref_slice %arg8[%dma_start3A_66, %dma_start3A_67] : memref<125x64xf32, #tpu.memory_space<vmem>> -> memref<80x64xf32, #tpu.memory_space<vmem>>
      %dma_start3A_69 = arith.constant 0 : i32
      %dma_start3A_70 = tpu.memref_slice %arg11[%add3A_7, %dma_start3A_69] : memref<10240x64xf32, #tpu.memory_space<vmem_shared>> -> memref<80x64xf32, #tpu.memory_space<vmem_shared>>
      %dma_start3A_71 = arith.constant 0 : i32
      %dma_start3A_72 = tpu.memref_slice %arg11[%add3A_7, %dma_start3A_71] : memref<10240x64xf32, #tpu.memory_space<vmem_shared>> -> memref<80x64xf32, #tpu.memory_space<vmem_shared>>
      %dma_start3A_73 = arith.constant 0 : i32
      %dma_start3A_74 = arith.constant 0 : i32
      %dma_start3A_75 = tpu.memref_slice %arg8[%dma_start3A_73, %dma_start3A_74] : memref<125x64xf32, #tpu.memory_space<vmem>> -> memref<80x64xf32, #tpu.memory_space<vmem>>
      tpu.enqueue_dma source(%dma_start3A_75 : memref<80x64xf32, #tpu.memory_space<vmem>>) target(%dma_start3A_72 : memref<80x64xf32, #tpu.memory_space<vmem_shared>>) target_semaphore(%run_scoped3A : memref<!tpu.dma_semaphore, #tpu.memory_space<semaphore_mem>>)
      %dma_wait3A = arith.constant 0 : i32
      %dma_wait3A_76 = arith.constant 0 : i32
      %dma_wait3A_77 = tpu.memref_slice %arg8[%dma_wait3A, %dma_wait3A_76] : memref<125x64xf32, #tpu.memory_space<vmem>> -> memref<80x64xf32, #tpu.memory_space<vmem>>
      %dma_wait3A_78 = arith.constant 0 : i32
      %dma_wait3A_79 = tpu.memref_slice %arg11[%add3A_7, %dma_wait3A_78] : memref<10240x64xf32, #tpu.memory_space<vmem_shared>> -> memref<80x64xf32, #tpu.memory_space<vmem_shared>>
      %dma_wait3A_80 = arith.constant 0 : i32
      %dma_wait3A_81 = tpu.memref_slice %arg11[%add3A_7, %dma_wait3A_80] : memref<10240x64xf32, #tpu.memory_space<vmem_shared>> -> memref<80x64xf32, #tpu.memory_space<vmem_shared>>
      %dma_wait3A_82 = arith.constant 0 : i32
      %dma_wait3A_83 = arith.constant 0 : i32
      %dma_wait3A_84 = tpu.memref_slice %arg8[%dma_wait3A_82, %dma_wait3A_83] : memref<125x64xf32, #tpu.memory_space<vmem>> -> memref<80x64xf32, #tpu.memory_space<vmem>>
      tpu.wait_dma2 semaphore(%run_scoped3A : memref<!tpu.dma_semaphore, #tpu.memory_space<semaphore_mem>>) src(%dma_wait3A_84 : memref<80x64xf32, #tpu.memory_space<vmem>>) dst(%dma_wait3A_81 : memref<80x64xf32, #tpu.memory_space<vmem_shared>>)
      tpu.yield
    }) : () -> ()
    %mul3A_8 = arith.constant 640 : i32
    %mul3A_9 = arith.muli %arg1, %mul3A_8 : i32
    %add3A_10 = arith.constant 80 : i32
    %add3A_11 = arith.addi %mul3A_9, %add3A_10 : i32
    "tpu.region"() ({
      %run_scoped3A = tpu.sem_alloc : memref<!tpu.dma_semaphore, #tpu.memory_space<semaphore_mem>>
      %dma_start3A_66 = arith.constant 0 : i32
      %dma_start3A_67 = arith.constant 0 : i32
      %dma_start3A_68 = tpu.memref_slice %arg8[%dma_start3A_66, %dma_start3A_67] : memref<125x64xf32, #tpu.memory_space<vmem>> -> memref<80x64xf32, #tpu.memory_space<vmem>>
      %dma_start3A_69 = arith.constant 0 : i32
      %dma_start3A_70 = tpu.memref_slice %arg11[%add3A_11, %dma_start3A_69] : memref<10240x64xf32, #tpu.memory_space<vmem_shared>> -> memref<80x64xf32, #tpu.memory_space<vmem_shared>>
      %dma_start3A_71 = arith.constant 0 : i32
      %dma_start3A_72 = tpu.memref_slice %arg11[%add3A_11, %dma_start3A_71] : memref<10240x64xf32, #tpu.memory_space<vmem_shared>> -> memref<80x64xf32, #tpu.memory_space<vmem_shared>>
      %dma_start3A_73 = arith.constant 0 : i32
      %dma_start3A_74 = arith.constant 0 : i32
      %dma_start3A_75 = tpu.memref_slice %arg8[%dma_start3A_73, %dma_start3A_74] : memref<125x64xf32, #tpu.memory_space<vmem>> -> memref<80x64xf32, #tpu.memory_space<vmem>>
      tpu.enqueue_dma source(%dma_start3A_75 : memref<80x64xf32, #tpu.memory_space<vmem>>) target(%dma_start3A_72 : memref<80x64xf32, #tpu.memory_space<vmem_shared>>) target_semaphore(%run_scoped3A : memref<!tpu.dma_semaphore, #tpu.memory_space<semaphore_mem>>)
      %dma_wait3A = arith.constant 0 : i32
      %dma_wait3A_76 = arith.constant 0 : i32
      %dma_wait3A_77 = tpu.memref_slice %arg8[%dma_wait3A, %dma_wait3A_76] : memref<125x64xf32, #tpu.memory_space<vmem>> -> memref<80x64xf32, #tpu.memory_space<vmem>>
      %dma_wait3A_78 = arith.constant 0 : i32
      %dma_wait3A_79 = tpu.memref_slice %arg11[%add3A_11, %dma_wait3A_78] : memref<10240x64xf32, #tpu.memory_space<vmem_shared>> -> memref<80x64xf32, #tpu.memory_space<vmem_shared>>
      %dma_wait3A_80 = arith.constant 0 : i32
      %dma_wait3A_81 = tpu.memref_slice %arg11[%add3A_11, %dma_wait3A_80] : memref<10240x64xf32, #tpu.memory_space<vmem_shared>> -> memref<80x64xf32, #tpu.memory_space<vmem_shared>>
      %dma_wait3A_82 = arith.constant 0 : i32
      %dma_wait3A_83 = arith.constant 0 : i32
      %dma_wait3A_84 = tpu.memref_slice %arg8[%dma_wait3A_82, %dma_wait3A_83] : memref<125x64xf32, #tpu.memory_space<vmem>> -> memref<80x64xf32, #tpu.memory_space<vmem>>
      tpu.wait_dma2 semaphore(%run_scoped3A : memref<!tpu.dma_semaphore, #tpu.memory_space<semaphore_mem>>) src(%dma_wait3A_84 : memref<80x64xf32, #tpu.memory_space<vmem>>) dst(%dma_wait3A_81 : memref<80x64xf32, #tpu.memory_space<vmem_shared>>)
      tpu.yield
    }) : () -> ()
    %mul3A_12 = arith.constant 640 : i32
    %mul3A_13 = arith.muli %arg1, %mul3A_12 : i32
    %add3A_14 = arith.constant 160 : i32
    %add3A_15 = arith.addi %mul3A_13, %add3A_14 : i32
    "tpu.region"() ({
      %run_scoped3A = tpu.sem_alloc : memref<!tpu.dma_semaphore, #tpu.memory_space<semaphore_mem>>
      %dma_start3A_66 = arith.constant 0 : i32
      %dma_start3A_67 = arith.constant 0 : i32
      %dma_start3A_68 = tpu.memref_slice %arg8[%dma_start3A_66, %dma_start3A_67] : memref<125x64xf32, #tpu.memory_space<vmem>> -> memref<80x64xf32, #tpu.memory_space<vmem>>
      %dma_start3A_69 = arith.constant 0 : i32
      %dma_start3A_70 = tpu.memref_slice %arg11[%add3A_15, %dma_start3A_69] : memref<10240x64xf32, #tpu.memory_space<vmem_shared>> -> memref<80x64xf32, #tpu.memory_space<vmem_shared>>
      %dma_start3A_71 = arith.constant 0 : i32
      %dma_start3A_72 = tpu.memref_slice %arg11[%add3A_15, %dma_start3A_71] : memref<10240x64xf32, #tpu.memory_space<vmem_shared>> -> memref<80x64xf32, #tpu.memory_space<vmem_shared>>
      %dma_start3A_73 = arith.constant 0 : i32
      %dma_start3A_74 = arith.constant 0 : i32
      %dma_start3A_75 = tpu.memref_slice %arg8[%dma_start3A_73, %dma_start3A_74] : memref<125x64xf32, #tpu.memory_space<vmem>> -> memref<80x64xf32, #tpu.memory_space<vmem>>
      tpu.enqueue_dma source(%dma_start3A_75 : memref<80x64xf32, #tpu.memory_space<vmem>>) target(%dma_start3A_72 : memref<80x64xf32, #tpu.memory_space<vmem_shared>>) target_semaphore(%run_scoped3A : memref<!tpu.dma_semaphore, #tpu.memory_space<semaphore_mem>>)
      %dma_wait3A = arith.constant 0 : i32
      %dma_wait3A_76 = arith.constant 0 : i32
      %dma_wait3A_77 = tpu.memref_slice %arg8[%dma_wait3A, %dma_wait3A_76] : memref<125x64xf32, #tpu.memory_space<vmem>> -> memref<80x64xf32, #tpu.memory_space<vmem>>
      %dma_wait3A_78 = arith.constant 0 : i32
      %dma_wait3A_79 = tpu.memref_slice %arg11[%add3A_15, %dma_wait3A_78] : memref<10240x64xf32, #tpu.memory_space<vmem_shared>> -> memref<80x64xf32, #tpu.memory_space<vmem_shared>>
      %dma_wait3A_80 = arith.constant 0 : i32
      %dma_wait3A_81 = tpu.memref_slice %arg11[%add3A_15, %dma_wait3A_80] : memref<10240x64xf32, #tpu.memory_space<vmem_shared>> -> memref<80x64xf32, #tpu.memory_space<vmem_shared>>
      %dma_wait3A_82 = arith.constant 0 : i32
      %dma_wait3A_83 = arith.constant 0 : i32
      %dma_wait3A_84 = tpu.memref_slice %arg8[%dma_wait3A_82, %dma_wait3A_83] : memref<125x64xf32, #tpu.memory_space<vmem>> -> memref<80x64xf32, #tpu.memory_space<vmem>>
      tpu.wait_dma2 semaphore(%run_scoped3A : memref<!tpu.dma_semaphore, #tpu.memory_space<semaphore_mem>>) src(%dma_wait3A_84 : memref<80x64xf32, #tpu.memory_space<vmem>>) dst(%dma_wait3A_81 : memref<80x64xf32, #tpu.memory_space<vmem_shared>>)
      tpu.yield
    }) : () -> ()
    %mul3A_16 = arith.constant 640 : i32
    %mul3A_17 = arith.muli %arg1, %mul3A_16 : i32
    %add3A_18 = arith.constant 240 : i32
    %add3A_19 = arith.addi %mul3A_17, %add3A_18 : i32
    "tpu.region"() ({
      %run_scoped3A = tpu.sem_alloc : memref<!tpu.dma_semaphore, #tpu.memory_space<semaphore_mem>>
      %dma_start3A_66 = arith.constant 0 : i32
      %dma_start3A_67 = arith.constant 0 : i32
      %dma_start3A_68 = tpu.memref_slice %arg8[%dma_start3A_66, %dma_start3A_67] : memref<125x64xf32, #tpu.memory_space<vmem>> -> memref<80x64xf32, #tpu.memory_space<vmem>>
      %dma_start3A_69 = arith.constant 0 : i32
      %dma_start3A_70 = tpu.memref_slice %arg11[%add3A_19, %dma_start3A_69] : memref<10240x64xf32, #tpu.memory_space<vmem_shared>> -> memref<80x64xf32, #tpu.memory_space<vmem_shared>>
      %dma_start3A_71 = arith.constant 0 : i32
      %dma_start3A_72 = tpu.memref_slice %arg11[%add3A_19, %dma_start3A_71] : memref<10240x64xf32, #tpu.memory_space<vmem_shared>> -> memref<80x64xf32, #tpu.memory_space<vmem_shared>>
      %dma_start3A_73 = arith.constant 0 : i32
      %dma_start3A_74 = arith.constant 0 : i32
      %dma_start3A_75 = tpu.memref_slice %arg8[%dma_start3A_73, %dma_start3A_74] : memref<125x64xf32, #tpu.memory_space<vmem>> -> memref<80x64xf32, #tpu.memory_space<vmem>>
      tpu.enqueue_dma source(%dma_start3A_75 : memref<80x64xf32, #tpu.memory_space<vmem>>) target(%dma_start3A_72 : memref<80x64xf32, #tpu.memory_space<vmem_shared>>) target_semaphore(%run_scoped3A : memref<!tpu.dma_semaphore, #tpu.memory_space<semaphore_mem>>)
      %dma_wait3A = arith.constant 0 : i32
      %dma_wait3A_76 = arith.constant 0 : i32
      %dma_wait3A_77 = tpu.memref_slice %arg8[%dma_wait3A, %dma_wait3A_76] : memref<125x64xf32, #tpu.memory_space<vmem>> -> memref<80x64xf32, #tpu.memory_space<vmem>>
      %dma_wait3A_78 = arith.constant 0 : i32
      %dma_wait3A_79 = tpu.memref_slice %arg11[%add3A_19, %dma_wait3A_78] : memref<10240x64xf32, #tpu.memory_space<vmem_shared>> -> memref<80x64xf32, #tpu.memory_space<vmem_shared>>
      %dma_wait3A_80 = arith.constant 0 : i32
      %dma_wait3A_81 = tpu.memref_slice %arg11[%add3A_19, %dma_wait3A_80] : memref<10240x64xf32, #tpu.memory_space<vmem_shared>> -> memref<80x64xf32, #tpu.memory_space<vmem_shared>>
      %dma_wait3A_82 = arith.constant 0 : i32
      %dma_wait3A_83 = arith.constant 0 : i32
      %dma_wait3A_84 = tpu.memref_slice %arg8[%dma_wait3A_82, %dma_wait3A_83] : memref<125x64xf32, #tpu.memory_space<vmem>> -> memref<80x64xf32, #tpu.memory_space<vmem>>
      tpu.wait_dma2 semaphore(%run_scoped3A : memref<!tpu.dma_semaphore, #tpu.memory_space<semaphore_mem>>) src(%dma_wait3A_84 : memref<80x64xf32, #tpu.memory_space<vmem>>) dst(%dma_wait3A_81 : memref<80x64xf32, #tpu.memory_space<vmem_shared>>)
      tpu.yield
    }) : () -> ()
    %mul3A_20 = arith.constant 640 : i32
    %mul3A_21 = arith.muli %arg1, %mul3A_20 : i32
    %add3A_22 = arith.constant 320 : i32
    %add3A_23 = arith.addi %mul3A_21, %add3A_22 : i32
    "tpu.region"() ({
      %run_scoped3A = tpu.sem_alloc : memref<!tpu.dma_semaphore, #tpu.memory_space<semaphore_mem>>
      %dma_start3A_66 = arith.constant 0 : i32
      %dma_start3A_67 = arith.constant 0 : i32
      %dma_start3A_68 = tpu.memref_slice %arg8[%dma_start3A_66, %dma_start3A_67] : memref<125x64xf32, #tpu.memory_space<vmem>> -> memref<80x64xf32, #tpu.memory_space<vmem>>
      %dma_start3A_69 = arith.constant 0 : i32
      %dma_start3A_70 = tpu.memref_slice %arg11[%add3A_23, %dma_start3A_69] : memref<10240x64xf32, #tpu.memory_space<vmem_shared>> -> memref<80x64xf32, #tpu.memory_space<vmem_shared>>
      %dma_start3A_71 = arith.constant 0 : i32
      %dma_start3A_72 = tpu.memref_slice %arg11[%add3A_23, %dma_start3A_71] : memref<10240x64xf32, #tpu.memory_space<vmem_shared>> -> memref<80x64xf32, #tpu.memory_space<vmem_shared>>
      %dma_start3A_73 = arith.constant 0 : i32
      %dma_start3A_74 = arith.constant 0 : i32
      %dma_start3A_75 = tpu.memref_slice %arg8[%dma_start3A_73, %dma_start3A_74] : memref<125x64xf32, #tpu.memory_space<vmem>> -> memref<80x64xf32, #tpu.memory_space<vmem>>
      tpu.enqueue_dma source(%dma_start3A_75 : memref<80x64xf32, #tpu.memory_space<vmem>>) target(%dma_start3A_72 : memref<80x64xf32, #tpu.memory_space<vmem_shared>>) target_semaphore(%run_scoped3A : memref<!tpu.dma_semaphore, #tpu.memory_space<semaphore_mem>>)
      %dma_wait3A = arith.constant 0 : i32
      %dma_wait3A_76 = arith.constant 0 : i32
      %dma_wait3A_77 = tpu.memref_slice %arg8[%dma_wait3A, %dma_wait3A_76] : memref<125x64xf32, #tpu.memory_space<vmem>> -> memref<80x64xf32, #tpu.memory_space<vmem>>
      %dma_wait3A_78 = arith.constant 0 : i32
      %dma_wait3A_79 = tpu.memref_slice %arg11[%add3A_23, %dma_wait3A_78] : memref<10240x64xf32, #tpu.memory_space<vmem_shared>> -> memref<80x64xf32, #tpu.memory_space<vmem_shared>>
      %dma_wait3A_80 = arith.constant 0 : i32
      %dma_wait3A_81 = tpu.memref_slice %arg11[%add3A_23, %dma_wait3A_80] : memref<10240x64xf32, #tpu.memory_space<vmem_shared>> -> memref<80x64xf32, #tpu.memory_space<vmem_shared>>
      %dma_wait3A_82 = arith.constant 0 : i32
      %dma_wait3A_83 = arith.constant 0 : i32
      %dma_wait3A_84 = tpu.memref_slice %arg8[%dma_wait3A_82, %dma_wait3A_83] : memref<125x64xf32, #tpu.memory_space<vmem>> -> memref<80x64xf32, #tpu.memory_space<vmem>>
      tpu.wait_dma2 semaphore(%run_scoped3A : memref<!tpu.dma_semaphore, #tpu.memory_space<semaphore_mem>>) src(%dma_wait3A_84 : memref<80x64xf32, #tpu.memory_space<vmem>>) dst(%dma_wait3A_81 : memref<80x64xf32, #tpu.memory_space<vmem_shared>>)
      tpu.yield
    }) : () -> ()
    %mul3A_24 = arith.constant 640 : i32
    %mul3A_25 = arith.muli %arg1, %mul3A_24 : i32
    %add3A_26 = arith.constant 400 : i32
    %add3A_27 = arith.addi %mul3A_25, %add3A_26 : i32
    "tpu.region"() ({
      %run_scoped3A = tpu.sem_alloc : memref<!tpu.dma_semaphore, #tpu.memory_space<semaphore_mem>>
      %dma_start3A_66 = arith.constant 0 : i32
      %dma_start3A_67 = arith.constant 0 : i32
      %dma_start3A_68 = tpu.memref_slice %arg8[%dma_start3A_66, %dma_start3A_67] : memref<125x64xf32, #tpu.memory_space<vmem>> -> memref<80x64xf32, #tpu.memory_space<vmem>>
      %dma_start3A_69 = arith.constant 0 : i32
      %dma_start3A_70 = tpu.memref_slice %arg11[%add3A_27, %dma_start3A_69] : memref<10240x64xf32, #tpu.memory_space<vmem_shared>> -> memref<80x64xf32, #tpu.memory_space<vmem_shared>>
      %dma_start3A_71 = arith.constant 0 : i32
      %dma_start3A_72 = tpu.memref_slice %arg11[%add3A_27, %dma_start3A_71] : memref<10240x64xf32, #tpu.memory_space<vmem_shared>> -> memref<80x64xf32, #tpu.memory_space<vmem_shared>>
      %dma_start3A_73 = arith.constant 0 : i32
      %dma_start3A_74 = arith.constant 0 : i32
      %dma_start3A_75 = tpu.memref_slice %arg8[%dma_start3A_73, %dma_start3A_74] : memref<125x64xf32, #tpu.memory_space<vmem>> -> memref<80x64xf32, #tpu.memory_space<vmem>>
      tpu.enqueue_dma source(%dma_start3A_75 : memref<80x64xf32, #tpu.memory_space<vmem>>) target(%dma_start3A_72 : memref<80x64xf32, #tpu.memory_space<vmem_shared>>) target_semaphore(%run_scoped3A : memref<!tpu.dma_semaphore, #tpu.memory_space<semaphore_mem>>)
      %dma_wait3A = arith.constant 0 : i32
      %dma_wait3A_76 = arith.constant 0 : i32
      %dma_wait3A_77 = tpu.memref_slice %arg8[%dma_wait3A, %dma_wait3A_76] : memref<125x64xf32, #tpu.memory_space<vmem>> -> memref<80x64xf32, #tpu.memory_space<vmem>>
      %dma_wait3A_78 = arith.constant 0 : i32
      %dma_wait3A_79 = tpu.memref_slice %arg11[%add3A_27, %dma_wait3A_78] : memref<10240x64xf32, #tpu.memory_space<vmem_shared>> -> memref<80x64xf32, #tpu.memory_space<vmem_shared>>
      %dma_wait3A_80 = arith.constant 0 : i32
      %dma_wait3A_81 = tpu.memref_slice %arg11[%add3A_27, %dma_wait3A_80] : memref<10240x64xf32, #tpu.memory_space<vmem_shared>> -> memref<80x64xf32, #tpu.memory_space<vmem_shared>>
      %dma_wait3A_82 = arith.constant 0 : i32
      %dma_wait3A_83 = arith.constant 0 : i32
      %dma_wait3A_84 = tpu.memref_slice %arg8[%dma_wait3A_82, %dma_wait3A_83] : memref<125x64xf32, #tpu.memory_space<vmem>> -> memref<80x64xf32, #tpu.memory_space<vmem>>
      tpu.wait_dma2 semaphore(%run_scoped3A : memref<!tpu.dma_semaphore, #tpu.memory_space<semaphore_mem>>) src(%dma_wait3A_84 : memref<80x64xf32, #tpu.memory_space<vmem>>) dst(%dma_wait3A_81 : memref<80x64xf32, #tpu.memory_space<vmem_shared>>)
      tpu.yield
    }) : () -> ()
    %mul3A_28 = arith.constant 640 : i32
    %mul3A_29 = arith.muli %arg1, %mul3A_28 : i32
    %add3A_30 = arith.constant 480 : i32
    %add3A_31 = arith.addi %mul3A_29, %add3A_30 : i32
    "tpu.region"() ({
      %run_scoped3A = tpu.sem_alloc : memref<!tpu.dma_semaphore, #tpu.memory_space<semaphore_mem>>
      %dma_start3A_66 = arith.constant 0 : i32
      %dma_start3A_67 = arith.constant 0 : i32
      %dma_start3A_68 = tpu.memref_slice %arg8[%dma_start3A_66, %dma_start3A_67] : memref<125x64xf32, #tpu.memory_space<vmem>> -> memref<80x64xf32, #tpu.memory_space<vmem>>
      %dma_start3A_69 = arith.constant 0 : i32
      %dma_start3A_70 = tpu.memref_slice %arg11[%add3A_31, %dma_start3A_69] : memref<10240x64xf32, #tpu.memory_space<vmem_shared>> -> memref<80x64xf32, #tpu.memory_space<vmem_shared>>
      %dma_start3A_71 = arith.constant 0 : i32
      %dma_start3A_72 = tpu.memref_slice %arg11[%add3A_31, %dma_start3A_71] : memref<10240x64xf32, #tpu.memory_space<vmem_shared>> -> memref<80x64xf32, #tpu.memory_space<vmem_shared>>
      %dma_start3A_73 = arith.constant 0 : i32
      %dma_start3A_74 = arith.constant 0 : i32
      %dma_start3A_75 = tpu.memref_slice %arg8[%dma_start3A_73, %dma_start3A_74] : memref<125x64xf32, #tpu.memory_space<vmem>> -> memref<80x64xf32, #tpu.memory_space<vmem>>
      tpu.enqueue_dma source(%dma_start3A_75 : memref<80x64xf32, #tpu.memory_space<vmem>>) target(%dma_start3A_72 : memref<80x64xf32, #tpu.memory_space<vmem_shared>>) target_semaphore(%run_scoped3A : memref<!tpu.dma_semaphore, #tpu.memory_space<semaphore_mem>>)
      %dma_wait3A = arith.constant 0 : i32
      %dma_wait3A_76 = arith.constant 0 : i32
      %dma_wait3A_77 = tpu.memref_slice %arg8[%dma_wait3A, %dma_wait3A_76] : memref<125x64xf32, #tpu.memory_space<vmem>> -> memref<80x64xf32, #tpu.memory_space<vmem>>
      %dma_wait3A_78 = arith.constant 0 : i32
      %dma_wait3A_79 = tpu.memref_slice %arg11[%add3A_31, %dma_wait3A_78] : memref<10240x64xf32, #tpu.memory_space<vmem_shared>> -> memref<80x64xf32, #tpu.memory_space<vmem_shared>>
      %dma_wait3A_80 = arith.constant 0 : i32
      %dma_wait3A_81 = tpu.memref_slice %arg11[%add3A_31, %dma_wait3A_80] : memref<10240x64xf32, #tpu.memory_space<vmem_shared>> -> memref<80x64xf32, #tpu.memory_space<vmem_shared>>
      %dma_wait3A_82 = arith.constant 0 : i32
      %dma_wait3A_83 = arith.constant 0 : i32
      %dma_wait3A_84 = tpu.memref_slice %arg8[%dma_wait3A_82, %dma_wait3A_83] : memref<125x64xf32, #tpu.memory_space<vmem>> -> memref<80x64xf32, #tpu.memory_space<vmem>>
      tpu.wait_dma2 semaphore(%run_scoped3A : memref<!tpu.dma_semaphore, #tpu.memory_space<semaphore_mem>>) src(%dma_wait3A_84 : memref<80x64xf32, #tpu.memory_space<vmem>>) dst(%dma_wait3A_81 : memref<80x64xf32, #tpu.memory_space<vmem_shared>>)
      tpu.yield
    }) : () -> ()
    %mul3A_32 = arith.constant 640 : i32
    %mul3A_33 = arith.muli %arg1, %mul3A_32 : i32
    %add3A_34 = arith.constant 560 : i32
    %add3A_35 = arith.addi %mul3A_33, %add3A_34 : i32
    "tpu.region"() ({
      %run_scoped3A = tpu.sem_alloc : memref<!tpu.dma_semaphore, #tpu.memory_space<semaphore_mem>>
      %dma_start3A_66 = arith.constant 0 : i32
      %dma_start3A_67 = arith.constant 0 : i32
      %dma_start3A_68 = tpu.memref_slice %arg8[%dma_start3A_66, %dma_start3A_67] : memref<125x64xf32, #tpu.memory_space<vmem>> -> memref<80x64xf32, #tpu.memory_space<vmem>>
      %dma_start3A_69 = arith.constant 0 : i32
      %dma_start3A_70 = tpu.memref_slice %arg11[%add3A_35, %dma_start3A_69] : memref<10240x64xf32, #tpu.memory_space<vmem_shared>> -> memref<80x64xf32, #tpu.memory_space<vmem_shared>>
      %dma_start3A_71 = arith.constant 0 : i32
      %dma_start3A_72 = tpu.memref_slice %arg11[%add3A_35, %dma_start3A_71] : memref<10240x64xf32, #tpu.memory_space<vmem_shared>> -> memref<80x64xf32, #tpu.memory_space<vmem_shared>>
      %dma_start3A_73 = arith.constant 0 : i32
      %dma_start3A_74 = arith.constant 0 : i32
      %dma_start3A_75 = tpu.memref_slice %arg8[%dma_start3A_73, %dma_start3A_74] : memref<125x64xf32, #tpu.memory_space<vmem>> -> memref<80x64xf32, #tpu.memory_space<vmem>>
      tpu.enqueue_dma source(%dma_start3A_75 : memref<80x64xf32, #tpu.memory_space<vmem>>) target(%dma_start3A_72 : memref<80x64xf32, #tpu.memory_space<vmem_shared>>) target_semaphore(%run_scoped3A : memref<!tpu.dma_semaphore, #tpu.memory_space<semaphore_mem>>)
      %dma_wait3A = arith.constant 0 : i32
      %dma_wait3A_76 = arith.constant 0 : i32
      %dma_wait3A_77 = tpu.memref_slice %arg8[%dma_wait3A, %dma_wait3A_76] : memref<125x64xf32, #tpu.memory_space<vmem>> -> memref<80x64xf32, #tpu.memory_space<vmem>>
      %dma_wait3A_78 = arith.constant 0 : i32
      %dma_wait3A_79 = tpu.memref_slice %arg11[%add3A_35, %dma_wait3A_78] : memref<10240x64xf32, #tpu.memory_space<vmem_shared>> -> memref<80x64xf32, #tpu.memory_space<vmem_shared>>
      %dma_wait3A_80 = arith.constant 0 : i32
      %dma_wait3A_81 = tpu.memref_slice %arg11[%add3A_35, %dma_wait3A_80] : memref<10240x64xf32, #tpu.memory_space<vmem_shared>> -> memref<80x64xf32, #tpu.memory_space<vmem_shared>>
      %dma_wait3A_82 = arith.constant 0 : i32
      %dma_wait3A_83 = arith.constant 0 : i32
      %dma_wait3A_84 = tpu.memref_slice %arg8[%dma_wait3A_82, %dma_wait3A_83] : memref<125x64xf32, #tpu.memory_space<vmem>> -> memref<80x64xf32, #tpu.memory_space<vmem>>
      tpu.wait_dma2 semaphore(%run_scoped3A : memref<!tpu.dma_semaphore, #tpu.memory_space<semaphore_mem>>) src(%dma_wait3A_84 : memref<80x64xf32, #tpu.memory_space<vmem>>) dst(%dma_wait3A_81 : memref<80x64xf32, #tpu.memory_space<vmem_shared>>)
      tpu.yield
    }) : () -> ()
    %barrier3A = arith.constant 0 : index
    tpu.barrier barrier_id(%barrier3A)
    %mul3A_36 = arith.constant 160 : i32
    %mul3A_37 = arith.muli %arg1, %mul3A_36 : i32
    "tpu.region"() ({
      %run_scoped3A = tpu.sem_alloc : memref<!tpu.dma_semaphore, #tpu.memory_space<semaphore_mem>>
      %dma_start3A_66 = arith.constant 0 : i32
      %dma_start3A_67 = tpu.memref_slice %arg3[%mul3A_37, %dma_start3A_66] : memref<2560x125xi32, #tpu.memory_space<hbm>> -> memref<160x125xi32, #tpu.memory_space<hbm>>
      %dma_start3A_68 = arith.constant 0 : i32
      %dma_start3A_69 = tpu.memref_slice %arg3[%mul3A_37, %dma_start3A_68] : memref<2560x125xi32, #tpu.memory_space<hbm>> -> memref<160x125xi32, #tpu.memory_space<hbm>>
      tpu.enqueue_dma source(%dma_start3A_69 : memref<160x125xi32, #tpu.memory_space<hbm>>) target(%arg6 : memref<160x125xi32, #tpu.memory_space<vmem>>) target_semaphore(%run_scoped3A : memref<!tpu.dma_semaphore, #tpu.memory_space<semaphore_mem>>)
      %dma_wait3A = arith.constant 0 : i32
      %dma_wait3A_70 = tpu.memref_slice %arg3[%mul3A_37, %dma_wait3A] : memref<2560x125xi32, #tpu.memory_space<hbm>> -> memref<160x125xi32, #tpu.memory_space<hbm>>
      %dma_wait3A_71 = arith.constant 0 : i32
      %dma_wait3A_72 = tpu.memref_slice %arg3[%mul3A_37, %dma_wait3A_71] : memref<2560x125xi32, #tpu.memory_space<hbm>> -> memref<160x125xi32, #tpu.memory_space<hbm>>
      tpu.wait_dma2 semaphore(%run_scoped3A : memref<!tpu.dma_semaphore, #tpu.memory_space<semaphore_mem>>) src(%dma_wait3A_72 : memref<160x125xi32, #tpu.memory_space<hbm>>) dst(%arg6 : memref<160x125xi32, #tpu.memory_space<vmem>>)
      tpu.yield
    }) : () -> ()
    %mul3A_38 = arith.constant 160 : i32
    %mul3A_39 = arith.muli %arg1, %mul3A_38 : i32
    "tpu.region"() ({
      %run_scoped3A = tpu.sem_alloc : memref<!tpu.dma_semaphore, #tpu.memory_space<semaphore_mem>>
      %dma_start3A_66 = arith.constant 0 : i32
      %dma_start3A_67 = tpu.memref_slice %arg4[%mul3A_39, %dma_start3A_66] : memref<2560x125xi32, #tpu.memory_space<hbm>> -> memref<160x125xi32, #tpu.memory_space<hbm>>
      %dma_start3A_68 = arith.constant 0 : i32
      %dma_start3A_69 = tpu.memref_slice %arg4[%mul3A_39, %dma_start3A_68] : memref<2560x125xi32, #tpu.memory_space<hbm>> -> memref<160x125xi32, #tpu.memory_space<hbm>>
      tpu.enqueue_dma source(%dma_start3A_69 : memref<160x125xi32, #tpu.memory_space<hbm>>) target(%arg7 : memref<160x125xi32, #tpu.memory_space<vmem>>) target_semaphore(%run_scoped3A : memref<!tpu.dma_semaphore, #tpu.memory_space<semaphore_mem>>)
      %dma_wait3A = arith.constant 0 : i32
      %dma_wait3A_70 = tpu.memref_slice %arg4[%mul3A_39, %dma_wait3A] : memref<2560x125xi32, #tpu.memory_space<hbm>> -> memref<160x125xi32, #tpu.memory_space<hbm>>
      %dma_wait3A_71 = arith.constant 0 : i32
      %dma_wait3A_72 = tpu.memref_slice %arg4[%mul3A_39, %dma_wait3A_71] : memref<2560x125xi32, #tpu.memory_space<hbm>> -> memref<160x125xi32, #tpu.memory_space<hbm>>
      tpu.wait_dma2 semaphore(%run_scoped3A : memref<!tpu.dma_semaphore, #tpu.memory_space<semaphore_mem>>) src(%dma_wait3A_72 : memref<160x125xi32, #tpu.memory_space<hbm>>) dst(%arg7 : memref<160x125xi32, #tpu.memory_space<vmem>>)
      tpu.yield
    }) : () -> ()
    %dma_start3A = arith.constant 0 : i32
    %dma_start3A_40 = arith.constant 0 : i32
    %dma_start3A_41 = tpu.memref_slice %arg6[%dma_start3A, %dma_start3A_40] : memref<160x125xi32, #tpu.memory_space<vmem>> -> memref<1x125xi32, #tpu.memory_space<vmem>>
    %dma_start3A_42 = tpu.memref_squeeze %dma_start3A_41 : memref<1x125xi32, #tpu.memory_space<vmem>> -> memref<125xi32, #tpu.memory_space<vmem>>
    %dma_start3A_43 = arith.constant 0 : i32
    %dma_start3A_44 = arith.constant 0 : i32
    %dma_start3A_45 = tpu.memref_slice %arg2[%arg0, %dma_start3A_43, %dma_start3A_44] : memref<2x10000x64xf32, #tpu.memory_space<hbm>> -> memref<1x10000x64xf32, #tpu.memory_space<hbm>>
    %dma_start3A_46 = tpu.memref_squeeze %dma_start3A_45 : memref<1x10000x64xf32, #tpu.memory_space<hbm>> -> memref<10000x64xf32, #tpu.memory_space<hbm>>
    %dma_start3A_47 = arith.constant 0 : i32
    %dma_start3A_48 = arith.constant 0 : i32
    %dma_start3A_49 = tpu.memref_slice %dma_start3A_46[%dma_start3A_47, %dma_start3A_48] : memref<10000x64xf32, #tpu.memory_space<hbm>> -> memref<10000x64xf32, #tpu.memory_space<hbm>>
    tpu.enqueue_indirect_dma source(%dma_start3A_49 : memref<10000x64xf32, #tpu.memory_space<hbm>>) target(%arg8 : memref<125x64xf32, #tpu.memory_space<vmem>>) offsets(%dma_start3A_42 : memref<125xi32, #tpu.memory_space<vmem>>) semaphore(%arg12 : memref<!tpu.dma_semaphore, #tpu.memory_space<semaphore_mem>>)
    %scan3A_50 = arith.constant 0 : i32
    %scan3A_51 = arith.constant 0 : i32
    %scan3A_52 = arith.constant 80 : i32
    %scan3A_53 = arith.addi %scan3A_51, %scan3A_52 : i32
    %scan3A_54 = arith.constant 1 : i32
    %scan3A_55 = scf.for %scan3A_66 = %scan3A_51 to %scan3A_53 step %scan3A_54 iter_args(%scan3A_67 = %scan3A_50) -> (i32)  : i32 {
      %mul3A_68 = arith.constant 2 : i32
      %mul3A_69 = arith.muli %mul3A_68, %scan3A_66 : i32
      %add3A_70 = arith.constant 1 : i32
      %add3A_71 = arith.addi %mul3A_69, %add3A_70 : i32
      %dma_start3A_72 = arith.constant 0 : i32
      %dma_start3A_73 = tpu.memref_slice %arg6[%add3A_71, %dma_start3A_72] : memref<160x125xi32, #tpu.memory_space<vmem>> -> memref<1x125xi32, #tpu.memory_space<vmem>>
      %dma_start3A_74 = tpu.memref_squeeze %dma_start3A_73 : memref<1x125xi32, #tpu.memory_space<vmem>> -> memref<125xi32, #tpu.memory_space<vmem>>
      %dma_start3A_75 = arith.constant 0 : i32
      %dma_start3A_76 = arith.constant 0 : i32
      %dma_start3A_77 = tpu.memref_slice %arg2[%arg0, %dma_start3A_75, %dma_start3A_76] : memref<2x10000x64xf32, #tpu.memory_space<hbm>> -> memref<1x10000x64xf32, #tpu.memory_space<hbm>>
      %dma_start3A_78 = tpu.memref_squeeze %dma_start3A_77 : memref<1x10000x64xf32, #tpu.memory_space<hbm>> -> memref<10000x64xf32, #tpu.memory_space<hbm>>
      %dma_start3A_79 = arith.constant 0 : i32
      %dma_start3A_80 = arith.constant 0 : i32
      %dma_start3A_81 = tpu.memref_slice %dma_start3A_78[%dma_start3A_79, %dma_start3A_80] : memref<10000x64xf32, #tpu.memory_space<hbm>> -> memref<10000x64xf32, #tpu.memory_space<hbm>>
      tpu.enqueue_indirect_dma source(%dma_start3A_81 : memref<10000x64xf32, #tpu.memory_space<hbm>>) target(%arg9 : memref<125x64xf32, #tpu.memory_space<vmem>>) offsets(%dma_start3A_74 : memref<125xi32, #tpu.memory_space<vmem>>) semaphore(%arg13 : memref<!tpu.dma_semaphore, #tpu.memory_space<semaphore_mem>>)
      %dma_wait3A = arith.constant 0 : i32
      %dma_wait3A_82 = arith.constant 0 : i32
      %dma_wait3A_83 = tpu.memref_slice %arg6[%dma_wait3A, %dma_wait3A_82] : memref<160x125xi32, #tpu.memory_space<vmem>> -> memref<1x125xi32, #tpu.memory_space<vmem>>
      %dma_wait3A_84 = tpu.memref_squeeze %dma_wait3A_83 : memref<1x125xi32, #tpu.memory_space<vmem>> -> memref<125xi32, #tpu.memory_space<vmem>>
      %dma_wait3A_85 = arith.constant 0 : i32
      %dma_wait3A_86 = arith.constant 0 : i32
      %dma_wait3A_87 = tpu.memref_slice %arg2[%arg0, %dma_wait3A_85, %dma_wait3A_86] : memref<2x10000x64xf32, #tpu.memory_space<hbm>> -> memref<1x10000x64xf32, #tpu.memory_space<hbm>>
      %dma_wait3A_88 = tpu.memref_squeeze %dma_wait3A_87 : memref<1x10000x64xf32, #tpu.memory_space<hbm>> -> memref<10000x64xf32, #tpu.memory_space<hbm>>
      %dma_wait3A_89 = arith.constant 0 : i32
      %dma_wait3A_90 = arith.constant 0 : i32
      %dma_wait3A_91 = tpu.memref_slice %dma_wait3A_88[%dma_wait3A_89, %dma_wait3A_90] : memref<10000x64xf32, #tpu.memory_space<hbm>> -> memref<10000x64xf32, #tpu.memory_space<hbm>>
      tpu.wait_indirect_dma semaphore(%arg12 : memref<!tpu.dma_semaphore, #tpu.memory_space<semaphore_mem>>) src(%dma_wait3A_91 : memref<10000x64xf32, #tpu.memory_space<hbm>>) dst(%arg8 : memref<125x64xf32, #tpu.memory_space<vmem>>)
      "tpu.region"() ({
        %run_scoped3A = tpu.sem_alloc : memref<!tpu.dma_semaphore, #tpu.memory_space<semaphore_mem>>
        %dma_start3A_113 = arith.constant 0 : i32
        %dma_start3A_114 = tpu.memref_slice %arg7[%mul3A_69, %dma_start3A_113] : memref<160x125xi32, #tpu.memory_space<vmem>> -> memref<1x125xi32, #tpu.memory_space<vmem>>
        %dma_start3A_115 = tpu.memref_squeeze %dma_start3A_114 : memref<1x125xi32, #tpu.memory_space<vmem>> -> memref<125xi32, #tpu.memory_space<vmem>>
        %dma_start3A_116 = arith.constant 0 : i32
        %dma_start3A_117 = arith.constant 0 : i32
        %dma_start3A_118 = tpu.memref_slice %arg11[%dma_start3A_116, %dma_start3A_117] : memref<10240x64xf32, #tpu.memory_space<vmem_shared>> -> memref<10240x64xf32, #tpu.memory_space<vmem_shared>>
        tpu.enqueue_indirect_dma source(%arg8 : memref<125x64xf32, #tpu.memory_space<vmem>>) target(%dma_start3A_118 : memref<10240x64xf32, #tpu.memory_space<vmem_shared>>) offsets(%dma_start3A_115 : memref<125xi32, #tpu.memory_space<vmem>>) semaphore(%run_scoped3A : memref<!tpu.dma_semaphore, #tpu.memory_space<semaphore_mem>>) {add = true}
        %dma_wait3A_119 = arith.constant 0 : i32
        %dma_wait3A_120 = tpu.memref_slice %arg7[%mul3A_69, %dma_wait3A_119] : memref<160x125xi32, #tpu.memory_space<vmem>> -> memref<1x125xi32, #tpu.memory_space<vmem>>
        %dma_wait3A_121 = tpu.memref_squeeze %dma_wait3A_120 : memref<1x125xi32, #tpu.memory_space<vmem>> -> memref<125xi32, #tpu.memory_space<vmem>>
        %dma_wait3A_122 = arith.constant 0 : i32
        %dma_wait3A_123 = arith.constant 0 : i32
        %dma_wait3A_124 = tpu.memref_slice %arg11[%dma_wait3A_122, %dma_wait3A_123] : memref<10240x64xf32, #tpu.memory_space<vmem_shared>> -> memref<10240x64xf32, #tpu.memory_space<vmem_shared>>
        tpu.wait_indirect_dma semaphore(%run_scoped3A : memref<!tpu.dma_semaphore, #tpu.memory_space<semaphore_mem>>) src(%arg8 : memref<125x64xf32, #tpu.memory_space<vmem>>) dst(%dma_wait3A_124 : memref<10240x64xf32, #tpu.memory_space<vmem_shared>>)
        tpu.yield
      }) : () -> ()
      %add3A_92 = arith.constant 1 : i32
      %add3A_93 = arith.addi %scan3A_66, %add3A_92 : i32
      %lt3A_94 = arith.constant 80 : i32
      %lt3A_95 = arith.cmpi slt, %add3A_93, %lt3A_94 : i32
      %convert_element_type3A_96 = arith.extui %lt3A_95 : i1 to i32
      %cond3A_97 = arith.constant 0 : i32
      %cond3A_98 = arith.cmpi ne, %convert_element_type3A_96, %cond3A_97 : i32
      scf.if %cond3A_98 {
        %add3A_113 = arith.constant 2 : i32
        %add3A_114 = arith.addi %mul3A_69, %add3A_113 : i32
        %dma_start3A_115 = arith.constant 0 : i32
        %dma_start3A_116 = tpu.memref_slice %arg6[%add3A_114, %dma_start3A_115] : memref<160x125xi32, #tpu.memory_space<vmem>> -> memref<1x125xi32, #tpu.memory_space<vmem>>
        %dma_start3A_117 = tpu.memref_squeeze %dma_start3A_116 : memref<1x125xi32, #tpu.memory_space<vmem>> -> memref<125xi32, #tpu.memory_space<vmem>>
        %dma_start3A_118 = arith.constant 0 : i32
        %dma_start3A_119 = arith.constant 0 : i32
        %dma_start3A_120 = tpu.memref_slice %arg2[%arg0, %dma_start3A_118, %dma_start3A_119] : memref<2x10000x64xf32, #tpu.memory_space<hbm>> -> memref<1x10000x64xf32, #tpu.memory_space<hbm>>
        %dma_start3A_121 = tpu.memref_squeeze %dma_start3A_120 : memref<1x10000x64xf32, #tpu.memory_space<hbm>> -> memref<10000x64xf32, #tpu.memory_space<hbm>>
        %dma_start3A_122 = arith.constant 0 : i32
        %dma_start3A_123 = arith.constant 0 : i32
        %dma_start3A_124 = tpu.memref_slice %dma_start3A_121[%dma_start3A_122, %dma_start3A_123] : memref<10000x64xf32, #tpu.memory_space<hbm>> -> memref<10000x64xf32, #tpu.memory_space<hbm>>
        tpu.enqueue_indirect_dma source(%dma_start3A_124 : memref<10000x64xf32, #tpu.memory_space<hbm>>) target(%arg8 : memref<125x64xf32, #tpu.memory_space<vmem>>) offsets(%dma_start3A_117 : memref<125xi32, #tpu.memory_space<vmem>>) semaphore(%arg12 : memref<!tpu.dma_semaphore, #tpu.memory_space<semaphore_mem>>)
      } else {
      }
      %dma_wait3A_99 = arith.constant 0 : i32
      %dma_wait3A_100 = arith.constant 0 : i32
      %dma_wait3A_101 = tpu.memref_slice %arg6[%dma_wait3A_99, %dma_wait3A_100] : memref<160x125xi32, #tpu.memory_space<vmem>> -> memref<1x125xi32, #tpu.memory_space<vmem>>
      %dma_wait3A_102 = tpu.memref_squeeze %dma_wait3A_101 : memref<1x125xi32, #tpu.memory_space<vmem>> -> memref<125xi32, #tpu.memory_space<vmem>>
      %dma_wait3A_103 = arith.constant 0 : i32
      %dma_wait3A_104 = arith.constant 0 : i32
      %dma_wait3A_105 = tpu.memref_slice %arg2[%arg0, %dma_wait3A_103, %dma_wait3A_104] : memref<2x10000x64xf32, #tpu.memory_space<hbm>> -> memref<1x10000x64xf32, #tpu.memory_space<hbm>>
      %dma_wait3A_106 = tpu.memref_squeeze %dma_wait3A_105 : memref<1x10000x64xf32, #tpu.memory_space<hbm>> -> memref<10000x64xf32, #tpu.memory_space<hbm>>
      %dma_wait3A_107 = arith.constant 0 : i32
      %dma_wait3A_108 = arith.constant 0 : i32
      %dma_wait3A_109 = tpu.memref_slice %dma_wait3A_106[%dma_wait3A_107, %dma_wait3A_108] : memref<10000x64xf32, #tpu.memory_space<hbm>> -> memref<10000x64xf32, #tpu.memory_space<hbm>>
      tpu.wait_indirect_dma semaphore(%arg13 : memref<!tpu.dma_semaphore, #tpu.memory_space<semaphore_mem>>) src(%dma_wait3A_109 : memref<10000x64xf32, #tpu.memory_space<hbm>>) dst(%arg9 : memref<125x64xf32, #tpu.memory_space<vmem>>)
      %add3A_110 = arith.constant 1 : i32
      %add3A_111 = arith.addi %mul3A_69, %add3A_110 : i32
      "tpu.region"() ({
        %run_scoped3A = tpu.sem_alloc : memref<!tpu.dma_semaphore, #tpu.memory_space<semaphore_mem>>
        %dma_start3A_113 = arith.constant 0 : i32
        %dma_start3A_114 = tpu.memref_slice %arg7[%add3A_111, %dma_start3A_113] : memref<160x125xi32, #tpu.memory_space<vmem>> -> memref<1x125xi32, #tpu.memory_space<vmem>>
        %dma_start3A_115 = tpu.memref_squeeze %dma_start3A_114 : memref<1x125xi32, #tpu.memory_space<vmem>> -> memref<125xi32, #tpu.memory_space<vmem>>
        %dma_start3A_116 = arith.constant 0 : i32
        %dma_start3A_117 = arith.constant 0 : i32
        %dma_start3A_118 = tpu.memref_slice %arg11[%dma_start3A_116, %dma_start3A_117] : memref<10240x64xf32, #tpu.memory_space<vmem_shared>> -> memref<10240x64xf32, #tpu.memory_space<vmem_shared>>
        tpu.enqueue_indirect_dma source(%arg9 : memref<125x64xf32, #tpu.memory_space<vmem>>) target(%dma_start3A_118 : memref<10240x64xf32, #tpu.memory_space<vmem_shared>>) offsets(%dma_start3A_115 : memref<125xi32, #tpu.memory_space<vmem>>) semaphore(%run_scoped3A : memref<!tpu.dma_semaphore, #tpu.memory_space<semaphore_mem>>) {add = true}
        %dma_wait3A_119 = arith.constant 0 : i32
        %dma_wait3A_120 = tpu.memref_slice %arg7[%add3A_111, %dma_wait3A_119] : memref<160x125xi32, #tpu.memory_space<vmem>> -> memref<1x125xi32, #tpu.memory_space<vmem>>
        %dma_wait3A_121 = tpu.memref_squeeze %dma_wait3A_120 : memref<1x125xi32, #tpu.memory_space<vmem>> -> memref<125xi32, #tpu.memory_space<vmem>>
        %dma_wait3A_122 = arith.constant 0 : i32
        %dma_wait3A_123 = arith.constant 0 : i32
        %dma_wait3A_124 = tpu.memref_slice %arg11[%dma_wait3A_122, %dma_wait3A_123] : memref<10240x64xf32, #tpu.memory_space<vmem_shared>> -> memref<10240x64xf32, #tpu.memory_space<vmem_shared>>
        tpu.wait_indirect_dma semaphore(%run_scoped3A : memref<!tpu.dma_semaphore, #tpu.memory_space<semaphore_mem>>) src(%arg9 : memref<125x64xf32, #tpu.memory_space<vmem>>) dst(%dma_wait3A_124 : memref<10240x64xf32, #tpu.memory_space<vmem_shared>>)
        tpu.yield
      }) : () -> ()
      %scan3A_112 = arith.constant 0 : i32
      scf.yield %scan3A_112 : i32
    }
    %scan3A_56 = arith.constant 80 : i32
    %barrier3A_57 = arith.constant 0 : index
    tpu.barrier barrier_id(%barrier3A_57)
    %mul3A_58 = arith.constant 640 : i32
    %mul3A_59 = arith.muli %arg1, %mul3A_58 : i32
    "tpu.region"() ({
      %run_scoped3A = tpu.sem_alloc : memref<!tpu.dma_semaphore, #tpu.memory_space<semaphore_mem>>
      %dma_start3A_66 = arith.constant 0 : i32
      %dma_start3A_67 = tpu.memref_slice %arg11[%mul3A_59, %dma_start3A_66] : memref<10240x64xf32, #tpu.memory_space<vmem_shared>> -> memref<320x64xf32, #tpu.memory_space<vmem_shared>>
      %dma_start3A_68 = arith.constant 0 : i32
      %dma_start3A_69 = tpu.memref_slice %arg11[%mul3A_59, %dma_start3A_68] : memref<10240x64xf32, #tpu.memory_space<vmem_shared>> -> memref<320x64xf32, #tpu.memory_space<vmem_shared>>
      tpu.enqueue_dma source(%dma_start3A_69 : memref<320x64xf32, #tpu.memory_space<vmem_shared>>) target(%arg10 : memref<320x64xf32, #tpu.memory_space<vmem>>) target_semaphore(%run_scoped3A : memref<!tpu.dma_semaphore, #tpu.memory_space<semaphore_mem>>)
      %dma_wait3A = arith.constant 0 : i32
      %dma_wait3A_70 = tpu.memref_slice %arg11[%mul3A_59, %dma_wait3A] : memref<10240x64xf32, #tpu.memory_space<vmem_shared>> -> memref<320x64xf32, #tpu.memory_space<vmem_shared>>
      %dma_wait3A_71 = arith.constant 0 : i32
      %dma_wait3A_72 = tpu.memref_slice %arg11[%mul3A_59, %dma_wait3A_71] : memref<10240x64xf32, #tpu.memory_space<vmem_shared>> -> memref<320x64xf32, #tpu.memory_space<vmem_shared>>
      tpu.wait_dma2 semaphore(%run_scoped3A : memref<!tpu.dma_semaphore, #tpu.memory_space<semaphore_mem>>) src(%dma_wait3A_72 : memref<320x64xf32, #tpu.memory_space<vmem_shared>>) dst(%arg10 : memref<320x64xf32, #tpu.memory_space<vmem>>)
      tpu.yield
    }) : () -> ()
    "tpu.region"() ({
      %run_scoped3A = tpu.sem_alloc : memref<!tpu.dma_semaphore, #tpu.memory_space<semaphore_mem>>
      %dma_start3A_66 = arith.constant 0 : i32
      %dma_start3A_67 = tpu.memref_slice %arg5[%arg0, %mul3A_59, %dma_start3A_66] : memref<2x10000x64xf32, #tpu.memory_space<hbm>> -> memref<1x320x64xf32, #tpu.memory_space<hbm>>
      %dma_start3A_68 = tpu.memref_squeeze %dma_start3A_67 : memref<1x320x64xf32, #tpu.memory_space<hbm>> -> memref<320x64xf32, #tpu.memory_space<hbm>>
      %dma_start3A_69 = arith.constant 0 : i32
      %dma_start3A_70 = tpu.memref_slice %arg5[%arg0, %mul3A_59, %dma_start3A_69] : memref<2x10000x64xf32, #tpu.memory_space<hbm>> -> memref<1x320x64xf32, #tpu.memory_space<hbm>>
      %dma_start3A_71 = tpu.memref_squeeze %dma_start3A_70 : memref<1x320x64xf32, #tpu.memory_space<hbm>> -> memref<320x64xf32, #tpu.memory_space<hbm>>
      tpu.enqueue_dma source(%arg10 : memref<320x64xf32, #tpu.memory_space<vmem>>) target(%dma_start3A_71 : memref<320x64xf32, #tpu.memory_space<hbm>>) target_semaphore(%run_scoped3A : memref<!tpu.dma_semaphore, #tpu.memory_space<semaphore_mem>>)
      %dma_wait3A = arith.constant 0 : i32
      %dma_wait3A_72 = tpu.memref_slice %arg5[%arg0, %mul3A_59, %dma_wait3A] : memref<2x10000x64xf32, #tpu.memory_space<hbm>> -> memref<1x320x64xf32, #tpu.memory_space<hbm>>
      %dma_wait3A_73 = tpu.memref_squeeze %dma_wait3A_72 : memref<1x320x64xf32, #tpu.memory_space<hbm>> -> memref<320x64xf32, #tpu.memory_space<hbm>>
      %dma_wait3A_74 = arith.constant 0 : i32
      %dma_wait3A_75 = tpu.memref_slice %arg5[%arg0, %mul3A_59, %dma_wait3A_74] : memref<2x10000x64xf32, #tpu.memory_space<hbm>> -> memref<1x320x64xf32, #tpu.memory_space<hbm>>
      %dma_wait3A_76 = tpu.memref_squeeze %dma_wait3A_75 : memref<1x320x64xf32, #tpu.memory_space<hbm>> -> memref<320x64xf32, #tpu.memory_space<hbm>>
      tpu.wait_dma2 semaphore(%run_scoped3A : memref<!tpu.dma_semaphore, #tpu.memory_space<semaphore_mem>>) src(%arg10 : memref<320x64xf32, #tpu.memory_space<vmem>>) dst(%dma_wait3A_76 : memref<320x64xf32, #tpu.memory_space<hbm>>)
      tpu.yield
    }) : () -> ()
    %lt3A = arith.constant 15 : i32
    %lt3A_60 = arith.cmpi slt, %arg1, %lt3A : i32
    %convert_element_type3A = arith.extui %lt3A_60 : i1 to i32
    %cond3A = arith.constant 0 : i32
    %cond3A_61 = arith.cmpi ne, %convert_element_type3A, %cond3A : i32
    scf.if %cond3A_61 {
      %add3A_66 = arith.constant 320 : i32
      %add3A_67 = arith.addi %mul3A_59, %add3A_66 : i32
      "tpu.region"() ({
        %run_scoped3A = tpu.sem_alloc : memref<!tpu.dma_semaphore, #tpu.memory_space<semaphore_mem>>
        %dma_start3A_70 = arith.constant 0 : i32
        %dma_start3A_71 = tpu.memref_slice %arg11[%add3A_67, %dma_start3A_70] : memref<10240x64xf32, #tpu.memory_space<vmem_shared>> -> memref<320x64xf32, #tpu.memory_space<vmem_shared>>
        %dma_start3A_72 = arith.constant 0 : i32
        %dma_start3A_73 = tpu.memref_slice %arg11[%add3A_67, %dma_start3A_72] : memref<10240x64xf32, #tpu.memory_space<vmem_shared>> -> memref<320x64xf32, #tpu.memory_space<vmem_shared>>
        tpu.enqueue_dma source(%dma_start3A_73 : memref<320x64xf32, #tpu.memory_space<vmem_shared>>) target(%arg10 : memref<320x64xf32, #tpu.memory_space<vmem>>) target_semaphore(%run_scoped3A : memref<!tpu.dma_semaphore, #tpu.memory_space<semaphore_mem>>)
        %dma_wait3A = arith.constant 0 : i32
        %dma_wait3A_74 = tpu.memref_slice %arg11[%add3A_67, %dma_wait3A] : memref<10240x64xf32, #tpu.memory_space<vmem_shared>> -> memref<320x64xf32, #tpu.memory_space<vmem_shared>>
        %dma_wait3A_75 = arith.constant 0 : i32
        %dma_wait3A_76 = tpu.memref_slice %arg11[%add3A_67, %dma_wait3A_75] : memref<10240x64xf32, #tpu.memory_space<vmem_shared>> -> memref<320x64xf32, #tpu.memory_space<vmem_shared>>
        tpu.wait_dma2 semaphore(%run_scoped3A : memref<!tpu.dma_semaphore, #tpu.memory_space<semaphore_mem>>) src(%dma_wait3A_76 : memref<320x64xf32, #tpu.memory_space<vmem_shared>>) dst(%arg10 : memref<320x64xf32, #tpu.memory_space<vmem>>)
        tpu.yield
      }) : () -> ()
      %add3A_68 = arith.constant 320 : i32
      %add3A_69 = arith.addi %mul3A_59, %add3A_68 : i32
      "tpu.region"() ({
        %run_scoped3A = tpu.sem_alloc : memref<!tpu.dma_semaphore, #tpu.memory_space<semaphore_mem>>
        %dma_start3A_70 = arith.constant 0 : i32
        %dma_start3A_71 = tpu.memref_slice %arg5[%arg0, %add3A_69, %dma_start3A_70] : memref<2x10000x64xf32, #tpu.memory_space<hbm>> -> memref<1x320x64xf32, #tpu.memory_space<hbm>>
        %dma_start3A_72 = tpu.memref_squeeze %dma_start3A_71 : memref<1x320x64xf32, #tpu.memory_space<hbm>> -> memref<320x64xf32, #tpu.memory_space<hbm>>
        %dma_start3A_73 = arith.constant 0 : i32
        %dma_start3A_74 = tpu.memref_slice %arg5[%arg0, %add3A_69, %dma_start3A_73] : memref<2x10000x64xf32, #tpu.memory_space<hbm>> -> memref<1x320x64xf32, #tpu.memory_space<hbm>>
        %dma_start3A_75 = tpu.memref_squeeze %dma_start3A_74 : memref<1x320x64xf32, #tpu.memory_space<hbm>> -> memref<320x64xf32, #tpu.memory_space<hbm>>
        tpu.enqueue_dma source(%arg10 : memref<320x64xf32, #tpu.memory_space<vmem>>) target(%dma_start3A_75 : memref<320x64xf32, #tpu.memory_space<hbm>>) target_semaphore(%run_scoped3A : memref<!tpu.dma_semaphore, #tpu.memory_space<semaphore_mem>>)
        %dma_wait3A = arith.constant 0 : i32
        %dma_wait3A_76 = tpu.memref_slice %arg5[%arg0, %add3A_69, %dma_wait3A] : memref<2x10000x64xf32, #tpu.memory_space<hbm>> -> memref<1x320x64xf32, #tpu.memory_space<hbm>>
        %dma_wait3A_77 = tpu.memref_squeeze %dma_wait3A_76 : memref<1x320x64xf32, #tpu.memory_space<hbm>> -> memref<320x64xf32, #tpu.memory_space<hbm>>
        %dma_wait3A_78 = arith.constant 0 : i32
        %dma_wait3A_79 = tpu.memref_slice %arg5[%arg0, %add3A_69, %dma_wait3A_78] : memref<2x10000x64xf32, #tpu.memory_space<hbm>> -> memref<1x320x64xf32, #tpu.memory_space<hbm>>
        %dma_wait3A_80 = tpu.memref_squeeze %dma_wait3A_79 : memref<1x320x64xf32, #tpu.memory_space<hbm>> -> memref<320x64xf32, #tpu.memory_space<hbm>>
        tpu.wait_dma2 semaphore(%run_scoped3A : memref<!tpu.dma_semaphore, #tpu.memory_space<semaphore_mem>>) src(%arg10 : memref<320x64xf32, #tpu.memory_space<vmem>>) dst(%dma_wait3A_80 : memref<320x64xf32, #tpu.memory_space<hbm>>)
        tpu.yield
      }) : () -> ()
    } else {
    }
    %eq3A = arith.constant 15 : i32
    %eq3A_62 = arith.cmpi eq, %arg1, %eq3A : i32
    %convert_element_type3A_63 = arith.extui %eq3A_62 : i1 to i32
    %cond3A_64 = arith.constant 0 : i32
    %cond3A_65 = arith.cmpi ne, %convert_element_type3A_63, %cond3A_64 : i32
    scf.if %cond3A_65 {
      "tpu.region"() ({
        %run_scoped3A = tpu.sem_alloc : memref<!tpu.dma_semaphore, #tpu.memory_space<semaphore_mem>>
        %dma_start3A_66 = arith.constant 0 : i32
        %dma_start3A_67 = arith.constant 0 : i32
        %dma_start3A_68 = tpu.memref_slice %arg10[%dma_start3A_66, %dma_start3A_67] : memref<320x64xf32, #tpu.memory_space<vmem>> -> memref<80x64xf32, #tpu.memory_space<vmem>>
        %dma_start3A_69 = arith.constant 9920 : i32
        %dma_start3A_70 = arith.constant 0 : i32
        %dma_start3A_71 = tpu.memref_slice %arg11[%dma_start3A_69, %dma_start3A_70] : memref<10240x64xf32, #tpu.memory_space<vmem_shared>> -> memref<80x64xf32, #tpu.memory_space<vmem_shared>>
        %dma_start3A_72 = arith.constant 0 : i32
        %dma_start3A_73 = arith.constant 0 : i32
        %dma_start3A_74 = tpu.memref_slice %arg10[%dma_start3A_72, %dma_start3A_73] : memref<320x64xf32, #tpu.memory_space<vmem>> -> memref<80x64xf32, #tpu.memory_space<vmem>>
        %dma_start3A_75 = arith.constant 9920 : i32
        %dma_start3A_76 = arith.constant 0 : i32
        %dma_start3A_77 = tpu.memref_slice %arg11[%dma_start3A_75, %dma_start3A_76] : memref<10240x64xf32, #tpu.memory_space<vmem_shared>> -> memref<80x64xf32, #tpu.memory_space<vmem_shared>>
        tpu.enqueue_dma source(%dma_start3A_77 : memref<80x64xf32, #tpu.memory_space<vmem_shared>>) target(%dma_start3A_74 : memref<80x64xf32, #tpu.memory_space<vmem>>) target_semaphore(%run_scoped3A : memref<!tpu.dma_semaphore, #tpu.memory_space<semaphore_mem>>)
        %dma_wait3A = arith.constant 0 : i32
        %dma_wait3A_78 = arith.constant 0 : i32
        %dma_wait3A_79 = tpu.memref_slice %arg10[%dma_wait3A, %dma_wait3A_78] : memref<320x64xf32, #tpu.memory_space<vmem>> -> memref<80x64xf32, #tpu.memory_space<vmem>>
        %dma_wait3A_80 = arith.constant 9920 : i32
        %dma_wait3A_81 = arith.constant 0 : i32
        %dma_wait3A_82 = tpu.memref_slice %arg11[%dma_wait3A_80, %dma_wait3A_81] : memref<10240x64xf32, #tpu.memory_space<vmem_shared>> -> memref<80x64xf32, #tpu.memory_space<vmem_shared>>
        %dma_wait3A_83 = arith.constant 0 : i32
        %dma_wait3A_84 = arith.constant 0 : i32
        %dma_wait3A_85 = tpu.memref_slice %arg10[%dma_wait3A_83, %dma_wait3A_84] : memref<320x64xf32, #tpu.memory_space<vmem>> -> memref<80x64xf32, #tpu.memory_space<vmem>>
        %dma_wait3A_86 = arith.constant 9920 : i32
        %dma_wait3A_87 = arith.constant 0 : i32
        %dma_wait3A_88 = tpu.memref_slice %arg11[%dma_wait3A_86, %dma_wait3A_87] : memref<10240x64xf32, #tpu.memory_space<vmem_shared>> -> memref<80x64xf32, #tpu.memory_space<vmem_shared>>
        tpu.wait_dma2 semaphore(%run_scoped3A : memref<!tpu.dma_semaphore, #tpu.memory_space<semaphore_mem>>) src(%dma_wait3A_88 : memref<80x64xf32, #tpu.memory_space<vmem_shared>>) dst(%dma_wait3A_85 : memref<80x64xf32, #tpu.memory_space<vmem>>)
        tpu.yield
      }) : () -> ()
      "tpu.region"() ({
        %run_scoped3A = tpu.sem_alloc : memref<!tpu.dma_semaphore, #tpu.memory_space<semaphore_mem>>
        %dma_start3A_66 = arith.constant 0 : i32
        %dma_start3A_67 = arith.constant 0 : i32
        %dma_start3A_68 = tpu.memref_slice %arg10[%dma_start3A_66, %dma_start3A_67] : memref<320x64xf32, #tpu.memory_space<vmem>> -> memref<80x64xf32, #tpu.memory_space<vmem>>
        %dma_start3A_69 = arith.constant 9920 : i32
        %dma_start3A_70 = arith.constant 0 : i32
        %dma_start3A_71 = tpu.memref_slice %arg5[%arg0, %dma_start3A_69, %dma_start3A_70] : memref<2x10000x64xf32, #tpu.memory_space<hbm>> -> memref<1x80x64xf32, #tpu.memory_space<hbm>>
        %dma_start3A_72 = tpu.memref_squeeze %dma_start3A_71 : memref<1x80x64xf32, #tpu.memory_space<hbm>> -> memref<80x64xf32, #tpu.memory_space<hbm>>
        %dma_start3A_73 = arith.constant 9920 : i32
        %dma_start3A_74 = arith.constant 0 : i32
        %dma_start3A_75 = tpu.memref_slice %arg5[%arg0, %dma_start3A_73, %dma_start3A_74] : memref<2x10000x64xf32, #tpu.memory_space<hbm>> -> memref<1x80x64xf32, #tpu.memory_space<hbm>>
        %dma_start3A_76 = tpu.memref_squeeze %dma_start3A_75 : memref<1x80x64xf32, #tpu.memory_space<hbm>> -> memref<80x64xf32, #tpu.memory_space<hbm>>
        %dma_start3A_77 = arith.constant 0 : i32
        %dma_start3A_78 = arith.constant 0 : i32
        %dma_start3A_79 = tpu.memref_slice %arg10[%dma_start3A_77, %dma_start3A_78] : memref<320x64xf32, #tpu.memory_space<vmem>> -> memref<80x64xf32, #tpu.memory_space<vmem>>
        tpu.enqueue_dma source(%dma_start3A_79 : memref<80x64xf32, #tpu.memory_space<vmem>>) target(%dma_start3A_76 : memref<80x64xf32, #tpu.memory_space<hbm>>) target_semaphore(%run_scoped3A : memref<!tpu.dma_semaphore, #tpu.memory_space<semaphore_mem>>)
        %dma_wait3A = arith.constant 0 : i32
        %dma_wait3A_80 = arith.constant 0 : i32
        %dma_wait3A_81 = tpu.memref_slice %arg10[%dma_wait3A, %dma_wait3A_80] : memref<320x64xf32, #tpu.memory_space<vmem>> -> memref<80x64xf32, #tpu.memory_space<vmem>>
        %dma_wait3A_82 = arith.constant 9920 : i32
        %dma_wait3A_83 = arith.constant 0 : i32
        %dma_wait3A_84 = tpu.memref_slice %arg5[%arg0, %dma_wait3A_82, %dma_wait3A_83] : memref<2x10000x64xf32, #tpu.memory_space<hbm>> -> memref<1x80x64xf32, #tpu.memory_space<hbm>>
        %dma_wait3A_85 = tpu.memref_squeeze %dma_wait3A_84 : memref<1x80x64xf32, #tpu.memory_space<hbm>> -> memref<80x64xf32, #tpu.memory_space<hbm>>
        %dma_wait3A_86 = arith.constant 9920 : i32
        %dma_wait3A_87 = arith.constant 0 : i32
        %dma_wait3A_88 = tpu.memref_slice %arg5[%arg0, %dma_wait3A_86, %dma_wait3A_87] : memref<2x10000x64xf32, #tpu.memory_space<hbm>> -> memref<1x80x64xf32, #tpu.memory_space<hbm>>
        %dma_wait3A_89 = tpu.memref_squeeze %dma_wait3A_88 : memref<1x80x64xf32, #tpu.memory_space<hbm>> -> memref<80x64xf32, #tpu.memory_space<hbm>>
        %dma_wait3A_90 = arith.constant 0 : i32
        %dma_wait3A_91 = arith.constant 0 : i32
        %dma_wait3A_92 = tpu.memref_slice %arg10[%dma_wait3A_90, %dma_wait3A_91] : memref<320x64xf32, #tpu.memory_space<vmem>> -> memref<80x64xf32, #tpu.memory_space<vmem>>
        tpu.wait_dma2 semaphore(%run_scoped3A : memref<!tpu.dma_semaphore, #tpu.memory_space<semaphore_mem>>) src(%dma_wait3A_92 : memref<80x64xf32, #tpu.memory_space<vmem>>) dst(%dma_wait3A_89 : memref<80x64xf32, #tpu.memory_space<hbm>>)
        tpu.yield
      }) : () -> ()
    } else {
    }
    return
  }
}

#map = affine_map<(d0, d1) -> (0, 0)>
#map1 = affine_map<(d0, d1) -> (0, 0, 0)>
module attributes {stable_mosaic.version = 14 : i64} {
  func.func @_deg_body(%arg0: i32, %arg1: i32, %arg2: memref<2560x125xi32, #tpu.memory_space<hbm>>, %arg3: memref<2x10240x16xf32, #tpu.memory_space<hbm>>, %arg4: memref<80x125xi32, #tpu.memory_space<vmem>>, %arg5: memref<125x16xf32, #tpu.memory_space<vmem>>, %arg6: memref<80x16xf32, #tpu.memory_space<vmem>>, %arg7: memref<640x16xf32, #tpu.memory_space<vmem>>, %arg8: memref<10240x16xf32, #tpu.memory_space<vmem_shared>>) attributes {dimension_semantics = [#tpu.dimension_semantics<core_parallel>, #tpu.dimension_semantics<subcore_parallel>], iteration_bounds = array<i64: 2, 16>, scalar_prefetch = 0 : i64, scratch_operands = 5 : i64, tpu.core_type = #tpu.core_type<sc_vector_subcore>, window_params = [{transform_indices = #map}, {transform_indices = #map1}]} {
    %mul3A = arith.constant 2 : i32
    %mul3A_0 = arith.muli %arg1, %mul3A : i32
    %add3A = arith.addi %mul3A_0, %arg0 : i32
    %scan3A = arith.constant 0 : i32
    %scan3A_1 = arith.constant 0 : i32
    %scan3A_2 = arith.constant 125 : i32
    %scan3A_3 = arith.addi %scan3A_1, %scan3A_2 : i32
    %scan3A_4 = arith.constant 1 : i32
    %scan3A_5 = scf.for %scan3A_60 = %scan3A_1 to %scan3A_3 step %scan3A_4 iter_args(%scan3A_61 = %scan3A) -> (i32)  : i32 {
      %broadcast_in_dim3A = arith.constant 1.000000e+00 : f32
      %broadcast_in_dim3A_62 = vector.broadcast %broadcast_in_dim3A : f32 to vector<16xf32>
      %swap3A = arith.index_cast %scan3A_60 : i32 to index
      %swap3A_63 = arith.constant 0 : index
      %swap3A_64 = tpu.vector_load %arg5[%swap3A, %swap3A_63] {strides = array<i32>} : memref<125x16xf32, #tpu.memory_space<vmem>>, vector<1x16xf32>,
      %swap3A_65 = vector.shape_cast %swap3A_64 : vector<1x16xf32> to vector<16xf32>
      %swap3A_66 = vector.shape_cast %broadcast_in_dim3A_62 : vector<16xf32> to vector<1x16xf32>
      tpu.vector_store %arg5[%swap3A, %swap3A_63], %swap3A_66 {strides = array<i32>} : memref<125x16xf32, #tpu.memory_space<vmem>>, vector<1x16xf32>,
      %scan3A_67 = arith.constant 0 : i32
      scf.yield %scan3A_67 : i32
    }
    %scan3A_6 = arith.constant 125 : i32
    %scan3A_7 = arith.constant 0 : i32
    %scan3A_8 = arith.constant 0 : i32
    %scan3A_9 = arith.constant 80 : i32
    %scan3A_10 = arith.addi %scan3A_8, %scan3A_9 : i32
    %scan3A_11 = arith.constant 1 : i32
    %scan3A_12 = scf.for %scan3A_60 = %scan3A_8 to %scan3A_10 step %scan3A_11 iter_args(%scan3A_61 = %scan3A_7) -> (i32)  : i32 {
      %broadcast_in_dim3A = arith.constant 0.000000e+00 : f32
      %broadcast_in_dim3A_62 = vector.broadcast %broadcast_in_dim3A : f32 to vector<16xf32>
      %swap3A = arith.index_cast %scan3A_60 : i32 to index
      %swap3A_63 = arith.constant 0 : index
      %swap3A_64 = tpu.vector_load %arg6[%swap3A, %swap3A_63] {strides = array<i32>} : memref<80x16xf32, #tpu.memory_space<vmem>>, vector<1x16xf32>,
      %swap3A_65 = vector.shape_cast %swap3A_64 : vector<1x16xf32> to vector<16xf32>
      %swap3A_66 = vector.shape_cast %broadcast_in_dim3A_62 : vector<16xf32> to vector<1x16xf32>
      tpu.vector_store %arg6[%swap3A, %swap3A_63], %swap3A_66 {strides = array<i32>} : memref<80x16xf32, #tpu.memory_space<vmem>>, vector<1x16xf32>,
      %scan3A_67 = arith.constant 0 : i32
      scf.yield %scan3A_67 : i32
    }
    %scan3A_13 = arith.constant 80 : i32
    %mul3A_14 = arith.constant 640 : i32
    %mul3A_15 = arith.muli %arg1, %mul3A_14 : i32
    %add3A_16 = arith.constant 0 : i32
    %add3A_17 = arith.addi %mul3A_15, %add3A_16 : i32
    "tpu.region"() ({
      %run_scoped3A = tpu.sem_alloc : memref<!tpu.dma_semaphore, #tpu.memory_space<semaphore_mem>>
      %dma_start3A = arith.constant 0 : i32
      %dma_start3A_60 = tpu.memref_slice %arg8[%add3A_17, %dma_start3A] : memref<10240x16xf32, #tpu.memory_space<vmem_shared>> -> memref<80x16xf32, #tpu.memory_space<vmem_shared>>
      %dma_start3A_61 = arith.constant 0 : i32
      %dma_start3A_62 = tpu.memref_slice %arg8[%add3A_17, %dma_start3A_61] : memref<10240x16xf32, #tpu.memory_space<vmem_shared>> -> memref<80x16xf32, #tpu.memory_space<vmem_shared>>
      tpu.enqueue_dma source(%arg6 : memref<80x16xf32, #tpu.memory_space<vmem>>) target(%dma_start3A_62 : memref<80x16xf32, #tpu.memory_space<vmem_shared>>) target_semaphore(%run_scoped3A : memref<!tpu.dma_semaphore, #tpu.memory_space<semaphore_mem>>)
      %dma_wait3A = arith.constant 0 : i32
      %dma_wait3A_63 = tpu.memref_slice %arg8[%add3A_17, %dma_wait3A] : memref<10240x16xf32, #tpu.memory_space<vmem_shared>> -> memref<80x16xf32, #tpu.memory_space<vmem_shared>>
      %dma_wait3A_64 = arith.constant 0 : i32
      %dma_wait3A_65 = tpu.memref_slice %arg8[%add3A_17, %dma_wait3A_64] : memref<10240x16xf32, #tpu.memory_space<vmem_shared>> -> memref<80x16xf32, #tpu.memory_space<vmem_shared>>
      tpu.wait_dma2 semaphore(%run_scoped3A : memref<!tpu.dma_semaphore, #tpu.memory_space<semaphore_mem>>) src(%arg6 : memref<80x16xf32, #tpu.memory_space<vmem>>) dst(%dma_wait3A_65 : memref<80x16xf32, #tpu.memory_space<vmem_shared>>)
      tpu.yield
    }) : () -> ()
    %mul3A_18 = arith.constant 640 : i32
    %mul3A_19 = arith.muli %arg1, %mul3A_18 : i32
    %add3A_20 = arith.constant 80 : i32
    %add3A_21 = arith.addi %mul3A_19, %add3A_20 : i32
    "tpu.region"() ({
      %run_scoped3A = tpu.sem_alloc : memref<!tpu.dma_semaphore, #tpu.memory_space<semaphore_mem>>
      %dma_start3A = arith.constant 0 : i32
      %dma_start3A_60 = tpu.memref_slice %arg8[%add3A_21, %dma_start3A] : memref<10240x16xf32, #tpu.memory_space<vmem_shared>> -> memref<80x16xf32, #tpu.memory_space<vmem_shared>>
      %dma_start3A_61 = arith.constant 0 : i32
      %dma_start3A_62 = tpu.memref_slice %arg8[%add3A_21, %dma_start3A_61] : memref<10240x16xf32, #tpu.memory_space<vmem_shared>> -> memref<80x16xf32, #tpu.memory_space<vmem_shared>>
      tpu.enqueue_dma source(%arg6 : memref<80x16xf32, #tpu.memory_space<vmem>>) target(%dma_start3A_62 : memref<80x16xf32, #tpu.memory_space<vmem_shared>>) target_semaphore(%run_scoped3A : memref<!tpu.dma_semaphore, #tpu.memory_space<semaphore_mem>>)
      %dma_wait3A = arith.constant 0 : i32
      %dma_wait3A_63 = tpu.memref_slice %arg8[%add3A_21, %dma_wait3A] : memref<10240x16xf32, #tpu.memory_space<vmem_shared>> -> memref<80x16xf32, #tpu.memory_space<vmem_shared>>
      %dma_wait3A_64 = arith.constant 0 : i32
      %dma_wait3A_65 = tpu.memref_slice %arg8[%add3A_21, %dma_wait3A_64] : memref<10240x16xf32, #tpu.memory_space<vmem_shared>> -> memref<80x16xf32, #tpu.memory_space<vmem_shared>>
      tpu.wait_dma2 semaphore(%run_scoped3A : memref<!tpu.dma_semaphore, #tpu.memory_space<semaphore_mem>>) src(%arg6 : memref<80x16xf32, #tpu.memory_space<vmem>>) dst(%dma_wait3A_65 : memref<80x16xf32, #tpu.memory_space<vmem_shared>>)
      tpu.yield
    }) : () -> ()
    %mul3A_22 = arith.constant 640 : i32
    %mul3A_23 = arith.muli %arg1, %mul3A_22 : i32
    %add3A_24 = arith.constant 160 : i32
    %add3A_25 = arith.addi %mul3A_23, %add3A_24 : i32
    "tpu.region"() ({
      %run_scoped3A = tpu.sem_alloc : memref<!tpu.dma_semaphore, #tpu.memory_space<semaphore_mem>>
      %dma_start3A = arith.constant 0 : i32
      %dma_start3A_60 = tpu.memref_slice %arg8[%add3A_25, %dma_start3A] : memref<10240x16xf32, #tpu.memory_space<vmem_shared>> -> memref<80x16xf32, #tpu.memory_space<vmem_shared>>
      %dma_start3A_61 = arith.constant 0 : i32
      %dma_start3A_62 = tpu.memref_slice %arg8[%add3A_25, %dma_start3A_61] : memref<10240x16xf32, #tpu.memory_space<vmem_shared>> -> memref<80x16xf32, #tpu.memory_space<vmem_shared>>
      tpu.enqueue_dma source(%arg6 : memref<80x16xf32, #tpu.memory_space<vmem>>) target(%dma_start3A_62 : memref<80x16xf32, #tpu.memory_space<vmem_shared>>) target_semaphore(%run_scoped3A : memref<!tpu.dma_semaphore, #tpu.memory_space<semaphore_mem>>)
      %dma_wait3A = arith.constant 0 : i32
      %dma_wait3A_63 = tpu.memref_slice %arg8[%add3A_25, %dma_wait3A] : memref<10240x16xf32, #tpu.memory_space<vmem_shared>> -> memref<80x16xf32, #tpu.memory_space<vmem_shared>>
      %dma_wait3A_64 = arith.constant 0 : i32
      %dma_wait3A_65 = tpu.memref_slice %arg8[%add3A_25, %dma_wait3A_64] : memref<10240x16xf32, #tpu.memory_space<vmem_shared>> -> memref<80x16xf32, #tpu.memory_space<vmem_shared>>
      tpu.wait_dma2 semaphore(%run_scoped3A : memref<!tpu.dma_semaphore, #tpu.memory_space<semaphore_mem>>) src(%arg6 : memref<80x16xf32, #tpu.memory_space<vmem>>) dst(%dma_wait3A_65 : memref<80x16xf32, #tpu.memory_space<vmem_shared>>)
      tpu.yield
    }) : () -> ()
    %mul3A_26 = arith.constant 640 : i32
    %mul3A_27 = arith.muli %arg1, %mul3A_26 : i32
    %add3A_28 = arith.constant 240 : i32
    %add3A_29 = arith.addi %mul3A_27, %add3A_28 : i32
    "tpu.region"() ({
      %run_scoped3A = tpu.sem_alloc : memref<!tpu.dma_semaphore, #tpu.memory_space<semaphore_mem>>
      %dma_start3A = arith.constant 0 : i32
      %dma_start3A_60 = tpu.memref_slice %arg8[%add3A_29, %dma_start3A] : memref<10240x16xf32, #tpu.memory_space<vmem_shared>> -> memref<80x16xf32, #tpu.memory_space<vmem_shared>>
      %dma_start3A_61 = arith.constant 0 : i32
      %dma_start3A_62 = tpu.memref_slice %arg8[%add3A_29, %dma_start3A_61] : memref<10240x16xf32, #tpu.memory_space<vmem_shared>> -> memref<80x16xf32, #tpu.memory_space<vmem_shared>>
      tpu.enqueue_dma source(%arg6 : memref<80x16xf32, #tpu.memory_space<vmem>>) target(%dma_start3A_62 : memref<80x16xf32, #tpu.memory_space<vmem_shared>>) target_semaphore(%run_scoped3A : memref<!tpu.dma_semaphore, #tpu.memory_space<semaphore_mem>>)
      %dma_wait3A = arith.constant 0 : i32
      %dma_wait3A_63 = tpu.memref_slice %arg8[%add3A_29, %dma_wait3A] : memref<10240x16xf32, #tpu.memory_space<vmem_shared>> -> memref<80x16xf32, #tpu.memory_space<vmem_shared>>
      %dma_wait3A_64 = arith.constant 0 : i32
      %dma_wait3A_65 = tpu.memref_slice %arg8[%add3A_29, %dma_wait3A_64] : memref<10240x16xf32, #tpu.memory_space<vmem_shared>> -> memref<80x16xf32, #tpu.memory_space<vmem_shared>>
      tpu.wait_dma2 semaphore(%run_scoped3A : memref<!tpu.dma_semaphore, #tpu.memory_space<semaphore_mem>>) src(%arg6 : memref<80x16xf32, #tpu.memory_space<vmem>>) dst(%dma_wait3A_65 : memref<80x16xf32, #tpu.memory_space<vmem_shared>>)
      tpu.yield
    }) : () -> ()
    %mul3A_30 = arith.constant 640 : i32
    %mul3A_31 = arith.muli %arg1, %mul3A_30 : i32
    %add3A_32 = arith.constant 320 : i32
    %add3A_33 = arith.addi %mul3A_31, %add3A_32 : i32
    "tpu.region"() ({
      %run_scoped3A = tpu.sem_alloc : memref<!tpu.dma_semaphore, #tpu.memory_space<semaphore_mem>>
      %dma_start3A = arith.constant 0 : i32
      %dma_start3A_60 = tpu.memref_slice %arg8[%add3A_33, %dma_start3A] : memref<10240x16xf32, #tpu.memory_space<vmem_shared>> -> memref<80x16xf32, #tpu.memory_space<vmem_shared>>
      %dma_start3A_61 = arith.constant 0 : i32
      %dma_start3A_62 = tpu.memref_slice %arg8[%add3A_33, %dma_start3A_61] : memref<10240x16xf32, #tpu.memory_space<vmem_shared>> -> memref<80x16xf32, #tpu.memory_space<vmem_shared>>
      tpu.enqueue_dma source(%arg6 : memref<80x16xf32, #tpu.memory_space<vmem>>) target(%dma_start3A_62 : memref<80x16xf32, #tpu.memory_space<vmem_shared>>) target_semaphore(%run_scoped3A : memref<!tpu.dma_semaphore, #tpu.memory_space<semaphore_mem>>)
      %dma_wait3A = arith.constant 0 : i32
      %dma_wait3A_63 = tpu.memref_slice %arg8[%add3A_33, %dma_wait3A] : memref<10240x16xf32, #tpu.memory_space<vmem_shared>> -> memref<80x16xf32, #tpu.memory_space<vmem_shared>>
      %dma_wait3A_64 = arith.constant 0 : i32
      %dma_wait3A_65 = tpu.memref_slice %arg8[%add3A_33, %dma_wait3A_64] : memref<10240x16xf32, #tpu.memory_space<vmem_shared>> -> memref<80x16xf32, #tpu.memory_space<vmem_shared>>
      tpu.wait_dma2 semaphore(%run_scoped3A : memref<!tpu.dma_semaphore, #tpu.memory_space<semaphore_mem>>) src(%arg6 : memref<80x16xf32, #tpu.memory_space<vmem>>) dst(%dma_wait3A_65 : memref<80x16xf32, #tpu.memory_space<vmem_shared>>)
      tpu.yield
    }) : () -> ()
    %mul3A_34 = arith.constant 640 : i32
    %mul3A_35 = arith.muli %arg1, %mul3A_34 : i32
    %add3A_36 = arith.constant 400 : i32
    %add3A_37 = arith.addi %mul3A_35, %add3A_36 : i32
    "tpu.region"() ({
      %run_scoped3A = tpu.sem_alloc : memref<!tpu.dma_semaphore, #tpu.memory_space<semaphore_mem>>
      %dma_start3A = arith.constant 0 : i32
      %dma_start3A_60 = tpu.memref_slice %arg8[%add3A_37, %dma_start3A] : memref<10240x16xf32, #tpu.memory_space<vmem_shared>> -> memref<80x16xf32, #tpu.memory_space<vmem_shared>>
      %dma_start3A_61 = arith.constant 0 : i32
      %dma_start3A_62 = tpu.memref_slice %arg8[%add3A_37, %dma_start3A_61] : memref<10240x16xf32, #tpu.memory_space<vmem_shared>> -> memref<80x16xf32, #tpu.memory_space<vmem_shared>>
      tpu.enqueue_dma source(%arg6 : memref<80x16xf32, #tpu.memory_space<vmem>>) target(%dma_start3A_62 : memref<80x16xf32, #tpu.memory_space<vmem_shared>>) target_semaphore(%run_scoped3A : memref<!tpu.dma_semaphore, #tpu.memory_space<semaphore_mem>>)
      %dma_wait3A = arith.constant 0 : i32
      %dma_wait3A_63 = tpu.memref_slice %arg8[%add3A_37, %dma_wait3A] : memref<10240x16xf32, #tpu.memory_space<vmem_shared>> -> memref<80x16xf32, #tpu.memory_space<vmem_shared>>
      %dma_wait3A_64 = arith.constant 0 : i32
      %dma_wait3A_65 = tpu.memref_slice %arg8[%add3A_37, %dma_wait3A_64] : memref<10240x16xf32, #tpu.memory_space<vmem_shared>> -> memref<80x16xf32, #tpu.memory_space<vmem_shared>>
      tpu.wait_dma2 semaphore(%run_scoped3A : memref<!tpu.dma_semaphore, #tpu.memory_space<semaphore_mem>>) src(%arg6 : memref<80x16xf32, #tpu.memory_space<vmem>>) dst(%dma_wait3A_65 : memref<80x16xf32, #tpu.memory_space<vmem_shared>>)
      tpu.yield
    }) : () -> ()
    %mul3A_38 = arith.constant 640 : i32
    %mul3A_39 = arith.muli %arg1, %mul3A_38 : i32
    %add3A_40 = arith.constant 480 : i32
    %add3A_41 = arith.addi %mul3A_39, %add3A_40 : i32
    "tpu.region"() ({
      %run_scoped3A = tpu.sem_alloc : memref<!tpu.dma_semaphore, #tpu.memory_space<semaphore_mem>>
      %dma_start3A = arith.constant 0 : i32
      %dma_start3A_60 = tpu.memref_slice %arg8[%add3A_41, %dma_start3A] : memref<10240x16xf32, #tpu.memory_space<vmem_shared>> -> memref<80x16xf32, #tpu.memory_space<vmem_shared>>
      %dma_start3A_61 = arith.constant 0 : i32
      %dma_start3A_62 = tpu.memref_slice %arg8[%add3A_41, %dma_start3A_61] : memref<10240x16xf32, #tpu.memory_space<vmem_shared>> -> memref<80x16xf32, #tpu.memory_space<vmem_shared>>
      tpu.enqueue_dma source(%arg6 : memref<80x16xf32, #tpu.memory_space<vmem>>) target(%dma_start3A_62 : memref<80x16xf32, #tpu.memory_space<vmem_shared>>) target_semaphore(%run_scoped3A : memref<!tpu.dma_semaphore, #tpu.memory_space<semaphore_mem>>)
      %dma_wait3A = arith.constant 0 : i32
      %dma_wait3A_63 = tpu.memref_slice %arg8[%add3A_41, %dma_wait3A] : memref<10240x16xf32, #tpu.memory_space<vmem_shared>> -> memref<80x16xf32, #tpu.memory_space<vmem_shared>>
      %dma_wait3A_64 = arith.constant 0 : i32
      %dma_wait3A_65 = tpu.memref_slice %arg8[%add3A_41, %dma_wait3A_64] : memref<10240x16xf32, #tpu.memory_space<vmem_shared>> -> memref<80x16xf32, #tpu.memory_space<vmem_shared>>
      tpu.wait_dma2 semaphore(%run_scoped3A : memref<!tpu.dma_semaphore, #tpu.memory_space<semaphore_mem>>) src(%arg6 : memref<80x16xf32, #tpu.memory_space<vmem>>) dst(%dma_wait3A_65 : memref<80x16xf32, #tpu.memory_space<vmem_shared>>)
      tpu.yield
    }) : () -> ()
    %mul3A_42 = arith.constant 640 : i32
    %mul3A_43 = arith.muli %arg1, %mul3A_42 : i32
    %add3A_44 = arith.constant 560 : i32
    %add3A_45 = arith.addi %mul3A_43, %add3A_44 : i32
    "tpu.region"() ({
      %run_scoped3A = tpu.sem_alloc : memref<!tpu.dma_semaphore, #tpu.memory_space<semaphore_mem>>
      %dma_start3A = arith.constant 0 : i32
      %dma_start3A_60 = tpu.memref_slice %arg8[%add3A_45, %dma_start3A] : memref<10240x16xf32, #tpu.memory_space<vmem_shared>> -> memref<80x16xf32, #tpu.memory_space<vmem_shared>>
      %dma_start3A_61 = arith.constant 0 : i32
      %dma_start3A_62 = tpu.memref_slice %arg8[%add3A_45, %dma_start3A_61] : memref<10240x16xf32, #tpu.memory_space<vmem_shared>> -> memref<80x16xf32, #tpu.memory_space<vmem_shared>>
      tpu.enqueue_dma source(%arg6 : memref<80x16xf32, #tpu.memory_space<vmem>>) target(%dma_start3A_62 : memref<80x16xf32, #tpu.memory_space<vmem_shared>>) target_semaphore(%run_scoped3A : memref<!tpu.dma_semaphore, #tpu.memory_space<semaphore_mem>>)
      %dma_wait3A = arith.constant 0 : i32
      %dma_wait3A_63 = tpu.memref_slice %arg8[%add3A_45, %dma_wait3A] : memref<10240x16xf32, #tpu.memory_space<vmem_shared>> -> memref<80x16xf32, #tpu.memory_space<vmem_shared>>
      %dma_wait3A_64 = arith.constant 0 : i32
      %dma_wait3A_65 = tpu.memref_slice %arg8[%add3A_45, %dma_wait3A_64] : memref<10240x16xf32, #tpu.memory_space<vmem_shared>> -> memref<80x16xf32, #tpu.memory_space<vmem_shared>>
      tpu.wait_dma2 semaphore(%run_scoped3A : memref<!tpu.dma_semaphore, #tpu.memory_space<semaphore_mem>>) src(%arg6 : memref<80x16xf32, #tpu.memory_space<vmem>>) dst(%dma_wait3A_65 : memref<80x16xf32, #tpu.memory_space<vmem_shared>>)
      tpu.yield
    }) : () -> ()
    %barrier3A = arith.constant 0 : index
    tpu.barrier barrier_id(%barrier3A)
    %mul3A_46 = arith.constant 80 : i32
    %mul3A_47 = arith.muli %add3A, %mul3A_46 : i32
    "tpu.region"() ({
      %run_scoped3A = tpu.sem_alloc : memref<!tpu.dma_semaphore, #tpu.memory_space<semaphore_mem>>
      %dma_start3A = arith.constant 0 : i32
      %dma_start3A_60 = tpu.memref_slice %arg2[%mul3A_47, %dma_start3A] : memref<2560x125xi32, #tpu.memory_space<hbm>> -> memref<80x125xi32, #tpu.memory_space<hbm>>
      %dma_start3A_61 = arith.constant 0 : i32
      %dma_start3A_62 = tpu.memref_slice %arg2[%mul3A_47, %dma_start3A_61] : memref<2560x125xi32, #tpu.memory_space<hbm>> -> memref<80x125xi32, #tpu.memory_space<hbm>>
      tpu.enqueue_dma source(%dma_start3A_62 : memref<80x125xi32, #tpu.memory_space<hbm>>) target(%arg4 : memref<80x125xi32, #tpu.memory_space<vmem>>) target_semaphore(%run_scoped3A : memref<!tpu.dma_semaphore, #tpu.memory_space<semaphore_mem>>)
      %dma_wait3A = arith.constant 0 : i32
      %dma_wait3A_63 = tpu.memref_slice %arg2[%mul3A_47, %dma_wait3A] : memref<2560x125xi32, #tpu.memory_space<hbm>> -> memref<80x125xi32, #tpu.memory_space<hbm>>
      %dma_wait3A_64 = arith.constant 0 : i32
      %dma_wait3A_65 = tpu.memref_slice %arg2[%mul3A_47, %dma_wait3A_64] : memref<2560x125xi32, #tpu.memory_space<hbm>> -> memref<80x125xi32, #tpu.memory_space<hbm>>
      tpu.wait_dma2 semaphore(%run_scoped3A : memref<!tpu.dma_semaphore, #tpu.memory_space<semaphore_mem>>) src(%dma_wait3A_65 : memref<80x125xi32, #tpu.memory_space<hbm>>) dst(%arg4 : memref<80x125xi32, #tpu.memory_space<vmem>>)
      tpu.yield
    }) : () -> ()
    %scan3A_48 = arith.constant 0 : i32
    %scan3A_49 = arith.constant 0 : i32
    %scan3A_50 = arith.constant 80 : i32
    %scan3A_51 = arith.addi %scan3A_49, %scan3A_50 : i32
    %scan3A_52 = arith.constant 1 : i32
    %scan3A_53 = scf.for %scan3A_60 = %scan3A_49 to %scan3A_51 step %scan3A_52 iter_args(%scan3A_61 = %scan3A_48) -> (i32)  : i32 {
      "tpu.region"() ({
        %run_scoped3A = tpu.sem_alloc : memref<!tpu.dma_semaphore, #tpu.memory_space<semaphore_mem>>
        %dma_start3A = arith.constant 0 : i32
        %dma_start3A_63 = tpu.memref_slice %arg4[%scan3A_60, %dma_start3A] : memref<80x125xi32, #tpu.memory_space<vmem>> -> memref<1x125xi32, #tpu.memory_space<vmem>>
        %dma_start3A_64 = tpu.memref_squeeze %dma_start3A_63 : memref<1x125xi32, #tpu.memory_space<vmem>> -> memref<125xi32, #tpu.memory_space<vmem>>
        %dma_start3A_65 = arith.constant 0 : i32
        %dma_start3A_66 = arith.constant 0 : i32
        %dma_start3A_67 = tpu.memref_slice %arg8[%dma_start3A_65, %dma_start3A_66] : memref<10240x16xf32, #tpu.memory_space<vmem_shared>> -> memref<10240x16xf32, #tpu.memory_space<vmem_shared>>
        tpu.enqueue_indirect_dma source(%arg5 : memref<125x16xf32, #tpu.memory_space<vmem>>) target(%dma_start3A_67 : memref<10240x16xf32, #tpu.memory_space<vmem_shared>>) offsets(%dma_start3A_64 : memref<125xi32, #tpu.memory_space<vmem>>) semaphore(%run_scoped3A : memref<!tpu.dma_semaphore, #tpu.memory_space<semaphore_mem>>) {add = true}
        %dma_wait3A = arith.constant 0 : i32
        %dma_wait3A_68 = tpu.memref_slice %arg4[%scan3A_60, %dma_wait3A] : memref<80x125xi32, #tpu.memory_space<vmem>> -> memref<1x125xi32, #tpu.memory_space<vmem>>
        %dma_wait3A_69 = tpu.memref_squeeze %dma_wait3A_68 : memref<1x125xi32, #tpu.memory_space<vmem>> -> memref<125xi32, #tpu.memory_space<vmem>>
        %dma_wait3A_70 = arith.constant 0 : i32
        %dma_wait3A_71 = arith.constant 0 : i32
        %dma_wait3A_72 = tpu.memref_slice %arg8[%dma_wait3A_70, %dma_wait3A_71] : memref<10240x16xf32, #tpu.memory_space<vmem_shared>> -> memref<10240x16xf32, #tpu.memory_space<vmem_shared>>
        tpu.wait_indirect_dma semaphore(%run_scoped3A : memref<!tpu.dma_semaphore, #tpu.memory_space<semaphore_mem>>) src(%arg5 : memref<125x16xf32, #tpu.memory_space<vmem>>) dst(%dma_wait3A_72 : memref<10240x16xf32, #tpu.memory_space<vmem_shared>>)
        tpu.yield
      }) : () -> ()
      %scan3A_62 = arith.constant 0 : i32
      scf.yield %scan3A_62 : i32
    }
    %scan3A_54 = arith.constant 80 : i32
    %barrier3A_55 = arith.constant 0 : index
    tpu.barrier barrier_id(%barrier3A_55)
    %mul3A_56 = arith.constant 640 : i32
    %mul3A_57 = arith.muli %arg1, %mul3A_56 : i32
    "tpu.region"() ({
      %run_scoped3A = tpu.sem_alloc : memref<!tpu.dma_semaphore, #tpu.memory_space<semaphore_mem>>
      %dma_start3A = arith.constant 0 : i32
      %dma_start3A_60 = tpu.memref_slice %arg8[%mul3A_57, %dma_start3A] : memref<10240x16xf32, #tpu.memory_space<vmem_shared>> -> memref<640x16xf32, #tpu.memory_space<vmem_shared>>
      %dma_start3A_61 = arith.constant 0 : i32
      %dma_start3A_62 = tpu.memref_slice %arg8[%mul3A_57, %dma_start3A_61] : memref<10240x16xf32, #tpu.memory_space<vmem_shared>> -> memref<640x16xf32, #tpu.memory_space<vmem_shared>>
      tpu.enqueue_dma source(%dma_start3A_62 : memref<640x16xf32, #tpu.memory_space<vmem_shared>>) target(%arg7 : memref<640x16xf32, #tpu.memory_space<vmem>>) target_semaphore(%run_scoped3A : memref<!tpu.dma_semaphore, #tpu.memory_space<semaphore_mem>>)
      %dma_wait3A = arith.constant 0 : i32
      %dma_wait3A_63 = tpu.memref_slice %arg8[%mul3A_57, %dma_wait3A] : memref<10240x16xf32, #tpu.memory_space<vmem_shared>> -> memref<640x16xf32, #tpu.memory_space<vmem_shared>>
      %dma_wait3A_64 = arith.constant 0 : i32
      %dma_wait3A_65 = tpu.memref_slice %arg8[%mul3A_57, %dma_wait3A_64] : memref<10240x16xf32, #tpu.memory_space<vmem_shared>> -> memref<640x16xf32, #tpu.memory_space<vmem_shared>>
      tpu.wait_dma2 semaphore(%run_scoped3A : memref<!tpu.dma_semaphore, #tpu.memory_space<semaphore_mem>>) src(%dma_wait3A_65 : memref<640x16xf32, #tpu.memory_space<vmem_shared>>) dst(%arg7 : memref<640x16xf32, #tpu.memory_space<vmem>>)
      tpu.yield
    }) : () -> ()
    %mul3A_58 = arith.constant 640 : i32
    %mul3A_59 = arith.muli %arg1, %mul3A_58 : i32
    "tpu.region"() ({
      %run_scoped3A = tpu.sem_alloc : memref<!tpu.dma_semaphore, #tpu.memory_space<semaphore_mem>>
      %dma_start3A = arith.constant 0 : i32
      %dma_start3A_60 = tpu.memref_slice %arg3[%arg0, %mul3A_59, %dma_start3A] : memref<2x10240x16xf32, #tpu.memory_space<hbm>> -> memref<1x640x16xf32, #tpu.memory_space<hbm>>
      %dma_start3A_61 = tpu.memref_squeeze %dma_start3A_60 : memref<1x640x16xf32, #tpu.memory_space<hbm>> -> memref<640x16xf32, #tpu.memory_space<hbm>>
      %dma_start3A_62 = arith.constant 0 : i32
      %dma_start3A_63 = tpu.memref_slice %arg3[%arg0, %mul3A_59, %dma_start3A_62] : memref<2x10240x16xf32, #tpu.memory_space<hbm>> -> memref<1x640x16xf32, #tpu.memory_space<hbm>>
      %dma_start3A_64 = tpu.memref_squeeze %dma_start3A_63 : memref<1x640x16xf32, #tpu.memory_space<hbm>> -> memref<640x16xf32, #tpu.memory_space<hbm>>
      tpu.enqueue_dma source(%arg7 : memref<640x16xf32, #tpu.memory_space<vmem>>) target(%dma_start3A_64 : memref<640x16xf32, #tpu.memory_space<hbm>>) target_semaphore(%run_scoped3A : memref<!tpu.dma_semaphore, #tpu.memory_space<semaphore_mem>>)
      %dma_wait3A = arith.constant 0 : i32
      %dma_wait3A_65 = tpu.memref_slice %arg3[%arg0, %mul3A_59, %dma_wait3A] : memref<2x10240x16xf32, #tpu.memory_space<hbm>> -> memref<1x640x16xf32, #tpu.memory_space<hbm>>
      %dma_wait3A_66 = tpu.memref_squeeze %dma_wait3A_65 : memref<1x640x16xf32, #tpu.memory_space<hbm>> -> memref<640x16xf32, #tpu.memory_space<hbm>>
      %dma_wait3A_67 = arith.constant 0 : i32
      %dma_wait3A_68 = tpu.memref_slice %arg3[%arg0, %mul3A_59, %dma_wait3A_67] : memref<2x10240x16xf32, #tpu.memory_space<hbm>> -> memref<1x640x16xf32, #tpu.memory_space<hbm>>
      %dma_wait3A_69 = tpu.memref_squeeze %dma_wait3A_68 : memref<1x640x16xf32, #tpu.memory_space<hbm>> -> memref<640x16xf32, #tpu.memory_space<hbm>>
      tpu.wait_dma2 semaphore(%run_scoped3A : memref<!tpu.dma_semaphore, #tpu.memory_space<semaphore_mem>>) src(%arg7 : memref<640x16xf32, #tpu.memory_space<vmem>>) dst(%dma_wait3A_69 : memref<640x16xf32, #tpu.memory_space<hbm>>)
      tpu.yield
    }) : () -> ()
    return
  }
}

module attributes {stable_mosaic.version = 14 : i64} {
  func.func @_tc1_body(%arg0: i32, %arg1: memref<1000x128xf32, #tpu.memory_space<vmem>>, %arg2: memref<128x128xf32, #tpu.memory_space<vmem>>, %arg3: memref<2x1000x1xf32, #tpu.memory_space<vmem>>, %arg4: memref<2x1000x64xf32, #tpu.memory_space<vmem>>) attributes {dimension_semantics = [#tpu.dimension_semantics<arbitrary>], iteration_bounds = array<i64: 10>, scalar_prefetch = 0 : i64, scratch_operands = 0 : i64, tpu.core_type = #tpu.core_type<tc>, window_params = [{transform_indices = @transform_0, window_bounds = array<i64: 1000, 128>}, {pipeline_mode = #tpu.pipeline_mode<synchronous>, transform_indices = @transform_1, window_bounds = array<i64: 128, 128>}, {transform_indices = @transform_2, window_bounds = array<i64: 2, 1000, 1>}, {transform_indices = @transform_3, window_bounds = array<i64: 2, 1000, 64>}]} {
    %get3A = arith.constant 0 : index
    %get3A_0 = arith.constant 0 : index
    %get3A_1 = arith.constant 0 : index
    %get3A_2 = vector.load %arg3[%get3A, %get3A_0, %get3A_1] : memref<2x1000x1xf32, #tpu.memory_space<vmem>>, vector<2x1000x1xf32>
    %reduce_sum3A = arith.constant dense<0.000000e+00> : vector<1000x1xf32>
    %reduce_sum3A_3 = vector.multi_reduction <add>, %get3A_2, %reduce_sum3A [0] : vector<2x1000x1xf32> to vector<1000x1xf32>
    %add3A = arith.constant 1.000000e+00 : f32
    %add3A_4 = vector.broadcast %add3A : f32 to vector<1000x1xf32>
    %add3A_5 = arith.addf %reduce_sum3A_3, %add3A_4 : vector<1000x1xf32>
    %rsqrt3A = math.rsqrt %add3A_5 : vector<1000x1xf32>
    %get3A_6 = arith.constant 0 : index
    %get3A_7 = arith.constant 0 : index
    %get3A_8 = vector.load %arg1[%get3A_6, %get3A_7] : memref<1000x128xf32, #tpu.memory_space<vmem>>, vector<1000x128xf32>
    %get3A_9 = arith.constant 0 : index
    %get3A_10 = arith.constant 0 : index
    %get3A_11 = vector.load %arg2[%get3A_9, %get3A_10] : memref<128x128xf32, #tpu.memory_space<vmem>>, vector<128x128xf32>
    %dot_general3A = arith.constant dense<0.000000e+00> : vector<1000x128xf32>
    %dot_general3A_12 = tpu.matmul %get3A_8, %get3A_11, %dot_general3A {dimension_numbers = #tpu.dot_dimension_numbers<[1], [0], [0], [1], [0, 0, 1, 1], [], []>, transpose_lhs_hint = false} : vector<1000x128xf32>, vector<128x128xf32>, vector<1000x128xf32> -> vector<1000x128xf32>
    %mul3A = vector.broadcast %rsqrt3A : vector<1000x1xf32> to vector<1000x128xf32>
    %mul3A_13 = arith.mulf %dot_general3A_12, %mul3A : vector<1000x128xf32>
    %slice3A = vector.extract_strided_slice %mul3A_13 {offsets = [0, 0], sizes = [1000, 64], strides = [1, 1]} : vector<1000x128xf32> to vector<1000x64xf32>
    %slice3A_14 = vector.extract_strided_slice %mul3A_13 {offsets = [0, 64], sizes = [1000, 64], strides = [1, 1]} : vector<1000x128xf32> to vector<1000x64xf32>
    %stack3A = vector.shape_cast %slice3A : vector<1000x64xf32> to vector<1x1000x64xf32>
    %stack3A_15 = vector.shape_cast %slice3A_14 : vector<1000x64xf32> to vector<1x1000x64xf32>
    %stack3A_16 = tpu.concatenate %stack3A, %stack3A_15 in 0 : vector<1x1000x64xf32>, vector<1x1000x64xf32> -> vector<2x1000x64xf32>
    %swap3A = arith.constant 0 : index
    %swap3A_17 = arith.constant 0 : index
    %swap3A_18 = arith.constant 0 : index
    %swap3A_19 = vector.load %arg4[%swap3A, %swap3A_17, %swap3A_18] : memref<2x1000x64xf32, #tpu.memory_space<vmem>>, vector<2x1000x64xf32>
    tpu.vector_store %arg4[%swap3A, %swap3A_17, %swap3A_18], %stack3A_16 {strides = array<i32>} : memref<2x1000x64xf32, #tpu.memory_space<vmem>>, vector<2x1000x64xf32>,
    return
  }
  func.func @transform_0(%arg0: i32) -> (i32, i32) {
    %c0_i32 = arith.constant 0 : i32
    %c0_i32_0 = arith.constant 0 : i32
    return %arg0, %c0_i32 : i32, i32
  }
  func.func @transform_1(%arg0: i32) -> (i32, i32) {
    %c0_i32 = arith.constant 0 : i32
    %c0_i32_0 = arith.constant 0 : i32
    %c0_i32_1 = arith.constant 0 : i32
    return %c0_i32, %c0_i32_0 : i32, i32
  }
  func.func @transform_2(%arg0: i32) -> (i32, i32, i32) {
    %c0_i32 = arith.constant 0 : i32
    %c0_i32_0 = arith.constant 0 : i32
    %c0_i32_1 = arith.constant 0 : i32
    return %c0_i32, %arg0, %c0_i32_0 : i32, i32, i32
  }
  func.func @transform_3(%arg0: i32) -> (i32, i32, i32) {
    %c0_i32 = arith.constant 0 : i32
    %c0_i32_0 = arith.constant 0 : i32
    %c0_i32_1 = arith.constant 0 : i32
    return %c0_i32, %arg0, %c0_i32_0 : i32, i32, i32
  }
}

module attributes {stable_mosaic.version = 14 : i64} {
  func.func @_tc2_body(%arg0: i32, %arg1: memref<2x1000x64xf32, #tpu.memory_space<vmem>>, %arg2: memref<2x1000x64xf32, #tpu.memory_space<vmem>>, %arg3: memref<2x1000x1xf32, #tpu.memory_space<vmem>>, %arg4: memref<1x128xf32, #tpu.memory_space<vmem>>, %arg5: memref<128x128xf32, #tpu.memory_space<vmem>>, %arg6: memref<2x1000x64xf32, #tpu.memory_space<vmem>>) attributes {dimension_semantics = [#tpu.dimension_semantics<arbitrary>], iteration_bounds = array<i64: 10>, scalar_prefetch = 0 : i64, scratch_operands = 0 : i64, tpu.core_type = #tpu.core_type<tc>, window_params = [{transform_indices = @transform_0, window_bounds = array<i64: 2, 1000, 64>}, {transform_indices = @transform_1, window_bounds = array<i64: 2, 1000, 64>}, {transform_indices = @transform_2, window_bounds = array<i64: 2, 1000, 1>}, {pipeline_mode = #tpu.pipeline_mode<synchronous>, transform_indices = @transform_3, window_bounds = array<i64: 1, 128>}, {pipeline_mode = #tpu.pipeline_mode<synchronous>, transform_indices = @transform_4, window_bounds = array<i64: 128, 128>}, {transform_indices = @transform_5, window_bounds = array<i64: 2, 1000, 64>}]} {
    %get3A = arith.constant 0 : index
    %get3A_0 = arith.constant 0 : index
    %get3A_1 = arith.constant 0 : index
    %get3A_2 = vector.load %arg3[%get3A, %get3A_0, %get3A_1] : memref<2x1000x1xf32, #tpu.memory_space<vmem>>, vector<2x1000x1xf32>
    %reduce_sum3A = arith.constant dense<0.000000e+00> : vector<1000x1xf32>
    %reduce_sum3A_3 = vector.multi_reduction <add>, %get3A_2, %reduce_sum3A [0] : vector<2x1000x1xf32> to vector<1000x1xf32>
    %add3A = arith.constant 1.000000e+00 : f32
    %add3A_4 = vector.broadcast %add3A : f32 to vector<1000x1xf32>
    %add3A_5 = arith.addf %reduce_sum3A_3, %add3A_4 : vector<1000x1xf32>
    %rsqrt3A = math.rsqrt %add3A_5 : vector<1000x1xf32>
    %get3A_6 = arith.constant 0 : index
    %get3A_7 = arith.constant 0 : index
    %get3A_8 = arith.constant 0 : index
    %get3A_9 = vector.load %arg1[%get3A_6, %get3A_7, %get3A_8] : memref<2x1000x64xf32, #tpu.memory_space<vmem>>, vector<1x1000x64xf32>
    %get3A_10 = vector.shape_cast %get3A_9 : vector<1x1000x64xf32> to vector<1000x64xf32>
    %get3A_11 = arith.constant 0 : index
    %get3A_12 = arith.constant 0 : index
    %get3A_13 = arith.constant 0 : index
    %get3A_14 = vector.load %arg2[%get3A_11, %get3A_12, %get3A_13] : memref<2x1000x64xf32, #tpu.memory_space<vmem>>, vector<1x1000x64xf32>
    %get3A_15 = vector.shape_cast %get3A_14 : vector<1x1000x64xf32> to vector<1000x64xf32>
    %add3A_16 = arith.addf %get3A_10, %get3A_15 : vector<1000x64xf32>
    %get3A_17 = arith.constant 1 : index
    %get3A_18 = arith.constant 0 : index
    %get3A_19 = arith.constant 0 : index
    %get3A_20 = vector.load %arg1[%get3A_17, %get3A_18, %get3A_19] : memref<2x1000x64xf32, #tpu.memory_space<vmem>>, vector<1x1000x64xf32>
    %get3A_21 = vector.shape_cast %get3A_20 : vector<1x1000x64xf32> to vector<1000x64xf32>
    %get3A_22 = arith.constant 1 : index
    %get3A_23 = arith.constant 0 : index
    %get3A_24 = arith.constant 0 : index
    %get3A_25 = vector.load %arg2[%get3A_22, %get3A_23, %get3A_24] : memref<2x1000x64xf32, #tpu.memory_space<vmem>>, vector<1x1000x64xf32>
    %get3A_26 = vector.shape_cast %get3A_25 : vector<1x1000x64xf32> to vector<1000x64xf32>
    %add3A_27 = arith.addf %get3A_21, %get3A_26 : vector<1000x64xf32>
    %concatenate3A = tpu.concatenate %add3A_16, %add3A_27 in 1 : vector<1000x64xf32>, vector<1000x64xf32> -> vector<1000x128xf32>
    %mul3A = vector.broadcast %rsqrt3A : vector<1000x1xf32> to vector<1000x128xf32>
    %mul3A_28 = arith.mulf %concatenate3A, %mul3A : vector<1000x128xf32>
    %get3A_29 = arith.constant 0 : index
    %get3A_30 = arith.constant 0 : index
    %get3A_31 = vector.load %arg4[%get3A_29, %get3A_30] : memref<1x128xf32, #tpu.memory_space<vmem>>, vector<1x128xf32>
    %add3A_32 = vector.broadcast %get3A_31 : vector<1x128xf32> to vector<1000x128xf32>
    %add3A_33 = arith.addf %mul3A_28, %add3A_32 : vector<1000x128xf32>
    %max3A = arith.constant 0.000000e+00 : f32
    %max3A_34 = vector.broadcast %max3A : f32 to vector<1000x128xf32>
    %max3A_35 = arith.maximumf %add3A_33, %max3A_34 : vector<1000x128xf32>
    %get3A_36 = arith.constant 0 : index
    %get3A_37 = arith.constant 0 : index
    %get3A_38 = vector.load %arg5[%get3A_36, %get3A_37] : memref<128x128xf32, #tpu.memory_space<vmem>>, vector<128x128xf32>
    %dot_general3A = arith.constant dense<0.000000e+00> : vector<1000x128xf32>
    %dot_general3A_39 = tpu.matmul %max3A_35, %get3A_38, %dot_general3A {dimension_numbers = #tpu.dot_dimension_numbers<[1], [0], [0], [1], [0, 0, 1, 1], [], []>, transpose_lhs_hint = false} : vector<1000x128xf32>, vector<128x128xf32>, vector<1000x128xf32> -> vector<1000x128xf32>
    %mul3A_40 = vector.broadcast %rsqrt3A : vector<1000x1xf32> to vector<1000x128xf32>
    %mul3A_41 = arith.mulf %dot_general3A_39, %mul3A_40 : vector<1000x128xf32>
    %slice3A = vector.extract_strided_slice %mul3A_41 {offsets = [0, 0], sizes = [1000, 64], strides = [1, 1]} : vector<1000x128xf32> to vector<1000x64xf32>
    %slice3A_42 = vector.extract_strided_slice %mul3A_41 {offsets = [0, 64], sizes = [1000, 64], strides = [1, 1]} : vector<1000x128xf32> to vector<1000x64xf32>
    %stack3A = vector.shape_cast %slice3A : vector<1000x64xf32> to vector<1x1000x64xf32>
    %stack3A_43 = vector.shape_cast %slice3A_42 : vector<1000x64xf32> to vector<1x1000x64xf32>
    %stack3A_44 = tpu.concatenate %stack3A, %stack3A_43 in 0 : vector<1x1000x64xf32>, vector<1x1000x64xf32> -> vector<2x1000x64xf32>
    %swap3A = arith.constant 0 : index
    %swap3A_45 = arith.constant 0 : index
    %swap3A_46 = arith.constant 0 : index
    %swap3A_47 = vector.load %arg6[%swap3A, %swap3A_45, %swap3A_46] : memref<2x1000x64xf32, #tpu.memory_space<vmem>>, vector<2x1000x64xf32>
    tpu.vector_store %arg6[%swap3A, %swap3A_45, %swap3A_46], %stack3A_44 {strides = array<i32>} : memref<2x1000x64xf32, #tpu.memory_space<vmem>>, vector<2x1000x64xf32>,
    return
  }
  func.func @transform_0(%arg0: i32) -> (i32, i32, i32) {
    %c0_i32 = arith.constant 0 : i32
    %c0_i32_0 = arith.constant 0 : i32
    %c0_i32_1 = arith.constant 0 : i32
    return %c0_i32, %arg0, %c0_i32_0 : i32, i32, i32
  }
  func.func @transform_1(%arg0: i32) -> (i32, i32, i32) {
    %c0_i32 = arith.constant 0 : i32
    %c0_i32_0 = arith.constant 0 : i32
    %c0_i32_1 = arith.constant 0 : i32
    return %c0_i32, %arg0, %c0_i32_0 : i32, i32, i32
  }
  func.func @transform_2(%arg0: i32) -> (i32, i32, i32) {
    %c0_i32 = arith.constant 0 : i32
    %c0_i32_0 = arith.constant 0 : i32
    %c0_i32_1 = arith.constant 0 : i32
    return %c0_i32, %arg0, %c0_i32_0 : i32, i32, i32
  }
  func.func @transform_3(%arg0: i32) -> (i32, i32) {
    %c0_i32 = arith.constant 0 : i32
    %c0_i32_0 = arith.constant 0 : i32
    %c0_i32_1 = arith.constant 0 : i32
    return %c0_i32, %c0_i32_0 : i32, i32
  }
  func.func @transform_4(%arg0: i32) -> (i32, i32) {
    %c0_i32 = arith.constant 0 : i32
    %c0_i32_0 = arith.constant 0 : i32
    %c0_i32_1 = arith.constant 0 : i32
    return %c0_i32, %c0_i32_0 : i32, i32
  }
  func.func @transform_5(%arg0: i32) -> (i32, i32, i32) {
    %c0_i32 = arith.constant 0 : i32
    %c0_i32_0 = arith.constant 0 : i32
    %c0_i32_1 = arith.constant 0 : i32
    return %c0_i32, %arg0, %c0_i32_0 : i32, i32, i32
  }
}

module attributes {stable_mosaic.version = 14 : i64} {
  func.func @_tc3_body(%arg0: i32, %arg1: memref<2x4x100x64xf32, #tpu.memory_space<vmem>>, %arg2: memref<2x4x100x64xf32, #tpu.memory_space<vmem>>, %arg3: memref<2x4x100x1xf32, #tpu.memory_space<vmem>>, %arg4: memref<4x4x100x128xf32, #tpu.memory_space<vmem>>, %arg5: memref<1x128xf32, #tpu.memory_space<vmem>>, %arg6: memref<128x128xf32, #tpu.memory_space<vmem>>, %arg7: memref<1x128xf32, #tpu.memory_space<vmem>>, %arg8: memref<128x128xf32, #tpu.memory_space<vmem>>, %arg9: memref<1x128xf32, #tpu.memory_space<vmem>>, %arg10: memref<128x128xf32, #tpu.memory_space<vmem>>, %arg11: memref<1x128xf32, #tpu.memory_space<vmem>>, %arg12: memref<128x128xf32, #tpu.memory_space<vmem>>, %arg13: memref<1x128xf32, #tpu.memory_space<vmem>>, %arg14: memref<128x256xf32, #tpu.memory_space<vmem>>, %arg15: memref<1x256xf32, #tpu.memory_space<vmem>>, %arg16: memref<256x128xf32, #tpu.memory_space<vmem>>, %arg17: memref<1x128xf32, #tpu.memory_space<vmem>>, %arg18: memref<1x128xf32, #tpu.memory_space<vmem>>, %arg19: memref<1x128xf32, #tpu.memory_space<vmem>>, %arg20: memref<1x128xf32, #tpu.memory_space<vmem>>, %arg21: memref<1x128xf32, #tpu.memory_space<vmem>>, %arg22: memref<4x4x100x128xf32, #tpu.memory_space<vmem>>) attributes {dimension_semantics = [#tpu.dimension_semantics<arbitrary>], iteration_bounds = array<i64: 25>, scalar_prefetch = 0 : i64, scratch_operands = 0 : i64, tpu.core_type = #tpu.core_type<tc>, window_params = [{transform_indices = @transform_0, window_bounds = array<i64: 2, 4, 100, 64>}, {transform_indices = @transform_1, window_bounds = array<i64: 2, 4, 100, 64>}, {transform_indices = @transform_2, window_bounds = array<i64: 2, 4, 100, 1>}, {transform_indices = @transform_3, window_bounds = array<i64: 4, 4, 100, 128>}, {pipeline_mode = #tpu.pipeline_mode<synchronous>, transform_indices = @transform_4, window_bounds = array<i64: 1, 128>}, {pipeline_mode = #tpu.pipeline_mode<synchronous>, transform_indices = @transform_5, window_bounds = array<i64: 128, 128>}, {pipeline_mode = #tpu.pipeline_mode<synchronous>, transform_indices = @transform_6, window_bounds = array<i64: 1, 128>}, {pipeline_mode = #tpu.pipeline_mode<synchronous>, transform_indices = @transform_7, window_bounds = array<i64: 128, 128>}, {pipeline_mode = #tpu.pipeline_mode<synchronous>, transform_indices = @transform_8, window_bounds = array<i64: 1, 128>}, {pipeline_mode = #tpu.pipeline_mode<synchronous>, transform_indices = @transform_9, window_bounds = array<i64: 128, 128>}, {pipeline_mode = #tpu.pipeline_mode<synchronous>, transform_indices = @transform_10, window_bounds = array<i64: 1, 128>}, {pipeline_mode = #tpu.pipeline_mode<synchronous>, transform_indices = @transform_11, window_bounds = array<i64: 128, 128>}, {pipeline_mode = #tpu.pipeline_mode<synchronous>, transform_indices = @transform_12, window_bounds = array<i64: 1, 128>}, {pipeline_mode = #tpu.pipeline_mode<synchronous>, transform_indices = @transform_13, window_bounds = array<i64: 128, 256>}, {pipeline_mode = #tpu.pipeline_mode<synchronous>, transform_indices = @transform_14, window_bounds = array<i64: 1, 256>}, {pipeline_mode = #tpu.pipeline_mode<synchronous>, transform_indices = @transform_15, window_bounds = array<i64: 256, 128>}, {pipeline_mode = #tpu.pipeline_mode<synchronous>, transform_indices = @transform_16, window_bounds = array<i64: 1, 128>}, {pipeline_mode = #tpu.pipeline_mode<synchronous>, transform_indices = @transform_17, window_bounds = array<i64: 1, 128>}, {pipeline_mode = #tpu.pipeline_mode<synchronous>, transform_indices = @transform_18, window_bounds = array<i64: 1, 128>}, {pipeline_mode = #tpu.pipeline_mode<synchronous>, transform_indices = @transform_19, window_bounds = array<i64: 1, 128>}, {pipeline_mode = #tpu.pipeline_mode<synchronous>, transform_indices = @transform_20, window_bounds = array<i64: 1, 128>}, {transform_indices = @transform_21, window_bounds = array<i64: 4, 4, 100, 128>}]} {
    %get3A = arith.constant 0 : index
    %get3A_0 = arith.constant 0 : index
    %get3A_1 = arith.constant 0 : index
    %get3A_2 = arith.constant 0 : index
    %get3A_3 = vector.load %arg3[%get3A, %get3A_0, %get3A_1, %get3A_2] : memref<2x4x100x1xf32, #tpu.memory_space<vmem>>, vector<2x1x100x1xf32>
    %get3A_4 = vector.shape_cast %get3A_3 : vector<2x1x100x1xf32> to vector<2x100x1xf32>
    %reduce_sum3A = arith.constant dense<0.000000e+00> : vector<100x1xf32>
    %reduce_sum3A_5 = vector.multi_reduction <add>, %get3A_4, %reduce_sum3A [0] : vector<2x100x1xf32> to vector<100x1xf32>
    %add3A = arith.constant 1.000000e+00 : f32
    %add3A_6 = vector.broadcast %add3A : f32 to vector<100x1xf32>
    %add3A_7 = arith.addf %reduce_sum3A_5, %add3A_6 : vector<100x1xf32>
    %rsqrt3A = math.rsqrt %add3A_7 : vector<100x1xf32>
    %get3A_8 = arith.constant 0 : index
    %get3A_9 = arith.constant 0 : index
    %get3A_10 = arith.constant 0 : index
    %get3A_11 = arith.constant 0 : index
    %get3A_12 = vector.load %arg1[%get3A_8, %get3A_9, %get3A_10, %get3A_11] : memref<2x4x100x64xf32, #tpu.memory_space<vmem>>, vector<1x1x100x64xf32>
    %get3A_13 = vector.shape_cast %get3A_12 : vector<1x1x100x64xf32> to vector<100x64xf32>
    %get3A_14 = arith.constant 0 : index
    %get3A_15 = arith.constant 0 : index
    %get3A_16 = arith.constant 0 : index
    %get3A_17 = arith.constant 0 : index
    %get3A_18 = vector.load %arg2[%get3A_14, %get3A_15, %get3A_16, %get3A_17] : memref<2x4x100x64xf32, #tpu.memory_space<vmem>>, vector<1x1x100x64xf32>
    %get3A_19 = vector.shape_cast %get3A_18 : vector<1x1x100x64xf32> to vector<100x64xf32>
    %add3A_20 = arith.addf %get3A_13, %get3A_19 : vector<100x64xf32>
    %get3A_21 = arith.constant 1 : index
    %get3A_22 = arith.constant 0 : index
    %get3A_23 = arith.constant 0 : index
    %get3A_24 = arith.constant 0 : index
    %get3A_25 = vector.load %arg1[%get3A_21, %get3A_22, %get3A_23, %get3A_24] : memref<2x4x100x64xf32, #tpu.memory_space<vmem>>, vector<1x1x100x64xf32>
    %get3A_26 = vector.shape_cast %get3A_25 : vector<1x1x100x64xf32> to vector<100x64xf32>
    %get3A_27 = arith.constant 1 : index
    %get3A_28 = arith.constant 0 : index
    %get3A_29 = arith.constant 0 : index
    %get3A_30 = arith.constant 0 : index
    %get3A_31 = vector.load %arg2[%get3A_27, %get3A_28, %get3A_29, %get3A_30] : memref<2x4x100x64xf32, #tpu.memory_space<vmem>>, vector<1x1x100x64xf32>
    %get3A_32 = vector.shape_cast %get3A_31 : vector<1x1x100x64xf32> to vector<100x64xf32>
    %add3A_33 = arith.addf %get3A_26, %get3A_32 : vector<100x64xf32>
    %concatenate3A = tpu.concatenate %add3A_20, %add3A_33 in 1 : vector<100x64xf32>, vector<100x64xf32> -> vector<100x128xf32>
    %mul3A = vector.broadcast %rsqrt3A : vector<100x1xf32> to vector<100x128xf32>
    %mul3A_34 = arith.mulf %concatenate3A, %mul3A : vector<100x128xf32>
    %get3A_35 = arith.constant 0 : index
    %get3A_36 = arith.constant 0 : index
    %get3A_37 = vector.load %arg5[%get3A_35, %get3A_36] : memref<1x128xf32, #tpu.memory_space<vmem>>, vector<1x128xf32>
    %add3A_38 = vector.broadcast %get3A_37 : vector<1x128xf32> to vector<100x128xf32>
    %add3A_39 = arith.addf %mul3A_34, %add3A_38 : vector<100x128xf32>
    %max3A = arith.constant 0.000000e+00 : f32
    %max3A_40 = vector.broadcast %max3A : f32 to vector<100x128xf32>
    %max3A_41 = arith.maximumf %add3A_39, %max3A_40 : vector<100x128xf32>
    %get3A_42 = arith.constant 0 : index
    %get3A_43 = arith.constant 0 : index
    %get3A_44 = arith.constant 0 : index
    %get3A_45 = arith.constant 0 : index
    %get3A_46 = vector.load %arg4[%get3A_42, %get3A_43, %get3A_44, %get3A_45] : memref<4x4x100x128xf32, #tpu.memory_space<vmem>>, vector<1x4x100x128xf32>
    %get3A_47 = vector.shape_cast %get3A_46 : vector<1x4x100x128xf32> to vector<4x100x128xf32>
    %broadcast_in_dim3A = vector.shape_cast %max3A_41 : vector<100x128xf32> to vector<1x100x128xf32>
    %add3A_48 = vector.broadcast %broadcast_in_dim3A : vector<1x100x128xf32> to vector<4x100x128xf32>
    %add3A_49 = arith.addf %get3A_47, %add3A_48 : vector<4x100x128xf32>
    %reshape3A = vector.shape_cast %add3A_49 : vector<4x100x128xf32> to vector<400x128xf32>
    %get3A_50 = arith.constant 0 : index
    %get3A_51 = arith.constant 0 : index
    %get3A_52 = vector.load %arg6[%get3A_50, %get3A_51] : memref<128x128xf32, #tpu.memory_space<vmem>>, vector<128x128xf32>
    %dot_general3A = arith.constant dense<0.000000e+00> : vector<400x128xf32>
    %dot_general3A_53 = tpu.matmul %reshape3A, %get3A_52, %dot_general3A {dimension_numbers = #tpu.dot_dimension_numbers<[1], [0], [0], [1], [0, 0, 1, 1], [], []>, transpose_lhs_hint = false} : vector<400x128xf32>, vector<128x128xf32>, vector<400x128xf32> -> vector<400x128xf32>
    %get3A_54 = arith.constant 0 : index
    %get3A_55 = arith.constant 0 : index
    %get3A_56 = vector.load %arg7[%get3A_54, %get3A_55] : memref<1x128xf32, #tpu.memory_space<vmem>>, vector<1x128xf32>
    %add3A_57 = vector.broadcast %get3A_56 : vector<1x128xf32> to vector<400x128xf32>
    %add3A_58 = arith.addf %dot_general3A_53, %add3A_57 : vector<400x128xf32>
    %get3A_59 = arith.constant 0 : index
    %get3A_60 = arith.constant 0 : index
    %get3A_61 = vector.load %arg8[%get3A_59, %get3A_60] : memref<128x128xf32, #tpu.memory_space<vmem>>, vector<128x128xf32>
    %dot_general3A_62 = arith.constant dense<0.000000e+00> : vector<400x128xf32>
    %dot_general3A_63 = tpu.matmul %reshape3A, %get3A_61, %dot_general3A_62 {dimension_numbers = #tpu.dot_dimension_numbers<[1], [0], [0], [1], [0, 0, 1, 1], [], []>, transpose_lhs_hint = false} : vector<400x128xf32>, vector<128x128xf32>, vector<400x128xf32> -> vector<400x128xf32>
    %get3A_64 = arith.constant 0 : index
    %get3A_65 = arith.constant 0 : index
    %get3A_66 = vector.load %arg9[%get3A_64, %get3A_65] : memref<1x128xf32, #tpu.memory_space<vmem>>, vector<1x128xf32>
    %add3A_67 = vector.broadcast %get3A_66 : vector<1x128xf32> to vector<400x128xf32>
    %add3A_68 = arith.addf %dot_general3A_63, %add3A_67 : vector<400x128xf32>
    %get3A_69 = arith.constant 0 : index
    %get3A_70 = arith.constant 0 : index
    %get3A_71 = vector.load %arg10[%get3A_69, %get3A_70] : memref<128x128xf32, #tpu.memory_space<vmem>>, vector<128x128xf32>
    %dot_general3A_72 = arith.constant dense<0.000000e+00> : vector<400x128xf32>
    %dot_general3A_73 = tpu.matmul %reshape3A, %get3A_71, %dot_general3A_72 {dimension_numbers = #tpu.dot_dimension_numbers<[1], [0], [0], [1], [0, 0, 1, 1], [], []>, transpose_lhs_hint = false} : vector<400x128xf32>, vector<128x128xf32>, vector<400x128xf32> -> vector<400x128xf32>
    %get3A_74 = arith.constant 0 : index
    %get3A_75 = arith.constant 0 : index
    %get3A_76 = vector.load %arg11[%get3A_74, %get3A_75] : memref<1x128xf32, #tpu.memory_space<vmem>>, vector<1x128xf32>
    %add3A_77 = vector.broadcast %get3A_76 : vector<1x128xf32> to vector<400x128xf32>
    %add3A_78 = arith.addf %dot_general3A_73, %add3A_77 : vector<400x128xf32>
    %broadcast_in_dim3A_79 = arith.constant 1.000000e+00 : f32
    %broadcast_in_dim3A_80 = vector.broadcast %broadcast_in_dim3A_79 : f32 to vector<100x1xf32>
    %slice3A = vector.extract_strided_slice %add3A_58 {offsets = [0, 0], sizes = [100, 32], strides = [1, 1]} : vector<400x128xf32> to vector<100x32xf32>
    %slice3A_81 = vector.extract_strided_slice %add3A_68 {offsets = [0, 0], sizes = [100, 32], strides = [1, 1]} : vector<400x128xf32> to vector<100x32xf32>
    %slice3A_82 = vector.extract_strided_slice %add3A_78 {offsets = [0, 0], sizes = [100, 32], strides = [1, 1]} : vector<400x128xf32> to vector<100x32xf32>
    %dot_general3A_83 = arith.constant dense<0.000000e+00> : vector<100x100xf32>
    %dot_general3A_84 = tpu.matmul %slice3A, %slice3A_81, %dot_general3A_83 {dimension_numbers = #tpu.dot_dimension_numbers<[1], [1], [0], [0], [0, 0, 1, 0], [], []>, transpose_lhs_hint = false} : vector<100x32xf32>, vector<100x32xf32>, vector<100x100xf32> -> vector<100x100xf32>
    %exp3A = math.exp %dot_general3A_84 : vector<100x100xf32>
    %concatenate3A_85 = tpu.concatenate %slice3A_82, %broadcast_in_dim3A_80 in 1 : vector<100x32xf32>, vector<100x1xf32> -> vector<100x33xf32>
    %dot_general3A_86 = arith.constant dense<0.000000e+00> : vector<100x33xf32>
    %dot_general3A_87 = tpu.matmul %exp3A, %concatenate3A_85, %dot_general3A_86 {dimension_numbers = #tpu.dot_dimension_numbers<[1], [0], [0], [1], [0, 0, 1, 1], [], []>, transpose_lhs_hint = false} : vector<100x100xf32>, vector<100x33xf32>, vector<100x33xf32> -> vector<100x33xf32>
    %slice3A_88 = vector.extract_strided_slice %dot_general3A_87 {offsets = [0, 0], sizes = [100, 32], strides = [1, 1]} : vector<100x33xf32> to vector<100x32xf32>
    %slice3A_89 = vector.extract_strided_slice %dot_general3A_87 {offsets = [0, 32], sizes = [100, 1], strides = [1, 1]} : vector<100x33xf32> to vector<100x1xf32>
    %div3A = vector.broadcast %slice3A_89 : vector<100x1xf32> to vector<100x32xf32>
    %div3A_90 = arith.divf %slice3A_88, %div3A : vector<100x32xf32>
    %slice3A_91 = vector.extract_strided_slice %add3A_58 {offsets = [0, 32], sizes = [100, 32], strides = [1, 1]} : vector<400x128xf32> to vector<100x32xf32>
    %slice3A_92 = vector.extract_strided_slice %add3A_68 {offsets = [0, 32], sizes = [100, 32], strides = [1, 1]} : vector<400x128xf32> to vector<100x32xf32>
    %slice3A_93 = vector.extract_strided_slice %add3A_78 {offsets = [0, 32], sizes = [100, 32], strides = [1, 1]} : vector<400x128xf32> to vector<100x32xf32>
    %dot_general3A_94 = arith.constant dense<0.000000e+00> : vector<100x100xf32>
    %dot_general3A_95 = tpu.matmul %slice3A_91, %slice3A_92, %dot_general3A_94 {dimension_numbers = #tpu.dot_dimension_numbers<[1], [1], [0], [0], [0, 0, 1, 0], [], []>, transpose_lhs_hint = false} : vector<100x32xf32>, vector<100x32xf32>, vector<100x100xf32> -> vector<100x100xf32>
    %exp3A_96 = math.exp %dot_general3A_95 : vector<100x100xf32>
    %concatenate3A_97 = tpu.concatenate %slice3A_93, %broadcast_in_dim3A_80 in 1 : vector<100x32xf32>, vector<100x1xf32> -> vector<100x33xf32>
    %dot_general3A_98 = arith.constant dense<0.000000e+00> : vector<100x33xf32>
    %dot_general3A_99 = tpu.matmul %exp3A_96, %concatenate3A_97, %dot_general3A_98 {dimension_numbers = #tpu.dot_dimension_numbers<[1], [0], [0], [1], [0, 0, 1, 1], [], []>, transpose_lhs_hint = false} : vector<100x100xf32>, vector<100x33xf32>, vector<100x33xf32> -> vector<100x33xf32>
    %slice3A_100 = vector.extract_strided_slice %dot_general3A_99 {offsets = [0, 0], sizes = [100, 32], strides = [1, 1]} : vector<100x33xf32> to vector<100x32xf32>
    %slice3A_101 = vector.extract_strided_slice %dot_general3A_99 {offsets = [0, 32], sizes = [100, 1], strides = [1, 1]} : vector<100x33xf32> to vector<100x1xf32>
    %div3A_102 = vector.broadcast %slice3A_101 : vector<100x1xf32> to vector<100x32xf32>
    %div3A_103 = arith.divf %slice3A_100, %div3A_102 : vector<100x32xf32>
    %slice3A_104 = vector.extract_strided_slice %add3A_58 {offsets = [0, 64], sizes = [100, 32], strides = [1, 1]} : vector<400x128xf32> to vector<100x32xf32>
    %slice3A_105 = vector.extract_strided_slice %add3A_68 {offsets = [0, 64], sizes = [100, 32], strides = [1, 1]} : vector<400x128xf32> to vector<100x32xf32>
    %slice3A_106 = vector.extract_strided_slice %add3A_78 {offsets = [0, 64], sizes = [100, 32], strides = [1, 1]} : vector<400x128xf32> to vector<100x32xf32>
    %dot_general3A_107 = arith.constant dense<0.000000e+00> : vector<100x100xf32>
    %dot_general3A_108 = tpu.matmul %slice3A_104, %slice3A_105, %dot_general3A_107 {dimension_numbers = #tpu.dot_dimension_numbers<[1], [1], [0], [0], [0, 0, 1, 0], [], []>, transpose_lhs_hint = false} : vector<100x32xf32>, vector<100x32xf32>, vector<100x100xf32> -> vector<100x100xf32>
    %exp3A_109 = math.exp %dot_general3A_108 : vector<100x100xf32>
    %concatenate3A_110 = tpu.concatenate %slice3A_106, %broadcast_in_dim3A_80 in 1 : vector<100x32xf32>, vector<100x1xf32> -> vector<100x33xf32>
    %dot_general3A_111 = arith.constant dense<0.000000e+00> : vector<100x33xf32>
    %dot_general3A_112 = tpu.matmul %exp3A_109, %concatenate3A_110, %dot_general3A_111 {dimension_numbers = #tpu.dot_dimension_numbers<[1], [0], [0], [1], [0, 0, 1, 1], [], []>, transpose_lhs_hint = false} : vector<100x100xf32>, vector<100x33xf32>, vector<100x33xf32> -> vector<100x33xf32>
    %slice3A_113 = vector.extract_strided_slice %dot_general3A_112 {offsets = [0, 0], sizes = [100, 32], strides = [1, 1]} : vector<100x33xf32> to vector<100x32xf32>
    %slice3A_114 = vector.extract_strided_slice %dot_general3A_112 {offsets = [0, 32], sizes = [100, 1], strides = [1, 1]} : vector<100x33xf32> to vector<100x1xf32>
    %div3A_115 = vector.broadcast %slice3A_114 : vector<100x1xf32> to vector<100x32xf32>
    %div3A_116 = arith.divf %slice3A_113, %div3A_115 : vector<100x32xf32>
    %slice3A_117 = vector.extract_strided_slice %add3A_58 {offsets = [0, 96], sizes = [100, 32], strides = [1, 1]} : vector<400x128xf32> to vector<100x32xf32>
    %slice3A_118 = vector.extract_strided_slice %add3A_68 {offsets = [0, 96], sizes = [100, 32], strides = [1, 1]} : vector<400x128xf32> to vector<100x32xf32>
    %slice3A_119 = vector.extract_strided_slice %add3A_78 {offsets = [0, 96], sizes = [100, 32], strides = [1, 1]} : vector<400x128xf32> to vector<100x32xf32>
    %dot_general3A_120 = arith.constant dense<0.000000e+00> : vector<100x100xf32>
    %dot_general3A_121 = tpu.matmul %slice3A_117, %slice3A_118, %dot_general3A_120 {dimension_numbers = #tpu.dot_dimension_numbers<[1], [1], [0], [0], [0, 0, 1, 0], [], []>, transpose_lhs_hint = false} : vector<100x32xf32>, vector<100x32xf32>, vector<100x100xf32> -> vector<100x100xf32>
    %exp3A_122 = math.exp %dot_general3A_121 : vector<100x100xf32>
    %concatenate3A_123 = tpu.concatenate %slice3A_119, %broadcast_in_dim3A_80 in 1 : vector<100x32xf32>, vector<100x1xf32> -> vector<100x33xf32>
    %dot_general3A_124 = arith.constant dense<0.000000e+00> : vector<100x33xf32>
    %dot_general3A_125 = tpu.matmul %exp3A_122, %concatenate3A_123, %dot_general3A_124 {dimension_numbers = #tpu.dot_dimension_numbers<[1], [0], [0], [1], [0, 0, 1, 1], [], []>, transpose_lhs_hint = false} : vector<100x100xf32>, vector<100x33xf32>, vector<100x33xf32> -> vector<100x33xf32>
    %slice3A_126 = vector.extract_strided_slice %dot_general3A_125 {offsets = [0, 0], sizes = [100, 32], strides = [1, 1]} : vector<100x33xf32> to vector<100x32xf32>
    %slice3A_127 = vector.extract_strided_slice %dot_general3A_125 {offsets = [0, 32], sizes = [100, 1], strides = [1, 1]} : vector<100x33xf32> to vector<100x1xf32>
    %div3A_128 = vector.broadcast %slice3A_127 : vector<100x1xf32> to vector<100x32xf32>
    %div3A_129 = arith.divf %slice3A_126, %div3A_128 : vector<100x32xf32>
    %concatenate3A_130 = tpu.concatenate %div3A_90, %div3A_103, %div3A_116, %div3A_129 in 1 : vector<100x32xf32>, vector<100x32xf32>, vector<100x32xf32>, vector<100x32xf32> -> vector<100x128xf32>
    %slice3A_131 = vector.extract_strided_slice %add3A_58 {offsets = [100, 0], sizes = [100, 32], strides = [1, 1]} : vector<400x128xf32> to vector<100x32xf32>
    %slice3A_132 = vector.extract_strided_slice %add3A_68 {offsets = [100, 0], sizes = [100, 32], strides = [1, 1]} : vector<400x128xf32> to vector<100x32xf32>
    %slice3A_133 = vector.extract_strided_slice %add3A_78 {offsets = [100, 0], sizes = [100, 32], strides = [1, 1]} : vector<400x128xf32> to vector<100x32xf32>
    %dot_general3A_134 = arith.constant dense<0.000000e+00> : vector<100x100xf32>
    %dot_general3A_135 = tpu.matmul %slice3A_131, %slice3A_132, %dot_general3A_134 {dimension_numbers = #tpu.dot_dimension_numbers<[1], [1], [0], [0], [0, 0, 1, 0], [], []>, transpose_lhs_hint = false} : vector<100x32xf32>, vector<100x32xf32>, vector<100x100xf32> -> vector<100x100xf32>
    %exp3A_136 = math.exp %dot_general3A_135 : vector<100x100xf32>
    %concatenate3A_137 = tpu.concatenate %slice3A_133, %broadcast_in_dim3A_80 in 1 : vector<100x32xf32>, vector<100x1xf32> -> vector<100x33xf32>
    %dot_general3A_138 = arith.constant dense<0.000000e+00> : vector<100x33xf32>
    %dot_general3A_139 = tpu.matmul %exp3A_136, %concatenate3A_137, %dot_general3A_138 {dimension_numbers = #tpu.dot_dimension_numbers<[1], [0], [0], [1], [0, 0, 1, 1], [], []>, transpose_lhs_hint = false} : vector<100x100xf32>, vector<100x33xf32>, vector<100x33xf32> -> vector<100x33xf32>
    %slice3A_140 = vector.extract_strided_slice %dot_general3A_139 {offsets = [0, 0], sizes = [100, 32], strides = [1, 1]} : vector<100x33xf32> to vector<100x32xf32>
    %slice3A_141 = vector.extract_strided_slice %dot_general3A_139 {offsets = [0, 32], sizes = [100, 1], strides = [1, 1]} : vector<100x33xf32> to vector<100x1xf32>
    %div3A_142 = vector.broadcast %slice3A_141 : vector<100x1xf32> to vector<100x32xf32>
    %div3A_143 = arith.divf %slice3A_140, %div3A_142 : vector<100x32xf32>
    %slice3A_144 = vector.extract_strided_slice %add3A_58 {offsets = [100, 32], sizes = [100, 32], strides = [1, 1]} : vector<400x128xf32> to vector<100x32xf32>
    %slice3A_145 = vector.extract_strided_slice %add3A_68 {offsets = [100, 32], sizes = [100, 32], strides = [1, 1]} : vector<400x128xf32> to vector<100x32xf32>
    %slice3A_146 = vector.extract_strided_slice %add3A_78 {offsets = [100, 32], sizes = [100, 32], strides = [1, 1]} : vector<400x128xf32> to vector<100x32xf32>
    %dot_general3A_147 = arith.constant dense<0.000000e+00> : vector<100x100xf32>
    %dot_general3A_148 = tpu.matmul %slice3A_144, %slice3A_145, %dot_general3A_147 {dimension_numbers = #tpu.dot_dimension_numbers<[1], [1], [0], [0], [0, 0, 1, 0], [], []>, transpose_lhs_hint = false} : vector<100x32xf32>, vector<100x32xf32>, vector<100x100xf32> -> vector<100x100xf32>
    %exp3A_149 = math.exp %dot_general3A_148 : vector<100x100xf32>
    %concatenate3A_150 = tpu.concatenate %slice3A_146, %broadcast_in_dim3A_80 in 1 : vector<100x32xf32>, vector<100x1xf32> -> vector<100x33xf32>
    %dot_general3A_151 = arith.constant dense<0.000000e+00> : vector<100x33xf32>
    %dot_general3A_152 = tpu.matmul %exp3A_149, %concatenate3A_150, %dot_general3A_151 {dimension_numbers = #tpu.dot_dimension_numbers<[1], [0], [0], [1], [0, 0, 1, 1], [], []>, transpose_lhs_hint = false} : vector<100x100xf32>, vector<100x33xf32>, vector<100x33xf32> -> vector<100x33xf32>
    %slice3A_153 = vector.extract_strided_slice %dot_general3A_152 {offsets = [0, 0], sizes = [100, 32], strides = [1, 1]} : vector<100x33xf32> to vector<100x32xf32>
    %slice3A_154 = vector.extract_strided_slice %dot_general3A_152 {offsets = [0, 32], sizes = [100, 1], strides = [1, 1]} : vector<100x33xf32> to vector<100x1xf32>
    %div3A_155 = vector.broadcast %slice3A_154 : vector<100x1xf32> to vector<100x32xf32>
    %div3A_156 = arith.divf %slice3A_153, %div3A_155 : vector<100x32xf32>
    %slice3A_157 = vector.extract_strided_slice %add3A_58 {offsets = [100, 64], sizes = [100, 32], strides = [1, 1]} : vector<400x128xf32> to vector<100x32xf32>
    %slice3A_158 = vector.extract_strided_slice %add3A_68 {offsets = [100, 64], sizes = [100, 32], strides = [1, 1]} : vector<400x128xf32> to vector<100x32xf32>
    %slice3A_159 = vector.extract_strided_slice %add3A_78 {offsets = [100, 64], sizes = [100, 32], strides = [1, 1]} : vector<400x128xf32> to vector<100x32xf32>
    %dot_general3A_160 = arith.constant dense<0.000000e+00> : vector<100x100xf32>
    %dot_general3A_161 = tpu.matmul %slice3A_157, %slice3A_158, %dot_general3A_160 {dimension_numbers = #tpu.dot_dimension_numbers<[1], [1], [0], [0], [0, 0, 1, 0], [], []>, transpose_lhs_hint = false} : vector<100x32xf32>, vector<100x32xf32>, vector<100x100xf32> -> vector<100x100xf32>
    %exp3A_162 = math.exp %dot_general3A_161 : vector<100x100xf32>
    %concatenate3A_163 = tpu.concatenate %slice3A_159, %broadcast_in_dim3A_80 in 1 : vector<100x32xf32>, vector<100x1xf32> -> vector<100x33xf32>
    %dot_general3A_164 = arith.constant dense<0.000000e+00> : vector<100x33xf32>
    %dot_general3A_165 = tpu.matmul %exp3A_162, %concatenate3A_163, %dot_general3A_164 {dimension_numbers = #tpu.dot_dimension_numbers<[1], [0], [0], [1], [0, 0, 1, 1], [], []>, transpose_lhs_hint = false} : vector<100x100xf32>, vector<100x33xf32>, vector<100x33xf32> -> vector<100x33xf32>
    %slice3A_166 = vector.extract_strided_slice %dot_general3A_165 {offsets = [0, 0], sizes = [100, 32], strides = [1, 1]} : vector<100x33xf32> to vector<100x32xf32>
    %slice3A_167 = vector.extract_strided_slice %dot_general3A_165 {offsets = [0, 32], sizes = [100, 1], strides = [1, 1]} : vector<100x33xf32> to vector<100x1xf32>
    %div3A_168 = vector.broadcast %slice3A_167 : vector<100x1xf32> to vector<100x32xf32>
    %div3A_169 = arith.divf %slice3A_166, %div3A_168 : vector<100x32xf32>
    %slice3A_170 = vector.extract_strided_slice %add3A_58 {offsets = [100, 96], sizes = [100, 32], strides = [1, 1]} : vector<400x128xf32> to vector<100x32xf32>
    %slice3A_171 = vector.extract_strided_slice %add3A_68 {offsets = [100, 96], sizes = [100, 32], strides = [1, 1]} : vector<400x128xf32> to vector<100x32xf32>
    %slice3A_172 = vector.extract_strided_slice %add3A_78 {offsets = [100, 96], sizes = [100, 32], strides = [1, 1]} : vector<400x128xf32> to vector<100x32xf32>
    %dot_general3A_173 = arith.constant dense<0.000000e+00> : vector<100x100xf32>
    %dot_general3A_174 = tpu.matmul %slice3A_170, %slice3A_171, %dot_general3A_173 {dimension_numbers = #tpu.dot_dimension_numbers<[1], [1], [0], [0], [0, 0, 1, 0], [], []>, transpose_lhs_hint = false} : vector<100x32xf32>, vector<100x32xf32>, vector<100x100xf32> -> vector<100x100xf32>
    %exp3A_175 = math.exp %dot_general3A_174 : vector<100x100xf32>
    %concatenate3A_176 = tpu.concatenate %slice3A_172, %broadcast_in_dim3A_80 in 1 : vector<100x32xf32>, vector<100x1xf32> -> vector<100x33xf32>
    %dot_general3A_177 = arith.constant dense<0.000000e+00> : vector<100x33xf32>
    %dot_general3A_178 = tpu.matmul %exp3A_175, %concatenate3A_176, %dot_general3A_177 {dimension_numbers = #tpu.dot_dimension_numbers<[1], [0], [0], [1], [0, 0, 1, 1], [], []>, transpose_lhs_hint = false} : vector<100x100xf32>, vector<100x33xf32>, vector<100x33xf32> -> vector<100x33xf32>
    %slice3A_179 = vector.extract_strided_slice %dot_general3A_178 {offsets = [0, 0], sizes = [100, 32], strides = [1, 1]} : vector<100x33xf32> to vector<100x32xf32>
    %slice3A_180 = vector.extract_strided_slice %dot_general3A_178 {offsets = [0, 32], sizes = [100, 1], strides = [1, 1]} : vector<100x33xf32> to vector<100x1xf32>
    %div3A_181 = vector.broadcast %slice3A_180 : vector<100x1xf32> to vector<100x32xf32>
    %div3A_182 = arith.divf %slice3A_179, %div3A_181 : vector<100x32xf32>
    %concatenate3A_183 = tpu.concatenate %div3A_143, %div3A_156, %div3A_169, %div3A_182 in 1 : vector<100x32xf32>, vector<100x32xf32>, vector<100x32xf32>, vector<100x32xf32> -> vector<100x128xf32>
    %slice3A_184 = vector.extract_strided_slice %add3A_58 {offsets = [200, 0], sizes = [100, 32], strides = [1, 1]} : vector<400x128xf32> to vector<100x32xf32>
    %slice3A_185 = vector.extract_strided_slice %add3A_68 {offsets = [200, 0], sizes = [100, 32], strides = [1, 1]} : vector<400x128xf32> to vector<100x32xf32>
    %slice3A_186 = vector.extract_strided_slice %add3A_78 {offsets = [200, 0], sizes = [100, 32], strides = [1, 1]} : vector<400x128xf32> to vector<100x32xf32>
    %dot_general3A_187 = arith.constant dense<0.000000e+00> : vector<100x100xf32>
    %dot_general3A_188 = tpu.matmul %slice3A_184, %slice3A_185, %dot_general3A_187 {dimension_numbers = #tpu.dot_dimension_numbers<[1], [1], [0], [0], [0, 0, 1, 0], [], []>, transpose_lhs_hint = false} : vector<100x32xf32>, vector<100x32xf32>, vector<100x100xf32> -> vector<100x100xf32>
    %exp3A_189 = math.exp %dot_general3A_188 : vector<100x100xf32>
    %concatenate3A_190 = tpu.concatenate %slice3A_186, %broadcast_in_dim3A_80 in 1 : vector<100x32xf32>, vector<100x1xf32> -> vector<100x33xf32>
    %dot_general3A_191 = arith.constant dense<0.000000e+00> : vector<100x33xf32>
    %dot_general3A_192 = tpu.matmul %exp3A_189, %concatenate3A_190, %dot_general3A_191 {dimension_numbers = #tpu.dot_dimension_numbers<[1], [0], [0], [1], [0, 0, 1, 1], [], []>, transpose_lhs_hint = false} : vector<100x100xf32>, vector<100x33xf32>, vector<100x33xf32> -> vector<100x33xf32>
    %slice3A_193 = vector.extract_strided_slice %dot_general3A_192 {offsets = [0, 0], sizes = [100, 32], strides = [1, 1]} : vector<100x33xf32> to vector<100x32xf32>
    %slice3A_194 = vector.extract_strided_slice %dot_general3A_192 {offsets = [0, 32], sizes = [100, 1], strides = [1, 1]} : vector<100x33xf32> to vector<100x1xf32>
    %div3A_195 = vector.broadcast %slice3A_194 : vector<100x1xf32> to vector<100x32xf32>
    %div3A_196 = arith.divf %slice3A_193, %div3A_195 : vector<100x32xf32>
    %slice3A_197 = vector.extract_strided_slice %add3A_58 {offsets = [200, 32], sizes = [100, 32], strides = [1, 1]} : vector<400x128xf32> to vector<100x32xf32>
    %slice3A_198 = vector.extract_strided_slice %add3A_68 {offsets = [200, 32], sizes = [100, 32], strides = [1, 1]} : vector<400x128xf32> to vector<100x32xf32>
    %slice3A_199 = vector.extract_strided_slice %add3A_78 {offsets = [200, 32], sizes = [100, 32], strides = [1, 1]} : vector<400x128xf32> to vector<100x32xf32>
    %dot_general3A_200 = arith.constant dense<0.000000e+00> : vector<100x100xf32>
    %dot_general3A_201 = tpu.matmul %slice3A_197, %slice3A_198, %dot_general3A_200 {dimension_numbers = #tpu.dot_dimension_numbers<[1], [1], [0], [0], [0, 0, 1, 0], [], []>, transpose_lhs_hint = false} : vector<100x32xf32>, vector<100x32xf32>, vector<100x100xf32> -> vector<100x100xf32>
    %exp3A_202 = math.exp %dot_general3A_201 : vector<100x100xf32>
    %concatenate3A_203 = tpu.concatenate %slice3A_199, %broadcast_in_dim3A_80 in 1 : vector<100x32xf32>, vector<100x1xf32> -> vector<100x33xf32>
    %dot_general3A_204 = arith.constant dense<0.000000e+00> : vector<100x33xf32>
    %dot_general3A_205 = tpu.matmul %exp3A_202, %concatenate3A_203, %dot_general3A_204 {dimension_numbers = #tpu.dot_dimension_numbers<[1], [0], [0], [1], [0, 0, 1, 1], [], []>, transpose_lhs_hint = false} : vector<100x100xf32>, vector<100x33xf32>, vector<100x33xf32> -> vector<100x33xf32>
    %slice3A_206 = vector.extract_strided_slice %dot_general3A_205 {offsets = [0, 0], sizes = [100, 32], strides = [1, 1]} : vector<100x33xf32> to vector<100x32xf32>
    %slice3A_207 = vector.extract_strided_slice %dot_general3A_205 {offsets = [0, 32], sizes = [100, 1], strides = [1, 1]} : vector<100x33xf32> to vector<100x1xf32>
    %div3A_208 = vector.broadcast %slice3A_207 : vector<100x1xf32> to vector<100x32xf32>
    %div3A_209 = arith.divf %slice3A_206, %div3A_208 : vector<100x32xf32>
    %slice3A_210 = vector.extract_strided_slice %add3A_58 {offsets = [200, 64], sizes = [100, 32], strides = [1, 1]} : vector<400x128xf32> to vector<100x32xf32>
    %slice3A_211 = vector.extract_strided_slice %add3A_68 {offsets = [200, 64], sizes = [100, 32], strides = [1, 1]} : vector<400x128xf32> to vector<100x32xf32>
    %slice3A_212 = vector.extract_strided_slice %add3A_78 {offsets = [200, 64], sizes = [100, 32], strides = [1, 1]} : vector<400x128xf32> to vector<100x32xf32>
    %dot_general3A_213 = arith.constant dense<0.000000e+00> : vector<100x100xf32>
    %dot_general3A_214 = tpu.matmul %slice3A_210, %slice3A_211, %dot_general3A_213 {dimension_numbers = #tpu.dot_dimension_numbers<[1], [1], [0], [0], [0, 0, 1, 0], [], []>, transpose_lhs_hint = false} : vector<100x32xf32>, vector<100x32xf32>, vector<100x100xf32> -> vector<100x100xf32>
    %exp3A_215 = math.exp %dot_general3A_214 : vector<100x100xf32>
    %concatenate3A_216 = tpu.concatenate %slice3A_212, %broadcast_in_dim3A_80 in 1 : vector<100x32xf32>, vector<100x1xf32> -> vector<100x33xf32>
    %dot_general3A_217 = arith.constant dense<0.000000e+00> : vector<100x33xf32>
    %dot_general3A_218 = tpu.matmul %exp3A_215, %concatenate3A_216, %dot_general3A_217 {dimension_numbers = #tpu.dot_dimension_numbers<[1], [0], [0], [1], [0, 0, 1, 1], [], []>, transpose_lhs_hint = false} : vector<100x100xf32>, vector<100x33xf32>, vector<100x33xf32> -> vector<100x33xf32>
    %slice3A_219 = vector.extract_strided_slice %dot_general3A_218 {offsets = [0, 0], sizes = [100, 32], strides = [1, 1]} : vector<100x33xf32> to vector<100x32xf32>
    %slice3A_220 = vector.extract_strided_slice %dot_general3A_218 {offsets = [0, 32], sizes = [100, 1], strides = [1, 1]} : vector<100x33xf32> to vector<100x1xf32>
    %div3A_221 = vector.broadcast %slice3A_220 : vector<100x1xf32> to vector<100x32xf32>
    %div3A_222 = arith.divf %slice3A_219, %div3A_221 : vector<100x32xf32>
    %slice3A_223 = vector.extract_strided_slice %add3A_58 {offsets = [200, 96], sizes = [100, 32], strides = [1, 1]} : vector<400x128xf32> to vector<100x32xf32>
    %slice3A_224 = vector.extract_strided_slice %add3A_68 {offsets = [200, 96], sizes = [100, 32], strides = [1, 1]} : vector<400x128xf32> to vector<100x32xf32>
    %slice3A_225 = vector.extract_strided_slice %add3A_78 {offsets = [200, 96], sizes = [100, 32], strides = [1, 1]} : vector<400x128xf32> to vector<100x32xf32>
    %dot_general3A_226 = arith.constant dense<0.000000e+00> : vector<100x100xf32>
    %dot_general3A_227 = tpu.matmul %slice3A_223, %slice3A_224, %dot_general3A_226 {dimension_numbers = #tpu.dot_dimension_numbers<[1], [1], [0], [0], [0, 0, 1, 0], [], []>, transpose_lhs_hint = false} : vector<100x32xf32>, vector<100x32xf32>, vector<100x100xf32> -> vector<100x100xf32>
    %exp3A_228 = math.exp %dot_general3A_227 : vector<100x100xf32>
    %concatenate3A_229 = tpu.concatenate %slice3A_225, %broadcast_in_dim3A_80 in 1 : vector<100x32xf32>, vector<100x1xf32> -> vector<100x33xf32>
    %dot_general3A_230 = arith.constant dense<0.000000e+00> : vector<100x33xf32>
    %dot_general3A_231 = tpu.matmul %exp3A_228, %concatenate3A_229, %dot_general3A_230 {dimension_numbers = #tpu.dot_dimension_numbers<[1], [0], [0], [1], [0, 0, 1, 1], [], []>, transpose_lhs_hint = false} : vector<100x100xf32>, vector<100x33xf32>, vector<100x33xf32> -> vector<100x33xf32>
    %slice3A_232 = vector.extract_strided_slice %dot_general3A_231 {offsets = [0, 0], sizes = [100, 32], strides = [1, 1]} : vector<100x33xf32> to vector<100x32xf32>
    %slice3A_233 = vector.extract_strided_slice %dot_general3A_231 {offsets = [0, 32], sizes = [100, 1], strides = [1, 1]} : vector<100x33xf32> to vector<100x1xf32>
    %div3A_234 = vector.broadcast %slice3A_233 : vector<100x1xf32> to vector<100x32xf32>
    %div3A_235 = arith.divf %slice3A_232, %div3A_234 : vector<100x32xf32>
    %concatenate3A_236 = tpu.concatenate %div3A_196, %div3A_209, %div3A_222, %div3A_235 in 1 : vector<100x32xf32>, vector<100x32xf32>, vector<100x32xf32>, vector<100x32xf32> -> vector<100x128xf32>
    %slice3A_237 = vector.extract_strided_slice %add3A_58 {offsets = [300, 0], sizes = [100, 32], strides = [1, 1]} : vector<400x128xf32> to vector<100x32xf32>
    %slice3A_238 = vector.extract_strided_slice %add3A_68 {offsets = [300, 0], sizes = [100, 32], strides = [1, 1]} : vector<400x128xf32> to vector<100x32xf32>
    %slice3A_239 = vector.extract_strided_slice %add3A_78 {offsets = [300, 0], sizes = [100, 32], strides = [1, 1]} : vector<400x128xf32> to vector<100x32xf32>
    %dot_general3A_240 = arith.constant dense<0.000000e+00> : vector<100x100xf32>
    %dot_general3A_241 = tpu.matmul %slice3A_237, %slice3A_238, %dot_general3A_240 {dimension_numbers = #tpu.dot_dimension_numbers<[1], [1], [0], [0], [0, 0, 1, 0], [], []>, transpose_lhs_hint = false} : vector<100x32xf32>, vector<100x32xf32>, vector<100x100xf32> -> vector<100x100xf32>
    %exp3A_242 = math.exp %dot_general3A_241 : vector<100x100xf32>
    %concatenate3A_243 = tpu.concatenate %slice3A_239, %broadcast_in_dim3A_80 in 1 : vector<100x32xf32>, vector<100x1xf32> -> vector<100x33xf32>
    %dot_general3A_244 = arith.constant dense<0.000000e+00> : vector<100x33xf32>
    %dot_general3A_245 = tpu.matmul %exp3A_242, %concatenate3A_243, %dot_general3A_244 {dimension_numbers = #tpu.dot_dimension_numbers<[1], [0], [0], [1], [0, 0, 1, 1], [], []>, transpose_lhs_hint = false} : vector<100x100xf32>, vector<100x33xf32>, vector<100x33xf32> -> vector<100x33xf32>
    %slice3A_246 = vector.extract_strided_slice %dot_general3A_245 {offsets = [0, 0], sizes = [100, 32], strides = [1, 1]} : vector<100x33xf32> to vector<100x32xf32>
    %slice3A_247 = vector.extract_strided_slice %dot_general3A_245 {offsets = [0, 32], sizes = [100, 1], strides = [1, 1]} : vector<100x33xf32> to vector<100x1xf32>
    %div3A_248 = vector.broadcast %slice3A_247 : vector<100x1xf32> to vector<100x32xf32>
    %div3A_249 = arith.divf %slice3A_246, %div3A_248 : vector<100x32xf32>
    %slice3A_250 = vector.extract_strided_slice %add3A_58 {offsets = [300, 32], sizes = [100, 32], strides = [1, 1]} : vector<400x128xf32> to vector<100x32xf32>
    %slice3A_251 = vector.extract_strided_slice %add3A_68 {offsets = [300, 32], sizes = [100, 32], strides = [1, 1]} : vector<400x128xf32> to vector<100x32xf32>
    %slice3A_252 = vector.extract_strided_slice %add3A_78 {offsets = [300, 32], sizes = [100, 32], strides = [1, 1]} : vector<400x128xf32> to vector<100x32xf32>
    %dot_general3A_253 = arith.constant dense<0.000000e+00> : vector<100x100xf32>
    %dot_general3A_254 = tpu.matmul %slice3A_250, %slice3A_251, %dot_general3A_253 {dimension_numbers = #tpu.dot_dimension_numbers<[1], [1], [0], [0], [0, 0, 1, 0], [], []>, transpose_lhs_hint = false} : vector<100x32xf32>, vector<100x32xf32>, vector<100x100xf32> -> vector<100x100xf32>
    %exp3A_255 = math.exp %dot_general3A_254 : vector<100x100xf32>
    %concatenate3A_256 = tpu.concatenate %slice3A_252, %broadcast_in_dim3A_80 in 1 : vector<100x32xf32>, vector<100x1xf32> -> vector<100x33xf32>
    %dot_general3A_257 = arith.constant dense<0.000000e+00> : vector<100x33xf32>
    %dot_general3A_258 = tpu.matmul %exp3A_255, %concatenate3A_256, %dot_general3A_257 {dimension_numbers = #tpu.dot_dimension_numbers<[1], [0], [0], [1], [0, 0, 1, 1], [], []>, transpose_lhs_hint = false} : vector<100x100xf32>, vector<100x33xf32>, vector<100x33xf32> -> vector<100x33xf32>
    %slice3A_259 = vector.extract_strided_slice %dot_general3A_258 {offsets = [0, 0], sizes = [100, 32], strides = [1, 1]} : vector<100x33xf32> to vector<100x32xf32>
    %slice3A_260 = vector.extract_strided_slice %dot_general3A_258 {offsets = [0, 32], sizes = [100, 1], strides = [1, 1]} : vector<100x33xf32> to vector<100x1xf32>
    %div3A_261 = vector.broadcast %slice3A_260 : vector<100x1xf32> to vector<100x32xf32>
    %div3A_262 = arith.divf %slice3A_259, %div3A_261 : vector<100x32xf32>
    %slice3A_263 = vector.extract_strided_slice %add3A_58 {offsets = [300, 64], sizes = [100, 32], strides = [1, 1]} : vector<400x128xf32> to vector<100x32xf32>
    %slice3A_264 = vector.extract_strided_slice %add3A_68 {offsets = [300, 64], sizes = [100, 32], strides = [1, 1]} : vector<400x128xf32> to vector<100x32xf32>
    %slice3A_265 = vector.extract_strided_slice %add3A_78 {offsets = [300, 64], sizes = [100, 32], strides = [1, 1]} : vector<400x128xf32> to vector<100x32xf32>
    %dot_general3A_266 = arith.constant dense<0.000000e+00> : vector<100x100xf32>
    %dot_general3A_267 = tpu.matmul %slice3A_263, %slice3A_264, %dot_general3A_266 {dimension_numbers = #tpu.dot_dimension_numbers<[1], [1], [0], [0], [0, 0, 1, 0], [], []>, transpose_lhs_hint = false} : vector<100x32xf32>, vector<100x32xf32>, vector<100x100xf32> -> vector<100x100xf32>
    %exp3A_268 = math.exp %dot_general3A_267 : vector<100x100xf32>
    %concatenate3A_269 = tpu.concatenate %slice3A_265, %broadcast_in_dim3A_80 in 1 : vector<100x32xf32>, vector<100x1xf32> -> vector<100x33xf32>
    %dot_general3A_270 = arith.constant dense<0.000000e+00> : vector<100x33xf32>
    %dot_general3A_271 = tpu.matmul %exp3A_268, %concatenate3A_269, %dot_general3A_270 {dimension_numbers = #tpu.dot_dimension_numbers<[1], [0], [0], [1], [0, 0, 1, 1], [], []>, transpose_lhs_hint = false} : vector<100x100xf32>, vector<100x33xf32>, vector<100x33xf32> -> vector<100x33xf32>
    %slice3A_272 = vector.extract_strided_slice %dot_general3A_271 {offsets = [0, 0], sizes = [100, 32], strides = [1, 1]} : vector<100x33xf32> to vector<100x32xf32>
    %slice3A_273 = vector.extract_strided_slice %dot_general3A_271 {offsets = [0, 32], sizes = [100, 1], strides = [1, 1]} : vector<100x33xf32> to vector<100x1xf32>
    %div3A_274 = vector.broadcast %slice3A_273 : vector<100x1xf32> to vector<100x32xf32>
    %div3A_275 = arith.divf %slice3A_272, %div3A_274 : vector<100x32xf32>
    %slice3A_276 = vector.extract_strided_slice %add3A_58 {offsets = [300, 96], sizes = [100, 32], strides = [1, 1]} : vector<400x128xf32> to vector<100x32xf32>
    %slice3A_277 = vector.extract_strided_slice %add3A_68 {offsets = [300, 96], sizes = [100, 32], strides = [1, 1]} : vector<400x128xf32> to vector<100x32xf32>
    %slice3A_278 = vector.extract_strided_slice %add3A_78 {offsets = [300, 96], sizes = [100, 32], strides = [1, 1]} : vector<400x128xf32> to vector<100x32xf32>
    %dot_general3A_279 = arith.constant dense<0.000000e+00> : vector<100x100xf32>
    %dot_general3A_280 = tpu.matmul %slice3A_276, %slice3A_277, %dot_general3A_279 {dimension_numbers = #tpu.dot_dimension_numbers<[1], [1], [0], [0], [0, 0, 1, 0], [], []>, transpose_lhs_hint = false} : vector<100x32xf32>, vector<100x32xf32>, vector<100x100xf32> -> vector<100x100xf32>
    %exp3A_281 = math.exp %dot_general3A_280 : vector<100x100xf32>
    %concatenate3A_282 = tpu.concatenate %slice3A_278, %broadcast_in_dim3A_80 in 1 : vector<100x32xf32>, vector<100x1xf32> -> vector<100x33xf32>
    %dot_general3A_283 = arith.constant dense<0.000000e+00> : vector<100x33xf32>
    %dot_general3A_284 = tpu.matmul %exp3A_281, %concatenate3A_282, %dot_general3A_283 {dimension_numbers = #tpu.dot_dimension_numbers<[1], [0], [0], [1], [0, 0, 1, 1], [], []>, transpose_lhs_hint = false} : vector<100x100xf32>, vector<100x33xf32>, vector<100x33xf32> -> vector<100x33xf32>
    %slice3A_285 = vector.extract_strided_slice %dot_general3A_284 {offsets = [0, 0], sizes = [100, 32], strides = [1, 1]} : vector<100x33xf32> to vector<100x32xf32>
    %slice3A_286 = vector.extract_strided_slice %dot_general3A_284 {offsets = [0, 32], sizes = [100, 1], strides = [1, 1]} : vector<100x33xf32> to vector<100x1xf32>
    %div3A_287 = vector.broadcast %slice3A_286 : vector<100x1xf32> to vector<100x32xf32>
    %div3A_288 = arith.divf %slice3A_285, %div3A_287 : vector<100x32xf32>
    %concatenate3A_289 = tpu.concatenate %div3A_249, %div3A_262, %div3A_275, %div3A_288 in 1 : vector<100x32xf32>, vector<100x32xf32>, vector<100x32xf32>, vector<100x32xf32> -> vector<100x128xf32>
    %concatenate3A_290 = tpu.concatenate %concatenate3A_130, %concatenate3A_183, %concatenate3A_236, %concatenate3A_289 in 0 : vector<100x128xf32>, vector<100x128xf32>, vector<100x128xf32>, vector<100x128xf32> -> vector<400x128xf32>
    %get3A_291 = arith.constant 0 : index
    %get3A_292 = arith.constant 0 : index
    %get3A_293 = vector.load %arg12[%get3A_291, %get3A_292] : memref<128x128xf32, #tpu.memory_space<vmem>>, vector<128x128xf32>
    %dot_general3A_294 = arith.constant dense<0.000000e+00> : vector<400x128xf32>
    %dot_general3A_295 = tpu.matmul %concatenate3A_290, %get3A_293, %dot_general3A_294 {dimension_numbers = #tpu.dot_dimension_numbers<[1], [0], [0], [1], [0, 0, 1, 1], [], []>, transpose_lhs_hint = false} : vector<400x128xf32>, vector<128x128xf32>, vector<400x128xf32> -> vector<400x128xf32>
    %get3A_296 = arith.constant 0 : index
    %get3A_297 = arith.constant 0 : index
    %get3A_298 = vector.load %arg13[%get3A_296, %get3A_297] : memref<1x128xf32, #tpu.memory_space<vmem>>, vector<1x128xf32>
    %add3A_299 = vector.broadcast %get3A_298 : vector<1x128xf32> to vector<400x128xf32>
    %add3A_300 = arith.addf %dot_general3A_295, %add3A_299 : vector<400x128xf32>
    %broadcast_in_dim3A_301 = arith.constant 1.000000e+00 : f32
    %broadcast_in_dim3A_302 = vector.broadcast %broadcast_in_dim3A_301 : f32 to vector<128x1xf32>
    %add3A_303 = arith.addf %reshape3A, %add3A_300 : vector<400x128xf32>
    %get3A_304 = arith.constant 0 : index
    %get3A_305 = arith.constant 0 : index
    %get3A_306 = vector.load %arg18[%get3A_304, %get3A_305] : memref<1x128xf32, #tpu.memory_space<vmem>>, vector<1x128xf32>
    %get3A_307 = arith.constant 0 : index
    %get3A_308 = arith.constant 0 : index
    %get3A_309 = vector.load %arg19[%get3A_307, %get3A_308] : memref<1x128xf32, #tpu.memory_space<vmem>>, vector<1x128xf32>
    %dot_general3A_310 = arith.constant dense<0.000000e+00> : vector<400x1xf32>
    %dot_general3A_311 = tpu.matmul %add3A_303, %broadcast_in_dim3A_302, %dot_general3A_310 {dimension_numbers = #tpu.dot_dimension_numbers<[1], [0], [0], [1], [0, 0, 1, 1], [], []>, transpose_lhs_hint = false} : vector<400x128xf32>, vector<128x1xf32>, vector<400x1xf32> -> vector<400x1xf32>
    %mul3A_312 = arith.constant 7.812500e-03 : f32
    %mul3A_313 = vector.broadcast %mul3A_312 : f32 to vector<400x1xf32>
    %mul3A_314 = arith.mulf %dot_general3A_311, %mul3A_313 : vector<400x1xf32>
    %sub3A = vector.broadcast %mul3A_314 : vector<400x1xf32> to vector<400x128xf32>
    %sub3A_315 = arith.subf %add3A_303, %sub3A : vector<400x128xf32>
    %mul3A_316 = arith.mulf %sub3A_315, %sub3A_315 : vector<400x128xf32>
    %dot_general3A_317 = arith.constant dense<0.000000e+00> : vector<400x1xf32>
    %dot_general3A_318 = tpu.matmul %mul3A_316, %broadcast_in_dim3A_302, %dot_general3A_317 {dimension_numbers = #tpu.dot_dimension_numbers<[1], [0], [0], [1], [0, 0, 1, 1], [], []>, transpose_lhs_hint = false} : vector<400x128xf32>, vector<128x1xf32>, vector<400x1xf32> -> vector<400x1xf32>
    %mul3A_319 = arith.constant 7.812500e-03 : f32
    %mul3A_320 = vector.broadcast %mul3A_319 : f32 to vector<400x1xf32>
    %mul3A_321 = arith.mulf %dot_general3A_318, %mul3A_320 : vector<400x1xf32>
    %add3A_322 = arith.constant 9.99999974E-6 : f32
    %add3A_323 = vector.broadcast %add3A_322 : f32 to vector<400x1xf32>
    %add3A_324 = arith.addf %mul3A_321, %add3A_323 : vector<400x1xf32>
    %rsqrt3A_325 = math.rsqrt %add3A_324 : vector<400x1xf32>
    %mul3A_326 = vector.broadcast %rsqrt3A_325 : vector<400x1xf32> to vector<400x128xf32>
    %mul3A_327 = arith.mulf %sub3A_315, %mul3A_326 : vector<400x128xf32>
    %mul3A_328 = vector.broadcast %get3A_306 : vector<1x128xf32> to vector<400x128xf32>
    %mul3A_329 = arith.mulf %mul3A_327, %mul3A_328 : vector<400x128xf32>
    %add3A_330 = vector.broadcast %get3A_309 : vector<1x128xf32> to vector<400x128xf32>
    %add3A_331 = arith.addf %mul3A_329, %add3A_330 : vector<400x128xf32>
    %get3A_332 = arith.constant 0 : index
    %get3A_333 = arith.constant 0 : index
    %get3A_334 = vector.load %arg14[%get3A_332, %get3A_333] : memref<128x256xf32, #tpu.memory_space<vmem>>, vector<128x256xf32>
    %dot_general3A_335 = arith.constant dense<0.000000e+00> : vector<400x256xf32>
    %dot_general3A_336 = tpu.matmul %add3A_331, %get3A_334, %dot_general3A_335 {dimension_numbers = #tpu.dot_dimension_numbers<[1], [0], [0], [1], [0, 0, 1, 1], [], []>, transpose_lhs_hint = false} : vector<400x128xf32>, vector<128x256xf32>, vector<400x256xf32> -> vector<400x256xf32>
    %get3A_337 = arith.constant 0 : index
    %get3A_338 = arith.constant 0 : index
    %get3A_339 = vector.load %arg15[%get3A_337, %get3A_338] : memref<1x256xf32, #tpu.memory_space<vmem>>, vector<1x256xf32>
    %add3A_340 = vector.broadcast %get3A_339 : vector<1x256xf32> to vector<400x256xf32>
    %add3A_341 = arith.addf %dot_general3A_336, %add3A_340 : vector<400x256xf32>
    %max3A_342 = arith.constant 0.000000e+00 : f32
    %max3A_343 = vector.broadcast %max3A_342 : f32 to vector<400x256xf32>
    %max3A_344 = arith.maximumf %add3A_341, %max3A_343 : vector<400x256xf32>
    %get3A_345 = arith.constant 0 : index
    %get3A_346 = arith.constant 0 : index
    %get3A_347 = vector.load %arg16[%get3A_345, %get3A_346] : memref<256x128xf32, #tpu.memory_space<vmem>>, vector<256x128xf32>
    %dot_general3A_348 = arith.constant dense<0.000000e+00> : vector<400x128xf32>
    %dot_general3A_349 = tpu.matmul %max3A_344, %get3A_347, %dot_general3A_348 {dimension_numbers = #tpu.dot_dimension_numbers<[1], [0], [0], [1], [0, 0, 1, 1], [], []>, transpose_lhs_hint = false} : vector<400x256xf32>, vector<256x128xf32>, vector<400x128xf32> -> vector<400x128xf32>
    %get3A_350 = arith.constant 0 : index
    %get3A_351 = arith.constant 0 : index
    %get3A_352 = vector.load %arg17[%get3A_350, %get3A_351] : memref<1x128xf32, #tpu.memory_space<vmem>>, vector<1x128xf32>
    %add3A_353 = vector.broadcast %get3A_352 : vector<1x128xf32> to vector<400x128xf32>
    %add3A_354 = arith.addf %dot_general3A_349, %add3A_353 : vector<400x128xf32>
    %add3A_355 = arith.addf %add3A_331, %add3A_354 : vector<400x128xf32>
    %get3A_356 = arith.constant 0 : index
    %get3A_357 = arith.constant 0 : index
    %get3A_358 = vector.load %arg20[%get3A_356, %get3A_357] : memref<1x128xf32, #tpu.memory_space<vmem>>, vector<1x128xf32>
    %get3A_359 = arith.constant 0 : index
    %get3A_360 = arith.constant 0 : index
    %get3A_361 = vector.load %arg21[%get3A_359, %get3A_360] : memref<1x128xf32, #tpu.memory_space<vmem>>, vector<1x128xf32>
    %dot_general3A_362 = arith.constant dense<0.000000e+00> : vector<400x1xf32>
    %dot_general3A_363 = tpu.matmul %add3A_355, %broadcast_in_dim3A_302, %dot_general3A_362 {dimension_numbers = #tpu.dot_dimension_numbers<[1], [0], [0], [1], [0, 0, 1, 1], [], []>, transpose_lhs_hint = false} : vector<400x128xf32>, vector<128x1xf32>, vector<400x1xf32> -> vector<400x1xf32>
    %mul3A_364 = arith.constant 7.812500e-03 : f32
    %mul3A_365 = vector.broadcast %mul3A_364 : f32 to vector<400x1xf32>
    %mul3A_366 = arith.mulf %dot_general3A_363, %mul3A_365 : vector<400x1xf32>
    %sub3A_367 = vector.broadcast %mul3A_366 : vector<400x1xf32> to vector<400x128xf32>
    %sub3A_368 = arith.subf %add3A_355, %sub3A_367 : vector<400x128xf32>
    %mul3A_369 = arith.mulf %sub3A_368, %sub3A_368 : vector<400x128xf32>
    %dot_general3A_370 = arith.constant dense<0.000000e+00> : vector<400x1xf32>
    %dot_general3A_371 = tpu.matmul %mul3A_369, %broadcast_in_dim3A_302, %dot_general3A_370 {dimension_numbers = #tpu.dot_dimension_numbers<[1], [0], [0], [1], [0, 0, 1, 1], [], []>, transpose_lhs_hint = false} : vector<400x128xf32>, vector<128x1xf32>, vector<400x1xf32> -> vector<400x1xf32>
    %mul3A_372 = arith.constant 7.812500e-03 : f32
    %mul3A_373 = vector.broadcast %mul3A_372 : f32 to vector<400x1xf32>
    %mul3A_374 = arith.mulf %dot_general3A_371, %mul3A_373 : vector<400x1xf32>
    %add3A_375 = arith.constant 9.99999974E-6 : f32
    %add3A_376 = vector.broadcast %add3A_375 : f32 to vector<400x1xf32>
    %add3A_377 = arith.addf %mul3A_374, %add3A_376 : vector<400x1xf32>
    %rsqrt3A_378 = math.rsqrt %add3A_377 : vector<400x1xf32>
    %mul3A_379 = vector.broadcast %rsqrt3A_378 : vector<400x1xf32> to vector<400x128xf32>
    %mul3A_380 = arith.mulf %sub3A_368, %mul3A_379 : vector<400x128xf32>
    %mul3A_381 = vector.broadcast %get3A_358 : vector<1x128xf32> to vector<400x128xf32>
    %mul3A_382 = arith.mulf %mul3A_380, %mul3A_381 : vector<400x128xf32>
    %add3A_383 = vector.broadcast %get3A_361 : vector<1x128xf32> to vector<400x128xf32>
    %add3A_384 = arith.addf %mul3A_382, %add3A_383 : vector<400x128xf32>
    %reshape3A_385 = vector.shape_cast %add3A_384 : vector<400x128xf32> to vector<4x100x128xf32>
    %swap3A = arith.constant 0 : index
    %swap3A_386 = arith.constant 0 : index
    %swap3A_387 = arith.constant 0 : index
    %swap3A_388 = arith.constant 0 : index
    %swap3A_389 = vector.load %arg22[%swap3A, %swap3A_386, %swap3A_387, %swap3A_388] : memref<4x4x100x128xf32, #tpu.memory_space<vmem>>, vector<1x4x100x128xf32>
    %swap3A_390 = vector.shape_cast %swap3A_389 : vector<1x4x100x128xf32> to vector<4x100x128xf32>
    %swap3A_391 = vector.shape_cast %reshape3A_385 : vector<4x100x128xf32> to vector<1x4x100x128xf32>
    tpu.vector_store %arg22[%swap3A, %swap3A_386, %swap3A_387, %swap3A_388], %swap3A_391 {strides = array<i32>} : memref<4x4x100x128xf32, #tpu.memory_space<vmem>>, vector<1x4x100x128xf32>,
    %get3A_392 = arith.constant 0 : index
    %get3A_393 = arith.constant 1 : index
    %get3A_394 = arith.constant 0 : index
    %get3A_395 = arith.constant 0 : index
    %get3A_396 = vector.load %arg3[%get3A_392, %get3A_393, %get3A_394, %get3A_395] : memref<2x4x100x1xf32, #tpu.memory_space<vmem>>, vector<2x1x100x1xf32>
    %get3A_397 = vector.shape_cast %get3A_396 : vector<2x1x100x1xf32> to vector<2x100x1xf32>
    %reduce_sum3A_398 = arith.constant dense<0.000000e+00> : vector<100x1xf32>
    %reduce_sum3A_399 = vector.multi_reduction <add>, %get3A_397, %reduce_sum3A_398 [0] : vector<2x100x1xf32> to vector<100x1xf32>
    %add3A_400 = arith.constant 1.000000e+00 : f32
    %add3A_401 = vector.broadcast %add3A_400 : f32 to vector<100x1xf32>
    %add3A_402 = arith.addf %reduce_sum3A_399, %add3A_401 : vector<100x1xf32>
    %rsqrt3A_403 = math.rsqrt %add3A_402 : vector<100x1xf32>
    %get3A_404 = arith.constant 0 : index
    %get3A_405 = arith.constant 1 : index
    %get3A_406 = arith.constant 0 : index
    %get3A_407 = arith.constant 0 : index
    %get3A_408 = vector.load %arg1[%get3A_404, %get3A_405, %get3A_406, %get3A_407] : memref<2x4x100x64xf32, #tpu.memory_space<vmem>>, vector<1x1x100x64xf32>
    %get3A_409 = vector.shape_cast %get3A_408 : vector<1x1x100x64xf32> to vector<100x64xf32>
    %get3A_410 = arith.constant 0 : index
    %get3A_411 = arith.constant 1 : index
    %get3A_412 = arith.constant 0 : index
    %get3A_413 = arith.constant 0 : index
    %get3A_414 = vector.load %arg2[%get3A_410, %get3A_411, %get3A_412, %get3A_413] : memref<2x4x100x64xf32, #tpu.memory_space<vmem>>, vector<1x1x100x64xf32>
    %get3A_415 = vector.shape_cast %get3A_414 : vector<1x1x100x64xf32> to vector<100x64xf32>
    %add3A_416 = arith.addf %get3A_409, %get3A_415 : vector<100x64xf32>
    %get3A_417 = arith.constant 1 : index
    %get3A_418 = arith.constant 1 : index
    %get3A_419 = arith.constant 0 : index
    %get3A_420 = arith.constant 0 : index
    %get3A_421 = vector.load %arg1[%get3A_417, %get3A_418, %get3A_419, %get3A_420] : memref<2x4x100x64xf32, #tpu.memory_space<vmem>>, vector<1x1x100x64xf32>
    %get3A_422 = vector.shape_cast %get3A_421 : vector<1x1x100x64xf32> to vector<100x64xf32>
    %get3A_423 = arith.constant 1 : index
    %get3A_424 = arith.constant 1 : index
    %get3A_425 = arith.constant 0 : index
    %get3A_426 = arith.constant 0 : index
    %get3A_427 = vector.load %arg2[%get3A_423, %get3A_424, %get3A_425, %get3A_426] : memref<2x4x100x64xf32, #tpu.memory_space<vmem>>, vector<1x1x100x64xf32>
    %get3A_428 = vector.shape_cast %get3A_427 : vector<1x1x100x64xf32> to vector<100x64xf32>
    %add3A_429 = arith.addf %get3A_422, %get3A_428 : vector<100x64xf32>
    %concatenate3A_430 = tpu.concatenate %add3A_416, %add3A_429 in 1 : vector<100x64xf32>, vector<100x64xf32> -> vector<100x128xf32>
    %mul3A_431 = vector.broadcast %rsqrt3A_403 : vector<100x1xf32> to vector<100x128xf32>
    %mul3A_432 = arith.mulf %concatenate3A_430, %mul3A_431 : vector<100x128xf32>
    %get3A_433 = arith.constant 0 : index
    %get3A_434 = arith.constant 0 : index
    %get3A_435 = vector.load %arg5[%get3A_433, %get3A_434] : memref<1x128xf32, #tpu.memory_space<vmem>>, vector<1x128xf32>
    %add3A_436 = vector.broadcast %get3A_435 : vector<1x128xf32> to vector<100x128xf32>
    %add3A_437 = arith.addf %mul3A_432, %add3A_436 : vector<100x128xf32>
    %max3A_438 = arith.constant 0.000000e+00 : f32
    %max3A_439 = vector.broadcast %max3A_438 : f32 to vector<100x128xf32>
    %max3A_440 = arith.maximumf %add3A_437, %max3A_439 : vector<100x128xf32>
    %get3A_441 = arith.constant 1 : index
    %get3A_442 = arith.constant 0 : index
    %get3A_443 = arith.constant 0 : index
    %get3A_444 = arith.constant 0 : index
    %get3A_445 = vector.load %arg4[%get3A_441, %get3A_442, %get3A_443, %get3A_444] : memref<4x4x100x128xf32, #tpu.memory_space<vmem>>, vector<1x4x100x128xf32>
    %get3A_446 = vector.shape_cast %get3A_445 : vector<1x4x100x128xf32> to vector<4x100x128xf32>
    %broadcast_in_dim3A_447 = vector.shape_cast %max3A_440 : vector<100x128xf32> to vector<1x100x128xf32>
    %add3A_448 = vector.broadcast %broadcast_in_dim3A_447 : vector<1x100x128xf32> to vector<4x100x128xf32>
    %add3A_449 = arith.addf %get3A_446, %add3A_448 : vector<4x100x128xf32>
    %reshape3A_450 = vector.shape_cast %add3A_449 : vector<4x100x128xf32> to vector<400x128xf32>
    %get3A_451 = arith.constant 0 : index
    %get3A_452 = arith.constant 0 : index
    %get3A_453 = vector.load %arg6[%get3A_451, %get3A_452] : memref<128x128xf32, #tpu.memory_space<vmem>>, vector<128x128xf32>
    %dot_general3A_454 = arith.constant dense<0.000000e+00> : vector<400x128xf32>
    %dot_general3A_455 = tpu.matmul %reshape3A_450, %get3A_453, %dot_general3A_454 {dimension_numbers = #tpu.dot_dimension_numbers<[1], [0], [0], [1], [0, 0, 1, 1], [], []>, transpose_lhs_hint = false} : vector<400x128xf32>, vector<128x128xf32>, vector<400x128xf32> -> vector<400x128xf32>
    %get3A_456 = arith.constant 0 : index
    %get3A_457 = arith.constant 0 : index
    %get3A_458 = vector.load %arg7[%get3A_456, %get3A_457] : memref<1x128xf32, #tpu.memory_space<vmem>>, vector<1x128xf32>
    %add3A_459 = vector.broadcast %get3A_458 : vector<1x128xf32> to vector<400x128xf32>
    %add3A_460 = arith.addf %dot_general3A_455, %add3A_459 : vector<400x128xf32>
    %get3A_461 = arith.constant 0 : index
    %get3A_462 = arith.constant 0 : index
    %get3A_463 = vector.load %arg8[%get3A_461, %get3A_462] : memref<128x128xf32, #tpu.memory_space<vmem>>, vector<128x128xf32>
    %dot_general3A_464 = arith.constant dense<0.000000e+00> : vector<400x128xf32>
    %dot_general3A_465 = tpu.matmul %reshape3A_450, %get3A_463, %dot_general3A_464 {dimension_numbers = #tpu.dot_dimension_numbers<[1], [0], [0], [1], [0, 0, 1, 1], [], []>, transpose_lhs_hint = false} : vector<400x128xf32>, vector<128x128xf32>, vector<400x128xf32> -> vector<400x128xf32>
    %get3A_466 = arith.constant 0 : index
    %get3A_467 = arith.constant 0 : index
    %get3A_468 = vector.load %arg9[%get3A_466, %get3A_467] : memref<1x128xf32, #tpu.memory_space<vmem>>, vector<1x128xf32>
    %add3A_469 = vector.broadcast %get3A_468 : vector<1x128xf32> to vector<400x128xf32>
    %add3A_470 = arith.addf %dot_general3A_465, %add3A_469 : vector<400x128xf32>
    %get3A_471 = arith.constant 0 : index
    %get3A_472 = arith.constant 0 : index
    %get3A_473 = vector.load %arg10[%get3A_471, %get3A_472] : memref<128x128xf32, #tpu.memory_space<vmem>>, vector<128x128xf32>
    %dot_general3A_474 = arith.constant dense<0.000000e+00> : vector<400x128xf32>
    %dot_general3A_475 = tpu.matmul %reshape3A_450, %get3A_473, %dot_general3A_474 {dimension_numbers = #tpu.dot_dimension_numbers<[1], [0], [0], [1], [0, 0, 1, 1], [], []>, transpose_lhs_hint = false} : vector<400x128xf32>, vector<128x128xf32>, vector<400x128xf32> -> vector<400x128xf32>
    %get3A_476 = arith.constant 0 : index
    %get3A_477 = arith.constant 0 : index
    %get3A_478 = vector.load %arg11[%get3A_476, %get3A_477] : memref<1x128xf32, #tpu.memory_space<vmem>>, vector<1x128xf32>
    %add3A_479 = vector.broadcast %get3A_478 : vector<1x128xf32> to vector<400x128xf32>
    %add3A_480 = arith.addf %dot_general3A_475, %add3A_479 : vector<400x128xf32>
    %broadcast_in_dim3A_481 = arith.constant 1.000000e+00 : f32
    %broadcast_in_dim3A_482 = vector.broadcast %broadcast_in_dim3A_481 : f32 to vector<100x1xf32>
    %slice3A_483 = vector.extract_strided_slice %add3A_460 {offsets = [0, 0], sizes = [100, 32], strides = [1, 1]} : vector<400x128xf32> to vector<100x32xf32>
    %slice3A_484 = vector.extract_strided_slice %add3A_470 {offsets = [0, 0], sizes = [100, 32], strides = [1, 1]} : vector<400x128xf32> to vector<100x32xf32>
    %slice3A_485 = vector.extract_strided_slice %add3A_480 {offsets = [0, 0], sizes = [100, 32], strides = [1, 1]} : vector<400x128xf32> to vector<100x32xf32>
    %dot_general3A_486 = arith.constant dense<0.000000e+00> : vector<100x100xf32>
    %dot_general3A_487 = tpu.matmul %slice3A_483, %slice3A_484, %dot_general3A_486 {dimension_numbers = #tpu.dot_dimension_numbers<[1], [1], [0], [0], [0, 0, 1, 0], [], []>, transpose_lhs_hint = false} : vector<100x32xf32>, vector<100x32xf32>, vector<100x100xf32> -> vector<100x100xf32>
    %exp3A_488 = math.exp %dot_general3A_487 : vector<100x100xf32>
    %concatenate3A_489 = tpu.concatenate %slice3A_485, %broadcast_in_dim3A_482 in 1 : vector<100x32xf32>, vector<100x1xf32> -> vector<100x33xf32>
    %dot_general3A_490 = arith.constant dense<0.000000e+00> : vector<100x33xf32>
    %dot_general3A_491 = tpu.matmul %exp3A_488, %concatenate3A_489, %dot_general3A_490 {dimension_numbers = #tpu.dot_dimension_numbers<[1], [0], [0], [1], [0, 0, 1, 1], [], []>, transpose_lhs_hint = false} : vector<100x100xf32>, vector<100x33xf32>, vector<100x33xf32> -> vector<100x33xf32>
    %slice3A_492 = vector.extract_strided_slice %dot_general3A_491 {offsets = [0, 0], sizes = [100, 32], strides = [1, 1]} : vector<100x33xf32> to vector<100x32xf32>
    %slice3A_493 = vector.extract_strided_slice %dot_general3A_491 {offsets = [0, 32], sizes = [100, 1], strides = [1, 1]} : vector<100x33xf32> to vector<100x1xf32>
    %div3A_494 = vector.broadcast %slice3A_493 : vector<100x1xf32> to vector<100x32xf32>
    %div3A_495 = arith.divf %slice3A_492, %div3A_494 : vector<100x32xf32>
    %slice3A_496 = vector.extract_strided_slice %add3A_460 {offsets = [0, 32], sizes = [100, 32], strides = [1, 1]} : vector<400x128xf32> to vector<100x32xf32>
    %slice3A_497 = vector.extract_strided_slice %add3A_470 {offsets = [0, 32], sizes = [100, 32], strides = [1, 1]} : vector<400x128xf32> to vector<100x32xf32>
    %slice3A_498 = vector.extract_strided_slice %add3A_480 {offsets = [0, 32], sizes = [100, 32], strides = [1, 1]} : vector<400x128xf32> to vector<100x32xf32>
    %dot_general3A_499 = arith.constant dense<0.000000e+00> : vector<100x100xf32>
    %dot_general3A_500 = tpu.matmul %slice3A_496, %slice3A_497, %dot_general3A_499 {dimension_numbers = #tpu.dot_dimension_numbers<[1], [1], [0], [0], [0, 0, 1, 0], [], []>, transpose_lhs_hint = false} : vector<100x32xf32>, vector<100x32xf32>, vector<100x100xf32> -> vector<100x100xf32>
    %exp3A_501 = math.exp %dot_general3A_500 : vector<100x100xf32>
    %concatenate3A_502 = tpu.concatenate %slice3A_498, %broadcast_in_dim3A_482 in 1 : vector<100x32xf32>, vector<100x1xf32> -> vector<100x33xf32>
    %dot_general3A_503 = arith.constant dense<0.000000e+00> : vector<100x33xf32>
    %dot_general3A_504 = tpu.matmul %exp3A_501, %concatenate3A_502, %dot_general3A_503 {dimension_numbers = #tpu.dot_dimension_numbers<[1], [0], [0], [1], [0, 0, 1, 1], [], []>, transpose_lhs_hint = false} : vector<100x100xf32>, vector<100x33xf32>, vector<100x33xf32> -> vector<100x33xf32>
    %slice3A_505 = vector.extract_strided_slice %dot_general3A_504 {offsets = [0, 0], sizes = [100, 32], strides = [1, 1]} : vector<100x33xf32> to vector<100x32xf32>
    %slice3A_506 = vector.extract_strided_slice %dot_general3A_504 {offsets = [0, 32], sizes = [100, 1], strides = [1, 1]} : vector<100x33xf32> to vector<100x1xf32>
    %div3A_507 = vector.broadcast %slice3A_506 : vector<100x1xf32> to vector<100x32xf32>
    %div3A_508 = arith.divf %slice3A_505, %div3A_507 : vector<100x32xf32>
    %slice3A_509 = vector.extract_strided_slice %add3A_460 {offsets = [0, 64], sizes = [100, 32], strides = [1, 1]} : vector<400x128xf32> to vector<100x32xf32>
    %slice3A_510 = vector.extract_strided_slice %add3A_470 {offsets = [0, 64], sizes = [100, 32], strides = [1, 1]} : vector<400x128xf32> to vector<100x32xf32>
    %slice3A_511 = vector.extract_strided_slice %add3A_480 {offsets = [0, 64], sizes = [100, 32], strides = [1, 1]} : vector<400x128xf32> to vector<100x32xf32>
    %dot_general3A_512 = arith.constant dense<0.000000e+00> : vector<100x100xf32>
    %dot_general3A_513 = tpu.matmul %slice3A_509, %slice3A_510, %dot_general3A_512 {dimension_numbers = #tpu.dot_dimension_numbers<[1], [1], [0], [0], [0, 0, 1, 0], [], []>, transpose_lhs_hint = false} : vector<100x32xf32>, vector<100x32xf32>, vector<100x100xf32> -> vector<100x100xf32>
    %exp3A_514 = math.exp %dot_general3A_513 : vector<100x100xf32>
    %concatenate3A_515 = tpu.concatenate %slice3A_511, %broadcast_in_dim3A_482 in 1 : vector<100x32xf32>, vector<100x1xf32> -> vector<100x33xf32>
    %dot_general3A_516 = arith.constant dense<0.000000e+00> : vector<100x33xf32>
    %dot_general3A_517 = tpu.matmul %exp3A_514, %concatenate3A_515, %dot_general3A_516 {dimension_numbers = #tpu.dot_dimension_numbers<[1], [0], [0], [1], [0, 0, 1, 1], [], []>, transpose_lhs_hint = false} : vector<100x100xf32>, vector<100x33xf32>, vector<100x33xf32> -> vector<100x33xf32>
    %slice3A_518 = vector.extract_strided_slice %dot_general3A_517 {offsets = [0, 0], sizes = [100, 32], strides = [1, 1]} : vector<100x33xf32> to vector<100x32xf32>
    %slice3A_519 = vector.extract_strided_slice %dot_general3A_517 {offsets = [0, 32], sizes = [100, 1], strides = [1, 1]} : vector<100x33xf32> to vector<100x1xf32>
    %div3A_520 = vector.broadcast %slice3A_519 : vector<100x1xf32> to vector<100x32xf32>
    %div3A_521 = arith.divf %slice3A_518, %div3A_520 : vector<100x32xf32>
    %slice3A_522 = vector.extract_strided_slice %add3A_460 {offsets = [0, 96], sizes = [100, 32], strides = [1, 1]} : vector<400x128xf32> to vector<100x32xf32>
    %slice3A_523 = vector.extract_strided_slice %add3A_470 {offsets = [0, 96], sizes = [100, 32], strides = [1, 1]} : vector<400x128xf32> to vector<100x32xf32>
    %slice3A_524 = vector.extract_strided_slice %add3A_480 {offsets = [0, 96], sizes = [100, 32], strides = [1, 1]} : vector<400x128xf32> to vector<100x32xf32>
    %dot_general3A_525 = arith.constant dense<0.000000e+00> : vector<100x100xf32>
    %dot_general3A_526 = tpu.matmul %slice3A_522, %slice3A_523, %dot_general3A_525 {dimension_numbers = #tpu.dot_dimension_numbers<[1], [1], [0], [0], [0, 0, 1, 0], [], []>, transpose_lhs_hint = false} : vector<100x32xf32>, vector<100x32xf32>, vector<100x100xf32> -> vector<100x100xf32>
    %exp3A_527 = math.exp %dot_general3A_526 : vector<100x100xf32>
    %concatenate3A_528 = tpu.concatenate %slice3A_524, %broadcast_in_dim3A_482 in 1 : vector<100x32xf32>, vector<100x1xf32> -> vector<100x33xf32>
    %dot_general3A_529 = arith.constant dense<0.000000e+00> : vector<100x33xf32>
    %dot_general3A_530 = tpu.matmul %exp3A_527, %concatenate3A_528, %dot_general3A_529 {dimension_numbers = #tpu.dot_dimension_numbers<[1], [0], [0], [1], [0, 0, 1, 1], [], []>, transpose_lhs_hint = false} : vector<100x100xf32>, vector<100x33xf32>, vector<100x33xf32> -> vector<100x33xf32>
    %slice3A_531 = vector.extract_strided_slice %dot_general3A_530 {offsets = [0, 0], sizes = [100, 32], strides = [1, 1]} : vector<100x33xf32> to vector<100x32xf32>
    %slice3A_532 = vector.extract_strided_slice %dot_general3A_530 {offsets = [0, 32], sizes = [100, 1], strides = [1, 1]} : vector<100x33xf32> to vector<100x1xf32>
    %div3A_533 = vector.broadcast %slice3A_532 : vector<100x1xf32> to vector<100x32xf32>
    %div3A_534 = arith.divf %slice3A_531, %div3A_533 : vector<100x32xf32>
    %concatenate3A_535 = tpu.concatenate %div3A_495, %div3A_508, %div3A_521, %div3A_534 in 1 : vector<100x32xf32>, vector<100x32xf32>, vector<100x32xf32>, vector<100x32xf32> -> vector<100x128xf32>
    %slice3A_536 = vector.extract_strided_slice %add3A_460 {offsets = [100, 0], sizes = [100, 32], strides = [1, 1]} : vector<400x128xf32> to vector<100x32xf32>
    %slice3A_537 = vector.extract_strided_slice %add3A_470 {offsets = [100, 0], sizes = [100, 32], strides = [1, 1]} : vector<400x128xf32> to vector<100x32xf32>
    %slice3A_538 = vector.extract_strided_slice %add3A_480 {offsets = [100, 0], sizes = [100, 32], strides = [1, 1]} : vector<400x128xf32> to vector<100x32xf32>
    %dot_general3A_539 = arith.constant dense<0.000000e+00> : vector<100x100xf32>
    %dot_general3A_540 = tpu.matmul %slice3A_536, %slice3A_537, %dot_general3A_539 {dimension_numbers = #tpu.dot_dimension_numbers<[1], [1], [0], [0], [0, 0, 1, 0], [], []>, transpose_lhs_hint = false} : vector<100x32xf32>, vector<100x32xf32>, vector<100x100xf32> -> vector<100x100xf32>
    %exp3A_541 = math.exp %dot_general3A_540 : vector<100x100xf32>
    %concatenate3A_542 = tpu.concatenate %slice3A_538, %broadcast_in_dim3A_482 in 1 : vector<100x32xf32>, vector<100x1xf32> -> vector<100x33xf32>
    %dot_general3A_543 = arith.constant dense<0.000000e+00> : vector<100x33xf32>
    %dot_general3A_544 = tpu.matmul %exp3A_541, %concatenate3A_542, %dot_general3A_543 {dimension_numbers = #tpu.dot_dimension_numbers<[1], [0], [0], [1], [0, 0, 1, 1], [], []>, transpose_lhs_hint = false} : vector<100x100xf32>, vector<100x33xf32>, vector<100x33xf32> -> vector<100x33xf32>
    %slice3A_545 = vector.extract_strided_slice %dot_general3A_544 {offsets = [0, 0], sizes = [100, 32], strides = [1, 1]} : vector<100x33xf32> to vector<100x32xf32>
    %slice3A_546 = vector.extract_strided_slice %dot_general3A_544 {offsets = [0, 32], sizes = [100, 1], strides = [1, 1]} : vector<100x33xf32> to vector<100x1xf32>
    %div3A_547 = vector.broadcast %slice3A_546 : vector<100x1xf32> to vector<100x32xf32>
    %div3A_548 = arith.divf %slice3A_545, %div3A_547 : vector<100x32xf32>
    %slice3A_549 = vector.extract_strided_slice %add3A_460 {offsets = [100, 32], sizes = [100, 32], strides = [1, 1]} : vector<400x128xf32> to vector<100x32xf32>
    %slice3A_550 = vector.extract_strided_slice %add3A_470 {offsets = [100, 32], sizes = [100, 32], strides = [1, 1]} : vector<400x128xf32> to vector<100x32xf32>
    %slice3A_551 = vector.extract_strided_slice %add3A_480 {offsets = [100, 32], sizes = [100, 32], strides = [1, 1]} : vector<400x128xf32> to vector<100x32xf32>
    %dot_general3A_552 = arith.constant dense<0.000000e+00> : vector<100x100xf32>
    %dot_general3A_553 = tpu.matmul %slice3A_549, %slice3A_550, %dot_general3A_552 {dimension_numbers = #tpu.dot_dimension_numbers<[1], [1], [0], [0], [0, 0, 1, 0], [], []>, transpose_lhs_hint = false} : vector<100x32xf32>, vector<100x32xf32>, vector<100x100xf32> -> vector<100x100xf32>
    %exp3A_554 = math.exp %dot_general3A_553 : vector<100x100xf32>
    %concatenate3A_555 = tpu.concatenate %slice3A_551, %broadcast_in_dim3A_482 in 1 : vector<100x32xf32>, vector<100x1xf32> -> vector<100x33xf32>
    %dot_general3A_556 = arith.constant dense<0.000000e+00> : vector<100x33xf32>
    %dot_general3A_557 = tpu.matmul %exp3A_554, %concatenate3A_555, %dot_general3A_556 {dimension_numbers = #tpu.dot_dimension_numbers<[1], [0], [0], [1], [0, 0, 1, 1], [], []>, transpose_lhs_hint = false} : vector<100x100xf32>, vector<100x33xf32>, vector<100x33xf32> -> vector<100x33xf32>
    %slice3A_558 = vector.extract_strided_slice %dot_general3A_557 {offsets = [0, 0], sizes = [100, 32], strides = [1, 1]} : vector<100x33xf32> to vector<100x32xf32>
    %slice3A_559 = vector.extract_strided_slice %dot_general3A_557 {offsets = [0, 32], sizes = [100, 1], strides = [1, 1]} : vector<100x33xf32> to vector<100x1xf32>
    %div3A_560 = vector.broadcast %slice3A_559 : vector<100x1xf32> to vector<100x32xf32>
    %div3A_561 = arith.divf %slice3A_558, %div3A_560 : vector<100x32xf32>
    %slice3A_562 = vector.extract_strided_slice %add3A_460 {offsets = [100, 64], sizes = [100, 32], strides = [1, 1]} : vector<400x128xf32> to vector<100x32xf32>
    %slice3A_563 = vector.extract_strided_slice %add3A_470 {offsets = [100, 64], sizes = [100, 32], strides = [1, 1]} : vector<400x128xf32> to vector<100x32xf32>
    %slice3A_564 = vector.extract_strided_slice %add3A_480 {offsets = [100, 64], sizes = [100, 32], strides = [1, 1]} : vector<400x128xf32> to vector<100x32xf32>
    %dot_general3A_565 = arith.constant dense<0.000000e+00> : vector<100x100xf32>
    %dot_general3A_566 = tpu.matmul %slice3A_562, %slice3A_563, %dot_general3A_565 {dimension_numbers = #tpu.dot_dimension_numbers<[1], [1], [0], [0], [0, 0, 1, 0], [], []>, transpose_lhs_hint = false} : vector<100x32xf32>, vector<100x32xf32>, vector<100x100xf32> -> vector<100x100xf32>
    %exp3A_567 = math.exp %dot_general3A_566 : vector<100x100xf32>
    %concatenate3A_568 = tpu.concatenate %slice3A_564, %broadcast_in_dim3A_482 in 1 : vector<100x32xf32>, vector<100x1xf32> -> vector<100x33xf32>
    %dot_general3A_569 = arith.constant dense<0.000000e+00> : vector<100x33xf32>
    %dot_general3A_570 = tpu.matmul %exp3A_567, %concatenate3A_568, %dot_general3A_569 {dimension_numbers = #tpu.dot_dimension_numbers<[1], [0], [0], [1], [0, 0, 1, 1], [], []>, transpose_lhs_hint = false} : vector<100x100xf32>, vector<100x33xf32>, vector<100x33xf32> -> vector<100x33xf32>
    %slice3A_571 = vector.extract_strided_slice %dot_general3A_570 {offsets = [0, 0], sizes = [100, 32], strides = [1, 1]} : vector<100x33xf32> to vector<100x32xf32>
    %slice3A_572 = vector.extract_strided_slice %dot_general3A_570 {offsets = [0, 32], sizes = [100, 1], strides = [1, 1]} : vector<100x33xf32> to vector<100x1xf32>
    %div3A_573 = vector.broadcast %slice3A_572 : vector<100x1xf32> to vector<100x32xf32>
    %div3A_574 = arith.divf %slice3A_571, %div3A_573 : vector<100x32xf32>
    %slice3A_575 = vector.extract_strided_slice %add3A_460 {offsets = [100, 96], sizes = [100, 32], strides = [1, 1]} : vector<400x128xf32> to vector<100x32xf32>
    %slice3A_576 = vector.extract_strided_slice %add3A_470 {offsets = [100, 96], sizes = [100, 32], strides = [1, 1]} : vector<400x128xf32> to vector<100x32xf32>
    %slice3A_577 = vector.extract_strided_slice %add3A_480 {offsets = [100, 96], sizes = [100, 32], strides = [1, 1]} : vector<400x128xf32> to vector<100x32xf32>
    %dot_general3A_578 = arith.constant dense<0.000000e+00> : vector<100x100xf32>
    %dot_general3A_579 = tpu.matmul %slice3A_575, %slice3A_576, %dot_general3A_578 {dimension_numbers = #tpu.dot_dimension_numbers<[1], [1], [0], [0], [0, 0, 1, 0], [], []>, transpose_lhs_hint = false} : vector<100x32xf32>, vector<100x32xf32>, vector<100x100xf32> -> vector<100x100xf32>
    %exp3A_580 = math.exp %dot_general3A_579 : vector<100x100xf32>
    %concatenate3A_581 = tpu.concatenate %slice3A_577, %broadcast_in_dim3A_482 in 1 : vector<100x32xf32>, vector<100x1xf32> -> vector<100x33xf32>
    %dot_general3A_582 = arith.constant dense<0.000000e+00> : vector<100x33xf32>
    %dot_general3A_583 = tpu.matmul %exp3A_580, %concatenate3A_581, %dot_general3A_582 {dimension_numbers = #tpu.dot_dimension_numbers<[1], [0], [0], [1], [0, 0, 1, 1], [], []>, transpose_lhs_hint = false} : vector<100x100xf32>, vector<100x33xf32>, vector<100x33xf32> -> vector<100x33xf32>
    %slice3A_584 = vector.extract_strided_slice %dot_general3A_583 {offsets = [0, 0], sizes = [100, 32], strides = [1, 1]} : vector<100x33xf32> to vector<100x32xf32>
    %slice3A_585 = vector.extract_strided_slice %dot_general3A_583 {offsets = [0, 32], sizes = [100, 1], strides = [1, 1]} : vector<100x33xf32> to vector<100x1xf32>
    %div3A_586 = vector.broadcast %slice3A_585 : vector<100x1xf32> to vector<100x32xf32>
    %div3A_587 = arith.divf %slice3A_584, %div3A_586 : vector<100x32xf32>
    %concatenate3A_588 = tpu.concatenate %div3A_548, %div3A_561, %div3A_574, %div3A_587 in 1 : vector<100x32xf32>, vector<100x32xf32>, vector<100x32xf32>, vector<100x32xf32> -> vector<100x128xf32>
    %slice3A_589 = vector.extract_strided_slice %add3A_460 {offsets = [200, 0], sizes = [100, 32], strides = [1, 1]} : vector<400x128xf32> to vector<100x32xf32>
    %slice3A_590 = vector.extract_strided_slice %add3A_470 {offsets = [200, 0], sizes = [100, 32], strides = [1, 1]} : vector<400x128xf32> to vector<100x32xf32>
    %slice3A_591 = vector.extract_strided_slice %add3A_480 {offsets = [200, 0], sizes = [100, 32], strides = [1, 1]} : vector<400x128xf32> to vector<100x32xf32>
    %dot_general3A_592 = arith.constant dense<0.000000e+00> : vector<100x100xf32>
    %dot_general3A_593 = tpu.matmul %slice3A_589, %slice3A_590, %dot_general3A_592 {dimension_numbers = #tpu.dot_dimension_numbers<[1], [1], [0], [0], [0, 0, 1, 0], [], []>, transpose_lhs_hint = false} : vector<100x32xf32>, vector<100x32xf32>, vector<100x100xf32> -> vector<100x100xf32>
    %exp3A_594 = math.exp %dot_general3A_593 : vector<100x100xf32>
    %concatenate3A_595 = tpu.concatenate %slice3A_591, %broadcast_in_dim3A_482 in 1 : vector<100x32xf32>, vector<100x1xf32> -> vector<100x33xf32>
    %dot_general3A_596 = arith.constant dense<0.000000e+00> : vector<100x33xf32>
    %dot_general3A_597 = tpu.matmul %exp3A_594, %concatenate3A_595, %dot_general3A_596 {dimension_numbers = #tpu.dot_dimension_numbers<[1], [0], [0], [1], [0, 0, 1, 1], [], []>, transpose_lhs_hint = false} : vector<100x100xf32>, vector<100x33xf32>, vector<100x33xf32> -> vector<100x33xf32>
    %slice3A_598 = vector.extract_strided_slice %dot_general3A_597 {offsets = [0, 0], sizes = [100, 32], strides = [1, 1]} : vector<100x33xf32> to vector<100x32xf32>
    %slice3A_599 = vector.extract_strided_slice %dot_general3A_597 {offsets = [0, 32], sizes = [100, 1], strides = [1, 1]} : vector<100x33xf32> to vector<100x1xf32>
    %div3A_600 = vector.broadcast %slice3A_599 : vector<100x1xf32> to vector<100x32xf32>
    %div3A_601 = arith.divf %slice3A_598, %div3A_600 : vector<100x32xf32>
    %slice3A_602 = vector.extract_strided_slice %add3A_460 {offsets = [200, 32], sizes = [100, 32], strides = [1, 1]} : vector<400x128xf32> to vector<100x32xf32>
    %slice3A_603 = vector.extract_strided_slice %add3A_470 {offsets = [200, 32], sizes = [100, 32], strides = [1, 1]} : vector<400x128xf32> to vector<100x32xf32>
    %slice3A_604 = vector.extract_strided_slice %add3A_480 {offsets = [200, 32], sizes = [100, 32], strides = [1, 1]} : vector<400x128xf32> to vector<100x32xf32>
    %dot_general3A_605 = arith.constant dense<0.000000e+00> : vector<100x100xf32>
    %dot_general3A_606 = tpu.matmul %slice3A_602, %slice3A_603, %dot_general3A_605 {dimension_numbers = #tpu.dot_dimension_numbers<[1], [1], [0], [0], [0, 0, 1, 0], [], []>, transpose_lhs_hint = false} : vector<100x32xf32>, vector<100x32xf32>, vector<100x100xf32> -> vector<100x100xf32>
    %exp3A_607 = math.exp %dot_general3A_606 : vector<100x100xf32>
    %concatenate3A_608 = tpu.concatenate %slice3A_604, %broadcast_in_dim3A_482 in 1 : vector<100x32xf32>, vector<100x1xf32> -> vector<100x33xf32>
    %dot_general3A_609 = arith.constant dense<0.000000e+00> : vector<100x33xf32>
    %dot_general3A_610 = tpu.matmul %exp3A_607, %concatenate3A_608, %dot_general3A_609 {dimension_numbers = #tpu.dot_dimension_numbers<[1], [0], [0], [1], [0, 0, 1, 1], [], []>, transpose_lhs_hint = false} : vector<100x100xf32>, vector<100x33xf32>, vector<100x33xf32> -> vector<100x33xf32>
    %slice3A_611 = vector.extract_strided_slice %dot_general3A_610 {offsets = [0, 0], sizes = [100, 32], strides = [1, 1]} : vector<100x33xf32> to vector<100x32xf32>
    %slice3A_612 = vector.extract_strided_slice %dot_general3A_610 {offsets = [0, 32], sizes = [100, 1], strides = [1, 1]} : vector<100x33xf32> to vector<100x1xf32>
    %div3A_613 = vector.broadcast %slice3A_612 : vector<100x1xf32> to vector<100x32xf32>
    %div3A_614 = arith.divf %slice3A_611, %div3A_613 : vector<100x32xf32>
    %slice3A_615 = vector.extract_strided_slice %add3A_460 {offsets = [200, 64], sizes = [100, 32], strides = [1, 1]} : vector<400x128xf32> to vector<100x32xf32>
    %slice3A_616 = vector.extract_strided_slice %add3A_470 {offsets = [200, 64], sizes = [100, 32], strides = [1, 1]} : vector<400x128xf32> to vector<100x32xf32>
    %slice3A_617 = vector.extract_strided_slice %add3A_480 {offsets = [200, 64], sizes = [100, 32], strides = [1, 1]} : vector<400x128xf32> to vector<100x32xf32>
    %dot_general3A_618 = arith.constant dense<0.000000e+00> : vector<100x100xf32>
    %dot_general3A_619 = tpu.matmul %slice3A_615, %slice3A_616, %dot_general3A_618 {dimension_numbers = #tpu.dot_dimension_numbers<[1], [1], [0], [0], [0, 0, 1, 0], [], []>, transpose_lhs_hint = false} : vector<100x32xf32>, vector<100x32xf32>, vector<100x100xf32> -> vector<100x100xf32>
    %exp3A_620 = math.exp %dot_general3A_619 : vector<100x100xf32>
    %concatenate3A_621 = tpu.concatenate %slice3A_617, %broadcast_in_dim3A_482 in 1 : vector<100x32xf32>, vector<100x1xf32> -> vector<100x33xf32>
    %dot_general3A_622 = arith.constant dense<0.000000e+00> : vector<100x33xf32>
    %dot_general3A_623 = tpu.matmul %exp3A_620, %concatenate3A_621, %dot_general3A_622 {dimension_numbers = #tpu.dot_dimension_numbers<[1], [0], [0], [1], [0, 0, 1, 1], [], []>, transpose_lhs_hint = false} : vector<100x100xf32>, vector<100x33xf32>, vector<100x33xf32> -> vector<100x33xf32>
    %slice3A_624 = vector.extract_strided_slice %dot_general3A_623 {offsets = [0, 0], sizes = [100, 32], strides = [1, 1]} : vector<100x33xf32> to vector<100x32xf32>
    %slice3A_625 = vector.extract_strided_slice %dot_general3A_623 {offsets = [0, 32], sizes = [100, 1], strides = [1, 1]} : vector<100x33xf32> to vector<100x1xf32>
    %div3A_626 = vector.broadcast %slice3A_625 : vector<100x1xf32> to vector<100x32xf32>
    %div3A_627 = arith.divf %slice3A_624, %div3A_626 : vector<100x32xf32>
    %slice3A_628 = vector.extract_strided_slice %add3A_460 {offsets = [200, 96], sizes = [100, 32], strides = [1, 1]} : vector<400x128xf32> to vector<100x32xf32>
    %slice3A_629 = vector.extract_strided_slice %add3A_470 {offsets = [200, 96], sizes = [100, 32], strides = [1, 1]} : vector<400x128xf32> to vector<100x32xf32>
    %slice3A_630 = vector.extract_strided_slice %add3A_480 {offsets = [200, 96], sizes = [100, 32], strides = [1, 1]} : vector<400x128xf32> to vector<100x32xf32>
    %dot_general3A_631 = arith.constant dense<0.000000e+00> : vector<100x100xf32>
    %dot_general3A_632 = tpu.matmul %slice3A_628, %slice3A_629, %dot_general3A_631 {dimension_numbers = #tpu.dot_dimension_numbers<[1], [1], [0], [0], [0, 0, 1, 0], [], []>, transpose_lhs_hint = false} : vector<100x32xf32>, vector<100x32xf32>, vector<100x100xf32> -> vector<100x100xf32>
    %exp3A_633 = math.exp %dot_general3A_632 : vector<100x100xf32>
    %concatenate3A_634 = tpu.concatenate %slice3A_630, %broadcast_in_dim3A_482 in 1 : vector<100x32xf32>, vector<100x1xf32> -> vector<100x33xf32>
    %dot_general3A_635 = arith.constant dense<0.000000e+00> : vector<100x33xf32>
    %dot_general3A_636 = tpu.matmul %exp3A_633, %concatenate3A_634, %dot_general3A_635 {dimension_numbers = #tpu.dot_dimension_numbers<[1], [0], [0], [1], [0, 0, 1, 1], [], []>, transpose_lhs_hint = false} : vector<100x100xf32>, vector<100x33xf32>, vector<100x33xf32> -> vector<100x33xf32>
    %slice3A_637 = vector.extract_strided_slice %dot_general3A_636 {offsets = [0, 0], sizes = [100, 32], strides = [1, 1]} : vector<100x33xf32> to vector<100x32xf32>
    %slice3A_638 = vector.extract_strided_slice %dot_general3A_636 {offsets = [0, 32], sizes = [100, 1], strides = [1, 1]} : vector<100x33xf32> to vector<100x1xf32>
    %div3A_639 = vector.broadcast %slice3A_638 : vector<100x1xf32> to vector<100x32xf32>
    %div3A_640 = arith.divf %slice3A_637, %div3A_639 : vector<100x32xf32>
    %concatenate3A_641 = tpu.concatenate %div3A_601, %div3A_614, %div3A_627, %div3A_640 in 1 : vector<100x32xf32>, vector<100x32xf32>, vector<100x32xf32>, vector<100x32xf32> -> vector<100x128xf32>
    %slice3A_642 = vector.extract_strided_slice %add3A_460 {offsets = [300, 0], sizes = [100, 32], strides = [1, 1]} : vector<400x128xf32> to vector<100x32xf32>
    %slice3A_643 = vector.extract_strided_slice %add3A_470 {offsets = [300, 0], sizes = [100, 32], strides = [1, 1]} : vector<400x128xf32> to vector<100x32xf32>
    %slice3A_644 = vector.extract_strided_slice %add3A_480 {offsets = [300, 0], sizes = [100, 32], strides = [1, 1]} : vector<400x128xf32> to vector<100x32xf32>
    %dot_general3A_645 = arith.constant dense<0.000000e+00> : vector<100x100xf32>
    %dot_general3A_646 = tpu.matmul %slice3A_642, %slice3A_643, %dot_general3A_645 {dimension_numbers = #tpu.dot_dimension_numbers<[1], [1], [0], [0], [0, 0, 1, 0], [], []>, transpose_lhs_hint = false} : vector<100x32xf32>, vector<100x32xf32>, vector<100x100xf32> -> vector<100x100xf32>
    %exp3A_647 = math.exp %dot_general3A_646 : vector<100x100xf32>
    %concatenate3A_648 = tpu.concatenate %slice3A_644, %broadcast_in_dim3A_482 in 1 : vector<100x32xf32>, vector<100x1xf32> -> vector<100x33xf32>
    %dot_general3A_649 = arith.constant dense<0.000000e+00> : vector<100x33xf32>
    %dot_general3A_650 = tpu.matmul %exp3A_647, %concatenate3A_648, %dot_general3A_649 {dimension_numbers = #tpu.dot_dimension_numbers<[1], [0], [0], [1], [0, 0, 1, 1], [], []>, transpose_lhs_hint = false} : vector<100x100xf32>, vector<100x33xf32>, vector<100x33xf32> -> vector<100x33xf32>
    %slice3A_651 = vector.extract_strided_slice %dot_general3A_650 {offsets = [0, 0], sizes = [100, 32], strides = [1, 1]} : vector<100x33xf32> to vector<100x32xf32>
    %slice3A_652 = vector.extract_strided_slice %dot_general3A_650 {offsets = [0, 32], sizes = [100, 1], strides = [1, 1]} : vector<100x33xf32> to vector<100x1xf32>
    %div3A_653 = vector.broadcast %slice3A_652 : vector<100x1xf32> to vector<100x32xf32>
    %div3A_654 = arith.divf %slice3A_651, %div3A_653 : vector<100x32xf32>
    %slice3A_655 = vector.extract_strided_slice %add3A_460 {offsets = [300, 32], sizes = [100, 32], strides = [1, 1]} : vector<400x128xf32> to vector<100x32xf32>
    %slice3A_656 = vector.extract_strided_slice %add3A_470 {offsets = [300, 32], sizes = [100, 32], strides = [1, 1]} : vector<400x128xf32> to vector<100x32xf32>
    %slice3A_657 = vector.extract_strided_slice %add3A_480 {offsets = [300, 32], sizes = [100, 32], strides = [1, 1]} : vector<400x128xf32> to vector<100x32xf32>
    %dot_general3A_658 = arith.constant dense<0.000000e+00> : vector<100x100xf32>
    %dot_general3A_659 = tpu.matmul %slice3A_655, %slice3A_656, %dot_general3A_658 {dimension_numbers = #tpu.dot_dimension_numbers<[1], [1], [0], [0], [0, 0, 1, 0], [], []>, transpose_lhs_hint = false} : vector<100x32xf32>, vector<100x32xf32>, vector<100x100xf32> -> vector<100x100xf32>
    %exp3A_660 = math.exp %dot_general3A_659 : vector<100x100xf32>
    %concatenate3A_661 = tpu.concatenate %slice3A_657, %broadcast_in_dim3A_482 in 1 : vector<100x32xf32>, vector<100x1xf32> -> vector<100x33xf32>
    %dot_general3A_662 = arith.constant dense<0.000000e+00> : vector<100x33xf32>
    %dot_general3A_663 = tpu.matmul %exp3A_660, %concatenate3A_661, %dot_general3A_662 {dimension_numbers = #tpu.dot_dimension_numbers<[1], [0], [0], [1], [0, 0, 1, 1], [], []>, transpose_lhs_hint = false} : vector<100x100xf32>, vector<100x33xf32>, vector<100x33xf32> -> vector<100x33xf32>
    %slice3A_664 = vector.extract_strided_slice %dot_general3A_663 {offsets = [0, 0], sizes = [100, 32], strides = [1, 1]} : vector<100x33xf32> to vector<100x32xf32>
    %slice3A_665 = vector.extract_strided_slice %dot_general3A_663 {offsets = [0, 32], sizes = [100, 1], strides = [1, 1]} : vector<100x33xf32> to vector<100x1xf32>
    %div3A_666 = vector.broadcast %slice3A_665 : vector<100x1xf32> to vector<100x32xf32>
    %div3A_667 = arith.divf %slice3A_664, %div3A_666 : vector<100x32xf32>
    %slice3A_668 = vector.extract_strided_slice %add3A_460 {offsets = [300, 64], sizes = [100, 32], strides = [1, 1]} : vector<400x128xf32> to vector<100x32xf32>
    %slice3A_669 = vector.extract_strided_slice %add3A_470 {offsets = [300, 64], sizes = [100, 32], strides = [1, 1]} : vector<400x128xf32> to vector<100x32xf32>
    %slice3A_670 = vector.extract_strided_slice %add3A_480 {offsets = [300, 64], sizes = [100, 32], strides = [1, 1]} : vector<400x128xf32> to vector<100x32xf32>
    %dot_general3A_671 = arith.constant dense<0.000000e+00> : vector<100x100xf32>
    %dot_general3A_672 = tpu.matmul %slice3A_668, %slice3A_669, %dot_general3A_671 {dimension_numbers = #tpu.dot_dimension_numbers<[1], [1], [0], [0], [0, 0, 1, 0], [], []>, transpose_lhs_hint = false} : vector<100x32xf32>, vector<100x32xf32>, vector<100x100xf32> -> vector<100x100xf32>
    %exp3A_673 = math.exp %dot_general3A_672 : vector<100x100xf32>
    %concatenate3A_674 = tpu.concatenate %slice3A_670, %broadcast_in_dim3A_482 in 1 : vector<100x32xf32>, vector<100x1xf32> -> vector<100x33xf32>
    %dot_general3A_675 = arith.constant dense<0.000000e+00> : vector<100x33xf32>
    %dot_general3A_676 = tpu.matmul %exp3A_673, %concatenate3A_674, %dot_general3A_675 {dimension_numbers = #tpu.dot_dimension_numbers<[1], [0], [0], [1], [0, 0, 1, 1], [], []>, transpose_lhs_hint = false} : vector<100x100xf32>, vector<100x33xf32>, vector<100x33xf32> -> vector<100x33xf32>
    %slice3A_677 = vector.extract_strided_slice %dot_general3A_676 {offsets = [0, 0], sizes = [100, 32], strides = [1, 1]} : vector<100x33xf32> to vector<100x32xf32>
    %slice3A_678 = vector.extract_strided_slice %dot_general3A_676 {offsets = [0, 32], sizes = [100, 1], strides = [1, 1]} : vector<100x33xf32> to vector<100x1xf32>
    %div3A_679 = vector.broadcast %slice3A_678 : vector<100x1xf32> to vector<100x32xf32>
    %div3A_680 = arith.divf %slice3A_677, %div3A_679 : vector<100x32xf32>
    %slice3A_681 = vector.extract_strided_slice %add3A_460 {offsets = [300, 96], sizes = [100, 32], strides = [1, 1]} : vector<400x128xf32> to vector<100x32xf32>
    %slice3A_682 = vector.extract_strided_slice %add3A_470 {offsets = [300, 96], sizes = [100, 32], strides = [1, 1]} : vector<400x128xf32> to vector<100x32xf32>
    %slice3A_683 = vector.extract_strided_slice %add3A_480 {offsets = [300, 96], sizes = [100, 32], strides = [1, 1]} : vector<400x128xf32> to vector<100x32xf32>
    %dot_general3A_684 = arith.constant dense<0.000000e+00> : vector<100x100xf32>
    %dot_general3A_685 = tpu.matmul %slice3A_681, %slice3A_682, %dot_general3A_684 {dimension_numbers = #tpu.dot_dimension_numbers<[1], [1], [0], [0], [0, 0, 1, 0], [], []>, transpose_lhs_hint = false} : vector<100x32xf32>, vector<100x32xf32>, vector<100x100xf32> -> vector<100x100xf32>
    %exp3A_686 = math.exp %dot_general3A_685 : vector<100x100xf32>
    %concatenate3A_687 = tpu.concatenate %slice3A_683, %broadcast_in_dim3A_482 in 1 : vector<100x32xf32>, vector<100x1xf32> -> vector<100x33xf32>
    %dot_general3A_688 = arith.constant dense<0.000000e+00> : vector<100x33xf32>
    %dot_general3A_689 = tpu.matmul %exp3A_686, %concatenate3A_687, %dot_general3A_688 {dimension_numbers = #tpu.dot_dimension_numbers<[1], [0], [0], [1], [0, 0, 1, 1], [], []>, transpose_lhs_hint = false} : vector<100x100xf32>, vector<100x33xf32>, vector<100x33xf32> -> vector<100x33xf32>
    %slice3A_690 = vector.extract_strided_slice %dot_general3A_689 {offsets = [0, 0], sizes = [100, 32], strides = [1, 1]} : vector<100x33xf32> to vector<100x32xf32>
    %slice3A_691 = vector.extract_strided_slice %dot_general3A_689 {offsets = [0, 32], sizes = [100, 1], strides = [1, 1]} : vector<100x33xf32> to vector<100x1xf32>
    %div3A_692 = vector.broadcast %slice3A_691 : vector<100x1xf32> to vector<100x32xf32>
    %div3A_693 = arith.divf %slice3A_690, %div3A_692 : vector<100x32xf32>
    %concatenate3A_694 = tpu.concatenate %div3A_654, %div3A_667, %div3A_680, %div3A_693 in 1 : vector<100x32xf32>, vector<100x32xf32>, vector<100x32xf32>, vector<100x32xf32> -> vector<100x128xf32>
    %concatenate3A_695 = tpu.concatenate %concatenate3A_535, %concatenate3A_588, %concatenate3A_641, %concatenate3A_694 in 0 : vector<100x128xf32>, vector<100x128xf32>, vector<100x128xf32>, vector<100x128xf32> -> vector<400x128xf32>
    %get3A_696 = arith.constant 0 : index
    %get3A_697 = arith.constant 0 : index
    %get3A_698 = vector.load %arg12[%get3A_696, %get3A_697] : memref<128x128xf32, #tpu.memory_space<vmem>>, vector<128x128xf32>
    %dot_general3A_699 = arith.constant dense<0.000000e+00> : vector<400x128xf32>
    %dot_general3A_700 = tpu.matmul %concatenate3A_695, %get3A_698, %dot_general3A_699 {dimension_numbers = #tpu.dot_dimension_numbers<[1], [0], [0], [1], [0, 0, 1, 1], [], []>, transpose_lhs_hint = false} : vector<400x128xf32>, vector<128x128xf32>, vector<400x128xf32> -> vector<400x128xf32>
    %get3A_701 = arith.constant 0 : index
    %get3A_702 = arith.constant 0 : index
    %get3A_703 = vector.load %arg13[%get3A_701, %get3A_702] : memref<1x128xf32, #tpu.memory_space<vmem>>, vector<1x128xf32>
    %add3A_704 = vector.broadcast %get3A_703 : vector<1x128xf32> to vector<400x128xf32>
    %add3A_705 = arith.addf %dot_general3A_700, %add3A_704 : vector<400x128xf32>
    %broadcast_in_dim3A_706 = arith.constant 1.000000e+00 : f32
    %broadcast_in_dim3A_707 = vector.broadcast %broadcast_in_dim3A_706 : f32 to vector<128x1xf32>
    %add3A_708 = arith.addf %reshape3A_450, %add3A_705 : vector<400x128xf32>
    %get3A_709 = arith.constant 0 : index
    %get3A_710 = arith.constant 0 : index
    %get3A_711 = vector.load %arg18[%get3A_709, %get3A_710] : memref<1x128xf32, #tpu.memory_space<vmem>>, vector<1x128xf32>
    %get3A_712 = arith.constant 0 : index
    %get3A_713 = arith.constant 0 : index
    %get3A_714 = vector.load %arg19[%get3A_712, %get3A_713] : memref<1x128xf32, #tpu.memory_space<vmem>>, vector<1x128xf32>
    %dot_general3A_715 = arith.constant dense<0.000000e+00> : vector<400x1xf32>
    %dot_general3A_716 = tpu.matmul %add3A_708, %broadcast_in_dim3A_707, %dot_general3A_715 {dimension_numbers = #tpu.dot_dimension_numbers<[1], [0], [0], [1], [0, 0, 1, 1], [], []>, transpose_lhs_hint = false} : vector<400x128xf32>, vector<128x1xf32>, vector<400x1xf32> -> vector<400x1xf32>
    %mul3A_717 = arith.constant 7.812500e-03 : f32
    %mul3A_718 = vector.broadcast %mul3A_717 : f32 to vector<400x1xf32>
    %mul3A_719 = arith.mulf %dot_general3A_716, %mul3A_718 : vector<400x1xf32>
    %sub3A_720 = vector.broadcast %mul3A_719 : vector<400x1xf32> to vector<400x128xf32>
    %sub3A_721 = arith.subf %add3A_708, %sub3A_720 : vector<400x128xf32>
    %mul3A_722 = arith.mulf %sub3A_721, %sub3A_721 : vector<400x128xf32>
    %dot_general3A_723 = arith.constant dense<0.000000e+00> : vector<400x1xf32>
    %dot_general3A_724 = tpu.matmul %mul3A_722, %broadcast_in_dim3A_707, %dot_general3A_723 {dimension_numbers = #tpu.dot_dimension_numbers<[1], [0], [0], [1], [0, 0, 1, 1], [], []>, transpose_lhs_hint = false} : vector<400x128xf32>, vector<128x1xf32>, vector<400x1xf32> -> vector<400x1xf32>
    %mul3A_725 = arith.constant 7.812500e-03 : f32
    %mul3A_726 = vector.broadcast %mul3A_725 : f32 to vector<400x1xf32>
    %mul3A_727 = arith.mulf %dot_general3A_724, %mul3A_726 : vector<400x1xf32>
    %add3A_728 = arith.constant 9.99999974E-6 : f32
    %add3A_729 = vector.broadcast %add3A_728 : f32 to vector<400x1xf32>
    %add3A_730 = arith.addf %mul3A_727, %add3A_729 : vector<400x1xf32>
    %rsqrt3A_731 = math.rsqrt %add3A_730 : vector<400x1xf32>
    %mul3A_732 = vector.broadcast %rsqrt3A_731 : vector<400x1xf32> to vector<400x128xf32>
    %mul3A_733 = arith.mulf %sub3A_721, %mul3A_732 : vector<400x128xf32>
    %mul3A_734 = vector.broadcast %get3A_711 : vector<1x128xf32> to vector<400x128xf32>
    %mul3A_735 = arith.mulf %mul3A_733, %mul3A_734 : vector<400x128xf32>
    %add3A_736 = vector.broadcast %get3A_714 : vector<1x128xf32> to vector<400x128xf32>
    %add3A_737 = arith.addf %mul3A_735, %add3A_736 : vector<400x128xf32>
    %get3A_738 = arith.constant 0 : index
    %get3A_739 = arith.constant 0 : index
    %get3A_740 = vector.load %arg14[%get3A_738, %get3A_739] : memref<128x256xf32, #tpu.memory_space<vmem>>, vector<128x256xf32>
    %dot_general3A_741 = arith.constant dense<0.000000e+00> : vector<400x256xf32>
    %dot_general3A_742 = tpu.matmul %add3A_737, %get3A_740, %dot_general3A_741 {dimension_numbers = #tpu.dot_dimension_numbers<[1], [0], [0], [1], [0, 0, 1, 1], [], []>, transpose_lhs_hint = false} : vector<400x128xf32>, vector<128x256xf32>, vector<400x256xf32> -> vector<400x256xf32>
    %get3A_743 = arith.constant 0 : index
    %get3A_744 = arith.constant 0 : index
    %get3A_745 = vector.load %arg15[%get3A_743, %get3A_744] : memref<1x256xf32, #tpu.memory_space<vmem>>, vector<1x256xf32>
    %add3A_746 = vector.broadcast %get3A_745 : vector<1x256xf32> to vector<400x256xf32>
    %add3A_747 = arith.addf %dot_general3A_742, %add3A_746 : vector<400x256xf32>
    %max3A_748 = arith.constant 0.000000e+00 : f32
    %max3A_749 = vector.broadcast %max3A_748 : f32 to vector<400x256xf32>
    %max3A_750 = arith.maximumf %add3A_747, %max3A_749 : vector<400x256xf32>
    %get3A_751 = arith.constant 0 : index
    %get3A_752 = arith.constant 0 : index
    %get3A_753 = vector.load %arg16[%get3A_751, %get3A_752] : memref<256x128xf32, #tpu.memory_space<vmem>>, vector<256x128xf32>
    %dot_general3A_754 = arith.constant dense<0.000000e+00> : vector<400x128xf32>
    %dot_general3A_755 = tpu.matmul %max3A_750, %get3A_753, %dot_general3A_754 {dimension_numbers = #tpu.dot_dimension_numbers<[1], [0], [0], [1], [0, 0, 1, 1], [], []>, transpose_lhs_hint = false} : vector<400x256xf32>, vector<256x128xf32>, vector<400x128xf32> -> vector<400x128xf32>
    %get3A_756 = arith.constant 0 : index
    %get3A_757 = arith.constant 0 : index
    %get3A_758 = vector.load %arg17[%get3A_756, %get3A_757] : memref<1x128xf32, #tpu.memory_space<vmem>>, vector<1x128xf32>
    %add3A_759 = vector.broadcast %get3A_758 : vector<1x128xf32> to vector<400x128xf32>
    %add3A_760 = arith.addf %dot_general3A_755, %add3A_759 : vector<400x128xf32>
    %add3A_761 = arith.addf %add3A_737, %add3A_760 : vector<400x128xf32>
    %get3A_762 = arith.constant 0 : index
    %get3A_763 = arith.constant 0 : index
    %get3A_764 = vector.load %arg20[%get3A_762, %get3A_763] : memref<1x128xf32, #tpu.memory_space<vmem>>, vector<1x128xf32>
    %get3A_765 = arith.constant 0 : index
    %get3A_766 = arith.constant 0 : index
    %get3A_767 = vector.load %arg21[%get3A_765, %get3A_766] : memref<1x128xf32, #tpu.memory_space<vmem>>, vector<1x128xf32>
    %dot_general3A_768 = arith.constant dense<0.000000e+00> : vector<400x1xf32>
    %dot_general3A_769 = tpu.matmul %add3A_761, %broadcast_in_dim3A_707, %dot_general3A_768 {dimension_numbers = #tpu.dot_dimension_numbers<[1], [0], [0], [1], [0, 0, 1, 1], [], []>, transpose_lhs_hint = false} : vector<400x128xf32>, vector<128x1xf32>, vector<400x1xf32> -> vector<400x1xf32>
    %mul3A_770 = arith.constant 7.812500e-03 : f32
    %mul3A_771 = vector.broadcast %mul3A_770 : f32 to vector<400x1xf32>
    %mul3A_772 = arith.mulf %dot_general3A_769, %mul3A_771 : vector<400x1xf32>
    %sub3A_773 = vector.broadcast %mul3A_772 : vector<400x1xf32> to vector<400x128xf32>
    %sub3A_774 = arith.subf %add3A_761, %sub3A_773 : vector<400x128xf32>
    %mul3A_775 = arith.mulf %sub3A_774, %sub3A_774 : vector<400x128xf32>
    %dot_general3A_776 = arith.constant dense<0.000000e+00> : vector<400x1xf32>
    %dot_general3A_777 = tpu.matmul %mul3A_775, %broadcast_in_dim3A_707, %dot_general3A_776 {dimension_numbers = #tpu.dot_dimension_numbers<[1], [0], [0], [1], [0, 0, 1, 1], [], []>, transpose_lhs_hint = false} : vector<400x128xf32>, vector<128x1xf32>, vector<400x1xf32> -> vector<400x1xf32>
    %mul3A_778 = arith.constant 7.812500e-03 : f32
    %mul3A_779 = vector.broadcast %mul3A_778 : f32 to vector<400x1xf32>
    %mul3A_780 = arith.mulf %dot_general3A_777, %mul3A_779 : vector<400x1xf32>
    %add3A_781 = arith.constant 9.99999974E-6 : f32
    %add3A_782 = vector.broadcast %add3A_781 : f32 to vector<400x1xf32>
    %add3A_783 = arith.addf %mul3A_780, %add3A_782 : vector<400x1xf32>
    %rsqrt3A_784 = math.rsqrt %add3A_783 : vector<400x1xf32>
    %mul3A_785 = vector.broadcast %rsqrt3A_784 : vector<400x1xf32> to vector<400x128xf32>
    %mul3A_786 = arith.mulf %sub3A_774, %mul3A_785 : vector<400x128xf32>
    %mul3A_787 = vector.broadcast %get3A_764 : vector<1x128xf32> to vector<400x128xf32>
    %mul3A_788 = arith.mulf %mul3A_786, %mul3A_787 : vector<400x128xf32>
    %add3A_789 = vector.broadcast %get3A_767 : vector<1x128xf32> to vector<400x128xf32>
    %add3A_790 = arith.addf %mul3A_788, %add3A_789 : vector<400x128xf32>
    %reshape3A_791 = vector.shape_cast %add3A_790 : vector<400x128xf32> to vector<4x100x128xf32>
    %swap3A_792 = arith.constant 1 : index
    %swap3A_793 = arith.constant 0 : index
    %swap3A_794 = arith.constant 0 : index
    %swap3A_795 = arith.constant 0 : index
    %swap3A_796 = vector.load %arg22[%swap3A_792, %swap3A_793, %swap3A_794, %swap3A_795] : memref<4x4x100x128xf32, #tpu.memory_space<vmem>>, vector<1x4x100x128xf32>
    %swap3A_797 = vector.shape_cast %swap3A_796 : vector<1x4x100x128xf32> to vector<4x100x128xf32>
    %swap3A_798 = vector.shape_cast %reshape3A_791 : vector<4x100x128xf32> to vector<1x4x100x128xf32>
    tpu.vector_store %arg22[%swap3A_792, %swap3A_793, %swap3A_794, %swap3A_795], %swap3A_798 {strides = array<i32>} : memref<4x4x100x128xf32, #tpu.memory_space<vmem>>, vector<1x4x100x128xf32>,
    %get3A_799 = arith.constant 0 : index
    %get3A_800 = arith.constant 2 : index
    %get3A_801 = arith.constant 0 : index
    %get3A_802 = arith.constant 0 : index
    %get3A_803 = vector.load %arg3[%get3A_799, %get3A_800, %get3A_801, %get3A_802] : memref<2x4x100x1xf32, #tpu.memory_space<vmem>>, vector<2x1x100x1xf32>
    %get3A_804 = vector.shape_cast %get3A_803 : vector<2x1x100x1xf32> to vector<2x100x1xf32>
    %reduce_sum3A_805 = arith.constant dense<0.000000e+00> : vector<100x1xf32>
    %reduce_sum3A_806 = vector.multi_reduction <add>, %get3A_804, %reduce_sum3A_805 [0] : vector<2x100x1xf32> to vector<100x1xf32>
    %add3A_807 = arith.constant 1.000000e+00 : f32
    %add3A_808 = vector.broadcast %add3A_807 : f32 to vector<100x1xf32>
    %add3A_809 = arith.addf %reduce_sum3A_806, %add3A_808 : vector<100x1xf32>
    %rsqrt3A_810 = math.rsqrt %add3A_809 : vector<100x1xf32>
    %get3A_811 = arith.constant 0 : index
    %get3A_812 = arith.constant 2 : index
    %get3A_813 = arith.constant 0 : index
    %get3A_814 = arith.constant 0 : index
    %get3A_815 = vector.load %arg1[%get3A_811, %get3A_812, %get3A_813, %get3A_814] : memref<2x4x100x64xf32, #tpu.memory_space<vmem>>, vector<1x1x100x64xf32>
    %get3A_816 = vector.shape_cast %get3A_815 : vector<1x1x100x64xf32> to vector<100x64xf32>
    %get3A_817 = arith.constant 0 : index
    %get3A_818 = arith.constant 2 : index
    %get3A_819 = arith.constant 0 : index
    %get3A_820 = arith.constant 0 : index
    %get3A_821 = vector.load %arg2[%get3A_817, %get3A_818, %get3A_819, %get3A_820] : memref<2x4x100x64xf32, #tpu.memory_space<vmem>>, vector<1x1x100x64xf32>
    %get3A_822 = vector.shape_cast %get3A_821 : vector<1x1x100x64xf32> to vector<100x64xf32>
    %add3A_823 = arith.addf %get3A_816, %get3A_822 : vector<100x64xf32>
    %get3A_824 = arith.constant 1 : index
    %get3A_825 = arith.constant 2 : index
    %get3A_826 = arith.constant 0 : index
    %get3A_827 = arith.constant 0 : index
    %get3A_828 = vector.load %arg1[%get3A_824, %get3A_825, %get3A_826, %get3A_827] : memref<2x4x100x64xf32, #tpu.memory_space<vmem>>, vector<1x1x100x64xf32>
    %get3A_829 = vector.shape_cast %get3A_828 : vector<1x1x100x64xf32> to vector<100x64xf32>
    %get3A_830 = arith.constant 1 : index
    %get3A_831 = arith.constant 2 : index
    %get3A_832 = arith.constant 0 : index
    %get3A_833 = arith.constant 0 : index
    %get3A_834 = vector.load %arg2[%get3A_830, %get3A_831, %get3A_832, %get3A_833] : memref<2x4x100x64xf32, #tpu.memory_space<vmem>>, vector<1x1x100x64xf32>
    %get3A_835 = vector.shape_cast %get3A_834 : vector<1x1x100x64xf32> to vector<100x64xf32>
    %add3A_836 = arith.addf %get3A_829, %get3A_835 : vector<100x64xf32>
    %concatenate3A_837 = tpu.concatenate %add3A_823, %add3A_836 in 1 : vector<100x64xf32>, vector<100x64xf32> -> vector<100x128xf32>
    %mul3A_838 = vector.broadcast %rsqrt3A_810 : vector<100x1xf32> to vector<100x128xf32>
    %mul3A_839 = arith.mulf %concatenate3A_837, %mul3A_838 : vector<100x128xf32>
    %get3A_840 = arith.constant 0 : index
    %get3A_841 = arith.constant 0 : index
    %get3A_842 = vector.load %arg5[%get3A_840, %get3A_841] : memref<1x128xf32, #tpu.memory_space<vmem>>, vector<1x128xf32>
    %add3A_843 = vector.broadcast %get3A_842 : vector<1x128xf32> to vector<100x128xf32>
    %add3A_844 = arith.addf %mul3A_839, %add3A_843 : vector<100x128xf32>
    %max3A_845 = arith.constant 0.000000e+00 : f32
    %max3A_846 = vector.broadcast %max3A_845 : f32 to vector<100x128xf32>
    %max3A_847 = arith.maximumf %add3A_844, %max3A_846 : vector<100x128xf32>
    %get3A_848 = arith.constant 2 : index
    %get3A_849 = arith.constant 0 : index
    %get3A_850 = arith.constant 0 : index
    %get3A_851 = arith.constant 0 : index
    %get3A_852 = vector.load %arg4[%get3A_848, %get3A_849, %get3A_850, %get3A_851] : memref<4x4x100x128xf32, #tpu.memory_space<vmem>>, vector<1x4x100x128xf32>
    %get3A_853 = vector.shape_cast %get3A_852 : vector<1x4x100x128xf32> to vector<4x100x128xf32>
    %broadcast_in_dim3A_854 = vector.shape_cast %max3A_847 : vector<100x128xf32> to vector<1x100x128xf32>
    %add3A_855 = vector.broadcast %broadcast_in_dim3A_854 : vector<1x100x128xf32> to vector<4x100x128xf32>
    %add3A_856 = arith.addf %get3A_853, %add3A_855 : vector<4x100x128xf32>
    %reshape3A_857 = vector.shape_cast %add3A_856 : vector<4x100x128xf32> to vector<400x128xf32>
    %get3A_858 = arith.constant 0 : index
    %get3A_859 = arith.constant 0 : index
    %get3A_860 = vector.load %arg6[%get3A_858, %get3A_859] : memref<128x128xf32, #tpu.memory_space<vmem>>, vector<128x128xf32>
    %dot_general3A_861 = arith.constant dense<0.000000e+00> : vector<400x128xf32>
    %dot_general3A_862 = tpu.matmul %reshape3A_857, %get3A_860, %dot_general3A_861 {dimension_numbers = #tpu.dot_dimension_numbers<[1], [0], [0], [1], [0, 0, 1, 1], [], []>, transpose_lhs_hint = false} : vector<400x128xf32>, vector<128x128xf32>, vector<400x128xf32> -> vector<400x128xf32>
    %get3A_863 = arith.constant 0 : index
    %get3A_864 = arith.constant 0 : index
    %get3A_865 = vector.load %arg7[%get3A_863, %get3A_864] : memref<1x128xf32, #tpu.memory_space<vmem>>, vector<1x128xf32>
    %add3A_866 = vector.broadcast %get3A_865 : vector<1x128xf32> to vector<400x128xf32>
    %add3A_867 = arith.addf %dot_general3A_862, %add3A_866 : vector<400x128xf32>
    %get3A_868 = arith.constant 0 : index
    %get3A_869 = arith.constant 0 : index
    %get3A_870 = vector.load %arg8[%get3A_868, %get3A_869] : memref<128x128xf32, #tpu.memory_space<vmem>>, vector<128x128xf32>
    %dot_general3A_871 = arith.constant dense<0.000000e+00> : vector<400x128xf32>
    %dot_general3A_872 = tpu.matmul %reshape3A_857, %get3A_870, %dot_general3A_871 {dimension_numbers = #tpu.dot_dimension_numbers<[1], [0], [0], [1], [0, 0, 1, 1], [], []>, transpose_lhs_hint = false} : vector<400x128xf32>, vector<128x128xf32>, vector<400x128xf32> -> vector<400x128xf32>
    %get3A_873 = arith.constant 0 : index
    %get3A_874 = arith.constant 0 : index
    %get3A_875 = vector.load %arg9[%get3A_873, %get3A_874] : memref<1x128xf32, #tpu.memory_space<vmem>>, vector<1x128xf32>
    %add3A_876 = vector.broadcast %get3A_875 : vector<1x128xf32> to vector<400x128xf32>
    %add3A_877 = arith.addf %dot_general3A_872, %add3A_876 : vector<400x128xf32>
    %get3A_878 = arith.constant 0 : index
    %get3A_879 = arith.constant 0 : index
    %get3A_880 = vector.load %arg10[%get3A_878, %get3A_879] : memref<128x128xf32, #tpu.memory_space<vmem>>, vector<128x128xf32>
    %dot_general3A_881 = arith.constant dense<0.000000e+00> : vector<400x128xf32>
    %dot_general3A_882 = tpu.matmul %reshape3A_857, %get3A_880, %dot_general3A_881 {dimension_numbers = #tpu.dot_dimension_numbers<[1], [0], [0], [1], [0, 0, 1, 1], [], []>, transpose_lhs_hint = false} : vector<400x128xf32>, vector<128x128xf32>, vector<400x128xf32> -> vector<400x128xf32>
    %get3A_883 = arith.constant 0 : index
    %get3A_884 = arith.constant 0 : index
    %get3A_885 = vector.load %arg11[%get3A_883, %get3A_884] : memref<1x128xf32, #tpu.memory_space<vmem>>, vector<1x128xf32>
    %add3A_886 = vector.broadcast %get3A_885 : vector<1x128xf32> to vector<400x128xf32>
    %add3A_887 = arith.addf %dot_general3A_882, %add3A_886 : vector<400x128xf32>
    %broadcast_in_dim3A_888 = arith.constant 1.000000e+00 : f32
    %broadcast_in_dim3A_889 = vector.broadcast %broadcast_in_dim3A_888 : f32 to vector<100x1xf32>
    %slice3A_890 = vector.extract_strided_slice %add3A_867 {offsets = [0, 0], sizes = [100, 32], strides = [1, 1]} : vector<400x128xf32> to vector<100x32xf32>
    %slice3A_891 = vector.extract_strided_slice %add3A_877 {offsets = [0, 0], sizes = [100, 32], strides = [1, 1]} : vector<400x128xf32> to vector<100x32xf32>
    %slice3A_892 = vector.extract_strided_slice %add3A_887 {offsets = [0, 0], sizes = [100, 32], strides = [1, 1]} : vector<400x128xf32> to vector<100x32xf32>
    %dot_general3A_893 = arith.constant dense<0.000000e+00> : vector<100x100xf32>
    %dot_general3A_894 = tpu.matmul %slice3A_890, %slice3A_891, %dot_general3A_893 {dimension_numbers = #tpu.dot_dimension_numbers<[1], [1], [0], [0], [0, 0, 1, 0], [], []>, transpose_lhs_hint = false} : vector<100x32xf32>, vector<100x32xf32>, vector<100x100xf32> -> vector<100x100xf32>
    %exp3A_895 = math.exp %dot_general3A_894 : vector<100x100xf32>
    %concatenate3A_896 = tpu.concatenate %slice3A_892, %broadcast_in_dim3A_889 in 1 : vector<100x32xf32>, vector<100x1xf32> -> vector<100x33xf32>
    %dot_general3A_897 = arith.constant dense<0.000000e+00> : vector<100x33xf32>
    %dot_general3A_898 = tpu.matmul %exp3A_895, %concatenate3A_896, %dot_general3A_897 {dimension_numbers = #tpu.dot_dimension_numbers<[1], [0], [0], [1], [0, 0, 1, 1], [], []>, transpose_lhs_hint = false} : vector<100x100xf32>, vector<100x33xf32>, vector<100x33xf32> -> vector<100x33xf32>
    %slice3A_899 = vector.extract_strided_slice %dot_general3A_898 {offsets = [0, 0], sizes = [100, 32], strides = [1, 1]} : vector<100x33xf32> to vector<100x32xf32>
    %slice3A_900 = vector.extract_strided_slice %dot_general3A_898 {offsets = [0, 32], sizes = [100, 1], strides = [1, 1]} : vector<100x33xf32> to vector<100x1xf32>
    %div3A_901 = vector.broadcast %slice3A_900 : vector<100x1xf32> to vector<100x32xf32>
    %div3A_902 = arith.divf %slice3A_899, %div3A_901 : vector<100x32xf32>
    %slice3A_903 = vector.extract_strided_slice %add3A_867 {offsets = [0, 32], sizes = [100, 32], strides = [1, 1]} : vector<400x128xf32> to vector<100x32xf32>
    %slice3A_904 = vector.extract_strided_slice %add3A_877 {offsets = [0, 32], sizes = [100, 32], strides = [1, 1]} : vector<400x128xf32> to vector<100x32xf32>
    %slice3A_905 = vector.extract_strided_slice %add3A_887 {offsets = [0, 32], sizes = [100, 32], strides = [1, 1]} : vector<400x128xf32> to vector<100x32xf32>
    %dot_general3A_906 = arith.constant dense<0.000000e+00> : vector<100x100xf32>
    %dot_general3A_907 = tpu.matmul %slice3A_903, %slice3A_904, %dot_general3A_906 {dimension_numbers = #tpu.dot_dimension_numbers<[1], [1], [0], [0], [0, 0, 1, 0], [], []>, transpose_lhs_hint = false} : vector<100x32xf32>, vector<100x32xf32>, vector<100x100xf32> -> vector<100x100xf32>
    %exp3A_908 = math.exp %dot_general3A_907 : vector<100x100xf32>
    %concatenate3A_909 = tpu.concatenate %slice3A_905, %broadcast_in_dim3A_889 in 1 : vector<100x32xf32>, vector<100x1xf32> -> vector<100x33xf32>
    %dot_general3A_910 = arith.constant dense<0.000000e+00> : vector<100x33xf32>
    %dot_general3A_911 = tpu.matmul %exp3A_908, %concatenate3A_909, %dot_general3A_910 {dimension_numbers = #tpu.dot_dimension_numbers<[1], [0], [0], [1], [0, 0, 1, 1], [], []>, transpose_lhs_hint = false} : vector<100x100xf32>, vector<100x33xf32>, vector<100x33xf32> -> vector<100x33xf32>
    %slice3A_912 = vector.extract_strided_slice %dot_general3A_911 {offsets = [0, 0], sizes = [100, 32], strides = [1, 1]} : vector<100x33xf32> to vector<100x32xf32>
    %slice3A_913 = vector.extract_strided_slice %dot_general3A_911 {offsets = [0, 32], sizes = [100, 1], strides = [1, 1]} : vector<100x33xf32> to vector<100x1xf32>
    %div3A_914 = vector.broadcast %slice3A_913 : vector<100x1xf32> to vector<100x32xf32>
    %div3A_915 = arith.divf %slice3A_912, %div3A_914 : vector<100x32xf32>
    %slice3A_916 = vector.extract_strided_slice %add3A_867 {offsets = [0, 64], sizes = [100, 32], strides = [1, 1]} : vector<400x128xf32> to vector<100x32xf32>
    %slice3A_917 = vector.extract_strided_slice %add3A_877 {offsets = [0, 64], sizes = [100, 32], strides = [1, 1]} : vector<400x128xf32> to vector<100x32xf32>
    %slice3A_918 = vector.extract_strided_slice %add3A_887 {offsets = [0, 64], sizes = [100, 32], strides = [1, 1]} : vector<400x128xf32> to vector<100x32xf32>
    %dot_general3A_919 = arith.constant dense<0.000000e+00> : vector<100x100xf32>
    %dot_general3A_920 = tpu.matmul %slice3A_916, %slice3A_917, %dot_general3A_919 {dimension_numbers = #tpu.dot_dimension_numbers<[1], [1], [0], [0], [0, 0, 1, 0], [], []>, transpose_lhs_hint = false} : vector<100x32xf32>, vector<100x32xf32>, vector<100x100xf32> -> vector<100x100xf32>
    %exp3A_921 = math.exp %dot_general3A_920 : vector<100x100xf32>
    %concatenate3A_922 = tpu.concatenate %slice3A_918, %broadcast_in_dim3A_889 in 1 : vector<100x32xf32>, vector<100x1xf32> -> vector<100x33xf32>
    %dot_general3A_923 = arith.constant dense<0.000000e+00> : vector<100x33xf32>
    %dot_general3A_924 = tpu.matmul %exp3A_921, %concatenate3A_922, %dot_general3A_923 {dimension_numbers = #tpu.dot_dimension_numbers<[1], [0], [0], [1], [0, 0, 1, 1], [], []>, transpose_lhs_hint = false} : vector<100x100xf32>, vector<100x33xf32>, vector<100x33xf32> -> vector<100x33xf32>
    %slice3A_925 = vector.extract_strided_slice %dot_general3A_924 {offsets = [0, 0], sizes = [100, 32], strides = [1, 1]} : vector<100x33xf32> to vector<100x32xf32>
    %slice3A_926 = vector.extract_strided_slice %dot_general3A_924 {offsets = [0, 32], sizes = [100, 1], strides = [1, 1]} : vector<100x33xf32> to vector<100x1xf32>
    %div3A_927 = vector.broadcast %slice3A_926 : vector<100x1xf32> to vector<100x32xf32>
    %div3A_928 = arith.divf %slice3A_925, %div3A_927 : vector<100x32xf32>
    %slice3A_929 = vector.extract_strided_slice %add3A_867 {offsets = [0, 96], sizes = [100, 32], strides = [1, 1]} : vector<400x128xf32> to vector<100x32xf32>
    %slice3A_930 = vector.extract_strided_slice %add3A_877 {offsets = [0, 96], sizes = [100, 32], strides = [1, 1]} : vector<400x128xf32> to vector<100x32xf32>
    %slice3A_931 = vector.extract_strided_slice %add3A_887 {offsets = [0, 96], sizes = [100, 32], strides = [1, 1]} : vector<400x128xf32> to vector<100x32xf32>
    %dot_general3A_932 = arith.constant dense<0.000000e+00> : vector<100x100xf32>
    %dot_general3A_933 = tpu.matmul %slice3A_929, %slice3A_930, %dot_general3A_932 {dimension_numbers = #tpu.dot_dimension_numbers<[1], [1], [0], [0], [0, 0, 1, 0], [], []>, transpose_lhs_hint = false} : vector<100x32xf32>, vector<100x32xf32>, vector<100x100xf32> -> vector<100x100xf32>
    %exp3A_934 = math.exp %dot_general3A_933 : vector<100x100xf32>
    %concatenate3A_935 = tpu.concatenate %slice3A_931, %broadcast_in_dim3A_889 in 1 : vector<100x32xf32>, vector<100x1xf32> -> vector<100x33xf32>
    %dot_general3A_936 = arith.constant dense<0.000000e+00> : vector<100x33xf32>
    %dot_general3A_937 = tpu.matmul %exp3A_934, %concatenate3A_935, %dot_general3A_936 {dimension_numbers = #tpu.dot_dimension_numbers<[1], [0], [0], [1], [0, 0, 1, 1], [], []>, transpose_lhs_hint = false} : vector<100x100xf32>, vector<100x33xf32>, vector<100x33xf32> -> vector<100x33xf32>
    %slice3A_938 = vector.extract_strided_slice %dot_general3A_937 {offsets = [0, 0], sizes = [100, 32], strides = [1, 1]} : vector<100x33xf32> to vector<100x32xf32>
    %slice3A_939 = vector.extract_strided_slice %dot_general3A_937 {offsets = [0, 32], sizes = [100, 1], strides = [1, 1]} : vector<100x33xf32> to vector<100x1xf32>
    %div3A_940 = vector.broadcast %slice3A_939 : vector<100x1xf32> to vector<100x32xf32>
    %div3A_941 = arith.divf %slice3A_938, %div3A_940 : vector<100x32xf32>
    %concatenate3A_942 = tpu.concatenate %div3A_902, %div3A_915, %div3A_928, %div3A_941 in 1 : vector<100x32xf32>, vector<100x32xf32>, vector<100x32xf32>, vector<100x32xf32> -> vector<100x128xf32>
    %slice3A_943 = vector.extract_strided_slice %add3A_867 {offsets = [100, 0], sizes = [100, 32], strides = [1, 1]} : vector<400x128xf32> to vector<100x32xf32>
    %slice3A_944 = vector.extract_strided_slice %add3A_877 {offsets = [100, 0], sizes = [100, 32], strides = [1, 1]} : vector<400x128xf32> to vector<100x32xf32>
    %slice3A_945 = vector.extract_strided_slice %add3A_887 {offsets = [100, 0], sizes = [100, 32], strides = [1, 1]} : vector<400x128xf32> to vector<100x32xf32>
    %dot_general3A_946 = arith.constant dense<0.000000e+00> : vector<100x100xf32>
    %dot_general3A_947 = tpu.matmul %slice3A_943, %slice3A_944, %dot_general3A_946 {dimension_numbers = #tpu.dot_dimension_numbers<[1], [1], [0], [0], [0, 0, 1, 0], [], []>, transpose_lhs_hint = false} : vector<100x32xf32>, vector<100x32xf32>, vector<100x100xf32> -> vector<100x100xf32>
    %exp3A_948 = math.exp %dot_general3A_947 : vector<100x100xf32>
    %concatenate3A_949 = tpu.concatenate %slice3A_945, %broadcast_in_dim3A_889 in 1 : vector<100x32xf32>, vector<100x1xf32> -> vector<100x33xf32>
    %dot_general3A_950 = arith.constant dense<0.000000e+00> : vector<100x33xf32>
    %dot_general3A_951 = tpu.matmul %exp3A_948, %concatenate3A_949, %dot_general3A_950 {dimension_numbers = #tpu.dot_dimension_numbers<[1], [0], [0], [1], [0, 0, 1, 1], [], []>, transpose_lhs_hint = false} : vector<100x100xf32>, vector<100x33xf32>, vector<100x33xf32> -> vector<100x33xf32>
    %slice3A_952 = vector.extract_strided_slice %dot_general3A_951 {offsets = [0, 0], sizes = [100, 32], strides = [1, 1]} : vector<100x33xf32> to vector<100x32xf32>
    %slice3A_953 = vector.extract_strided_slice %dot_general3A_951 {offsets = [0, 32], sizes = [100, 1], strides = [1, 1]} : vector<100x33xf32> to vector<100x1xf32>
    %div3A_954 = vector.broadcast %slice3A_953 : vector<100x1xf32> to vector<100x32xf32>
    %div3A_955 = arith.divf %slice3A_952, %div3A_954 : vector<100x32xf32>
    %slice3A_956 = vector.extract_strided_slice %add3A_867 {offsets = [100, 32], sizes = [100, 32], strides = [1, 1]} : vector<400x128xf32> to vector<100x32xf32>
    %slice3A_957 = vector.extract_strided_slice %add3A_877 {offsets = [100, 32], sizes = [100, 32], strides = [1, 1]} : vector<400x128xf32> to vector<100x32xf32>
    %slice3A_958 = vector.extract_strided_slice %add3A_887 {offsets = [100, 32], sizes = [100, 32], strides = [1, 1]} : vector<400x128xf32> to vector<100x32xf32>
    %dot_general3A_959 = arith.constant dense<0.000000e+00> : vector<100x100xf32>
    %dot_general3A_960 = tpu.matmul %slice3A_956, %slice3A_957, %dot_general3A_959 {dimension_numbers = #tpu.dot_dimension_numbers<[1], [1], [0], [0], [0, 0, 1, 0], [], []>, transpose_lhs_hint = false} : vector<100x32xf32>, vector<100x32xf32>, vector<100x100xf32> -> vector<100x100xf32>
    %exp3A_961 = math.exp %dot_general3A_960 : vector<100x100xf32>
    %concatenate3A_962 = tpu.concatenate %slice3A_958, %broadcast_in_dim3A_889 in 1 : vector<100x32xf32>, vector<100x1xf32> -> vector<100x33xf32>
    %dot_general3A_963 = arith.constant dense<0.000000e+00> : vector<100x33xf32>
    %dot_general3A_964 = tpu.matmul %exp3A_961, %concatenate3A_962, %dot_general3A_963 {dimension_numbers = #tpu.dot_dimension_numbers<[1], [0], [0], [1], [0, 0, 1, 1], [], []>, transpose_lhs_hint = false} : vector<100x100xf32>, vector<100x33xf32>, vector<100x33xf32> -> vector<100x33xf32>
    %slice3A_965 = vector.extract_strided_slice %dot_general3A_964 {offsets = [0, 0], sizes = [100, 32], strides = [1, 1]} : vector<100x33xf32> to vector<100x32xf32>
    %slice3A_966 = vector.extract_strided_slice %dot_general3A_964 {offsets = [0, 32], sizes = [100, 1], strides = [1, 1]} : vector<100x33xf32> to vector<100x1xf32>
    %div3A_967 = vector.broadcast %slice3A_966 : vector<100x1xf32> to vector<100x32xf32>
    %div3A_968 = arith.divf %slice3A_965, %div3A_967 : vector<100x32xf32>
    %slice3A_969 = vector.extract_strided_slice %add3A_867 {offsets = [100, 64], sizes = [100, 32], strides = [1, 1]} : vector<400x128xf32> to vector<100x32xf32>
    %slice3A_970 = vector.extract_strided_slice %add3A_877 {offsets = [100, 64], sizes = [100, 32], strides = [1, 1]} : vector<400x128xf32> to vector<100x32xf32>
    %slice3A_971 = vector.extract_strided_slice %add3A_887 {offsets = [100, 64], sizes = [100, 32], strides = [1, 1]} : vector<400x128xf32> to vector<100x32xf32>
    %dot_general3A_972 = arith.constant dense<0.000000e+00> : vector<100x100xf32>
    %dot_general3A_973 = tpu.matmul %slice3A_969, %slice3A_970, %dot_general3A_972 {dimension_numbers = #tpu.dot_dimension_numbers<[1], [1], [0], [0], [0, 0, 1, 0], [], []>, transpose_lhs_hint = false} : vector<100x32xf32>, vector<100x32xf32>, vector<100x100xf32> -> vector<100x100xf32>
    %exp3A_974 = math.exp %dot_general3A_973 : vector<100x100xf32>
    %concatenate3A_975 = tpu.concatenate %slice3A_971, %broadcast_in_dim3A_889 in 1 : vector<100x32xf32>, vector<100x1xf32> -> vector<100x33xf32>
    %dot_general3A_976 = arith.constant dense<0.000000e+00> : vector<100x33xf32>
    %dot_general3A_977 = tpu.matmul %exp3A_974, %concatenate3A_975, %dot_general3A_976 {dimension_numbers = #tpu.dot_dimension_numbers<[1], [0], [0], [1], [0, 0, 1, 1], [], []>, transpose_lhs_hint = false} : vector<100x100xf32>, vector<100x33xf32>, vector<100x33xf32> -> vector<100x33xf32>
    %slice3A_978 = vector.extract_strided_slice %dot_general3A_977 {offsets = [0, 0], sizes = [100, 32], strides = [1, 1]} : vector<100x33xf32> to vector<100x32xf32>
    %slice3A_979 = vector.extract_strided_slice %dot_general3A_977 {offsets = [0, 32], sizes = [100, 1], strides = [1, 1]} : vector<100x33xf32> to vector<100x1xf32>
    %div3A_980 = vector.broadcast %slice3A_979 : vector<100x1xf32> to vector<100x32xf32>
    %div3A_981 = arith.divf %slice3A_978, %div3A_980 : vector<100x32xf32>
    %slice3A_982 = vector.extract_strided_slice %add3A_867 {offsets = [100, 96], sizes = [100, 32], strides = [1, 1]} : vector<400x128xf32> to vector<100x32xf32>
    %slice3A_983 = vector.extract_strided_slice %add3A_877 {offsets = [100, 96], sizes = [100, 32], strides = [1, 1]} : vector<400x128xf32> to vector<100x32xf32>
    %slice3A_984 = vector.extract_strided_slice %add3A_887 {offsets = [100, 96], sizes = [100, 32], strides = [1, 1]} : vector<400x128xf32> to vector<100x32xf32>
    %dot_general3A_985 = arith.constant dense<0.000000e+00> : vector<100x100xf32>
    %dot_general3A_986 = tpu.matmul %slice3A_982, %slice3A_983, %dot_general3A_985 {dimension_numbers = #tpu.dot_dimension_numbers<[1], [1], [0], [0], [0, 0, 1, 0], [], []>, transpose_lhs_hint = false} : vector<100x32xf32>, vector<100x32xf32>, vector<100x100xf32> -> vector<100x100xf32>
    %exp3A_987 = math.exp %dot_general3A_986 : vector<100x100xf32>
    %concatenate3A_988 = tpu.concatenate %slice3A_984, %broadcast_in_dim3A_889 in 1 : vector<100x32xf32>, vector<100x1xf32> -> vector<100x33xf32>
    %dot_general3A_989 = arith.constant dense<0.000000e+00> : vector<100x33xf32>
    %dot_general3A_990 = tpu.matmul %exp3A_987, %concatenate3A_988, %dot_general3A_989 {dimension_numbers = #tpu.dot_dimension_numbers<[1], [0], [0], [1], [0, 0, 1, 1], [], []>, transpose_lhs_hint = false} : vector<100x100xf32>, vector<100x33xf32>, vector<100x33xf32> -> vector<100x33xf32>
    %slice3A_991 = vector.extract_strided_slice %dot_general3A_990 {offsets = [0, 0], sizes = [100, 32], strides = [1, 1]} : vector<100x33xf32> to vector<100x32xf32>
    %slice3A_992 = vector.extract_strided_slice %dot_general3A_990 {offsets = [0, 32], sizes = [100, 1], strides = [1, 1]} : vector<100x33xf32> to vector<100x1xf32>
    %div3A_993 = vector.broadcast %slice3A_992 : vector<100x1xf32> to vector<100x32xf32>
    %div3A_994 = arith.divf %slice3A_991, %div3A_993 : vector<100x32xf32>
    %concatenate3A_995 = tpu.concatenate %div3A_955, %div3A_968, %div3A_981, %div3A_994 in 1 : vector<100x32xf32>, vector<100x32xf32>, vector<100x32xf32>, vector<100x32xf32> -> vector<100x128xf32>
    %slice3A_996 = vector.extract_strided_slice %add3A_867 {offsets = [200, 0], sizes = [100, 32], strides = [1, 1]} : vector<400x128xf32> to vector<100x32xf32>
    %slice3A_997 = vector.extract_strided_slice %add3A_877 {offsets = [200, 0], sizes = [100, 32], strides = [1, 1]} : vector<400x128xf32> to vector<100x32xf32>
    %slice3A_998 = vector.extract_strided_slice %add3A_887 {offsets = [200, 0], sizes = [100, 32], strides = [1, 1]} : vector<400x128xf32> to vector<100x32xf32>
    %dot_general3A_999 = arith.constant dense<0.000000e+00> : vector<100x100xf32>
    %dot_general3A_1000 = tpu.matmul %slice3A_996, %slice3A_997, %dot_general3A_999 {dimension_numbers = #tpu.dot_dimension_numbers<[1], [1], [0], [0], [0, 0, 1, 0], [], []>, transpose_lhs_hint = false} : vector<100x32xf32>, vector<100x32xf32>, vector<100x100xf32> -> vector<100x100xf32>
    %exp3A_1001 = math.exp %dot_general3A_1000 : vector<100x100xf32>
    %concatenate3A_1002 = tpu.concatenate %slice3A_998, %broadcast_in_dim3A_889 in 1 : vector<100x32xf32>, vector<100x1xf32> -> vector<100x33xf32>
    %dot_general3A_1003 = arith.constant dense<0.000000e+00> : vector<100x33xf32>
    %dot_general3A_1004 = tpu.matmul %exp3A_1001, %concatenate3A_1002, %dot_general3A_1003 {dimension_numbers = #tpu.dot_dimension_numbers<[1], [0], [0], [1], [0, 0, 1, 1], [], []>, transpose_lhs_hint = false} : vector<100x100xf32>, vector<100x33xf32>, vector<100x33xf32> -> vector<100x33xf32>
    %slice3A_1005 = vector.extract_strided_slice %dot_general3A_1004 {offsets = [0, 0], sizes = [100, 32], strides = [1, 1]} : vector<100x33xf32> to vector<100x32xf32>
    %slice3A_1006 = vector.extract_strided_slice %dot_general3A_1004 {offsets = [0, 32], sizes = [100, 1], strides = [1, 1]} : vector<100x33xf32> to vector<100x1xf32>
    %div3A_1007 = vector.broadcast %slice3A_1006 : vector<100x1xf32> to vector<100x32xf32>
    %div3A_1008 = arith.divf %slice3A_1005, %div3A_1007 : vector<100x32xf32>
    %slice3A_1009 = vector.extract_strided_slice %add3A_867 {offsets = [200, 32], sizes = [100, 32], strides = [1, 1]} : vector<400x128xf32> to vector<100x32xf32>
    %slice3A_1010 = vector.extract_strided_slice %add3A_877 {offsets = [200, 32], sizes = [100, 32], strides = [1, 1]} : vector<400x128xf32> to vector<100x32xf32>
    %slice3A_1011 = vector.extract_strided_slice %add3A_887 {offsets = [200, 32], sizes = [100, 32], strides = [1, 1]} : vector<400x128xf32> to vector<100x32xf32>
    %dot_general3A_1012 = arith.constant dense<0.000000e+00> : vector<100x100xf32>
    %dot_general3A_1013 = tpu.matmul %slice3A_1009, %slice3A_1010, %dot_general3A_1012 {dimension_numbers = #tpu.dot_dimension_numbers<[1], [1], [0], [0], [0, 0, 1, 0], [], []>, transpose_lhs_hint = false} : vector<100x32xf32>, vector<100x32xf32>, vector<100x100xf32> -> vector<100x100xf32>
    %exp3A_1014 = math.exp %dot_general3A_1013 : vector<100x100xf32>
    %concatenate3A_1015 = tpu.concatenate %slice3A_1011, %broadcast_in_dim3A_889 in 1 : vector<100x32xf32>, vector<100x1xf32> -> vector<100x33xf32>
    %dot_general3A_1016 = arith.constant dense<0.000000e+00> : vector<100x33xf32>
    %dot_general3A_1017 = tpu.matmul %exp3A_1014, %concatenate3A_1015, %dot_general3A_1016 {dimension_numbers = #tpu.dot_dimension_numbers<[1], [0], [0], [1], [0, 0, 1, 1], [], []>, transpose_lhs_hint = false} : vector<100x100xf32>, vector<100x33xf32>, vector<100x33xf32> -> vector<100x33xf32>
    %slice3A_1018 = vector.extract_strided_slice %dot_general3A_1017 {offsets = [0, 0], sizes = [100, 32], strides = [1, 1]} : vector<100x33xf32> to vector<100x32xf32>
    %slice3A_1019 = vector.extract_strided_slice %dot_general3A_1017 {offsets = [0, 32], sizes = [100, 1], strides = [1, 1]} : vector<100x33xf32> to vector<100x1xf32>
    %div3A_1020 = vector.broadcast %slice3A_1019 : vector<100x1xf32> to vector<100x32xf32>
    %div3A_1021 = arith.divf %slice3A_1018, %div3A_1020 : vector<100x32xf32>
    %slice3A_1022 = vector.extract_strided_slice %add3A_867 {offsets = [200, 64], sizes = [100, 32], strides = [1, 1]} : vector<400x128xf32> to vector<100x32xf32>
    %slice3A_1023 = vector.extract_strided_slice %add3A_877 {offsets = [200, 64], sizes = [100, 32], strides = [1, 1]} : vector<400x128xf32> to vector<100x32xf32>
    %slice3A_1024 = vector.extract_strided_slice %add3A_887 {offsets = [200, 64], sizes = [100, 32], strides = [1, 1]} : vector<400x128xf32> to vector<100x32xf32>
    %dot_general3A_1025 = arith.constant dense<0.000000e+00> : vector<100x100xf32>
    %dot_general3A_1026 = tpu.matmul %slice3A_1022, %slice3A_1023, %dot_general3A_1025 {dimension_numbers = #tpu.dot_dimension_numbers<[1], [1], [0], [0], [0, 0, 1, 0], [], []>, transpose_lhs_hint = false} : vector<100x32xf32>, vector<100x32xf32>, vector<100x100xf32> -> vector<100x100xf32>
    %exp3A_1027 = math.exp %dot_general3A_1026 : vector<100x100xf32>
    %concatenate3A_1028 = tpu.concatenate %slice3A_1024, %broadcast_in_dim3A_889 in 1 : vector<100x32xf32>, vector<100x1xf32> -> vector<100x33xf32>
    %dot_general3A_1029 = arith.constant dense<0.000000e+00> : vector<100x33xf32>
    %dot_general3A_1030 = tpu.matmul %exp3A_1027, %concatenate3A_1028, %dot_general3A_1029 {dimension_numbers = #tpu.dot_dimension_numbers<[1], [0], [0], [1], [0, 0, 1, 1], [], []>, transpose_lhs_hint = false} : vector<100x100xf32>, vector<100x33xf32>, vector<100x33xf32> -> vector<100x33xf32>
    %slice3A_1031 = vector.extract_strided_slice %dot_general3A_1030 {offsets = [0, 0], sizes = [100, 32], strides = [1, 1]} : vector<100x33xf32> to vector<100x32xf32>
    %slice3A_1032 = vector.extract_strided_slice %dot_general3A_1030 {offsets = [0, 32], sizes = [100, 1], strides = [1, 1]} : vector<100x33xf32> to vector<100x1xf32>
    %div3A_1033 = vector.broadcast %slice3A_1032 : vector<100x1xf32> to vector<100x32xf32>
    %div3A_1034 = arith.divf %slice3A_1031, %div3A_1033 : vector<100x32xf32>
    %slice3A_1035 = vector.extract_strided_slice %add3A_867 {offsets = [200, 96], sizes = [100, 32], strides = [1, 1]} : vector<400x128xf32> to vector<100x32xf32>
    %slice3A_1036 = vector.extract_strided_slice %add3A_877 {offsets = [200, 96], sizes = [100, 32], strides = [1, 1]} : vector<400x128xf32> to vector<100x32xf32>
    %slice3A_1037 = vector.extract_strided_slice %add3A_887 {offsets = [200, 96], sizes = [100, 32], strides = [1, 1]} : vector<400x128xf32> to vector<100x32xf32>
    %dot_general3A_1038 = arith.constant dense<0.000000e+00> : vector<100x100xf32>
    %dot_general3A_1039 = tpu.matmul %slice3A_1035, %slice3A_1036, %dot_general3A_1038 {dimension_numbers = #tpu.dot_dimension_numbers<[1], [1], [0], [0], [0, 0, 1, 0], [], []>, transpose_lhs_hint = false} : vector<100x32xf32>, vector<100x32xf32>, vector<100x100xf32> -> vector<100x100xf32>
    %exp3A_1040 = math.exp %dot_general3A_1039 : vector<100x100xf32>
    %concatenate3A_1041 = tpu.concatenate %slice3A_1037, %broadcast_in_dim3A_889 in 1 : vector<100x32xf32>, vector<100x1xf32> -> vector<100x33xf32>
    %dot_general3A_1042 = arith.constant dense<0.000000e+00> : vector<100x33xf32>
    %dot_general3A_1043 = tpu.matmul %exp3A_1040, %concatenate3A_1041, %dot_general3A_1042 {dimension_numbers = #tpu.dot_dimension_numbers<[1], [0], [0], [1], [0, 0, 1, 1], [], []>, transpose_lhs_hint = false} : vector<100x100xf32>, vector<100x33xf32>, vector<100x33xf32> -> vector<100x33xf32>
    %slice3A_1044 = vector.extract_strided_slice %dot_general3A_1043 {offsets = [0, 0], sizes = [100, 32], strides = [1, 1]} : vector<100x33xf32> to vector<100x32xf32>
    %slice3A_1045 = vector.extract_strided_slice %dot_general3A_1043 {offsets = [0, 32], sizes = [100, 1], strides = [1, 1]} : vector<100x33xf32> to vector<100x1xf32>
    %div3A_1046 = vector.broadcast %slice3A_1045 : vector<100x1xf32> to vector<100x32xf32>
    %div3A_1047 = arith.divf %slice3A_1044, %div3A_1046 : vector<100x32xf32>
    %concatenate3A_1048 = tpu.concatenate %div3A_1008, %div3A_1021, %div3A_1034, %div3A_1047 in 1 : vector<100x32xf32>, vector<100x32xf32>, vector<100x32xf32>, vector<100x32xf32> -> vector<100x128xf32>
    %slice3A_1049 = vector.extract_strided_slice %add3A_867 {offsets = [300, 0], sizes = [100, 32], strides = [1, 1]} : vector<400x128xf32> to vector<100x32xf32>
    %slice3A_1050 = vector.extract_strided_slice %add3A_877 {offsets = [300, 0], sizes = [100, 32], strides = [1, 1]} : vector<400x128xf32> to vector<100x32xf32>
    %slice3A_1051 = vector.extract_strided_slice %add3A_887 {offsets = [300, 0], sizes = [100, 32], strides = [1, 1]} : vector<400x128xf32> to vector<100x32xf32>
    %dot_general3A_1052 = arith.constant dense<0.000000e+00> : vector<100x100xf32>
    %dot_general3A_1053 = tpu.matmul %slice3A_1049, %slice3A_1050, %dot_general3A_1052 {dimension_numbers = #tpu.dot_dimension_numbers<[1], [1], [0], [0], [0, 0, 1, 0], [], []>, transpose_lhs_hint = false} : vector<100x32xf32>, vector<100x32xf32>, vector<100x100xf32> -> vector<100x100xf32>
    %exp3A_1054 = math.exp %dot_general3A_1053 : vector<100x100xf32>
    %concatenate3A_1055 = tpu.concatenate %slice3A_1051, %broadcast_in_dim3A_889 in 1 : vector<100x32xf32>, vector<100x1xf32> -> vector<100x33xf32>
    %dot_general3A_1056 = arith.constant dense<0.000000e+00> : vector<100x33xf32>
    %dot_general3A_1057 = tpu.matmul %exp3A_1054, %concatenate3A_1055, %dot_general3A_1056 {dimension_numbers = #tpu.dot_dimension_numbers<[1], [0], [0], [1], [0, 0, 1, 1], [], []>, transpose_lhs_hint = false} : vector<100x100xf32>, vector<100x33xf32>, vector<100x33xf32> -> vector<100x33xf32>
    %slice3A_1058 = vector.extract_strided_slice %dot_general3A_1057 {offsets = [0, 0], sizes = [100, 32], strides = [1, 1]} : vector<100x33xf32> to vector<100x32xf32>
    %slice3A_1059 = vector.extract_strided_slice %dot_general3A_1057 {offsets = [0, 32], sizes = [100, 1], strides = [1, 1]} : vector<100x33xf32> to vector<100x1xf32>
    %div3A_1060 = vector.broadcast %slice3A_1059 : vector<100x1xf32> to vector<100x32xf32>
    %div3A_1061 = arith.divf %slice3A_1058, %div3A_1060 : vector<100x32xf32>
    %slice3A_1062 = vector.extract_strided_slice %add3A_867 {offsets = [300, 32], sizes = [100, 32], strides = [1, 1]} : vector<400x128xf32> to vector<100x32xf32>
    %slice3A_1063 = vector.extract_strided_slice %add3A_877 {offsets = [300, 32], sizes = [100, 32], strides = [1, 1]} : vector<400x128xf32> to vector<100x32xf32>
    %slice3A_1064 = vector.extract_strided_slice %add3A_887 {offsets = [300, 32], sizes = [100, 32], strides = [1, 1]} : vector<400x128xf32> to vector<100x32xf32>
    %dot_general3A_1065 = arith.constant dense<0.000000e+00> : vector<100x100xf32>
    %dot_general3A_1066 = tpu.matmul %slice3A_1062, %slice3A_1063, %dot_general3A_1065 {dimension_numbers = #tpu.dot_dimension_numbers<[1], [1], [0], [0], [0, 0, 1, 0], [], []>, transpose_lhs_hint = false} : vector<100x32xf32>, vector<100x32xf32>, vector<100x100xf32> -> vector<100x100xf32>
    %exp3A_1067 = math.exp %dot_general3A_1066 : vector<100x100xf32>
    %concatenate3A_1068 = tpu.concatenate %slice3A_1064, %broadcast_in_dim3A_889 in 1 : vector<100x32xf32>, vector<100x1xf32> -> vector<100x33xf32>
    %dot_general3A_1069 = arith.constant dense<0.000000e+00> : vector<100x33xf32>
    %dot_general3A_1070 = tpu.matmul %exp3A_1067, %concatenate3A_1068, %dot_general3A_1069 {dimension_numbers = #tpu.dot_dimension_numbers<[1], [0], [0], [1], [0, 0, 1, 1], [], []>, transpose_lhs_hint = false} : vector<100x100xf32>, vector<100x33xf32>, vector<100x33xf32> -> vector<100x33xf32>
    %slice3A_1071 = vector.extract_strided_slice %dot_general3A_1070 {offsets = [0, 0], sizes = [100, 32], strides = [1, 1]} : vector<100x33xf32> to vector<100x32xf32>
    %slice3A_1072 = vector.extract_strided_slice %dot_general3A_1070 {offsets = [0, 32], sizes = [100, 1], strides = [1, 1]} : vector<100x33xf32> to vector<100x1xf32>
    %div3A_1073 = vector.broadcast %slice3A_1072 : vector<100x1xf32> to vector<100x32xf32>
    %div3A_1074 = arith.divf %slice3A_1071, %div3A_1073 : vector<100x32xf32>
    %slice3A_1075 = vector.extract_strided_slice %add3A_867 {offsets = [300, 64], sizes = [100, 32], strides = [1, 1]} : vector<400x128xf32> to vector<100x32xf32>
    %slice3A_1076 = vector.extract_strided_slice %add3A_877 {offsets = [300, 64], sizes = [100, 32], strides = [1, 1]} : vector<400x128xf32> to vector<100x32xf32>
    %slice3A_1077 = vector.extract_strided_slice %add3A_887 {offsets = [300, 64], sizes = [100, 32], strides = [1, 1]} : vector<400x128xf32> to vector<100x32xf32>
    %dot_general3A_1078 = arith.constant dense<0.000000e+00> : vector<100x100xf32>
    %dot_general3A_1079 = tpu.matmul %slice3A_1075, %slice3A_1076, %dot_general3A_1078 {dimension_numbers = #tpu.dot_dimension_numbers<[1], [1], [0], [0], [0, 0, 1, 0], [], []>, transpose_lhs_hint = false} : vector<100x32xf32>, vector<100x32xf32>, vector<100x100xf32> -> vector<100x100xf32>
    %exp3A_1080 = math.exp %dot_general3A_1079 : vector<100x100xf32>
    %concatenate3A_1081 = tpu.concatenate %slice3A_1077, %broadcast_in_dim3A_889 in 1 : vector<100x32xf32>, vector<100x1xf32> -> vector<100x33xf32>
    %dot_general3A_1082 = arith.constant dense<0.000000e+00> : vector<100x33xf32>
    %dot_general3A_1083 = tpu.matmul %exp3A_1080, %concatenate3A_1081, %dot_general3A_1082 {dimension_numbers = #tpu.dot_dimension_numbers<[1], [0], [0], [1], [0, 0, 1, 1], [], []>, transpose_lhs_hint = false} : vector<100x100xf32>, vector<100x33xf32>, vector<100x33xf32> -> vector<100x33xf32>
    %slice3A_1084 = vector.extract_strided_slice %dot_general3A_1083 {offsets = [0, 0], sizes = [100, 32], strides = [1, 1]} : vector<100x33xf32> to vector<100x32xf32>
    %slice3A_1085 = vector.extract_strided_slice %dot_general3A_1083 {offsets = [0, 32], sizes = [100, 1], strides = [1, 1]} : vector<100x33xf32> to vector<100x1xf32>
    %div3A_1086 = vector.broadcast %slice3A_1085 : vector<100x1xf32> to vector<100x32xf32>
    %div3A_1087 = arith.divf %slice3A_1084, %div3A_1086 : vector<100x32xf32>
    %slice3A_1088 = vector.extract_strided_slice %add3A_867 {offsets = [300, 96], sizes = [100, 32], strides = [1, 1]} : vector<400x128xf32> to vector<100x32xf32>
    %slice3A_1089 = vector.extract_strided_slice %add3A_877 {offsets = [300, 96], sizes = [100, 32], strides = [1, 1]} : vector<400x128xf32> to vector<100x32xf32>
    %slice3A_1090 = vector.extract_strided_slice %add3A_887 {offsets = [300, 96], sizes = [100, 32], strides = [1, 1]} : vector<400x128xf32> to vector<100x32xf32>
    %dot_general3A_1091 = arith.constant dense<0.000000e+00> : vector<100x100xf32>
    %dot_general3A_1092 = tpu.matmul %slice3A_1088, %slice3A_1089, %dot_general3A_1091 {dimension_numbers = #tpu.dot_dimension_numbers<[1], [1], [0], [0], [0, 0, 1, 0], [], []>, transpose_lhs_hint = false} : vector<100x32xf32>, vector<100x32xf32>, vector<100x100xf32> -> vector<100x100xf32>
    %exp3A_1093 = math.exp %dot_general3A_1092 : vector<100x100xf32>
    %concatenate3A_1094 = tpu.concatenate %slice3A_1090, %broadcast_in_dim3A_889 in 1 : vector<100x32xf32>, vector<100x1xf32> -> vector<100x33xf32>
    %dot_general3A_1095 = arith.constant dense<0.000000e+00> : vector<100x33xf32>
    %dot_general3A_1096 = tpu.matmul %exp3A_1093, %concatenate3A_1094, %dot_general3A_1095 {dimension_numbers = #tpu.dot_dimension_numbers<[1], [0], [0], [1], [0, 0, 1, 1], [], []>, transpose_lhs_hint = false} : vector<100x100xf32>, vector<100x33xf32>, vector<100x33xf32> -> vector<100x33xf32>
    %slice3A_1097 = vector.extract_strided_slice %dot_general3A_1096 {offsets = [0, 0], sizes = [100, 32], strides = [1, 1]} : vector<100x33xf32> to vector<100x32xf32>
    %slice3A_1098 = vector.extract_strided_slice %dot_general3A_1096 {offsets = [0, 32], sizes = [100, 1], strides = [1, 1]} : vector<100x33xf32> to vector<100x1xf32>
    %div3A_1099 = vector.broadcast %slice3A_1098 : vector<100x1xf32> to vector<100x32xf32>
    %div3A_1100 = arith.divf %slice3A_1097, %div3A_1099 : vector<100x32xf32>
    %concatenate3A_1101 = tpu.concatenate %div3A_1061, %div3A_1074, %div3A_1087, %div3A_1100 in 1 : vector<100x32xf32>, vector<100x32xf32>, vector<100x32xf32>, vector<100x32xf32> -> vector<100x128xf32>
    %concatenate3A_1102 = tpu.concatenate %concatenate3A_942, %concatenate3A_995, %concatenate3A_1048, %concatenate3A_1101 in 0 : vector<100x128xf32>, vector<100x128xf32>, vector<100x128xf32>, vector<100x128xf32> -> vector<400x128xf32>
    %get3A_1103 = arith.constant 0 : index
    %get3A_1104 = arith.constant 0 : index
    %get3A_1105 = vector.load %arg12[%get3A_1103, %get3A_1104] : memref<128x128xf32, #tpu.memory_space<vmem>>, vector<128x128xf32>
    %dot_general3A_1106 = arith.constant dense<0.000000e+00> : vector<400x128xf32>
    %dot_general3A_1107 = tpu.matmul %concatenate3A_1102, %get3A_1105, %dot_general3A_1106 {dimension_numbers = #tpu.dot_dimension_numbers<[1], [0], [0], [1], [0, 0, 1, 1], [], []>, transpose_lhs_hint = false} : vector<400x128xf32>, vector<128x128xf32>, vector<400x128xf32> -> vector<400x128xf32>
    %get3A_1108 = arith.constant 0 : index
    %get3A_1109 = arith.constant 0 : index
    %get3A_1110 = vector.load %arg13[%get3A_1108, %get3A_1109] : memref<1x128xf32, #tpu.memory_space<vmem>>, vector<1x128xf32>
    %add3A_1111 = vector.broadcast %get3A_1110 : vector<1x128xf32> to vector<400x128xf32>
    %add3A_1112 = arith.addf %dot_general3A_1107, %add3A_1111 : vector<400x128xf32>
    %broadcast_in_dim3A_1113 = arith.constant 1.000000e+00 : f32
    %broadcast_in_dim3A_1114 = vector.broadcast %broadcast_in_dim3A_1113 : f32 to vector<128x1xf32>
    %add3A_1115 = arith.addf %reshape3A_857, %add3A_1112 : vector<400x128xf32>
    %get3A_1116 = arith.constant 0 : index
    %get3A_1117 = arith.constant 0 : index
    %get3A_1118 = vector.load %arg18[%get3A_1116, %get3A_1117] : memref<1x128xf32, #tpu.memory_space<vmem>>, vector<1x128xf32>
    %get3A_1119 = arith.constant 0 : index
    %get3A_1120 = arith.constant 0 : index
    %get3A_1121 = vector.load %arg19[%get3A_1119, %get3A_1120] : memref<1x128xf32, #tpu.memory_space<vmem>>, vector<1x128xf32>
    %dot_general3A_1122 = arith.constant dense<0.000000e+00> : vector<400x1xf32>
    %dot_general3A_1123 = tpu.matmul %add3A_1115, %broadcast_in_dim3A_1114, %dot_general3A_1122 {dimension_numbers = #tpu.dot_dimension_numbers<[1], [0], [0], [1], [0, 0, 1, 1], [], []>, transpose_lhs_hint = false} : vector<400x128xf32>, vector<128x1xf32>, vector<400x1xf32> -> vector<400x1xf32>
    %mul3A_1124 = arith.constant 7.812500e-03 : f32
    %mul3A_1125 = vector.broadcast %mul3A_1124 : f32 to vector<400x1xf32>
    %mul3A_1126 = arith.mulf %dot_general3A_1123, %mul3A_1125 : vector<400x1xf32>
    %sub3A_1127 = vector.broadcast %mul3A_1126 : vector<400x1xf32> to vector<400x128xf32>
    %sub3A_1128 = arith.subf %add3A_1115, %sub3A_1127 : vector<400x128xf32>
    %mul3A_1129 = arith.mulf %sub3A_1128, %sub3A_1128 : vector<400x128xf32>
    %dot_general3A_1130 = arith.constant dense<0.000000e+00> : vector<400x1xf32>
    %dot_general3A_1131 = tpu.matmul %mul3A_1129, %broadcast_in_dim3A_1114, %dot_general3A_1130 {dimension_numbers = #tpu.dot_dimension_numbers<[1], [0], [0], [1], [0, 0, 1, 1], [], []>, transpose_lhs_hint = false} : vector<400x128xf32>, vector<128x1xf32>, vector<400x1xf32> -> vector<400x1xf32>
    %mul3A_1132 = arith.constant 7.812500e-03 : f32
    %mul3A_1133 = vector.broadcast %mul3A_1132 : f32 to vector<400x1xf32>
    %mul3A_1134 = arith.mulf %dot_general3A_1131, %mul3A_1133 : vector<400x1xf32>
    %add3A_1135 = arith.constant 9.99999974E-6 : f32
    %add3A_1136 = vector.broadcast %add3A_1135 : f32 to vector<400x1xf32>
    %add3A_1137 = arith.addf %mul3A_1134, %add3A_1136 : vector<400x1xf32>
    %rsqrt3A_1138 = math.rsqrt %add3A_1137 : vector<400x1xf32>
    %mul3A_1139 = vector.broadcast %rsqrt3A_1138 : vector<400x1xf32> to vector<400x128xf32>
    %mul3A_1140 = arith.mulf %sub3A_1128, %mul3A_1139 : vector<400x128xf32>
    %mul3A_1141 = vector.broadcast %get3A_1118 : vector<1x128xf32> to vector<400x128xf32>
    %mul3A_1142 = arith.mulf %mul3A_1140, %mul3A_1141 : vector<400x128xf32>
    %add3A_1143 = vector.broadcast %get3A_1121 : vector<1x128xf32> to vector<400x128xf32>
    %add3A_1144 = arith.addf %mul3A_1142, %add3A_1143 : vector<400x128xf32>
    %get3A_1145 = arith.constant 0 : index
    %get3A_1146 = arith.constant 0 : index
    %get3A_1147 = vector.load %arg14[%get3A_1145, %get3A_1146] : memref<128x256xf32, #tpu.memory_space<vmem>>, vector<128x256xf32>
    %dot_general3A_1148 = arith.constant dense<0.000000e+00> : vector<400x256xf32>
    %dot_general3A_1149 = tpu.matmul %add3A_1144, %get3A_1147, %dot_general3A_1148 {dimension_numbers = #tpu.dot_dimension_numbers<[1], [0], [0], [1], [0, 0, 1, 1], [], []>, transpose_lhs_hint = false} : vector<400x128xf32>, vector<128x256xf32>, vector<400x256xf32> -> vector<400x256xf32>
    %get3A_1150 = arith.constant 0 : index
    %get3A_1151 = arith.constant 0 : index
    %get3A_1152 = vector.load %arg15[%get3A_1150, %get3A_1151] : memref<1x256xf32, #tpu.memory_space<vmem>>, vector<1x256xf32>
    %add3A_1153 = vector.broadcast %get3A_1152 : vector<1x256xf32> to vector<400x256xf32>
    %add3A_1154 = arith.addf %dot_general3A_1149, %add3A_1153 : vector<400x256xf32>
    %max3A_1155 = arith.constant 0.000000e+00 : f32
    %max3A_1156 = vector.broadcast %max3A_1155 : f32 to vector<400x256xf32>
    %max3A_1157 = arith.maximumf %add3A_1154, %max3A_1156 : vector<400x256xf32>
    %get3A_1158 = arith.constant 0 : index
    %get3A_1159 = arith.constant 0 : index
    %get3A_1160 = vector.load %arg16[%get3A_1158, %get3A_1159] : memref<256x128xf32, #tpu.memory_space<vmem>>, vector<256x128xf32>
    %dot_general3A_1161 = arith.constant dense<0.000000e+00> : vector<400x128xf32>
    %dot_general3A_1162 = tpu.matmul %max3A_1157, %get3A_1160, %dot_general3A_1161 {dimension_numbers = #tpu.dot_dimension_numbers<[1], [0], [0], [1], [0, 0, 1, 1], [], []>, transpose_lhs_hint = false} : vector<400x256xf32>, vector<256x128xf32>, vector<400x128xf32> -> vector<400x128xf32>
    %get3A_1163 = arith.constant 0 : index
    %get3A_1164 = arith.constant 0 : index
    %get3A_1165 = vector.load %arg17[%get3A_1163, %get3A_1164] : memref<1x128xf32, #tpu.memory_space<vmem>>, vector<1x128xf32>
    %add3A_1166 = vector.broadcast %get3A_1165 : vector<1x128xf32> to vector<400x128xf32>
    %add3A_1167 = arith.addf %dot_general3A_1162, %add3A_1166 : vector<400x128xf32>
    %add3A_1168 = arith.addf %add3A_1144, %add3A_1167 : vector<400x128xf32>
    %get3A_1169 = arith.constant 0 : index
    %get3A_1170 = arith.constant 0 : index
    %get3A_1171 = vector.load %arg20[%get3A_1169, %get3A_1170] : memref<1x128xf32, #tpu.memory_space<vmem>>, vector<1x128xf32>
    %get3A_1172 = arith.constant 0 : index
    %get3A_1173 = arith.constant 0 : index
    %get3A_1174 = vector.load %arg21[%get3A_1172, %get3A_1173] : memref<1x128xf32, #tpu.memory_space<vmem>>, vector<1x128xf32>
    %dot_general3A_1175 = arith.constant dense<0.000000e+00> : vector<400x1xf32>
    %dot_general3A_1176 = tpu.matmul %add3A_1168, %broadcast_in_dim3A_1114, %dot_general3A_1175 {dimension_numbers = #tpu.dot_dimension_numbers<[1], [0], [0], [1], [0, 0, 1, 1], [], []>, transpose_lhs_hint = false} : vector<400x128xf32>, vector<128x1xf32>, vector<400x1xf32> -> vector<400x1xf32>
    %mul3A_1177 = arith.constant 7.812500e-03 : f32
    %mul3A_1178 = vector.broadcast %mul3A_1177 : f32 to vector<400x1xf32>
    %mul3A_1179 = arith.mulf %dot_general3A_1176, %mul3A_1178 : vector<400x1xf32>
    %sub3A_1180 = vector.broadcast %mul3A_1179 : vector<400x1xf32> to vector<400x128xf32>
    %sub3A_1181 = arith.subf %add3A_1168, %sub3A_1180 : vector<400x128xf32>
    %mul3A_1182 = arith.mulf %sub3A_1181, %sub3A_1181 : vector<400x128xf32>
    %dot_general3A_1183 = arith.constant dense<0.000000e+00> : vector<400x1xf32>
    %dot_general3A_1184 = tpu.matmul %mul3A_1182, %broadcast_in_dim3A_1114, %dot_general3A_1183 {dimension_numbers = #tpu.dot_dimension_numbers<[1], [0], [0], [1], [0, 0, 1, 1], [], []>, transpose_lhs_hint = false} : vector<400x128xf32>, vector<128x1xf32>, vector<400x1xf32> -> vector<400x1xf32>
    %mul3A_1185 = arith.constant 7.812500e-03 : f32
    %mul3A_1186 = vector.broadcast %mul3A_1185 : f32 to vector<400x1xf32>
    %mul3A_1187 = arith.mulf %dot_general3A_1184, %mul3A_1186 : vector<400x1xf32>
    %add3A_1188 = arith.constant 9.99999974E-6 : f32
    %add3A_1189 = vector.broadcast %add3A_1188 : f32 to vector<400x1xf32>
    %add3A_1190 = arith.addf %mul3A_1187, %add3A_1189 : vector<400x1xf32>
    %rsqrt3A_1191 = math.rsqrt %add3A_1190 : vector<400x1xf32>
    %mul3A_1192 = vector.broadcast %rsqrt3A_1191 : vector<400x1xf32> to vector<400x128xf32>
    %mul3A_1193 = arith.mulf %sub3A_1181, %mul3A_1192 : vector<400x128xf32>
    %mul3A_1194 = vector.broadcast %get3A_1171 : vector<1x128xf32> to vector<400x128xf32>
    %mul3A_1195 = arith.mulf %mul3A_1193, %mul3A_1194 : vector<400x128xf32>
    %add3A_1196 = vector.broadcast %get3A_1174 : vector<1x128xf32> to vector<400x128xf32>
    %add3A_1197 = arith.addf %mul3A_1195, %add3A_1196 : vector<400x128xf32>
    %reshape3A_1198 = vector.shape_cast %add3A_1197 : vector<400x128xf32> to vector<4x100x128xf32>
    %swap3A_1199 = arith.constant 2 : index
    %swap3A_1200 = arith.constant 0 : index
    %swap3A_1201 = arith.constant 0 : index
    %swap3A_1202 = arith.constant 0 : index
    %swap3A_1203 = vector.load %arg22[%swap3A_1199, %swap3A_1200, %swap3A_1201, %swap3A_1202] : memref<4x4x100x128xf32, #tpu.memory_space<vmem>>, vector<1x4x100x128xf32>
    %swap3A_1204 = vector.shape_cast %swap3A_1203 : vector<1x4x100x128xf32> to vector<4x100x128xf32>
    %swap3A_1205 = vector.shape_cast %reshape3A_1198 : vector<4x100x128xf32> to vector<1x4x100x128xf32>
    tpu.vector_store %arg22[%swap3A_1199, %swap3A_1200, %swap3A_1201, %swap3A_1202], %swap3A_1205 {strides = array<i32>} : memref<4x4x100x128xf32, #tpu.memory_space<vmem>>, vector<1x4x100x128xf32>,
    %get3A_1206 = arith.constant 0 : index
    %get3A_1207 = arith.constant 3 : index
    %get3A_1208 = arith.constant 0 : index
    %get3A_1209 = arith.constant 0 : index
    %get3A_1210 = vector.load %arg3[%get3A_1206, %get3A_1207, %get3A_1208, %get3A_1209] : memref<2x4x100x1xf32, #tpu.memory_space<vmem>>, vector<2x1x100x1xf32>
    %get3A_1211 = vector.shape_cast %get3A_1210 : vector<2x1x100x1xf32> to vector<2x100x1xf32>
    %reduce_sum3A_1212 = arith.constant dense<0.000000e+00> : vector<100x1xf32>
    %reduce_sum3A_1213 = vector.multi_reduction <add>, %get3A_1211, %reduce_sum3A_1212 [0] : vector<2x100x1xf32> to vector<100x1xf32>
    %add3A_1214 = arith.constant 1.000000e+00 : f32
    %add3A_1215 = vector.broadcast %add3A_1214 : f32 to vector<100x1xf32>
    %add3A_1216 = arith.addf %reduce_sum3A_1213, %add3A_1215 : vector<100x1xf32>
    %rsqrt3A_1217 = math.rsqrt %add3A_1216 : vector<100x1xf32>
    %get3A_1218 = arith.constant 0 : index
    %get3A_1219 = arith.constant 3 : index
    %get3A_1220 = arith.constant 0 : index
    %get3A_1221 = arith.constant 0 : index
    %get3A_1222 = vector.load %arg1[%get3A_1218, %get3A_1219, %get3A_1220, %get3A_1221] : memref<2x4x100x64xf32, #tpu.memory_space<vmem>>, vector<1x1x100x64xf32>
    %get3A_1223 = vector.shape_cast %get3A_1222 : vector<1x1x100x64xf32> to vector<100x64xf32>
    %get3A_1224 = arith.constant 0 : index
    %get3A_1225 = arith.constant 3 : index
    %get3A_1226 = arith.constant 0 : index
    %get3A_1227 = arith.constant 0 : index
    %get3A_1228 = vector.load %arg2[%get3A_1224, %get3A_1225, %get3A_1226, %get3A_1227] : memref<2x4x100x64xf32, #tpu.memory_space<vmem>>, vector<1x1x100x64xf32>
    %get3A_1229 = vector.shape_cast %get3A_1228 : vector<1x1x100x64xf32> to vector<100x64xf32>
    %add3A_1230 = arith.addf %get3A_1223, %get3A_1229 : vector<100x64xf32>
    %get3A_1231 = arith.constant 1 : index
    %get3A_1232 = arith.constant 3 : index
    %get3A_1233 = arith.constant 0 : index
    %get3A_1234 = arith.constant 0 : index
    %get3A_1235 = vector.load %arg1[%get3A_1231, %get3A_1232, %get3A_1233, %get3A_1234] : memref<2x4x100x64xf32, #tpu.memory_space<vmem>>, vector<1x1x100x64xf32>
    %get3A_1236 = vector.shape_cast %get3A_1235 : vector<1x1x100x64xf32> to vector<100x64xf32>
    %get3A_1237 = arith.constant 1 : index
    %get3A_1238 = arith.constant 3 : index
    %get3A_1239 = arith.constant 0 : index
    %get3A_1240 = arith.constant 0 : index
    %get3A_1241 = vector.load %arg2[%get3A_1237, %get3A_1238, %get3A_1239, %get3A_1240] : memref<2x4x100x64xf32, #tpu.memory_space<vmem>>, vector<1x1x100x64xf32>
    %get3A_1242 = vector.shape_cast %get3A_1241 : vector<1x1x100x64xf32> to vector<100x64xf32>
    %add3A_1243 = arith.addf %get3A_1236, %get3A_1242 : vector<100x64xf32>
    %concatenate3A_1244 = tpu.concatenate %add3A_1230, %add3A_1243 in 1 : vector<100x64xf32>, vector<100x64xf32> -> vector<100x128xf32>
    %mul3A_1245 = vector.broadcast %rsqrt3A_1217 : vector<100x1xf32> to vector<100x128xf32>
    %mul3A_1246 = arith.mulf %concatenate3A_1244, %mul3A_1245 : vector<100x128xf32>
    %get3A_1247 = arith.constant 0 : index
    %get3A_1248 = arith.constant 0 : index
    %get3A_1249 = vector.load %arg5[%get3A_1247, %get3A_1248] : memref<1x128xf32, #tpu.memory_space<vmem>>, vector<1x128xf32>
    %add3A_1250 = vector.broadcast %get3A_1249 : vector<1x128xf32> to vector<100x128xf32>
    %add3A_1251 = arith.addf %mul3A_1246, %add3A_1250 : vector<100x128xf32>
    %max3A_1252 = arith.constant 0.000000e+00 : f32
    %max3A_1253 = vector.broadcast %max3A_1252 : f32 to vector<100x128xf32>
    %max3A_1254 = arith.maximumf %add3A_1251, %max3A_1253 : vector<100x128xf32>
    %get3A_1255 = arith.constant 3 : index
    %get3A_1256 = arith.constant 0 : index
    %get3A_1257 = arith.constant 0 : index
    %get3A_1258 = arith.constant 0 : index
    %get3A_1259 = vector.load %arg4[%get3A_1255, %get3A_1256, %get3A_1257, %get3A_1258] : memref<4x4x100x128xf32, #tpu.memory_space<vmem>>, vector<1x4x100x128xf32>
    %get3A_1260 = vector.shape_cast %get3A_1259 : vector<1x4x100x128xf32> to vector<4x100x128xf32>
    %broadcast_in_dim3A_1261 = vector.shape_cast %max3A_1254 : vector<100x128xf32> to vector<1x100x128xf32>
    %add3A_1262 = vector.broadcast %broadcast_in_dim3A_1261 : vector<1x100x128xf32> to vector<4x100x128xf32>
    %add3A_1263 = arith.addf %get3A_1260, %add3A_1262 : vector<4x100x128xf32>
    %reshape3A_1264 = vector.shape_cast %add3A_1263 : vector<4x100x128xf32> to vector<400x128xf32>
    %get3A_1265 = arith.constant 0 : index
    %get3A_1266 = arith.constant 0 : index
    %get3A_1267 = vector.load %arg6[%get3A_1265, %get3A_1266] : memref<128x128xf32, #tpu.memory_space<vmem>>, vector<128x128xf32>
    %dot_general3A_1268 = arith.constant dense<0.000000e+00> : vector<400x128xf32>
    %dot_general3A_1269 = tpu.matmul %reshape3A_1264, %get3A_1267, %dot_general3A_1268 {dimension_numbers = #tpu.dot_dimension_numbers<[1], [0], [0], [1], [0, 0, 1, 1], [], []>, transpose_lhs_hint = false} : vector<400x128xf32>, vector<128x128xf32>, vector<400x128xf32> -> vector<400x128xf32>
    %get3A_1270 = arith.constant 0 : index
    %get3A_1271 = arith.constant 0 : index
    %get3A_1272 = vector.load %arg7[%get3A_1270, %get3A_1271] : memref<1x128xf32, #tpu.memory_space<vmem>>, vector<1x128xf32>
    %add3A_1273 = vector.broadcast %get3A_1272 : vector<1x128xf32> to vector<400x128xf32>
    %add3A_1274 = arith.addf %dot_general3A_1269, %add3A_1273 : vector<400x128xf32>
    %get3A_1275 = arith.constant 0 : index
    %get3A_1276 = arith.constant 0 : index
    %get3A_1277 = vector.load %arg8[%get3A_1275, %get3A_1276] : memref<128x128xf32, #tpu.memory_space<vmem>>, vector<128x128xf32>
    %dot_general3A_1278 = arith.constant dense<0.000000e+00> : vector<400x128xf32>
    %dot_general3A_1279 = tpu.matmul %reshape3A_1264, %get3A_1277, %dot_general3A_1278 {dimension_numbers = #tpu.dot_dimension_numbers<[1], [0], [0], [1], [0, 0, 1, 1], [], []>, transpose_lhs_hint = false} : vector<400x128xf32>, vector<128x128xf32>, vector<400x128xf32> -> vector<400x128xf32>
    %get3A_1280 = arith.constant 0 : index
    %get3A_1281 = arith.constant 0 : index
    %get3A_1282 = vector.load %arg9[%get3A_1280, %get3A_1281] : memref<1x128xf32, #tpu.memory_space<vmem>>, vector<1x128xf32>
    %add3A_1283 = vector.broadcast %get3A_1282 : vector<1x128xf32> to vector<400x128xf32>
    %add3A_1284 = arith.addf %dot_general3A_1279, %add3A_1283 : vector<400x128xf32>
    %get3A_1285 = arith.constant 0 : index
    %get3A_1286 = arith.constant 0 : index
    %get3A_1287 = vector.load %arg10[%get3A_1285, %get3A_1286] : memref<128x128xf32, #tpu.memory_space<vmem>>, vector<128x128xf32>
    %dot_general3A_1288 = arith.constant dense<0.000000e+00> : vector<400x128xf32>
    %dot_general3A_1289 = tpu.matmul %reshape3A_1264, %get3A_1287, %dot_general3A_1288 {dimension_numbers = #tpu.dot_dimension_numbers<[1], [0], [0], [1], [0, 0, 1, 1], [], []>, transpose_lhs_hint = false} : vector<400x128xf32>, vector<128x128xf32>, vector<400x128xf32> -> vector<400x128xf32>
    %get3A_1290 = arith.constant 0 : index
    %get3A_1291 = arith.constant 0 : index
    %get3A_1292 = vector.load %arg11[%get3A_1290, %get3A_1291] : memref<1x128xf32, #tpu.memory_space<vmem>>, vector<1x128xf32>
    %add3A_1293 = vector.broadcast %get3A_1292 : vector<1x128xf32> to vector<400x128xf32>
    %add3A_1294 = arith.addf %dot_general3A_1289, %add3A_1293 : vector<400x128xf32>
    %broadcast_in_dim3A_1295 = arith.constant 1.000000e+00 : f32
    %broadcast_in_dim3A_1296 = vector.broadcast %broadcast_in_dim3A_1295 : f32 to vector<100x1xf32>
    %slice3A_1297 = vector.extract_strided_slice %add3A_1274 {offsets = [0, 0], sizes = [100, 32], strides = [1, 1]} : vector<400x128xf32> to vector<100x32xf32>
    %slice3A_1298 = vector.extract_strided_slice %add3A_1284 {offsets = [0, 0], sizes = [100, 32], strides = [1, 1]} : vector<400x128xf32> to vector<100x32xf32>
    %slice3A_1299 = vector.extract_strided_slice %add3A_1294 {offsets = [0, 0], sizes = [100, 32], strides = [1, 1]} : vector<400x128xf32> to vector<100x32xf32>
    %dot_general3A_1300 = arith.constant dense<0.000000e+00> : vector<100x100xf32>
    %dot_general3A_1301 = tpu.matmul %slice3A_1297, %slice3A_1298, %dot_general3A_1300 {dimension_numbers = #tpu.dot_dimension_numbers<[1], [1], [0], [0], [0, 0, 1, 0], [], []>, transpose_lhs_hint = false} : vector<100x32xf32>, vector<100x32xf32>, vector<100x100xf32> -> vector<100x100xf32>
    %exp3A_1302 = math.exp %dot_general3A_1301 : vector<100x100xf32>
    %concatenate3A_1303 = tpu.concatenate %slice3A_1299, %broadcast_in_dim3A_1296 in 1 : vector<100x32xf32>, vector<100x1xf32> -> vector<100x33xf32>
    %dot_general3A_1304 = arith.constant dense<0.000000e+00> : vector<100x33xf32>
    %dot_general3A_1305 = tpu.matmul %exp3A_1302, %concatenate3A_1303, %dot_general3A_1304 {dimension_numbers = #tpu.dot_dimension_numbers<[1], [0], [0], [1], [0, 0, 1, 1], [], []>, transpose_lhs_hint = false} : vector<100x100xf32>, vector<100x33xf32>, vector<100x33xf32> -> vector<100x33xf32>
    %slice3A_1306 = vector.extract_strided_slice %dot_general3A_1305 {offsets = [0, 0], sizes = [100, 32], strides = [1, 1]} : vector<100x33xf32> to vector<100x32xf32>
    %slice3A_1307 = vector.extract_strided_slice %dot_general3A_1305 {offsets = [0, 32], sizes = [100, 1], strides = [1, 1]} : vector<100x33xf32> to vector<100x1xf32>
    %div3A_1308 = vector.broadcast %slice3A_1307 : vector<100x1xf32> to vector<100x32xf32>
    %div3A_1309 = arith.divf %slice3A_1306, %div3A_1308 : vector<100x32xf32>
    %slice3A_1310 = vector.extract_strided_slice %add3A_1274 {offsets = [0, 32], sizes = [100, 32], strides = [1, 1]} : vector<400x128xf32> to vector<100x32xf32>
    %slice3A_1311 = vector.extract_strided_slice %add3A_1284 {offsets = [0, 32], sizes = [100, 32], strides = [1, 1]} : vector<400x128xf32> to vector<100x32xf32>
    %slice3A_1312 = vector.extract_strided_slice %add3A_1294 {offsets = [0, 32], sizes = [100, 32], strides = [1, 1]} : vector<400x128xf32> to vector<100x32xf32>
    %dot_general3A_1313 = arith.constant dense<0.000000e+00> : vector<100x100xf32>
    %dot_general3A_1314 = tpu.matmul %slice3A_1310, %slice3A_1311, %dot_general3A_1313 {dimension_numbers = #tpu.dot_dimension_numbers<[1], [1], [0], [0], [0, 0, 1, 0], [], []>, transpose_lhs_hint = false} : vector<100x32xf32>, vector<100x32xf32>, vector<100x100xf32> -> vector<100x100xf32>
    %exp3A_1315 = math.exp %dot_general3A_1314 : vector<100x100xf32>
    %concatenate3A_1316 = tpu.concatenate %slice3A_1312, %broadcast_in_dim3A_1296 in 1 : vector<100x32xf32>, vector<100x1xf32> -> vector<100x33xf32>
    %dot_general3A_1317 = arith.constant dense<0.000000e+00> : vector<100x33xf32>
    %dot_general3A_1318 = tpu.matmul %exp3A_1315, %concatenate3A_1316, %dot_general3A_1317 {dimension_numbers = #tpu.dot_dimension_numbers<[1], [0], [0], [1], [0, 0, 1, 1], [], []>, transpose_lhs_hint = false} : vector<100x100xf32>, vector<100x33xf32>, vector<100x33xf32> -> vector<100x33xf32>
    %slice3A_1319 = vector.extract_strided_slice %dot_general3A_1318 {offsets = [0, 0], sizes = [100, 32], strides = [1, 1]} : vector<100x33xf32> to vector<100x32xf32>
    %slice3A_1320 = vector.extract_strided_slice %dot_general3A_1318 {offsets = [0, 32], sizes = [100, 1], strides = [1, 1]} : vector<100x33xf32> to vector<100x1xf32>
    %div3A_1321 = vector.broadcast %slice3A_1320 : vector<100x1xf32> to vector<100x32xf32>
    %div3A_1322 = arith.divf %slice3A_1319, %div3A_1321 : vector<100x32xf32>
    %slice3A_1323 = vector.extract_strided_slice %add3A_1274 {offsets = [0, 64], sizes = [100, 32], strides = [1, 1]} : vector<400x128xf32> to vector<100x32xf32>
    %slice3A_1324 = vector.extract_strided_slice %add3A_1284 {offsets = [0, 64], sizes = [100, 32], strides = [1, 1]} : vector<400x128xf32> to vector<100x32xf32>
    %slice3A_1325 = vector.extract_strided_slice %add3A_1294 {offsets = [0, 64], sizes = [100, 32], strides = [1, 1]} : vector<400x128xf32> to vector<100x32xf32>
    %dot_general3A_1326 = arith.constant dense<0.000000e+00> : vector<100x100xf32>
    %dot_general3A_1327 = tpu.matmul %slice3A_1323, %slice3A_1324, %dot_general3A_1326 {dimension_numbers = #tpu.dot_dimension_numbers<[1], [1], [0], [0], [0, 0, 1, 0], [], []>, transpose_lhs_hint = false} : vector<100x32xf32>, vector<100x32xf32>, vector<100x100xf32> -> vector<100x100xf32>
    %exp3A_1328 = math.exp %dot_general3A_1327 : vector<100x100xf32>
    %concatenate3A_1329 = tpu.concatenate %slice3A_1325, %broadcast_in_dim3A_1296 in 1 : vector<100x32xf32>, vector<100x1xf32> -> vector<100x33xf32>
    %dot_general3A_1330 = arith.constant dense<0.000000e+00> : vector<100x33xf32>
    %dot_general3A_1331 = tpu.matmul %exp3A_1328, %concatenate3A_1329, %dot_general3A_1330 {dimension_numbers = #tpu.dot_dimension_numbers<[1], [0], [0], [1], [0, 0, 1, 1], [], []>, transpose_lhs_hint = false} : vector<100x100xf32>, vector<100x33xf32>, vector<100x33xf32> -> vector<100x33xf32>
    %slice3A_1332 = vector.extract_strided_slice %dot_general3A_1331 {offsets = [0, 0], sizes = [100, 32], strides = [1, 1]} : vector<100x33xf32> to vector<100x32xf32>
    %slice3A_1333 = vector.extract_strided_slice %dot_general3A_1331 {offsets = [0, 32], sizes = [100, 1], strides = [1, 1]} : vector<100x33xf32> to vector<100x1xf32>
    %div3A_1334 = vector.broadcast %slice3A_1333 : vector<100x1xf32> to vector<100x32xf32>
    %div3A_1335 = arith.divf %slice3A_1332, %div3A_1334 : vector<100x32xf32>
    %slice3A_1336 = vector.extract_strided_slice %add3A_1274 {offsets = [0, 96], sizes = [100, 32], strides = [1, 1]} : vector<400x128xf32> to vector<100x32xf32>
    %slice3A_1337 = vector.extract_strided_slice %add3A_1284 {offsets = [0, 96], sizes = [100, 32], strides = [1, 1]} : vector<400x128xf32> to vector<100x32xf32>
    %slice3A_1338 = vector.extract_strided_slice %add3A_1294 {offsets = [0, 96], sizes = [100, 32], strides = [1, 1]} : vector<400x128xf32> to vector<100x32xf32>
    %dot_general3A_1339 = arith.constant dense<0.000000e+00> : vector<100x100xf32>
    %dot_general3A_1340 = tpu.matmul %slice3A_1336, %slice3A_1337, %dot_general3A_1339 {dimension_numbers = #tpu.dot_dimension_numbers<[1], [1], [0], [0], [0, 0, 1, 0], [], []>, transpose_lhs_hint = false} : vector<100x32xf32>, vector<100x32xf32>, vector<100x100xf32> -> vector<100x100xf32>
    %exp3A_1341 = math.exp %dot_general3A_1340 : vector<100x100xf32>
    %concatenate3A_1342 = tpu.concatenate %slice3A_1338, %broadcast_in_dim3A_1296 in 1 : vector<100x32xf32>, vector<100x1xf32> -> vector<100x33xf32>
    %dot_general3A_1343 = arith.constant dense<0.000000e+00> : vector<100x33xf32>
    %dot_general3A_1344 = tpu.matmul %exp3A_1341, %concatenate3A_1342, %dot_general3A_1343 {dimension_numbers = #tpu.dot_dimension_numbers<[1], [0], [0], [1], [0, 0, 1, 1], [], []>, transpose_lhs_hint = false} : vector<100x100xf32>, vector<100x33xf32>, vector<100x33xf32> -> vector<100x33xf32>
    %slice3A_1345 = vector.extract_strided_slice %dot_general3A_1344 {offsets = [0, 0], sizes = [100, 32], strides = [1, 1]} : vector<100x33xf32> to vector<100x32xf32>
    %slice3A_1346 = vector.extract_strided_slice %dot_general3A_1344 {offsets = [0, 32], sizes = [100, 1], strides = [1, 1]} : vector<100x33xf32> to vector<100x1xf32>
    %div3A_1347 = vector.broadcast %slice3A_1346 : vector<100x1xf32> to vector<100x32xf32>
    %div3A_1348 = arith.divf %slice3A_1345, %div3A_1347 : vector<100x32xf32>
    %concatenate3A_1349 = tpu.concatenate %div3A_1309, %div3A_1322, %div3A_1335, %div3A_1348 in 1 : vector<100x32xf32>, vector<100x32xf32>, vector<100x32xf32>, vector<100x32xf32> -> vector<100x128xf32>
    %slice3A_1350 = vector.extract_strided_slice %add3A_1274 {offsets = [100, 0], sizes = [100, 32], strides = [1, 1]} : vector<400x128xf32> to vector<100x32xf32>
    %slice3A_1351 = vector.extract_strided_slice %add3A_1284 {offsets = [100, 0], sizes = [100, 32], strides = [1, 1]} : vector<400x128xf32> to vector<100x32xf32>
    %slice3A_1352 = vector.extract_strided_slice %add3A_1294 {offsets = [100, 0], sizes = [100, 32], strides = [1, 1]} : vector<400x128xf32> to vector<100x32xf32>
    %dot_general3A_1353 = arith.constant dense<0.000000e+00> : vector<100x100xf32>
    %dot_general3A_1354 = tpu.matmul %slice3A_1350, %slice3A_1351, %dot_general3A_1353 {dimension_numbers = #tpu.dot_dimension_numbers<[1], [1], [0], [0], [0, 0, 1, 0], [], []>, transpose_lhs_hint = false} : vector<100x32xf32>, vector<100x32xf32>, vector<100x100xf32> -> vector<100x100xf32>
    %exp3A_1355 = math.exp %dot_general3A_1354 : vector<100x100xf32>
    %concatenate3A_1356 = tpu.concatenate %slice3A_1352, %broadcast_in_dim3A_1296 in 1 : vector<100x32xf32>, vector<100x1xf32> -> vector<100x33xf32>
    %dot_general3A_1357 = arith.constant dense<0.000000e+00> : vector<100x33xf32>
    %dot_general3A_1358 = tpu.matmul %exp3A_1355, %concatenate3A_1356, %dot_general3A_1357 {dimension_numbers = #tpu.dot_dimension_numbers<[1], [0], [0], [1], [0, 0, 1, 1], [], []>, transpose_lhs_hint = false} : vector<100x100xf32>, vector<100x33xf32>, vector<100x33xf32> -> vector<100x33xf32>
    %slice3A_1359 = vector.extract_strided_slice %dot_general3A_1358 {offsets = [0, 0], sizes = [100, 32], strides = [1, 1]} : vector<100x33xf32> to vector<100x32xf32>
    %slice3A_1360 = vector.extract_strided_slice %dot_general3A_1358 {offsets = [0, 32], sizes = [100, 1], strides = [1, 1]} : vector<100x33xf32> to vector<100x1xf32>
    %div3A_1361 = vector.broadcast %slice3A_1360 : vector<100x1xf32> to vector<100x32xf32>
    %div3A_1362 = arith.divf %slice3A_1359, %div3A_1361 : vector<100x32xf32>
    %slice3A_1363 = vector.extract_strided_slice %add3A_1274 {offsets = [100, 32], sizes = [100, 32], strides = [1, 1]} : vector<400x128xf32> to vector<100x32xf32>
    %slice3A_1364 = vector.extract_strided_slice %add3A_1284 {offsets = [100, 32], sizes = [100, 32], strides = [1, 1]} : vector<400x128xf32> to vector<100x32xf32>
    %slice3A_1365 = vector.extract_strided_slice %add3A_1294 {offsets = [100, 32], sizes = [100, 32], strides = [1, 1]} : vector<400x128xf32> to vector<100x32xf32>
    %dot_general3A_1366 = arith.constant dense<0.000000e+00> : vector<100x100xf32>
    %dot_general3A_1367 = tpu.matmul %slice3A_1363, %slice3A_1364, %dot_general3A_1366 {dimension_numbers = #tpu.dot_dimension_numbers<[1], [1], [0], [0], [0, 0, 1, 0], [], []>, transpose_lhs_hint = false} : vector<100x32xf32>, vector<100x32xf32>, vector<100x100xf32> -> vector<100x100xf32>
    %exp3A_1368 = math.exp %dot_general3A_1367 : vector<100x100xf32>
    %concatenate3A_1369 = tpu.concatenate %slice3A_1365, %broadcast_in_dim3A_1296 in 1 : vector<100x32xf32>, vector<100x1xf32> -> vector<100x33xf32>
    %dot_general3A_1370 = arith.constant dense<0.000000e+00> : vector<100x33xf32>
    %dot_general3A_1371 = tpu.matmul %exp3A_1368, %concatenate3A_1369, %dot_general3A_1370 {dimension_numbers = #tpu.dot_dimension_numbers<[1], [0], [0], [1], [0, 0, 1, 1], [], []>, transpose_lhs_hint = false} : vector<100x100xf32>, vector<100x33xf32>, vector<100x33xf32> -> vector<100x33xf32>
    %slice3A_1372 = vector.extract_strided_slice %dot_general3A_1371 {offsets = [0, 0], sizes = [100, 32], strides = [1, 1]} : vector<100x33xf32> to vector<100x32xf32>
    %slice3A_1373 = vector.extract_strided_slice %dot_general3A_1371 {offsets = [0, 32], sizes = [100, 1], strides = [1, 1]} : vector<100x33xf32> to vector<100x1xf32>
    %div3A_1374 = vector.broadcast %slice3A_1373 : vector<100x1xf32> to vector<100x32xf32>
    %div3A_1375 = arith.divf %slice3A_1372, %div3A_1374 : vector<100x32xf32>
    %slice3A_1376 = vector.extract_strided_slice %add3A_1274 {offsets = [100, 64], sizes = [100, 32], strides = [1, 1]} : vector<400x128xf32> to vector<100x32xf32>
    %slice3A_1377 = vector.extract_strided_slice %add3A_1284 {offsets = [100, 64], sizes = [100, 32], strides = [1, 1]} : vector<400x128xf32> to vector<100x32xf32>
    %slice3A_1378 = vector.extract_strided_slice %add3A_1294 {offsets = [100, 64], sizes = [100, 32], strides = [1, 1]} : vector<400x128xf32> to vector<100x32xf32>
    %dot_general3A_1379 = arith.constant dense<0.000000e+00> : vector<100x100xf32>
    %dot_general3A_1380 = tpu.matmul %slice3A_1376, %slice3A_1377, %dot_general3A_1379 {dimension_numbers = #tpu.dot_dimension_numbers<[1], [1], [0], [0], [0, 0, 1, 0], [], []>, transpose_lhs_hint = false} : vector<100x32xf32>, vector<100x32xf32>, vector<100x100xf32> -> vector<100x100xf32>
    %exp3A_1381 = math.exp %dot_general3A_1380 : vector<100x100xf32>
    %concatenate3A_1382 = tpu.concatenate %slice3A_1378, %broadcast_in_dim3A_1296 in 1 : vector<100x32xf32>, vector<100x1xf32> -> vector<100x33xf32>
    %dot_general3A_1383 = arith.constant dense<0.000000e+00> : vector<100x33xf32>
    %dot_general3A_1384 = tpu.matmul %exp3A_1381, %concatenate3A_1382, %dot_general3A_1383 {dimension_numbers = #tpu.dot_dimension_numbers<[1], [0], [0], [1], [0, 0, 1, 1], [], []>, transpose_lhs_hint = false} : vector<100x100xf32>, vector<100x33xf32>, vector<100x33xf32> -> vector<100x33xf32>
    %slice3A_1385 = vector.extract_strided_slice %dot_general3A_1384 {offsets = [0, 0], sizes = [100, 32], strides = [1, 1]} : vector<100x33xf32> to vector<100x32xf32>
    %slice3A_1386 = vector.extract_strided_slice %dot_general3A_1384 {offsets = [0, 32], sizes = [100, 1], strides = [1, 1]} : vector<100x33xf32> to vector<100x1xf32>
    %div3A_1387 = vector.broadcast %slice3A_1386 : vector<100x1xf32> to vector<100x32xf32>
    %div3A_1388 = arith.divf %slice3A_1385, %div3A_1387 : vector<100x32xf32>
    %slice3A_1389 = vector.extract_strided_slice %add3A_1274 {offsets = [100, 96], sizes = [100, 32], strides = [1, 1]} : vector<400x128xf32> to vector<100x32xf32>
    %slice3A_1390 = vector.extract_strided_slice %add3A_1284 {offsets = [100, 96], sizes = [100, 32], strides = [1, 1]} : vector<400x128xf32> to vector<100x32xf32>
    %slice3A_1391 = vector.extract_strided_slice %add3A_1294 {offsets = [100, 96], sizes = [100, 32], strides = [1, 1]} : vector<400x128xf32> to vector<100x32xf32>
    %dot_general3A_1392 = arith.constant dense<0.000000e+00> : vector<100x100xf32>
    %dot_general3A_1393 = tpu.matmul %slice3A_1389, %slice3A_1390, %dot_general3A_1392 {dimension_numbers = #tpu.dot_dimension_numbers<[1], [1], [0], [0], [0, 0, 1, 0], [], []>, transpose_lhs_hint = false} : vector<100x32xf32>, vector<100x32xf32>, vector<100x100xf32> -> vector<100x100xf32>
    %exp3A_1394 = math.exp %dot_general3A_1393 : vector<100x100xf32>
    %concatenate3A_1395 = tpu.concatenate %slice3A_1391, %broadcast_in_dim3A_1296 in 1 : vector<100x32xf32>, vector<100x1xf32> -> vector<100x33xf32>
    %dot_general3A_1396 = arith.constant dense<0.000000e+00> : vector<100x33xf32>
    %dot_general3A_1397 = tpu.matmul %exp3A_1394, %concatenate3A_1395, %dot_general3A_1396 {dimension_numbers = #tpu.dot_dimension_numbers<[1], [0], [0], [1], [0, 0, 1, 1], [], []>, transpose_lhs_hint = false} : vector<100x100xf32>, vector<100x33xf32>, vector<100x33xf32> -> vector<100x33xf32>
    %slice3A_1398 = vector.extract_strided_slice %dot_general3A_1397 {offsets = [0, 0], sizes = [100, 32], strides = [1, 1]} : vector<100x33xf32> to vector<100x32xf32>
    %slice3A_1399 = vector.extract_strided_slice %dot_general3A_1397 {offsets = [0, 32], sizes = [100, 1], strides = [1, 1]} : vector<100x33xf32> to vector<100x1xf32>
    %div3A_1400 = vector.broadcast %slice3A_1399 : vector<100x1xf32> to vector<100x32xf32>
    %div3A_1401 = arith.divf %slice3A_1398, %div3A_1400 : vector<100x32xf32>
    %concatenate3A_1402 = tpu.concatenate %div3A_1362, %div3A_1375, %div3A_1388, %div3A_1401 in 1 : vector<100x32xf32>, vector<100x32xf32>, vector<100x32xf32>, vector<100x32xf32> -> vector<100x128xf32>
    %slice3A_1403 = vector.extract_strided_slice %add3A_1274 {offsets = [200, 0], sizes = [100, 32], strides = [1, 1]} : vector<400x128xf32> to vector<100x32xf32>
    %slice3A_1404 = vector.extract_strided_slice %add3A_1284 {offsets = [200, 0], sizes = [100, 32], strides = [1, 1]} : vector<400x128xf32> to vector<100x32xf32>
    %slice3A_1405 = vector.extract_strided_slice %add3A_1294 {offsets = [200, 0], sizes = [100, 32], strides = [1, 1]} : vector<400x128xf32> to vector<100x32xf32>
    %dot_general3A_1406 = arith.constant dense<0.000000e+00> : vector<100x100xf32>
    %dot_general3A_1407 = tpu.matmul %slice3A_1403, %slice3A_1404, %dot_general3A_1406 {dimension_numbers = #tpu.dot_dimension_numbers<[1], [1], [0], [0], [0, 0, 1, 0], [], []>, transpose_lhs_hint = false} : vector<100x32xf32>, vector<100x32xf32>, vector<100x100xf32> -> vector<100x100xf32>
    %exp3A_1408 = math.exp %dot_general3A_1407 : vector<100x100xf32>
    %concatenate3A_1409 = tpu.concatenate %slice3A_1405, %broadcast_in_dim3A_1296 in 1 : vector<100x32xf32>, vector<100x1xf32> -> vector<100x33xf32>
    %dot_general3A_1410 = arith.constant dense<0.000000e+00> : vector<100x33xf32>
    %dot_general3A_1411 = tpu.matmul %exp3A_1408, %concatenate3A_1409, %dot_general3A_1410 {dimension_numbers = #tpu.dot_dimension_numbers<[1], [0], [0], [1], [0, 0, 1, 1], [], []>, transpose_lhs_hint = false} : vector<100x100xf32>, vector<100x33xf32>, vector<100x33xf32> -> vector<100x33xf32>
    %slice3A_1412 = vector.extract_strided_slice %dot_general3A_1411 {offsets = [0, 0], sizes = [100, 32], strides = [1, 1]} : vector<100x33xf32> to vector<100x32xf32>
    %slice3A_1413 = vector.extract_strided_slice %dot_general3A_1411 {offsets = [0, 32], sizes = [100, 1], strides = [1, 1]} : vector<100x33xf32> to vector<100x1xf32>
    %div3A_1414 = vector.broadcast %slice3A_1413 : vector<100x1xf32> to vector<100x32xf32>
    %div3A_1415 = arith.divf %slice3A_1412, %div3A_1414 : vector<100x32xf32>
    %slice3A_1416 = vector.extract_strided_slice %add3A_1274 {offsets = [200, 32], sizes = [100, 32], strides = [1, 1]} : vector<400x128xf32> to vector<100x32xf32>
    %slice3A_1417 = vector.extract_strided_slice %add3A_1284 {offsets = [200, 32], sizes = [100, 32], strides = [1, 1]} : vector<400x128xf32> to vector<100x32xf32>
    %slice3A_1418 = vector.extract_strided_slice %add3A_1294 {offsets = [200, 32], sizes = [100, 32], strides = [1, 1]} : vector<400x128xf32> to vector<100x32xf32>
    %dot_general3A_1419 = arith.constant dense<0.000000e+00> : vector<100x100xf32>
    %dot_general3A_1420 = tpu.matmul %slice3A_1416, %slice3A_1417, %dot_general3A_1419 {dimension_numbers = #tpu.dot_dimension_numbers<[1], [1], [0], [0], [0, 0, 1, 0], [], []>, transpose_lhs_hint = false} : vector<100x32xf32>, vector<100x32xf32>, vector<100x100xf32> -> vector<100x100xf32>
    %exp3A_1421 = math.exp %dot_general3A_1420 : vector<100x100xf32>
    %concatenate3A_1422 = tpu.concatenate %slice3A_1418, %broadcast_in_dim3A_1296 in 1 : vector<100x32xf32>, vector<100x1xf32> -> vector<100x33xf32>
    %dot_general3A_1423 = arith.constant dense<0.000000e+00> : vector<100x33xf32>
    %dot_general3A_1424 = tpu.matmul %exp3A_1421, %concatenate3A_1422, %dot_general3A_1423 {dimension_numbers = #tpu.dot_dimension_numbers<[1], [0], [0], [1], [0, 0, 1, 1], [], []>, transpose_lhs_hint = false} : vector<100x100xf32>, vector<100x33xf32>, vector<100x33xf32> -> vector<100x33xf32>
    %slice3A_1425 = vector.extract_strided_slice %dot_general3A_1424 {offsets = [0, 0], sizes = [100, 32], strides = [1, 1]} : vector<100x33xf32> to vector<100x32xf32>
    %slice3A_1426 = vector.extract_strided_slice %dot_general3A_1424 {offsets = [0, 32], sizes = [100, 1], strides = [1, 1]} : vector<100x33xf32> to vector<100x1xf32>
    %div3A_1427 = vector.broadcast %slice3A_1426 : vector<100x1xf32> to vector<100x32xf32>
    %div3A_1428 = arith.divf %slice3A_1425, %div3A_1427 : vector<100x32xf32>
    %slice3A_1429 = vector.extract_strided_slice %add3A_1274 {offsets = [200, 64], sizes = [100, 32], strides = [1, 1]} : vector<400x128xf32> to vector<100x32xf32>
    %slice3A_1430 = vector.extract_strided_slice %add3A_1284 {offsets = [200, 64], sizes = [100, 32], strides = [1, 1]} : vector<400x128xf32> to vector<100x32xf32>
    %slice3A_1431 = vector.extract_strided_slice %add3A_1294 {offsets = [200, 64], sizes = [100, 32], strides = [1, 1]} : vector<400x128xf32> to vector<100x32xf32>
    %dot_general3A_1432 = arith.constant dense<0.000000e+00> : vector<100x100xf32>
    %dot_general3A_1433 = tpu.matmul %slice3A_1429, %slice3A_1430, %dot_general3A_1432 {dimension_numbers = #tpu.dot_dimension_numbers<[1], [1], [0], [0], [0, 0, 1, 0], [], []>, transpose_lhs_hint = false} : vector<100x32xf32>, vector<100x32xf32>, vector<100x100xf32> -> vector<100x100xf32>
    %exp3A_1434 = math.exp %dot_general3A_1433 : vector<100x100xf32>
    %concatenate3A_1435 = tpu.concatenate %slice3A_1431, %broadcast_in_dim3A_1296 in 1 : vector<100x32xf32>, vector<100x1xf32> -> vector<100x33xf32>
    %dot_general3A_1436 = arith.constant dense<0.000000e+00> : vector<100x33xf32>
    %dot_general3A_1437 = tpu.matmul %exp3A_1434, %concatenate3A_1435, %dot_general3A_1436 {dimension_numbers = #tpu.dot_dimension_numbers<[1], [0], [0], [1], [0, 0, 1, 1], [], []>, transpose_lhs_hint = false} : vector<100x100xf32>, vector<100x33xf32>, vector<100x33xf32> -> vector<100x33xf32>
    %slice3A_1438 = vector.extract_strided_slice %dot_general3A_1437 {offsets = [0, 0], sizes = [100, 32], strides = [1, 1]} : vector<100x33xf32> to vector<100x32xf32>
    %slice3A_1439 = vector.extract_strided_slice %dot_general3A_1437 {offsets = [0, 32], sizes = [100, 1], strides = [1, 1]} : vector<100x33xf32> to vector<100x1xf32>
    %div3A_1440 = vector.broadcast %slice3A_1439 : vector<100x1xf32> to vector<100x32xf32>
    %div3A_1441 = arith.divf %slice3A_1438, %div3A_1440 : vector<100x32xf32>
    %slice3A_1442 = vector.extract_strided_slice %add3A_1274 {offsets = [200, 96], sizes = [100, 32], strides = [1, 1]} : vector<400x128xf32> to vector<100x32xf32>
    %slice3A_1443 = vector.extract_strided_slice %add3A_1284 {offsets = [200, 96], sizes = [100, 32], strides = [1, 1]} : vector<400x128xf32> to vector<100x32xf32>
    %slice3A_1444 = vector.extract_strided_slice %add3A_1294 {offsets = [200, 96], sizes = [100, 32], strides = [1, 1]} : vector<400x128xf32> to vector<100x32xf32>
    %dot_general3A_1445 = arith.constant dense<0.000000e+00> : vector<100x100xf32>
    %dot_general3A_1446 = tpu.matmul %slice3A_1442, %slice3A_1443, %dot_general3A_1445 {dimension_numbers = #tpu.dot_dimension_numbers<[1], [1], [0], [0], [0, 0, 1, 0], [], []>, transpose_lhs_hint = false} : vector<100x32xf32>, vector<100x32xf32>, vector<100x100xf32> -> vector<100x100xf32>
    %exp3A_1447 = math.exp %dot_general3A_1446 : vector<100x100xf32>
    %concatenate3A_1448 = tpu.concatenate %slice3A_1444, %broadcast_in_dim3A_1296 in 1 : vector<100x32xf32>, vector<100x1xf32> -> vector<100x33xf32>
    %dot_general3A_1449 = arith.constant dense<0.000000e+00> : vector<100x33xf32>
    %dot_general3A_1450 = tpu.matmul %exp3A_1447, %concatenate3A_1448, %dot_general3A_1449 {dimension_numbers = #tpu.dot_dimension_numbers<[1], [0], [0], [1], [0, 0, 1, 1], [], []>, transpose_lhs_hint = false} : vector<100x100xf32>, vector<100x33xf32>, vector<100x33xf32> -> vector<100x33xf32>
    %slice3A_1451 = vector.extract_strided_slice %dot_general3A_1450 {offsets = [0, 0], sizes = [100, 32], strides = [1, 1]} : vector<100x33xf32> to vector<100x32xf32>
    %slice3A_1452 = vector.extract_strided_slice %dot_general3A_1450 {offsets = [0, 32], sizes = [100, 1], strides = [1, 1]} : vector<100x33xf32> to vector<100x1xf32>
    %div3A_1453 = vector.broadcast %slice3A_1452 : vector<100x1xf32> to vector<100x32xf32>
    %div3A_1454 = arith.divf %slice3A_1451, %div3A_1453 : vector<100x32xf32>
    %concatenate3A_1455 = tpu.concatenate %div3A_1415, %div3A_1428, %div3A_1441, %div3A_1454 in 1 : vector<100x32xf32>, vector<100x32xf32>, vector<100x32xf32>, vector<100x32xf32> -> vector<100x128xf32>
    %slice3A_1456 = vector.extract_strided_slice %add3A_1274 {offsets = [300, 0], sizes = [100, 32], strides = [1, 1]} : vector<400x128xf32> to vector<100x32xf32>
    %slice3A_1457 = vector.extract_strided_slice %add3A_1284 {offsets = [300, 0], sizes = [100, 32], strides = [1, 1]} : vector<400x128xf32> to vector<100x32xf32>
    %slice3A_1458 = vector.extract_strided_slice %add3A_1294 {offsets = [300, 0], sizes = [100, 32], strides = [1, 1]} : vector<400x128xf32> to vector<100x32xf32>
    %dot_general3A_1459 = arith.constant dense<0.000000e+00> : vector<100x100xf32>
    %dot_general3A_1460 = tpu.matmul %slice3A_1456, %slice3A_1457, %dot_general3A_1459 {dimension_numbers = #tpu.dot_dimension_numbers<[1], [1], [0], [0], [0, 0, 1, 0], [], []>, transpose_lhs_hint = false} : vector<100x32xf32>, vector<100x32xf32>, vector<100x100xf32> -> vector<100x100xf32>
    %exp3A_1461 = math.exp %dot_general3A_1460 : vector<100x100xf32>
    %concatenate3A_1462 = tpu.concatenate %slice3A_1458, %broadcast_in_dim3A_1296 in 1 : vector<100x32xf32>, vector<100x1xf32> -> vector<100x33xf32>
    %dot_general3A_1463 = arith.constant dense<0.000000e+00> : vector<100x33xf32>
    %dot_general3A_1464 = tpu.matmul %exp3A_1461, %concatenate3A_1462, %dot_general3A_1463 {dimension_numbers = #tpu.dot_dimension_numbers<[1], [0], [0], [1], [0, 0, 1, 1], [], []>, transpose_lhs_hint = false} : vector<100x100xf32>, vector<100x33xf32>, vector<100x33xf32> -> vector<100x33xf32>
    %slice3A_1465 = vector.extract_strided_slice %dot_general3A_1464 {offsets = [0, 0], sizes = [100, 32], strides = [1, 1]} : vector<100x33xf32> to vector<100x32xf32>
    %slice3A_1466 = vector.extract_strided_slice %dot_general3A_1464 {offsets = [0, 32], sizes = [100, 1], strides = [1, 1]} : vector<100x33xf32> to vector<100x1xf32>
    %div3A_1467 = vector.broadcast %slice3A_1466 : vector<100x1xf32> to vector<100x32xf32>
    %div3A_1468 = arith.divf %slice3A_1465, %div3A_1467 : vector<100x32xf32>
    %slice3A_1469 = vector.extract_strided_slice %add3A_1274 {offsets = [300, 32], sizes = [100, 32], strides = [1, 1]} : vector<400x128xf32> to vector<100x32xf32>
    %slice3A_1470 = vector.extract_strided_slice %add3A_1284 {offsets = [300, 32], sizes = [100, 32], strides = [1, 1]} : vector<400x128xf32> to vector<100x32xf32>
    %slice3A_1471 = vector.extract_strided_slice %add3A_1294 {offsets = [300, 32], sizes = [100, 32], strides = [1, 1]} : vector<400x128xf32> to vector<100x32xf32>
    %dot_general3A_1472 = arith.constant dense<0.000000e+00> : vector<100x100xf32>
    %dot_general3A_1473 = tpu.matmul %slice3A_1469, %slice3A_1470, %dot_general3A_1472 {dimension_numbers = #tpu.dot_dimension_numbers<[1], [1], [0], [0], [0, 0, 1, 0], [], []>, transpose_lhs_hint = false} : vector<100x32xf32>, vector<100x32xf32>, vector<100x100xf32> -> vector<100x100xf32>
    %exp3A_1474 = math.exp %dot_general3A_1473 : vector<100x100xf32>
    %concatenate3A_1475 = tpu.concatenate %slice3A_1471, %broadcast_in_dim3A_1296 in 1 : vector<100x32xf32>, vector<100x1xf32> -> vector<100x33xf32>
    %dot_general3A_1476 = arith.constant dense<0.000000e+00> : vector<100x33xf32>
    %dot_general3A_1477 = tpu.matmul %exp3A_1474, %concatenate3A_1475, %dot_general3A_1476 {dimension_numbers = #tpu.dot_dimension_numbers<[1], [0], [0], [1], [0, 0, 1, 1], [], []>, transpose_lhs_hint = false} : vector<100x100xf32>, vector<100x33xf32>, vector<100x33xf32> -> vector<100x33xf32>
    %slice3A_1478 = vector.extract_strided_slice %dot_general3A_1477 {offsets = [0, 0], sizes = [100, 32], strides = [1, 1]} : vector<100x33xf32> to vector<100x32xf32>
    %slice3A_1479 = vector.extract_strided_slice %dot_general3A_1477 {offsets = [0, 32], sizes = [100, 1], strides = [1, 1]} : vector<100x33xf32> to vector<100x1xf32>
    %div3A_1480 = vector.broadcast %slice3A_1479 : vector<100x1xf32> to vector<100x32xf32>
    %div3A_1481 = arith.divf %slice3A_1478, %div3A_1480 : vector<100x32xf32>
    %slice3A_1482 = vector.extract_strided_slice %add3A_1274 {offsets = [300, 64], sizes = [100, 32], strides = [1, 1]} : vector<400x128xf32> to vector<100x32xf32>
    %slice3A_1483 = vector.extract_strided_slice %add3A_1284 {offsets = [300, 64], sizes = [100, 32], strides = [1, 1]} : vector<400x128xf32> to vector<100x32xf32>
    %slice3A_1484 = vector.extract_strided_slice %add3A_1294 {offsets = [300, 64], sizes = [100, 32], strides = [1, 1]} : vector<400x128xf32> to vector<100x32xf32>
    %dot_general3A_1485 = arith.constant dense<0.000000e+00> : vector<100x100xf32>
    %dot_general3A_1486 = tpu.matmul %slice3A_1482, %slice3A_1483, %dot_general3A_1485 {dimension_numbers = #tpu.dot_dimension_numbers<[1], [1], [0], [0], [0, 0, 1, 0], [], []>, transpose_lhs_hint = false} : vector<100x32xf32>, vector<100x32xf32>, vector<100x100xf32> -> vector<100x100xf32>
    %exp3A_1487 = math.exp %dot_general3A_1486 : vector<100x100xf32>
    %concatenate3A_1488 = tpu.concatenate %slice3A_1484, %broadcast_in_dim3A_1296 in 1 : vector<100x32xf32>, vector<100x1xf32> -> vector<100x33xf32>
    %dot_general3A_1489 = arith.constant dense<0.000000e+00> : vector<100x33xf32>
    %dot_general3A_1490 = tpu.matmul %exp3A_1487, %concatenate3A_1488, %dot_general3A_1489 {dimension_numbers = #tpu.dot_dimension_numbers<[1], [0], [0], [1], [0, 0, 1, 1], [], []>, transpose_lhs_hint = false} : vector<100x100xf32>, vector<100x33xf32>, vector<100x33xf32> -> vector<100x33xf32>
    %slice3A_1491 = vector.extract_strided_slice %dot_general3A_1490 {offsets = [0, 0], sizes = [100, 32], strides = [1, 1]} : vector<100x33xf32> to vector<100x32xf32>
    %slice3A_1492 = vector.extract_strided_slice %dot_general3A_1490 {offsets = [0, 32], sizes = [100, 1], strides = [1, 1]} : vector<100x33xf32> to vector<100x1xf32>
    %div3A_1493 = vector.broadcast %slice3A_1492 : vector<100x1xf32> to vector<100x32xf32>
    %div3A_1494 = arith.divf %slice3A_1491, %div3A_1493 : vector<100x32xf32>
    %slice3A_1495 = vector.extract_strided_slice %add3A_1274 {offsets = [300, 96], sizes = [100, 32], strides = [1, 1]} : vector<400x128xf32> to vector<100x32xf32>
    %slice3A_1496 = vector.extract_strided_slice %add3A_1284 {offsets = [300, 96], sizes = [100, 32], strides = [1, 1]} : vector<400x128xf32> to vector<100x32xf32>
    %slice3A_1497 = vector.extract_strided_slice %add3A_1294 {offsets = [300, 96], sizes = [100, 32], strides = [1, 1]} : vector<400x128xf32> to vector<100x32xf32>
    %dot_general3A_1498 = arith.constant dense<0.000000e+00> : vector<100x100xf32>
    %dot_general3A_1499 = tpu.matmul %slice3A_1495, %slice3A_1496, %dot_general3A_1498 {dimension_numbers = #tpu.dot_dimension_numbers<[1], [1], [0], [0], [0, 0, 1, 0], [], []>, transpose_lhs_hint = false} : vector<100x32xf32>, vector<100x32xf32>, vector<100x100xf32> -> vector<100x100xf32>
    %exp3A_1500 = math.exp %dot_general3A_1499 : vector<100x100xf32>
    %concatenate3A_1501 = tpu.concatenate %slice3A_1497, %broadcast_in_dim3A_1296 in 1 : vector<100x32xf32>, vector<100x1xf32> -> vector<100x33xf32>
    %dot_general3A_1502 = arith.constant dense<0.000000e+00> : vector<100x33xf32>
    %dot_general3A_1503 = tpu.matmul %exp3A_1500, %concatenate3A_1501, %dot_general3A_1502 {dimension_numbers = #tpu.dot_dimension_numbers<[1], [0], [0], [1], [0, 0, 1, 1], [], []>, transpose_lhs_hint = false} : vector<100x100xf32>, vector<100x33xf32>, vector<100x33xf32> -> vector<100x33xf32>
    %slice3A_1504 = vector.extract_strided_slice %dot_general3A_1503 {offsets = [0, 0], sizes = [100, 32], strides = [1, 1]} : vector<100x33xf32> to vector<100x32xf32>
    %slice3A_1505 = vector.extract_strided_slice %dot_general3A_1503 {offsets = [0, 32], sizes = [100, 1], strides = [1, 1]} : vector<100x33xf32> to vector<100x1xf32>
    %div3A_1506 = vector.broadcast %slice3A_1505 : vector<100x1xf32> to vector<100x32xf32>
    %div3A_1507 = arith.divf %slice3A_1504, %div3A_1506 : vector<100x32xf32>
    %concatenate3A_1508 = tpu.concatenate %div3A_1468, %div3A_1481, %div3A_1494, %div3A_1507 in 1 : vector<100x32xf32>, vector<100x32xf32>, vector<100x32xf32>, vector<100x32xf32> -> vector<100x128xf32>
    %concatenate3A_1509 = tpu.concatenate %concatenate3A_1349, %concatenate3A_1402, %concatenate3A_1455, %concatenate3A_1508 in 0 : vector<100x128xf32>, vector<100x128xf32>, vector<100x128xf32>, vector<100x128xf32> -> vector<400x128xf32>
    %get3A_1510 = arith.constant 0 : index
    %get3A_1511 = arith.constant 0 : index
    %get3A_1512 = vector.load %arg12[%get3A_1510, %get3A_1511] : memref<128x128xf32, #tpu.memory_space<vmem>>, vector<128x128xf32>
    %dot_general3A_1513 = arith.constant dense<0.000000e+00> : vector<400x128xf32>
    %dot_general3A_1514 = tpu.matmul %concatenate3A_1509, %get3A_1512, %dot_general3A_1513 {dimension_numbers = #tpu.dot_dimension_numbers<[1], [0], [0], [1], [0, 0, 1, 1], [], []>, transpose_lhs_hint = false} : vector<400x128xf32>, vector<128x128xf32>, vector<400x128xf32> -> vector<400x128xf32>
    %get3A_1515 = arith.constant 0 : index
    %get3A_1516 = arith.constant 0 : index
    %get3A_1517 = vector.load %arg13[%get3A_1515, %get3A_1516] : memref<1x128xf32, #tpu.memory_space<vmem>>, vector<1x128xf32>
    %add3A_1518 = vector.broadcast %get3A_1517 : vector<1x128xf32> to vector<400x128xf32>
    %add3A_1519 = arith.addf %dot_general3A_1514, %add3A_1518 : vector<400x128xf32>
    %broadcast_in_dim3A_1520 = arith.constant 1.000000e+00 : f32
    %broadcast_in_dim3A_1521 = vector.broadcast %broadcast_in_dim3A_1520 : f32 to vector<128x1xf32>
    %add3A_1522 = arith.addf %reshape3A_1264, %add3A_1519 : vector<400x128xf32>
    %get3A_1523 = arith.constant 0 : index
    %get3A_1524 = arith.constant 0 : index
    %get3A_1525 = vector.load %arg18[%get3A_1523, %get3A_1524] : memref<1x128xf32, #tpu.memory_space<vmem>>, vector<1x128xf32>
    %get3A_1526 = arith.constant 0 : index
    %get3A_1527 = arith.constant 0 : index
    %get3A_1528 = vector.load %arg19[%get3A_1526, %get3A_1527] : memref<1x128xf32, #tpu.memory_space<vmem>>, vector<1x128xf32>
    %dot_general3A_1529 = arith.constant dense<0.000000e+00> : vector<400x1xf32>
    %dot_general3A_1530 = tpu.matmul %add3A_1522, %broadcast_in_dim3A_1521, %dot_general3A_1529 {dimension_numbers = #tpu.dot_dimension_numbers<[1], [0], [0], [1], [0, 0, 1, 1], [], []>, transpose_lhs_hint = false} : vector<400x128xf32>, vector<128x1xf32>, vector<400x1xf32> -> vector<400x1xf32>
    %mul3A_1531 = arith.constant 7.812500e-03 : f32
    %mul3A_1532 = vector.broadcast %mul3A_1531 : f32 to vector<400x1xf32>
    %mul3A_1533 = arith.mulf %dot_general3A_1530, %mul3A_1532 : vector<400x1xf32>
    %sub3A_1534 = vector.broadcast %mul3A_1533 : vector<400x1xf32> to vector<400x128xf32>
    %sub3A_1535 = arith.subf %add3A_1522, %sub3A_1534 : vector<400x128xf32>
    %mul3A_1536 = arith.mulf %sub3A_1535, %sub3A_1535 : vector<400x128xf32>
    %dot_general3A_1537 = arith.constant dense<0.000000e+00> : vector<400x1xf32>
    %dot_general3A_1538 = tpu.matmul %mul3A_1536, %broadcast_in_dim3A_1521, %dot_general3A_1537 {dimension_numbers = #tpu.dot_dimension_numbers<[1], [0], [0], [1], [0, 0, 1, 1], [], []>, transpose_lhs_hint = false} : vector<400x128xf32>, vector<128x1xf32>, vector<400x1xf32> -> vector<400x1xf32>
    %mul3A_1539 = arith.constant 7.812500e-03 : f32
    %mul3A_1540 = vector.broadcast %mul3A_1539 : f32 to vector<400x1xf32>
    %mul3A_1541 = arith.mulf %dot_general3A_1538, %mul3A_1540 : vector<400x1xf32>
    %add3A_1542 = arith.constant 9.99999974E-6 : f32
    %add3A_1543 = vector.broadcast %add3A_1542 : f32 to vector<400x1xf32>
    %add3A_1544 = arith.addf %mul3A_1541, %add3A_1543 : vector<400x1xf32>
    %rsqrt3A_1545 = math.rsqrt %add3A_1544 : vector<400x1xf32>
    %mul3A_1546 = vector.broadcast %rsqrt3A_1545 : vector<400x1xf32> to vector<400x128xf32>
    %mul3A_1547 = arith.mulf %sub3A_1535, %mul3A_1546 : vector<400x128xf32>
    %mul3A_1548 = vector.broadcast %get3A_1525 : vector<1x128xf32> to vector<400x128xf32>
    %mul3A_1549 = arith.mulf %mul3A_1547, %mul3A_1548 : vector<400x128xf32>
    %add3A_1550 = vector.broadcast %get3A_1528 : vector<1x128xf32> to vector<400x128xf32>
    %add3A_1551 = arith.addf %mul3A_1549, %add3A_1550 : vector<400x128xf32>
    %get3A_1552 = arith.constant 0 : index
    %get3A_1553 = arith.constant 0 : index
    %get3A_1554 = vector.load %arg14[%get3A_1552, %get3A_1553] : memref<128x256xf32, #tpu.memory_space<vmem>>, vector<128x256xf32>
    %dot_general3A_1555 = arith.constant dense<0.000000e+00> : vector<400x256xf32>
    %dot_general3A_1556 = tpu.matmul %add3A_1551, %get3A_1554, %dot_general3A_1555 {dimension_numbers = #tpu.dot_dimension_numbers<[1], [0], [0], [1], [0, 0, 1, 1], [], []>, transpose_lhs_hint = false} : vector<400x128xf32>, vector<128x256xf32>, vector<400x256xf32> -> vector<400x256xf32>
    %get3A_1557 = arith.constant 0 : index
    %get3A_1558 = arith.constant 0 : index
    %get3A_1559 = vector.load %arg15[%get3A_1557, %get3A_1558] : memref<1x256xf32, #tpu.memory_space<vmem>>, vector<1x256xf32>
    %add3A_1560 = vector.broadcast %get3A_1559 : vector<1x256xf32> to vector<400x256xf32>
    %add3A_1561 = arith.addf %dot_general3A_1556, %add3A_1560 : vector<400x256xf32>
    %max3A_1562 = arith.constant 0.000000e+00 : f32
    %max3A_1563 = vector.broadcast %max3A_1562 : f32 to vector<400x256xf32>
    %max3A_1564 = arith.maximumf %add3A_1561, %max3A_1563 : vector<400x256xf32>
    %get3A_1565 = arith.constant 0 : index
    %get3A_1566 = arith.constant 0 : index
    %get3A_1567 = vector.load %arg16[%get3A_1565, %get3A_1566] : memref<256x128xf32, #tpu.memory_space<vmem>>, vector<256x128xf32>
    %dot_general3A_1568 = arith.constant dense<0.000000e+00> : vector<400x128xf32>
    %dot_general3A_1569 = tpu.matmul %max3A_1564, %get3A_1567, %dot_general3A_1568 {dimension_numbers = #tpu.dot_dimension_numbers<[1], [0], [0], [1], [0, 0, 1, 1], [], []>, transpose_lhs_hint = false} : vector<400x256xf32>, vector<256x128xf32>, vector<400x128xf32> -> vector<400x128xf32>
    %get3A_1570 = arith.constant 0 : index
    %get3A_1571 = arith.constant 0 : index
    %get3A_1572 = vector.load %arg17[%get3A_1570, %get3A_1571] : memref<1x128xf32, #tpu.memory_space<vmem>>, vector<1x128xf32>
    %add3A_1573 = vector.broadcast %get3A_1572 : vector<1x128xf32> to vector<400x128xf32>
    %add3A_1574 = arith.addf %dot_general3A_1569, %add3A_1573 : vector<400x128xf32>
    %add3A_1575 = arith.addf %add3A_1551, %add3A_1574 : vector<400x128xf32>
    %get3A_1576 = arith.constant 0 : index
    %get3A_1577 = arith.constant 0 : index
    %get3A_1578 = vector.load %arg20[%get3A_1576, %get3A_1577] : memref<1x128xf32, #tpu.memory_space<vmem>>, vector<1x128xf32>
    %get3A_1579 = arith.constant 0 : index
    %get3A_1580 = arith.constant 0 : index
    %get3A_1581 = vector.load %arg21[%get3A_1579, %get3A_1580] : memref<1x128xf32, #tpu.memory_space<vmem>>, vector<1x128xf32>
    %dot_general3A_1582 = arith.constant dense<0.000000e+00> : vector<400x1xf32>
    %dot_general3A_1583 = tpu.matmul %add3A_1575, %broadcast_in_dim3A_1521, %dot_general3A_1582 {dimension_numbers = #tpu.dot_dimension_numbers<[1], [0], [0], [1], [0, 0, 1, 1], [], []>, transpose_lhs_hint = false} : vector<400x128xf32>, vector<128x1xf32>, vector<400x1xf32> -> vector<400x1xf32>
    %mul3A_1584 = arith.constant 7.812500e-03 : f32
    %mul3A_1585 = vector.broadcast %mul3A_1584 : f32 to vector<400x1xf32>
    %mul3A_1586 = arith.mulf %dot_general3A_1583, %mul3A_1585 : vector<400x1xf32>
    %sub3A_1587 = vector.broadcast %mul3A_1586 : vector<400x1xf32> to vector<400x128xf32>
    %sub3A_1588 = arith.subf %add3A_1575, %sub3A_1587 : vector<400x128xf32>
    %mul3A_1589 = arith.mulf %sub3A_1588, %sub3A_1588 : vector<400x128xf32>
    %dot_general3A_1590 = arith.constant dense<0.000000e+00> : vector<400x1xf32>
    %dot_general3A_1591 = tpu.matmul %mul3A_1589, %broadcast_in_dim3A_1521, %dot_general3A_1590 {dimension_numbers = #tpu.dot_dimension_numbers<[1], [0], [0], [1], [0, 0, 1, 1], [], []>, transpose_lhs_hint = false} : vector<400x128xf32>, vector<128x1xf32>, vector<400x1xf32> -> vector<400x1xf32>
    %mul3A_1592 = arith.constant 7.812500e-03 : f32
    %mul3A_1593 = vector.broadcast %mul3A_1592 : f32 to vector<400x1xf32>
    %mul3A_1594 = arith.mulf %dot_general3A_1591, %mul3A_1593 : vector<400x1xf32>
    %add3A_1595 = arith.constant 9.99999974E-6 : f32
    %add3A_1596 = vector.broadcast %add3A_1595 : f32 to vector<400x1xf32>
    %add3A_1597 = arith.addf %mul3A_1594, %add3A_1596 : vector<400x1xf32>
    %rsqrt3A_1598 = math.rsqrt %add3A_1597 : vector<400x1xf32>
    %mul3A_1599 = vector.broadcast %rsqrt3A_1598 : vector<400x1xf32> to vector<400x128xf32>
    %mul3A_1600 = arith.mulf %sub3A_1588, %mul3A_1599 : vector<400x128xf32>
    %mul3A_1601 = vector.broadcast %get3A_1578 : vector<1x128xf32> to vector<400x128xf32>
    %mul3A_1602 = arith.mulf %mul3A_1600, %mul3A_1601 : vector<400x128xf32>
    %add3A_1603 = vector.broadcast %get3A_1581 : vector<1x128xf32> to vector<400x128xf32>
    %add3A_1604 = arith.addf %mul3A_1602, %add3A_1603 : vector<400x128xf32>
    %reshape3A_1605 = vector.shape_cast %add3A_1604 : vector<400x128xf32> to vector<4x100x128xf32>
    %swap3A_1606 = arith.constant 3 : index
    %swap3A_1607 = arith.constant 0 : index
    %swap3A_1608 = arith.constant 0 : index
    %swap3A_1609 = arith.constant 0 : index
    %swap3A_1610 = vector.load %arg22[%swap3A_1606, %swap3A_1607, %swap3A_1608, %swap3A_1609] : memref<4x4x100x128xf32, #tpu.memory_space<vmem>>, vector<1x4x100x128xf32>
    %swap3A_1611 = vector.shape_cast %swap3A_1610 : vector<1x4x100x128xf32> to vector<4x100x128xf32>
    %swap3A_1612 = vector.shape_cast %reshape3A_1605 : vector<4x100x128xf32> to vector<1x4x100x128xf32>
    tpu.vector_store %arg22[%swap3A_1606, %swap3A_1607, %swap3A_1608, %swap3A_1609], %swap3A_1612 {strides = array<i32>} : memref<4x4x100x128xf32, #tpu.memory_space<vmem>>, vector<1x4x100x128xf32>,
    return
  }
  func.func @transform_0(%arg0: i32) -> (i32, i32, i32, i32) {
    %c0_i32 = arith.constant 0 : i32
    %c0_i32_0 = arith.constant 0 : i32
    %c0_i32_1 = arith.constant 0 : i32
    %c0_i32_2 = arith.constant 0 : i32
    return %c0_i32, %arg0, %c0_i32_0, %c0_i32_1 : i32, i32, i32, i32
  }
  func.func @transform_1(%arg0: i32) -> (i32, i32, i32, i32) {
    %c0_i32 = arith.constant 0 : i32
    %c0_i32_0 = arith.constant 0 : i32
    %c0_i32_1 = arith.constant 0 : i32
    %c0_i32_2 = arith.constant 0 : i32
    return %c0_i32, %arg0, %c0_i32_0, %c0_i32_1 : i32, i32, i32, i32
  }
  func.func @transform_2(%arg0: i32) -> (i32, i32, i32, i32) {
    %c0_i32 = arith.constant 0 : i32
    %c0_i32_0 = arith.constant 0 : i32
    %c0_i32_1 = arith.constant 0 : i32
    %c0_i32_2 = arith.constant 0 : i32
    return %c0_i32, %arg0, %c0_i32_0, %c0_i32_1 : i32, i32, i32, i32
  }
  func.func @transform_3(%arg0: i32) -> (i32, i32, i32, i32) {
    %c0_i32 = arith.constant 0 : i32
    %c0_i32_0 = arith.constant 0 : i32
    %c0_i32_1 = arith.constant 0 : i32
    %c0_i32_2 = arith.constant 0 : i32
    return %arg0, %c0_i32, %c0_i32_0, %c0_i32_1 : i32, i32, i32, i32
  }
  func.func @transform_4(%arg0: i32) -> (i32, i32) {
    %c0_i32 = arith.constant 0 : i32
    %c0_i32_0 = arith.constant 0 : i32
    %c0_i32_1 = arith.constant 0 : i32
    return %c0_i32, %c0_i32_0 : i32, i32
  }
  func.func @transform_5(%arg0: i32) -> (i32, i32) {
    %c0_i32 = arith.constant 0 : i32
    %c0_i32_0 = arith.constant 0 : i32
    %c0_i32_1 = arith.constant 0 : i32
    return %c0_i32, %c0_i32_0 : i32, i32
  }
  func.func @transform_6(%arg0: i32) -> (i32, i32) {
    %c0_i32 = arith.constant 0 : i32
    %c0_i32_0 = arith.constant 0 : i32
    %c0_i32_1 = arith.constant 0 : i32
    return %c0_i32, %c0_i32_0 : i32, i32
  }
  func.func @transform_7(%arg0: i32) -> (i32, i32) {
    %c0_i32 = arith.constant 0 : i32
    %c0_i32_0 = arith.constant 0 : i32
    %c0_i32_1 = arith.constant 0 : i32
    return %c0_i32, %c0_i32_0 : i32, i32
  }
  func.func @transform_8(%arg0: i32) -> (i32, i32) {
    %c0_i32 = arith.constant 0 : i32
    %c0_i32_0 = arith.constant 0 : i32
    %c0_i32_1 = arith.constant 0 : i32
    return %c0_i32, %c0_i32_0 : i32, i32
  }
  func.func @transform_9(%arg0: i32) -> (i32, i32) {
    %c0_i32 = arith.constant 0 : i32
    %c0_i32_0 = arith.constant 0 : i32
    %c0_i32_1 = arith.constant 0 : i32
    return %c0_i32, %c0_i32_0 : i32, i32
  }
  func.func @transform_10(%arg0: i32) -> (i32, i32) {
    %c0_i32 = arith.constant 0 : i32
    %c0_i32_0 = arith.constant 0 : i32
    %c0_i32_1 = arith.constant 0 : i32
    return %c0_i32, %c0_i32_0 : i32, i32
  }
  func.func @transform_11(%arg0: i32) -> (i32, i32) {
    %c0_i32 = arith.constant 0 : i32
    %c0_i32_0 = arith.constant 0 : i32
    %c0_i32_1 = arith.constant 0 : i32
    return %c0_i32, %c0_i32_0 : i32, i32
  }
  func.func @transform_12(%arg0: i32) -> (i32, i32) {
    %c0_i32 = arith.constant 0 : i32
    %c0_i32_0 = arith.constant 0 : i32
    %c0_i32_1 = arith.constant 0 : i32
    return %c0_i32, %c0_i32_0 : i32, i32
  }
  func.func @transform_13(%arg0: i32) -> (i32, i32) {
    %c0_i32 = arith.constant 0 : i32
    %c0_i32_0 = arith.constant 0 : i32
    %c0_i32_1 = arith.constant 0 : i32
    return %c0_i32, %c0_i32_0 : i32, i32
  }
  func.func @transform_14(%arg0: i32) -> (i32, i32) {
    %c0_i32 = arith.constant 0 : i32
    %c0_i32_0 = arith.constant 0 : i32
    %c0_i32_1 = arith.constant 0 : i32
    return %c0_i32, %c0_i32_0 : i32, i32
  }
  func.func @transform_15(%arg0: i32) -> (i32, i32) {
    %c0_i32 = arith.constant 0 : i32
    %c0_i32_0 = arith.constant 0 : i32
    %c0_i32_1 = arith.constant 0 : i32
    return %c0_i32, %c0_i32_0 : i32, i32
  }
  func.func @transform_16(%arg0: i32) -> (i32, i32) {
    %c0_i32 = arith.constant 0 : i32
    %c0_i32_0 = arith.constant 0 : i32
    %c0_i32_1 = arith.constant 0 : i32
    return %c0_i32, %c0_i32_0 : i32, i32
  }
  func.func @transform_17(%arg0: i32) -> (i32, i32) {
    %c0_i32 = arith.constant 0 : i32
    %c0_i32_0 = arith.constant 0 : i32
    %c0_i32_1 = arith.constant 0 : i32
    return %c0_i32, %c0_i32_0 : i32, i32
  }
  func.func @transform_18(%arg0: i32) -> (i32, i32) {
    %c0_i32 = arith.constant 0 : i32
    %c0_i32_0 = arith.constant 0 : i32
    %c0_i32_1 = arith.constant 0 : i32
    return %c0_i32, %c0_i32_0 : i32, i32
  }
  func.func @transform_19(%arg0: i32) -> (i32, i32) {
    %c0_i32 = arith.constant 0 : i32
    %c0_i32_0 = arith.constant 0 : i32
    %c0_i32_1 = arith.constant 0 : i32
    return %c0_i32, %c0_i32_0 : i32, i32
  }
  func.func @transform_20(%arg0: i32) -> (i32, i32) {
    %c0_i32 = arith.constant 0 : i32
    %c0_i32_0 = arith.constant 0 : i32
    %c0_i32_1 = arith.constant 0 : i32
    return %c0_i32, %c0_i32_0 : i32, i32
  }
  func.func @transform_21(%arg0: i32) -> (i32, i32, i32, i32) {
    %c0_i32 = arith.constant 0 : i32
    %c0_i32_0 = arith.constant 0 : i32
    %c0_i32_1 = arith.constant 0 : i32
    %c0_i32_2 = arith.constant 0 : i32
    return %arg0, %c0_i32, %c0_i32_0, %c0_i32_1 : i32, i32, i32, i32
  }
}

</mosaic_0001>

<sc_bundles>
// kernel: kernel.11.cloned.1.call-start
scs
__scs_entry_jumppad:
0x0: {  	(pc) =	sbr.rel $0x88, $3  }
0x1: {  	(tag) =	ssettag $0x0;
	lr =	simm.s32 $0x1  }
0x2: {  	[smem:$0x3F8A] =	sst lr;
	_ =	strace $0xD0000000  }
0x3: {  	_ = 	snop  }
0x4: {  	_ = 	snop  }
0x5: {  	_ = 	snop  }
0x6: {  	_ = 	snop  }
0x7: {  	_ = 	snop  }
__scs_overlays_trampoline_lowered:
0x8: {  	[smem:$0x3F99] =	sst s0  }
0x9: {  	[smem:$0x3F9A] =	sst s1  }
0xa: {  	[smem:$0x3F9B] =	sst s2  }
0xb: {  	[smem:$0x3F9C] =	sst s3  }
0xc: {  	[smem:$0x3F9D] =	sst s4  }
0xd: {  	[smem:$0x3F9E] =	sst s5  }
0xe: {  	[smem:$0x3F9F] =	sst s6  }
0xf: {  	[smem:$0x3FA0] =	sst s7  }
0x10: {  	[smem:$0x3FA1] =	sst s8  }
0x11: {  	[smem:$0x3FA2] =	sst s9;
	s0 =	simm.s32 @!p0 $0x0  }
0x12: {  	s1 =	sld [smem:$0x3F88];
	s0 =	simm.s32 @p0 $0x1  }
0x13: {  	[smem:$0x3FA3] =	sst s0;
	s0 =	simm.s32 @!p1 $0x0  }
0x14: {  	s2 =	sld [smem:$0x3F87];
	s0 =	simm.s32 @p1 $0x1  }
0x15: {  	[smem:$0x3FA4] =	sst s0;
	s0 =	simm.s32 @!p2 $0x0  }
0x16: {  	s3 =	sld [smem:$0x3FDB];
	s0 =	simm.s32 @p2 $0x1  }
0x17: {  	s4 =	simm.s32 $0x1BF5;
	[smem:$0x3FA6] =	sst s0  }
0x18: {  	s0 =	sld [smem:$0x3F89];
	_ =	swait.ge [sflag:s4], $0x0  }
0x19: {  	s7 =	sld [smem:$0x3F8A]  }
0x1a: {  	s8 =	sadd.s32 $0xFFFFE003, lr  }
0x1b: {  	s9 =	sadd.s32 $0xFFFFFEF7, lr;
	s5 =	simm.s32 $0xFFFFFFFF;
	p2 =	slt.u32 s8, $0xFFFFF086  }
0x1c: {  	p1 =	slt.u32 s9, $0xF7A;
	s5 =	simm.s32 @!p2 $0x0  }
0x1d: {  	s5 =	simm.s32 @p1 $0x1;
	p0 =	seq.s32 s7, s2  }
0x1e: {  	s7 =	smul.u32 @!p0 $0xF7A, s2;
	p2 =	seq.s32 @!p0 s5, $0x0  }
0x1f: {  	s9 =	smul.u32 $0xF7A, s1;
	s8 =	simm.s32 @!p0 $0x1BF5;
	p2 =	por !p2, p0  }
0x20: {  	[sflag:s8] =	ssyncset.s32 @!p0 $0xFFFFF086;
	s6 =	sadd.s32 @!p0 s3, s7;
	s7 =	simm.s32 @!p0 $0x108  }
0x21: {  	s3 =	sadd.s32 s3, s9;
	s6 =	sadd.s32 @!p0 $0x88, s6;
	s7 =	simm.s32 @p2 $0x1082  }
0x22: {  	[simem:s7], [sflag:s8] =	dma.local @!p0 [hbm:s6], $0xF7A  }
0x23: {  	s9 =	sor.u32 $0xD0000000, s2;
	s6 =	simm.s32 $0x108;
	_ =	swait.ge @!p0 [sflag:s8], $0x0  }
0x24: {  	s3 =	sadd.s32 $0x88, s3;
	s6 =	simm.s32 @!p1 $0x1082;
	[sflag:s4] =	ssyncset.s32 $0xFFFFF086  }
0x25: {  	[simem:s6], [sflag:s4] =	dma.local [hbm:s3], $0xF7A  }
0x26: {  	[smem:$0x3F8A] =	sst s1;
	(tag) =	ssettag s2;
	_ =	strace s9  }
0x27: {  	s1 =	sld [smem:$0x3F9A]  }
0x28: {  	s2 =	sld [smem:$0x3F9B]  }
0x29: {  	s4 =	sld [smem:$0x3F9D]  }
0x2a: {  	p0 =	seq.s32 s5, $0x0;
	s5 =	sld [smem:$0x3F9E]  }
0x2b: {  	s6 =	sld [smem:$0x3F9F]  }
0x2c: {  	s7 =	sld [smem:$0x3FA0]  }
0x2d: {  	s3 =	simm.s32 $0x108;
	s8 =	sld [smem:$0x3FA1]  }
0x2e: {  	s3 =	simm.s32 @!p0 $0x1082;
	s9 =	sld [smem:$0x3FA2]  }
0x2f: {  	lr =	sadd.s32 s0, s3;
	s0 =	sld [smem:$0x3F99]  }
0x30: {  	s3 =	sld [smem:$0x3F9C]  }
0x31: {  	[smem:$0x3FA5] =	sst s10  }
0x32: {  	s10 =	sld [smem:$0x3FA3];
	_ =	sdelay $0x3  }
0x33: {  	p0 =	seq.s32 s10, $0x1;
	s10 =	sld [smem:$0x3FA5];
	_ =	sdelay $0x3  }
0x34: {  	[smem:$0x3FA5] =	sst s10  }
0x35: {  	s10 =	sld [smem:$0x3FA4];
	_ =	sdelay $0x3  }
0x36: {  	p1 =	seq.s32 s10, $0x1;
	s10 =	sld [smem:$0x3FA5];
	_ =	sdelay $0x3  }
0x37: {  	[smem:$0x3FA5] =	sst s10  }
0x38: {  	s10 =	sld [smem:$0x3FA6]  }
0x39: {  	_ = 	snop;
	(pc) =	sbr.ind lr, $3  }
0x3a: {  	_ = 	snop  }
0x3b: {  	_ = 	snop  }
0x3c: {  	p2 =	seq.s32 s10, $0x1;
	s10 =	sld [smem:$0x3FA5]  }
0x3d: {  	_ =	shalt  }
0x3e: {  	_ =	shalt  }
0x3f: {  	_ =	shalt  }
0x40: {  	_ =	shalt  }
0x41: {  	_ =	shalt  }
0x42: {  	_ =	shalt  }
0x43: {  	_ =	shalt  }
0x44: {  	_ =	shalt  }
0x45: {  	_ =	shalt  }
0x46: {  	_ =	shalt  }
0x47: {  	_ =	shalt  }
0x48: {  	_ =	shalt  }
0x49: {  	_ =	shalt  }
0x4a: {  	_ =	shalt  }
0x4b: {  	_ =	shalt  }
0x4c: {  	_ =	shalt  }
0x4d: {  	_ =	shalt  }
0x4e: {  	_ =	shalt  }
0x4f: {  	_ =	shalt  }
0x50: {  	_ =	shalt  }
0x51: {  	_ =	shalt  }
0x52: {  	_ =	shalt  }
0x53: {  	_ =	shalt  }
0x54: {  	_ =	shalt  }
0x55: {  	_ =	shalt  }
0x56: {  	_ =	shalt  }
0x57: {  	_ =	shalt  }
0x58: {  	_ =	shalt  }
0x59: {  	_ =	shalt  }
0x5a: {  	_ =	shalt  }
0x5b: {  	_ =	shalt  }
0x5c: {  	_ =	shalt  }
0x5d: {  	_ =	shalt  }
0x5e: {  	_ =	shalt  }
0x5f: {  	_ =	shalt  }
0x60: {  	_ =	shalt  }
0x61: {  	_ =	shalt  }
0x62: {  	_ =	shalt  }
0x63: {  	_ =	shalt  }
0x64: {  	_ =	shalt  }
0x65: {  	_ =	shalt  }
0x66: {  	_ =	shalt  }
0x67: {  	_ =	shalt  }
0x68: {  	_ =	shalt  }
0x69: {  	_ =	shalt  }
0x6a: {  	_ =	shalt  }
0x6b: {  	_ =	shalt  }
0x6c: {  	_ =	shalt  }
0x6d: {  	_ =	shalt  }
0x6e: {  	_ =	shalt  }
0x6f: {  	_ =	shalt  }
0x70: {  	_ =	shalt  }
0x71: {  	_ =	shalt  }
0x72: {  	_ =	shalt  }
0x73: {  	_ =	shalt  }
0x74: {  	_ =	shalt  }
0x75: {  	_ =	shalt  }
0x76: {  	_ =	shalt  }
0x77: {  	_ =	shalt  }
0x78: {  	_ =	shalt  }
0x79: {  	_ =	shalt  }
0x7a: {  	_ =	shalt  }
0x7b: {  	_ =	shalt  }
0x7c: {  	_ =	shalt  }
0x7d: {  	_ =	shalt  }
0x7e: {  	_ =	shalt  }
0x7f: {  	_ =	shalt  }
0x80: {  	_ =	shalt  }
0x81: {  	_ =	shalt  }
0x82: {  	_ =	shalt  }
0x83: {  	_ =	shalt  }
0x84: {  	_ =	shalt  }
0x85: {  	_ =	shalt  }
0x86: {  	_ =	shalt  }
0x87: {  	_ =	shalt  }
.Lfunc_end0:
.L_simem_size_0:
called_computation.1_lowered:
.L_overlay_start_0:
0x88: {  	s2 =	sld [smem:$0x3FD9]  }
0x89: {  	s3 =	sld [smem:$0x3FFE];
	_ =	sdelay $0x1  }
0x8a: {  	s1 =	srdreg.scid  }
0x8b: {  	s0 =	sand.u32 $0x1, s1  }
0x8c: {  	s16 =	sshll.u32 s0, $0xA;
	s2 =	sadd.s32 s3, s2  }
0x8d: {  	s2 =	sadd.s32 s2, s16  }
0x8e: {  	[smem:$0x3FB1] =	sst s2  }
0x8f: {  	_ = 	snop  }
0x90: {  	(tm) =	ssettm $0x1  }
0x91: {  	s17 =	sld [smem:$0x3FFB];
	_ =	sdelay $0x3  }
0x92: {  	_ =	strace s17  }
0x93: {  	s2 =	sld [smem:$0x3FFC];
	_ =	sdelay $0x3  }
0x94: {  	_ =	strace s2  }
0x95: {  	s2 =	sld [smem:$0x3FFD];
	_ =	sdelay $0x3  }
0x96: {  	_ =	strace s2  }
0x97: {  	_ =	strace $0x8FFFFFFF  }
0x98: {  	s18 =	sld [smem:$0x3FDB];
	_ =	sdelay $0x1  }
0x99: {  	s19 =	simm.s32 $_scs_section_size  }
0x9a: {  	s4 =	simm.s32 $_size__tile_overlayer_lowered;
	s5 =	simm.s32 $_tile_overlayer_lowered  }
0x9b: {  	s22 =	simm.s32 $0x1BFF;
	s21 =	sshll.u32 s5, $0x1;
	s2 =	sadd.s32 s19, s18  }
0x9c: {  	s6 =	simm.s32 $0x0;
	s20 =	sshll.u32 s4, $0x1;
	s4 =	sadd.s32 s21, s2  }
0x9d: {  	[timem:s6], [sflag:s22] =	dma.local [hbm:s4], s20  }
0x9e: {  	_ =	swait.ge [sflag:s22], s20  }
0x9f: {  	s3 =	ssub.s32 $0x0, s20;
	[sflag:s22] =	ssyncset.done $0x0  }
0xa0: {  	[sflag:s22] =	ssyncadd.s32 s3;
	_ =	sdelay $0x1  }
0xa1: {  	s23 =	simm.s32 $0x1B8B  }
0xa2: {  	_ =	swait.ge [sflag:s23], $0x1  }
0xa3: {  	[sflag:s23] =	ssyncset.done $0x0  }
0xa4: {  	s25 =	simm.s32 $0x1B8E;
	s24 =	sld [smem:$0x3FFE];
	[sflag:s23] =	ssyncadd.s32 $0xFFFFFFFF  }
0xa5: {  	s26 =	simm.s32 $execute0_lowered;
	[smem:$0x3FD2] =	sst s25  }
0xa6: {  	s4 =	sshll.u32 s26, $0x1;
	_ =	strace $0x80000049;
	[dreg:$0x1] =	wrdreg $0xFFFFFFFF  }
0xa7: {  	s28 =	simm.s32 $_size_execute0_lowered;
	s2 =	sadd.s32 s2, s4;
	[dreg:$0x0] =	wrdreg $0x0  }
0xa8: {  	s4 =	sshll.u32 s28, $0x1;
	[dreg:$0x2] =	wrdreg s2  }
0xa9: {  	[dreg:$0x3] =	wrdreg s4  }
0xaa: {  	[dreg:$0x4] =	wrdreg $0xC0  }
0xab: {  	_ =	task [dreg:s6], $0x5FFFF  }
0xac: {  	[dreg:$0x1] =	wrdreg $0xFFFFFFFF  }
0xad: {  	[dreg:$0x0] =	wrdreg $0x60  }
0xae: {  	[dreg:$0x2] =	wrdreg s24  }
0xaf: {  	[dreg:$0x3] =	wrdreg $0x12E800  }
0xb0: {  	[dreg:$0x4] =	wrdreg $0x9  }
0xb1: {  	_ =	task.clear_ibuf [dreg:s6], $0x5FFFF;
	_ =	strace $0x90000049  }
0xb2: {  	s29 =	simm.s32 $0x9;
	_ =	strace $0x8000004B  }
0xb3: {  	_ =	swait.ge [sflag:s29], $0x1  }
0xb4: {  	[sflag:s29] =	ssyncadd.s32 $0xFFFFFFFF  }
0xb5: {  	_ =	strace $0x9000004B  }
0xb6: {  	_ =	sfence  }
0xb7: {  	s30 =	sld [smem:$0x0];
	_ =	sdelay $0x2  }
0xb8: {  	s31 =	sshll.u32 s1, $0xD;
	s1 =	sshrl.u32 s1, $0x2  }
0xb9: {  	s3 =	sand.u32 $0x4000, s31;
	s1 =	sadd.s32 s1, s30  }
0xba: {  	s0 =	sor.u32 s3, s0;
	s1 =	sshll.u32 s1, $0x11  }
0xbb: {  	s0 =	sor.u32 s1, s0  }
0xbc: {  	s0 =	sadd.s32 $0x8F2B, s0  }
0xbd: {  	[sflag:s0] =	ssyncadd.remote.s32 $0x1  }
0xbe: {  	_ =	sfence.sel $0xFFFF  }
0xbf: {  	[dreg:$0x0] =	wrdreg $0xFFFFFFFF;
	(pc) =	sbr.abs _section_cstart, $3  }
0xc0: {  	[dreg:$0x1] =	wrdreg $0xFFFFFFFF  }
0xc1: {  	_ =	task.clear_ibuf [dreg:s6], $0x2FFFF;
	_ =	strace $0x9FFFFFFF  }
0xc2: {  	(tm) =	ssettm $0x7FFFFFFF  }
0xc3: {  	_ =	shalt  }
tec
execute0_lowered:
.L_overlay_start_1:
0x0: {  	(tag) =	ssettag $0x1  }
0x1: {  	s0 =	rddreg [dreg:$0x0];
	s1 =	srdreg.scid  }
0x2: {  	s2 =	rddreg [dreg:$0x1];
	s22 =	stileid.u32;
	s5 =	simm.s32 $0x0  }
0x3: {  	s20 =	simm.s32 $0xA000;
	s21 =	simm.s32 $0x3;
	s23 =	simm.s32 $0x7D  }
0x4: {  	s24 =	simm.s32 $0xBF40;
	s25 =	simm.s32 $0x1;
	s4 =	smul.u32 $0xA00, s22  }
0x5: {  	s30 =	simm.s32 $0x9F80;
	s31 =	simm.s32 $0xDE80;
	s26 =	smul.u32 $0x28000, s22  }
0x6: {  	s1 =	sand.u32 $0x1, s1;
	[smem:$0x7FF] =	sst s5;
	s15 =	smul.u32 $0xA000, s22  }
0x7: {  	s17 =	sadd.s32 $0x9B000, s2;
	p0 =	seq.s32 s22, $0xF;
	s3 =	smul.u32 $0x9C400, s1  }
0x8: {  	_ =	strace $0x8000004A;
	s1 =	ssub.s32 $0x2, s1;
	s13 =	sadd.s32 s4, s0  }
0x9: {  	s28 =	sshrl.u32 s26, $0x2;
	s29 =	sshrl.u32 s1, $0x1;
	s4 =	sadd.s32 s15, s2  }
0xa: {  	s16 =	sadd.s32 $0x5000, s15;
	s26 =	simm.s32 $0x2;
	s18 =	sshrl.u32 s3, $0x3  }
0xb: {  	s11 =	sadd.s32 s28, s2;
	s1 =	ssub.s32 s1, s29;
	s8 =	sadd.s32 s16, s2  }
0xc: {  	s12 =	sadd.s32 $0xE600, s13;
	s15 =	sadd.s32 s15, s3;
	s13 =	sadd.s32 $0x4600, s13  }
0xd: {  	s3 =	sadd.s32 s3, s16;
	s14 =	sadd.s32 s18, s0;
	s0 =	sadd.s32 $0x8DA00, s0  }
0xe: {  	s5 =	sadd.s32 $0x1400, s11;
	s6 =	sadd.s32 $0x2800, s11;
	s7 =	sadd.s32 $0x3C00, s11  }
0xf: {  	s9 =	sadd.s32 $0x6400, s11;
	s10 =	sadd.s32 $0x7800, s11;
	s11 =	sadd.s32 $0x8C00, s11  }
0x10: {  	s15 =	sshrl.u32 s15, $0x3;
	s3 =	sshrl.u32 s3, $0x3;
	s19 =	smax.u32 s1, $0x1  }
0x11: {  	s15 =	sadd.s32 s0, s15;
	s16 =	sadd.s32 s0, s3;
	s0 =	sadd.s32 s0, s18  }
0x12: {  	v0 =	vimm.f32 $0.0e+00;
	s14 =	sadd.s32 $0x66800, s14;
	s18 =	sadd.s32 $0x13600, s0;
	s0 =	simm.s32 $0x0  }
.LBB2_1:
0x13: {  	s3 =	simm.s32 $0x100;
	s1 =	simm.s32 $0x0  }
.LBB2_2:
0x14: {  	p1 =	sne.s32 s3, $0x7C00;
	[tilespmem:s1+$0xA030] =	vst v0;
	s22 =	smov.u32 s3;
	s3 =	sadd.s32 $0x100, s3  }
.Ltmp0:
0x15: {  	[tilespmem:s1+$0xA020] =	vst v0;
	(pc) =	sbr.rel @p1 .LBB2_2-.Ltmp0, $3  }
0x16: {  	[tilespmem:s1+$0xA000] =	vst v0  }
0x17: {  	[tilespmem:s1+$0xA010] =	vst v0;
	_ =	sdelay $0x1  }
0x18: {  	s1 =	sshra.s32 s22, $0x2  }
0x19: {  	[tilespmem:s1+$0xA030] =	vst v0  }
0x1a: {  	[tilespmem:s1+$0xA020] =	vst v0  }
0x1b: {  	[tilespmem:s1+$0xA000] =	vst v0  }
0x1c: {  	[tilespmem:s1+$0xA010] =	vst v0  }
0x1d: {  	[spmem:s4] =	stream.linear.scatter [tilespmem:s20], [sflag:$0x3], $0x1400, $0x38;
	[tilespmem:$0x1CE80] =	vst v63  }
0x1e: {  	_ =	swait.ge [sflag:s21], $0x1400  }
0x1f: {  	[sflag:s21] =	ssyncset.done $0x0  }
0x20: {  	[sflag:s21] =	ssyncadd.s32 $0xFFFFEC00  }
0x21: {  	[spmem:s5] =	stream.linear.scatter [tilespmem:s20], [sflag:$0x3], $0x1400, $0x38;
	[tilespmem:$0x1CE80] =	vst v63  }
0x22: {  	_ =	swait.ge [sflag:s21], $0x1400  }
0x23: {  	[sflag:s21] =	ssyncset.done $0x0  }
0x24: {  	[sflag:s21] =	ssyncadd.s32 $0xFFFFEC00  }
0x25: {  	[spmem:s6] =	stream.linear.scatter [tilespmem:s20], [sflag:$0x3], $0x1400, $0x38;
	[tilespmem:$0x1CE80] =	vst v63  }
0x26: {  	_ =	swait.ge [sflag:s21], $0x1400  }
0x27: {  	[sflag:s21] =	ssyncset.done $0x0  }
0x28: {  	[sflag:s21] =	ssyncadd.s32 $0xFFFFEC00  }
0x29: {  	[spmem:s7] =	stream.linear.scatter [tilespmem:s20], [sflag:$0x3], $0x1400, $0x38;
	[tilespmem:$0x1CE80] =	vst v63  }
0x2a: {  	_ =	swait.ge [sflag:s21], $0x1400  }
0x2b: {  	[sflag:s21] =	ssyncset.done $0x0  }
0x2c: {  	[sflag:s21] =	ssyncadd.s32 $0xFFFFEC00  }
0x2d: {  	[spmem:s8] =	stream.linear.scatter [tilespmem:s20], [sflag:$0x3], $0x1400, $0x38;
	[tilespmem:$0x1CE80] =	vst v63  }
0x2e: {  	_ =	swait.ge [sflag:s21], $0x1400  }
0x2f: {  	[sflag:s21] =	ssyncset.done $0x0  }
0x30: {  	[sflag:s21] =	ssyncadd.s32 $0xFFFFEC00  }
0x31: {  	[spmem:s9] =	stream.linear.scatter [tilespmem:s20], [sflag:$0x3], $0x1400, $0x38;
	[tilespmem:$0x1CE80] =	vst v63  }
0x32: {  	_ =	swait.ge [sflag:s21], $0x1400  }
0x33: {  	[sflag:s21] =	ssyncset.done $0x0  }
0x34: {  	[sflag:s21] =	ssyncadd.s32 $0xFFFFEC00  }
0x35: {  	[spmem:s10] =	stream.linear.scatter [tilespmem:s20], [sflag:$0x3], $0x1400, $0x38;
	[tilespmem:$0x1CE80] =	vst v63  }
0x36: {  	_ =	swait.ge [sflag:s21], $0x1400  }
0x37: {  	[sflag:s21] =	ssyncset.done $0x0  }
0x38: {  	[sflag:s21] =	ssyncadd.s32 $0xFFFFEC00  }
0x39: {  	[spmem:s11] =	stream.linear.scatter [tilespmem:s20], [sflag:$0x3], $0x1400, $0x38;
	[tilespmem:$0x1CE80] =	vst v63  }
0x3a: {  	_ =	swait.ge [sflag:s21], $0x1400  }
0x3b: {  	[sflag:s21] =	ssyncset.done $0x0  }
0x3c: {  	[sflag:s21] =	ssyncadd.s32 $0xFFFFEC00  }
0x3d: {  	s29 =	simm.s32 $0x0;
	[bflag:$0x0] =	sbarrier.arrive $0xFFFF  }
0x3e: {  	[tilespmem:s29], [sflag:$0x3] =	stream.linear.gather [hbm4b:s12+s29], $0x5000, $0x38;
	[tilespmem:$0x1CE80] =	vst v63  }
0x3f: {  	_ =	swait.ge [sflag:s21], $0x5000  }
0x40: {  	[sflag:s21] =	ssyncset.done $0x0  }
0x41: {  	s3 =	simm.s32 $0x5000;
	[sflag:s21] =	ssyncadd.s32 $0xFFFFB000  }
0x42: {  	[tilespmem:s3], [sflag:$0x3] =	stream.linear.gather [hbm4b:s13+s29], $0x5000, $0x38;
	[tilespmem:$0x1CE80] =	vst v63  }
0x43: {  	_ =	swait.ge [sflag:s21], $0x5000  }
0x44: {  	[sflag:s21] =	ssyncset.done $0x0  }
0x45: {  	[sflag:s21] =	ssyncadd.s32 $0xFFFFB000  }
0x46: {  	[tilespmem:s20], [sflag:$0x1] =	stream.indirect.gather [hbm4b:s14+s23], $0x40, s29, s23, $0xb8;
	[tilespmem:$0x1CE80] =	vst v63  }
0x47: {  	s3 =	simm.s32 $0x80  }
0x48: {  	[tilespmem:s24], [sflag:$0x2] =	stream.indirect.gather [hbm4b:s14+s23], $0x40, s3, s23, $0xb8;
	[tilespmem:$0x1CE80] =	vst v63  }
0x49: {  	_ =	swait.ge [sflag:s25], $0x1F40  }
0x4a: {  	[sflag:s25] =	ssyncset.done $0x0  }
0x4b: {  	s22 =	simm.s32 $0x5000;
	[sflag:s25] =	ssyncadd.s32 $0xFFFFE0C0  }
0x4c: {  	[spmem:s2] =	stream.indirect.scatter.add.f32 [tilespmem:s20], [sflag:$0x3], $0x40, s22, s23, $0xb8;
	[tilespmem:$0x1CE80] =	vst v63  }
0x4d: {  	_ =	swait.ge [sflag:s21], $0x1F40  }
0x4e: {  	[sflag:s21] =	ssyncset.done $0x0  }
0x4f: {  	s28 =	simm.s32 $0x100;
	[sflag:s21] =	ssyncadd.s32 $0xFFFFE0C0  }
0x50: {  	[tilespmem:s20], [sflag:$0x1] =	stream.indirect.gather [hbm4b:s14+s23], $0x40, s28, s23, $0xb8;
	[tilespmem:$0x1CE80] =	vst v63  }
0x51: {  	_ =	swait.ge [sflag:s26], $0x1F40  }
0x52: {  	[sflag:s26] =	ssyncset.done $0x0  }
0x53: {  	s29 =	simm.s32 $0x5080;
	[sflag:s26] =	ssyncadd.s32 $0xFFFFE0C0  }
0x54: {  	[spmem:s2] =	stream.indirect.scatter.add.f32 [tilespmem:s24], [sflag:$0x3], $0x40, s29, s23, $0xb8;
	[tilespmem:$0x1CE80] =	vst v63  }
0x55: {  	_ =	swait.ge [sflag:s21], $0x1F40  }
0x56: {  	s1 =	simm.s32 $0x100;
	s3 =	simm.s32 $0x800;
	[sflag:s21] =	ssyncset.done $0x0  }
.LBB2_4:
0x57: {  	s22 =	sadd.s32 $0x80, s1  }
0x58: {  	[sflag:s21] =	ssyncadd.s32 $0xFFFFE0C0;
	s28 =	smov.u32 s3;
	s29 =	sadd.s32 $0x400, s3  }
0x59: {  	[tilespmem:s24], [sflag:$0x2] =	stream.indirect.gather [hbm4b:s14+s23], $0x40, s22, s23, $0xb8;
	[tilespmem:$0x1CE80] =	vst v63  }
0x5a: {  	p1 =	sne.s32 s3, $0x13800;
	_ =	swait.ge [sflag:s25], $0x1F40  }
0x5b: {  	[sflag:s25] =	ssyncset.done $0x0  }
0x5c: {  	s3 =	sadd.s32 $0x5000, s1;
	[sflag:s25] =	ssyncadd.s32 $0xFFFFE0C0  }
0x5d: {  	[spmem:s2] =	stream.indirect.scatter.add.f32 [tilespmem:s20], [sflag:$0x3], $0x40, s3, s23, $0xb8;
	[tilespmem:$0x1CE80] =	vst v63  }
0x5e: {  	_ =	swait.ge [sflag:s21], $0x1F40  }
0x5f: {  	[sflag:s21] =	ssyncset.done $0x0  }
0x60: {  	s3 =	sadd.s32 $0x100, s1;
	[sflag:s21] =	ssyncadd.s32 $0xFFFFE0C0  }
0x61: {  	[tilespmem:s20], [sflag:$0x1] =	stream.indirect.gather [hbm4b:s14+s23], $0x40, s3, s23, $0xb8;
	[tilespmem:$0x1CE80] =	vst v63  }
0x62: {  	_ =	swait.ge [sflag:s26], $0x1F40  }
.Ltmp1:
0x63: {  	[sflag:s26] =	ssyncset.done $0x0;
	(pc) =	sbr.rel @p1 .LBB2_4-.Ltmp1, $4  }
0x64: {  	s1 =	sadd.s32 $0x5080, s1;
	[sflag:s26] =	ssyncadd.s32 $0xFFFFE0C0  }
0x65: {  	[spmem:s2] =	stream.indirect.scatter.add.f32 [tilespmem:s24], [sflag:$0x3], $0x40, s1, s23, $0xb8;
	[tilespmem:$0x1CE80] =	vst v63  }
0x66: {  	_ =	swait.ge [sflag:s21], $0x1F40  }
0x67: {  	s3 =	smov.u32 s29;
	s1 =	sshra.s32 s28, $0x2;
	[sflag:s21] =	ssyncset.done $0x0  }
0x68: {  	s3 =	sadd.s32 $0x80, s1;
	[sflag:s21] =	ssyncadd.s32 $0xFFFFE0C0  }
0x69: {  	[tilespmem:s24], [sflag:$0x2] =	stream.indirect.gather [hbm4b:s14+s23], $0x40, s3, s23, $0xb8;
	[tilespmem:$0x1CE80] =	vst v63  }
0x6a: {  	_ =	swait.ge [sflag:s25], $0x1F40  }
0x6b: {  	[sflag:s25] =	ssyncset.done $0x0  }
0x6c: {  	s28 =	sadd.s32 $0x5000, s1;
	[sflag:s25] =	ssyncadd.s32 $0xFFFFE0C0  }
0x6d: {  	[spmem:s2] =	stream.indirect.scatter.add.f32 [tilespmem:s20], [sflag:$0x3], $0x40, s28, s23, $0xb8;
	[tilespmem:$0x1CE80] =	vst v63  }
0x6e: {  	_ =	swait.ge [sflag:s21], $0x1F40  }
0x6f: {  	[sflag:s21] =	ssyncset.done $0x0  }
0x70: {  	s29 =	sadd.s32 $0x100, s1;
	[sflag:s21] =	ssyncadd.s32 $0xFFFFE0C0  }
0x71: {  	[tilespmem:s20], [sflag:$0x1] =	stream.indirect.gather [hbm4b:s14+s23], $0x40, s29, s23, $0xb8;
	[tilespmem:$0x1CE80] =	vst v63  }
0x72: {  	_ =	swait.ge [sflag:s26], $0x1F40  }
0x73: {  	[sflag:s26] =	ssyncset.done $0x0  }
0x74: {  	s3 =	sadd.s32 $0x5080, s1;
	[sflag:s26] =	ssyncadd.s32 $0xFFFFE0C0  }
0x75: {  	[spmem:s2] =	stream.indirect.scatter.add.f32 [tilespmem:s24], [sflag:$0x3], $0x40, s3, s23, $0xb8;
	[tilespmem:$0x1CE80] =	vst v63  }
0x76: {  	_ =	swait.ge [sflag:s21], $0x1F40  }
0x77: {  	[sflag:s21] =	ssyncset.done $0x0  }
0x78: {  	s22 =	simm.s32 $0x4F80;
	[sflag:s21] =	ssyncadd.s32 $0xFFFFE0C0  }
0x79: {  	[tilespmem:s24], [sflag:$0x2] =	stream.indirect.gather [hbm4b:s14+s23], $0x40, s22, s23, $0xb8;
	[tilespmem:$0x1CE80] =	vst v63  }
0x7a: {  	_ =	swait.ge [sflag:s25], $0x1F40  }
0x7b: {  	[sflag:s25] =	ssyncset.done $0x0  }
0x7c: {  	s28 =	simm.s32 $0x9F00;
	[sflag:s25] =	ssyncadd.s32 $0xFFFFE0C0  }
0x7d: {  	[spmem:s2] =	stream.indirect.scatter.add.f32 [tilespmem:s20], [sflag:$0x3], $0x40, s28, s23, $0xb8;
	[tilespmem:$0x1CE80] =	vst v63  }
0x7e: {  	_ =	swait.ge [sflag:s21], $0x1F40  }
0x7f: {  	[sflag:s21] =	ssyncset.done $0x0  }
0x80: {  	[sflag:s21] =	ssyncadd.s32 $0xFFFFE0C0  }
0x81: {  	_ =	swait.ge [sflag:s26], $0x1F40  }
0x82: {  	[sflag:s26] =	ssyncset.done $0x0  }
0x83: {  	[sflag:s26] =	ssyncadd.s32 $0xFFFFE0C0  }
0x84: {  	[spmem:s2] =	stream.indirect.scatter.add.f32 [tilespmem:s24], [sflag:$0x3], $0x40, s30, s23, $0xb8;
	[tilespmem:$0x1CE80] =	vst v63  }
0x85: {  	_ =	swait.ge [sflag:s21], $0x1F40  }
0x86: {  	[sflag:s21] =	ssyncset.done $0x0  }
0x87: {  	[sflag:s21] =	ssyncadd.s32 $0xFFFFE0C0  }
0x88: {  	[bflag:$0x0] =	sbarrier.arrive $0xFFFF  }
0x89: {  	[tilespmem:s31], [sflag:$0x3] =	stream.linear.gather [spmem:s4], $0x5000, $0x38;
	[tilespmem:$0x1CE80] =	vst v63  }
0x8a: {  	_ =	swait.ge [sflag:s21], $0x5000  }
0x8b: {  	[sflag:s21] =	ssyncset.done $0x0  }
0x8c: {  	s29 =	simm.s32 $0x0;
	[sflag:s21] =	ssyncadd.s32 $0xFFFFB000  }
0x8d: {  	[hbm4b:s15+s29] =	stream.linear.scatter [tilespmem:s31], [sflag:$0x3], $0x5000, $0x38;
	[tilespmem:$0x1CE80] =	vst v63  }
0x8e: {  	_ =	swait.ge [sflag:s21], $0x5000  }
0x8f: {  	[sflag:s21] =	ssyncset.done $0x0  }
0x90: {  	s1 =	simm.s32 @p0 $0xDE80;
	s3 =	simm.s32 @p0 $0x3;
	[sflag:s21] =	ssyncadd.s32 $0xFFFFB000  }
0x91: {  	[tilespmem:s1], [sflag:$0x3] =	stream.linear.gather @p0 [spmem:s17], $0x1400, $0x38;
	[tilespmem:$0x1CE80] =	vst v63  }
0x92: {  	_ =	swait.ge @p0 [sflag:s3], $0x1400  }
0x93: {  	[sflag:s3] =	ssyncset.done @p0 $0x0  }
0x94: {  	s22 =	simm.s32 @p0 $0x0;
	[sflag:s3] =	ssyncadd.s32 @p0 $0xFFFFEC00  }
0x95: {  	[hbm4b:s18+s22] =	stream.linear.scatter @p0 [tilespmem:s1], [sflag:$0x3], $0x1400, $0x38;
	[tilespmem:$0x1CE80] =	vst v63  }
0x96: {  	_ =	swait.ge @p0 [sflag:s3], $0x1400  }
0x97: {  	[sflag:s3] =	ssyncset.done @p0 $0x0  }
0x98: {  	s1 =	simm.s32 @!p0 $0xDE80;
	[sflag:s3] =	ssyncadd.s32 @p0 $0xFFFFEC00;
	s3 =	simm.s32 @!p0 $0x3  }
0x99: {  	[tilespmem:s1], [sflag:$0x3] =	stream.linear.gather @!p0 [spmem:s8], $0x5000, $0x38;
	[tilespmem:$0x1CE80] =	vst v63  }
0x9a: {  	s0 =	sadd.s32 $0x1, s0;
	_ =	swait.ge @!p0 [sflag:s3], $0x5000  }
0x9b: {  	p1 =	sne.s32 s0, s19;
	[sflag:s3] =	ssyncset.done @!p0 $0x0  }
.Ltmp2:
0x9c: {  	s22 =	simm.s32 @!p0 $0x0;
	[sflag:s3] =	ssyncadd.s32 @!p0 $0xFFFFB000;
	(pc) =	sbr.rel @p1 .LBB2_1-.Ltmp2, $4  }
0x9d: {  	[hbm4b:s16+s22] =	stream.linear.scatter @!p0 [tilespmem:s1], [sflag:$0x3], $0x5000, $0x38;
	[tilespmem:$0x1CE80] =	vst v63  }
0x9e: {  	_ =	swait.ge @!p0 [sflag:s3], $0x5000  }
0x9f: {  	[sflag:s3] =	ssyncset.done @!p0 $0x0  }
0xa0: {  	[sflag:s3] =	ssyncadd.s32 @!p0 $0xFFFFB000  }
0xa1: {  	_ =	sfence.sel $0x180000  }
0xa2: {  	[bflag:$0x0] =	sbarrier.arrive $0xFFFF  }
0xa3: {  	_ =	strace $0x9000004A  }
0xa4: {  	s0 =	stileid.u32;
	[bflag:$0x2] =	sbarrier.arrive $0xFFFF  }
0xa5: {  	p0 =	sne.s32 s0, $0x0;
	s0 =	rddreg [dreg:$0x2]  }
0xa6: {  	s0 =	sadd.s32 @!p0 $0x100000, s0  }
0xa7: {  	[sflag:s0] =	ssyncadd.tile.s32 @!p0 $0x1;
	_ =	shalt  }
.Lfunc_end2:
_tile_overlayer_lowered:
.L_overlay_start_2:
0xa8: {  	(tag) =	ssettag $0x2  }
0xa9: {  	s0 =	rddreg [dreg:$0x0];
	s2 =	stileid.u32  }
0xaa: {  	s1 =	rddreg [dreg:$0x1];
	p0 =	sne.s32 s2, $0x0  }
0xab: {  	s3 =	rddreg [dreg:$0x2];
	[bflag:$0x3] =	sbarrier.arrive $0xFFFF;
	s2 =	simm.s32 @!p0 $0x1C03  }
0xac: {  	[timem:s3], [sflag:s2] =	dma.local @!p0 [hbm:s0], s1  }
0xad: {  	s0 =	simm.s32 @!p0 $0x3  }
0xae: {  	_ =	swait.ge @!p0 [sflag:s0], s1  }
0xaf: {  	s1 =	ssub.s32 @!p0 $0x0, s1;
	[sflag:s0] =	ssyncset.done @!p0 $0x0  }
0xb0: {  	[sflag:s0] =	ssyncadd.s32 @!p0 s1  }
0xb1: {  	[bflag:$0x3] =	sbarrier.arrive $0xFFFF  }
0xb2: {  	_ =	shalt  }

// kernel: kernel.14.cloned.1.call-start
scs
__scs_entry_jumppad:
0x0: {  	(pc) =	sbr.rel $0x88, $3  }
0x1: {  	(tag) =	ssettag $0x0;
	lr =	simm.s32 $0x1  }
0x2: {  	[smem:$0x3F8A] =	sst lr;
	_ =	strace $0xD0000000  }
0x3: {  	_ = 	snop  }
0x4: {  	_ = 	snop  }
0x5: {  	_ = 	snop  }
0x6: {  	_ = 	snop  }
0x7: {  	_ = 	snop  }
__scs_overlays_trampoline_lowered:
0x8: {  	[smem:$0x3F99] =	sst s0  }
0x9: {  	[smem:$0x3F9A] =	sst s1  }
0xa: {  	[smem:$0x3F9B] =	sst s2  }
0xb: {  	[smem:$0x3F9C] =	sst s3  }
0xc: {  	[smem:$0x3F9D] =	sst s4  }
0xd: {  	[smem:$0x3F9E] =	sst s5  }
0xe: {  	[smem:$0x3F9F] =	sst s6  }
0xf: {  	[smem:$0x3FA0] =	sst s7  }
0x10: {  	[smem:$0x3FA1] =	sst s8  }
0x11: {  	[smem:$0x3FA2] =	sst s9;
	s0 =	simm.s32 @!p0 $0x0  }
0x12: {  	s1 =	sld [smem:$0x3F88];
	s0 =	simm.s32 @p0 $0x1  }
0x13: {  	[smem:$0x3FA3] =	sst s0;
	s0 =	simm.s32 @!p1 $0x0  }
0x14: {  	s2 =	sld [smem:$0x3F87];
	s0 =	simm.s32 @p1 $0x1  }
0x15: {  	[smem:$0x3FA4] =	sst s0;
	s0 =	simm.s32 @!p2 $0x0  }
0x16: {  	s3 =	sld [smem:$0x3FDB];
	s0 =	simm.s32 @p2 $0x1  }
0x17: {  	s4 =	simm.s32 $0x1BF5;
	[smem:$0x3FA6] =	sst s0  }
0x18: {  	s0 =	sld [smem:$0x3F89];
	_ =	swait.ge [sflag:s4], $0x0  }
0x19: {  	s7 =	sld [smem:$0x3F8A]  }
0x1a: {  	s8 =	sadd.s32 $0xFFFFE003, lr  }
0x1b: {  	s9 =	sadd.s32 $0xFFFFFEF7, lr;
	s5 =	simm.s32 $0xFFFFFFFF;
	p2 =	slt.u32 s8, $0xFFFFF086  }
0x1c: {  	p1 =	slt.u32 s9, $0xF7A;
	s5 =	simm.s32 @!p2 $0x0  }
0x1d: {  	s5 =	simm.s32 @p1 $0x1;
	p0 =	seq.s32 s7, s2  }
0x1e: {  	s7 =	smul.u32 @!p0 $0xF7A, s2;
	p2 =	seq.s32 @!p0 s5, $0x0  }
0x1f: {  	s9 =	smul.u32 $0xF7A, s1;
	s8 =	simm.s32 @!p0 $0x1BF5;
	p2 =	por !p2, p0  }
0x20: {  	[sflag:s8] =	ssyncset.s32 @!p0 $0xFFFFF086;
	s6 =	sadd.s32 @!p0 s3, s7;
	s7 =	simm.s32 @!p0 $0x108  }
0x21: {  	s3 =	sadd.s32 s3, s9;
	s6 =	sadd.s32 @!p0 $0x88, s6;
	s7 =	simm.s32 @p2 $0x1082  }
0x22: {  	[simem:s7], [sflag:s8] =	dma.local @!p0 [hbm:s6], $0xF7A  }
0x23: {  	s9 =	sor.u32 $0xD0000000, s2;
	s6 =	simm.s32 $0x108;
	_ =	swait.ge @!p0 [sflag:s8], $0x0  }
0x24: {  	s3 =	sadd.s32 $0x88, s3;
	s6 =	simm.s32 @!p1 $0x1082;
	[sflag:s4] =	ssyncset.s32 $0xFFFFF086  }
0x25: {  	[simem:s6], [sflag:s4] =	dma.local [hbm:s3], $0xF7A  }
0x26: {  	[smem:$0x3F8A] =	sst s1;
	(tag) =	ssettag s2;
	_ =	strace s9  }
0x27: {  	s1 =	sld [smem:$0x3F9A]  }
0x28: {  	s2 =	sld [smem:$0x3F9B]  }
0x29: {  	s4 =	sld [smem:$0x3F9D]  }
0x2a: {  	p0 =	seq.s32 s5, $0x0;
	s5 =	sld [smem:$0x3F9E]  }
0x2b: {  	s6 =	sld [smem:$0x3F9F]  }
0x2c: {  	s7 =	sld [smem:$0x3FA0]  }
0x2d: {  	s3 =	simm.s32 $0x108;
	s8 =	sld [smem:$0x3FA1]  }
0x2e: {  	s3 =	simm.s32 @!p0 $0x1082;
	s9 =	sld [smem:$0x3FA2]  }
0x2f: {  	lr =	sadd.s32 s0, s3;
	s0 =	sld [smem:$0x3F99]  }
0x30: {  	s3 =	sld [smem:$0x3F9C]  }
0x31: {  	[smem:$0x3FA5] =	sst s10  }
0x32: {  	s10 =	sld [smem:$0x3FA3];
	_ =	sdelay $0x3  }
0x33: {  	p0 =	seq.s32 s10, $0x1;
	s10 =	sld [smem:$0x3FA5];
	_ =	sdelay $0x3  }
0x34: {  	[smem:$0x3FA5] =	sst s10  }
0x35: {  	s10 =	sld [smem:$0x3FA4];
	_ =	sdelay $0x3  }
0x36: {  	p1 =	seq.s32 s10, $0x1;
	s10 =	sld [smem:$0x3FA5];
	_ =	sdelay $0x3  }
0x37: {  	[smem:$0x3FA5] =	sst s10  }
0x38: {  	s10 =	sld [smem:$0x3FA6]  }
0x39: {  	_ = 	snop;
	(pc) =	sbr.ind lr, $3  }
0x3a: {  	_ = 	snop  }
0x3b: {  	_ = 	snop  }
0x3c: {  	p2 =	seq.s32 s10, $0x1;
	s10 =	sld [smem:$0x3FA5]  }
0x3d: {  	_ =	shalt  }
0x3e: {  	_ =	shalt  }
0x3f: {  	_ =	shalt  }
0x40: {  	_ =	shalt  }
0x41: {  	_ =	shalt  }
0x42: {  	_ =	shalt  }
0x43: {  	_ =	shalt  }
0x44: {  	_ =	shalt  }
0x45: {  	_ =	shalt  }
0x46: {  	_ =	shalt  }
0x47: {  	_ =	shalt  }
0x48: {  	_ =	shalt  }
0x49: {  	_ =	shalt  }
0x4a: {  	_ =	shalt  }
0x4b: {  	_ =	shalt  }
0x4c: {  	_ =	shalt  }
0x4d: {  	_ =	shalt  }
0x4e: {  	_ =	shalt  }
0x4f: {  	_ =	shalt  }
0x50: {  	_ =	shalt  }
0x51: {  	_ =	shalt  }
0x52: {  	_ =	shalt  }
0x53: {  	_ =	shalt  }
0x54: {  	_ =	shalt  }
0x55: {  	_ =	shalt  }
0x56: {  	_ =	shalt  }
0x57: {  	_ =	shalt  }
0x58: {  	_ =	shalt  }
0x59: {  	_ =	shalt  }
0x5a: {  	_ =	shalt  }
0x5b: {  	_ =	shalt  }
0x5c: {  	_ =	shalt  }
0x5d: {  	_ =	shalt  }
0x5e: {  	_ =	shalt  }
0x5f: {  	_ =	shalt  }
0x60: {  	_ =	shalt  }
0x61: {  	_ =	shalt  }
0x62: {  	_ =	shalt  }
0x63: {  	_ =	shalt  }
0x64: {  	_ =	shalt  }
0x65: {  	_ =	shalt  }
0x66: {  	_ =	shalt  }
0x67: {  	_ =	shalt  }
0x68: {  	_ =	shalt  }
0x69: {  	_ =	shalt  }
0x6a: {  	_ =	shalt  }
0x6b: {  	_ =	shalt  }
0x6c: {  	_ =	shalt  }
0x6d: {  	_ =	shalt  }
0x6e: {  	_ =	shalt  }
0x6f: {  	_ =	shalt  }
0x70: {  	_ =	shalt  }
0x71: {  	_ =	shalt  }
0x72: {  	_ =	shalt  }
0x73: {  	_ =	shalt  }
0x74: {  	_ =	shalt  }
0x75: {  	_ =	shalt  }
0x76: {  	_ =	shalt  }
0x77: {  	_ =	shalt  }
0x78: {  	_ =	shalt  }
0x79: {  	_ =	shalt  }
0x7a: {  	_ =	shalt  }
0x7b: {  	_ =	shalt  }
0x7c: {  	_ =	shalt  }
0x7d: {  	_ =	shalt  }
0x7e: {  	_ =	shalt  }
0x7f: {  	_ =	shalt  }
0x80: {  	_ =	shalt  }
0x81: {  	_ =	shalt  }
0x82: {  	_ =	shalt  }
0x83: {  	_ =	shalt  }
0x84: {  	_ =	shalt  }
0x85: {  	_ =	shalt  }
0x86: {  	_ =	shalt  }
0x87: {  	_ =	shalt  }
.Lfunc_end0:
.L_simem_size_0:
called_computation.2_lowered:
.L_overlay_start_0:
0x88: {  	s2 =	sld [smem:$0x3FD9]  }
0x89: {  	s3 =	sld [smem:$0x3FFE];
	_ =	sdelay $0x1  }
0x8a: {  	s1 =	srdreg.scid  }
0x8b: {  	s0 =	sand.u32 $0x1, s1  }
0x8c: {  	s16 =	sshll.u32 s0, $0xA;
	s2 =	sadd.s32 s3, s2  }
0x8d: {  	s2 =	sadd.s32 s2, s16  }
0x8e: {  	[smem:$0x3FB1] =	sst s2  }
0x8f: {  	_ = 	snop  }
0x90: {  	(tm) =	ssettm $0x1  }
0x91: {  	s17 =	sld [smem:$0x3FFB];
	_ =	sdelay $0x3  }
0x92: {  	_ =	strace s17  }
0x93: {  	s2 =	sld [smem:$0x3FFC];
	_ =	sdelay $0x3  }
0x94: {  	_ =	strace s2  }
0x95: {  	s2 =	sld [smem:$0x3FFD];
	_ =	sdelay $0x3  }
0x96: {  	_ =	strace s2  }
0x97: {  	_ =	strace $0x8FFFFFFF  }
0x98: {  	s18 =	sld [smem:$0x3FDB];
	_ =	sdelay $0x1  }
0x99: {  	s19 =	simm.s32 $_scs_section_size  }
0x9a: {  	s4 =	simm.s32 $_size__tile_overlayer_lowered;
	s5 =	simm.s32 $_tile_overlayer_lowered  }
0x9b: {  	s22 =	simm.s32 $0x1BFF;
	s21 =	sshll.u32 s5, $0x1;
	s2 =	sadd.s32 s19, s18  }
0x9c: {  	s6 =	simm.s32 $0x0;
	s20 =	sshll.u32 s4, $0x1;
	s4 =	sadd.s32 s21, s2  }
0x9d: {  	[timem:s6], [sflag:s22] =	dma.local [hbm:s4], s20  }
0x9e: {  	_ =	swait.ge [sflag:s22], s20  }
0x9f: {  	s3 =	ssub.s32 $0x0, s20;
	[sflag:s22] =	ssyncset.done $0x0  }
0xa0: {  	[sflag:s22] =	ssyncadd.s32 s3;
	_ =	sdelay $0x1  }
0xa1: {  	s23 =	simm.s32 $0x1B8B  }
0xa2: {  	_ =	swait.ge [sflag:s23], $0x1  }
0xa3: {  	[sflag:s23] =	ssyncset.done $0x0  }
0xa4: {  	s25 =	simm.s32 $0x1B8E;
	s24 =	sld [smem:$0x3FFE];
	[sflag:s23] =	ssyncadd.s32 $0xFFFFFFFF  }
0xa5: {  	s26 =	simm.s32 $execute0_lowered;
	[smem:$0x3FD2] =	sst s25  }
0xa6: {  	s4 =	sshll.u32 s26, $0x1;
	_ =	strace $0x8000004C;
	[dreg:$0x1] =	wrdreg $0xFFFFFFFF  }
0xa7: {  	s28 =	simm.s32 $_size_execute0_lowered;
	s2 =	sadd.s32 s2, s4;
	[dreg:$0x0] =	wrdreg $0x0  }
0xa8: {  	s4 =	sshll.u32 s28, $0x1;
	[dreg:$0x2] =	wrdreg s2  }
0xa9: {  	[dreg:$0x3] =	wrdreg s4  }
0xaa: {  	[dreg:$0x4] =	wrdreg $0xC0  }
0xab: {  	_ =	task [dreg:s6], $0x5FFFF  }
0xac: {  	[dreg:$0x1] =	wrdreg $0xFFFFFFFF  }
0xad: {  	[dreg:$0x0] =	wrdreg $0x60  }
0xae: {  	[dreg:$0x2] =	wrdreg s24  }
0xaf: {  	[dreg:$0x3] =	wrdreg $0x12E800  }
0xb0: {  	[dreg:$0x4] =	wrdreg $0x9  }
0xb1: {  	_ =	task.clear_ibuf [dreg:s6], $0x5FFFF;
	_ =	strace $0x9000004C  }
0xb2: {  	s29 =	simm.s32 $0x9;
	_ =	strace $0x8000004E  }
0xb3: {  	_ =	swait.ge [sflag:s29], $0x1  }
0xb4: {  	[sflag:s29] =	ssyncadd.s32 $0xFFFFFFFF  }
0xb5: {  	_ =	strace $0x9000004E  }
0xb6: {  	_ =	sfence  }
0xb7: {  	s30 =	sld [smem:$0x0];
	_ =	sdelay $0x2  }
0xb8: {  	s31 =	sshll.u32 s1, $0xD;
	s1 =	sshrl.u32 s1, $0x2  }
0xb9: {  	s3 =	sand.u32 $0x4000, s31;
	s1 =	sadd.s32 s1, s30  }
0xba: {  	s0 =	sor.u32 s3, s0;
	s1 =	sshll.u32 s1, $0x11  }
0xbb: {  	s0 =	sor.u32 s1, s0  }
0xbc: {  	s0 =	sadd.s32 $0x8F2B, s0  }
0xbd: {  	[sflag:s0] =	ssyncadd.remote.s32 $0x1  }
0xbe: {  	_ =	sfence.sel $0xFFFF  }
0xbf: {  	[dreg:$0x0] =	wrdreg $0xFFFFFFFF;
	(pc) =	sbr.abs _section_cstart, $3  }
0xc0: {  	[dreg:$0x1] =	wrdreg $0xFFFFFFFF  }
0xc1: {  	_ =	task.clear_ibuf [dreg:s6], $0x2FFFF;
	_ =	strace $0x9FFFFFFF  }
0xc2: {  	(tm) =	ssettm $0x7FFFFFFF  }
0xc3: {  	_ =	shalt  }
tec
execute0_lowered:
.L_overlay_start_1:
0x0: {  	(tag) =	ssettag $0x1  }
0x1: {  	s0 =	rddreg [dreg:$0x0];
	s1 =	srdreg.scid  }
0x2: {  	s2 =	rddreg [dreg:$0x1];
	s22 =	stileid.u32;
	s5 =	simm.s32 $0x0  }
0x3: {  	s20 =	simm.s32 $0xA000;
	s21 =	simm.s32 $0x3;
	s23 =	simm.s32 $0x7D  }
0x4: {  	s24 =	simm.s32 $0xBF40;
	s25 =	simm.s32 $0x1;
	s4 =	smul.u32 $0xA00, s22  }
0x5: {  	s30 =	simm.s32 $0x9F80;
	s31 =	simm.s32 $0xDE80;
	s26 =	smul.u32 $0x28000, s22  }
0x6: {  	s1 =	sand.u32 $0x1, s1;
	[smem:$0x7FF] =	sst s5;
	s15 =	smul.u32 $0xA000, s22  }
0x7: {  	s17 =	sadd.s32 $0x9B000, s2;
	p0 =	seq.s32 s22, $0xF;
	s3 =	smul.u32 $0x9C400, s1  }
0x8: {  	_ =	strace $0x8000004D;
	s1 =	ssub.s32 $0x2, s1;
	s13 =	sadd.s32 s4, s0  }
0x9: {  	s28 =	sshrl.u32 s26, $0x2;
	s29 =	sshrl.u32 s1, $0x1;
	s4 =	sadd.s32 s15, s2  }
0xa: {  	s16 =	sadd.s32 $0x5000, s15;
	s26 =	simm.s32 $0x2;
	s18 =	sshrl.u32 s3, $0x3  }
0xb: {  	s11 =	sadd.s32 s28, s2;
	s1 =	ssub.s32 s1, s29;
	s8 =	sadd.s32 s16, s2  }
0xc: {  	s12 =	sadd.s32 $0xE600, s13;
	s15 =	sadd.s32 s15, s3;
	s13 =	sadd.s32 $0x4600, s13  }
0xd: {  	s3 =	sadd.s32 s3, s16;
	s14 =	sadd.s32 s18, s0;
	s0 =	sadd.s32 $0x3F800, s0  }
0xe: {  	s5 =	sadd.s32 $0x1400, s11;
	s6 =	sadd.s32 $0x2800, s11;
	s7 =	sadd.s32 $0x3C00, s11  }
0xf: {  	s9 =	sadd.s32 $0x6400, s11;
	s10 =	sadd.s32 $0x7800, s11;
	s11 =	sadd.s32 $0x8C00, s11  }
0x10: {  	s15 =	sshrl.u32 s15, $0x3;
	s3 =	sshrl.u32 s3, $0x3;
	s19 =	smax.u32 s1, $0x1  }
0x11: {  	s15 =	sadd.s32 s0, s15;
	s16 =	sadd.s32 s0, s3;
	s0 =	sadd.s32 s0, s18  }
0x12: {  	v0 =	vimm.f32 $0.0e+00;
	s14 =	sadd.s32 $0x18600, s14;
	s18 =	sadd.s32 $0x13600, s0;
	s0 =	simm.s32 $0x0  }
.LBB2_1:
0x13: {  	s3 =	simm.s32 $0x100;
	s1 =	simm.s32 $0x0  }
.LBB2_2:
0x14: {  	p1 =	sne.s32 s3, $0x7C00;
	[tilespmem:s1+$0xA030] =	vst v0;
	s22 =	smov.u32 s3;
	s3 =	sadd.s32 $0x100, s3  }
.Ltmp0:
0x15: {  	[tilespmem:s1+$0xA020] =	vst v0;
	(pc) =	sbr.rel @p1 .LBB2_2-.Ltmp0, $3  }
0x16: {  	[tilespmem:s1+$0xA000] =	vst v0  }
0x17: {  	[tilespmem:s1+$0xA010] =	vst v0;
	_ =	sdelay $0x1  }
0x18: {  	s1 =	sshra.s32 s22, $0x2  }
0x19: {  	[tilespmem:s1+$0xA030] =	vst v0  }
0x1a: {  	[tilespmem:s1+$0xA020] =	vst v0  }
0x1b: {  	[tilespmem:s1+$0xA000] =	vst v0  }
0x1c: {  	[tilespmem:s1+$0xA010] =	vst v0  }
0x1d: {  	[spmem:s4] =	stream.linear.scatter [tilespmem:s20], [sflag:$0x3], $0x1400, $0x38;
	[tilespmem:$0x1CE80] =	vst v63  }
0x1e: {  	_ =	swait.ge [sflag:s21], $0x1400  }
0x1f: {  	[sflag:s21] =	ssyncset.done $0x0  }
0x20: {  	[sflag:s21] =	ssyncadd.s32 $0xFFFFEC00  }
0x21: {  	[spmem:s5] =	stream.linear.scatter [tilespmem:s20], [sflag:$0x3], $0x1400, $0x38;
	[tilespmem:$0x1CE80] =	vst v63  }
0x22: {  	_ =	swait.ge [sflag:s21], $0x1400  }
0x23: {  	[sflag:s21] =	ssyncset.done $0x0  }
0x24: {  	[sflag:s21] =	ssyncadd.s32 $0xFFFFEC00  }
0x25: {  	[spmem:s6] =	stream.linear.scatter [tilespmem:s20], [sflag:$0x3], $0x1400, $0x38;
	[tilespmem:$0x1CE80] =	vst v63  }
0x26: {  	_ =	swait.ge [sflag:s21], $0x1400  }
0x27: {  	[sflag:s21] =	ssyncset.done $0x0  }
0x28: {  	[sflag:s21] =	ssyncadd.s32 $0xFFFFEC00  }
0x29: {  	[spmem:s7] =	stream.linear.scatter [tilespmem:s20], [sflag:$0x3], $0x1400, $0x38;
	[tilespmem:$0x1CE80] =	vst v63  }
0x2a: {  	_ =	swait.ge [sflag:s21], $0x1400  }
0x2b: {  	[sflag:s21] =	ssyncset.done $0x0  }
0x2c: {  	[sflag:s21] =	ssyncadd.s32 $0xFFFFEC00  }
0x2d: {  	[spmem:s8] =	stream.linear.scatter [tilespmem:s20], [sflag:$0x3], $0x1400, $0x38;
	[tilespmem:$0x1CE80] =	vst v63  }
0x2e: {  	_ =	swait.ge [sflag:s21], $0x1400  }
0x2f: {  	[sflag:s21] =	ssyncset.done $0x0  }
0x30: {  	[sflag:s21] =	ssyncadd.s32 $0xFFFFEC00  }
0x31: {  	[spmem:s9] =	stream.linear.scatter [tilespmem:s20], [sflag:$0x3], $0x1400, $0x38;
	[tilespmem:$0x1CE80] =	vst v63  }
0x32: {  	_ =	swait.ge [sflag:s21], $0x1400  }
0x33: {  	[sflag:s21] =	ssyncset.done $0x0  }
0x34: {  	[sflag:s21] =	ssyncadd.s32 $0xFFFFEC00  }
0x35: {  	[spmem:s10] =	stream.linear.scatter [tilespmem:s20], [sflag:$0x3], $0x1400, $0x38;
	[tilespmem:$0x1CE80] =	vst v63  }
0x36: {  	_ =	swait.ge [sflag:s21], $0x1400  }
0x37: {  	[sflag:s21] =	ssyncset.done $0x0  }
0x38: {  	[sflag:s21] =	ssyncadd.s32 $0xFFFFEC00  }
0x39: {  	[spmem:s11] =	stream.linear.scatter [tilespmem:s20], [sflag:$0x3], $0x1400, $0x38;
	[tilespmem:$0x1CE80] =	vst v63  }
0x3a: {  	_ =	swait.ge [sflag:s21], $0x1400  }
0x3b: {  	[sflag:s21] =	ssyncset.done $0x0  }
0x3c: {  	[sflag:s21] =	ssyncadd.s32 $0xFFFFEC00  }
0x3d: {  	s29 =	simm.s32 $0x0;
	[bflag:$0x0] =	sbarrier.arrive $0xFFFF  }
0x3e: {  	[tilespmem:s29], [sflag:$0x3] =	stream.linear.gather [hbm4b:s12+s29], $0x5000, $0x38;
	[tilespmem:$0x1CE80] =	vst v63  }
0x3f: {  	_ =	swait.ge [sflag:s21], $0x5000  }
0x40: {  	[sflag:s21] =	ssyncset.done $0x0  }
0x41: {  	s3 =	simm.s32 $0x5000;
	[sflag:s21] =	ssyncadd.s32 $0xFFFFB000  }
0x42: {  	[tilespmem:s3], [sflag:$0x3] =	stream.linear.gather [hbm4b:s13+s29], $0x5000, $0x38;
	[tilespmem:$0x1CE80] =	vst v63  }
0x43: {  	_ =	swait.ge [sflag:s21], $0x5000  }
0x44: {  	[sflag:s21] =	ssyncset.done $0x0  }
0x45: {  	[sflag:s21] =	ssyncadd.s32 $0xFFFFB000  }
0x46: {  	[tilespmem:s20], [sflag:$0x1] =	stream.indirect.gather [hbm4b:s14+s23], $0x40, s29, s23, $0xb8;
	[tilespmem:$0x1CE80] =	vst v63  }
0x47: {  	s3 =	simm.s32 $0x80  }
0x48: {  	[tilespmem:s24], [sflag:$0x2] =	stream.indirect.gather [hbm4b:s14+s23], $0x40, s3, s23, $0xb8;
	[tilespmem:$0x1CE80] =	vst v63  }
0x49: {  	_ =	swait.ge [sflag:s25], $0x1F40  }
0x4a: {  	[sflag:s25] =	ssyncset.done $0x0  }
0x4b: {  	s22 =	simm.s32 $0x5000;
	[sflag:s25] =	ssyncadd.s32 $0xFFFFE0C0  }
0x4c: {  	[spmem:s2] =	stream.indirect.scatter.add.f32 [tilespmem:s20], [sflag:$0x3], $0x40, s22, s23, $0xb8;
	[tilespmem:$0x1CE80] =	vst v63  }
0x4d: {  	_ =	swait.ge [sflag:s21], $0x1F40  }
0x4e: {  	[sflag:s21] =	ssyncset.done $0x0  }
0x4f: {  	s28 =	simm.s32 $0x100;
	[sflag:s21] =	ssyncadd.s32 $0xFFFFE0C0  }
0x50: {  	[tilespmem:s20], [sflag:$0x1] =	stream.indirect.gather [hbm4b:s14+s23], $0x40, s28, s23, $0xb8;
	[tilespmem:$0x1CE80] =	vst v63  }
0x51: {  	_ =	swait.ge [sflag:s26], $0x1F40  }
0x52: {  	[sflag:s26] =	ssyncset.done $0x0  }
0x53: {  	s29 =	simm.s32 $0x5080;
	[sflag:s26] =	ssyncadd.s32 $0xFFFFE0C0  }
0x54: {  	[spmem:s2] =	stream.indirect.scatter.add.f32 [tilespmem:s24], [sflag:$0x3], $0x40, s29, s23, $0xb8;
	[tilespmem:$0x1CE80] =	vst v63  }
0x55: {  	_ =	swait.ge [sflag:s21], $0x1F40  }
0x56: {  	s1 =	simm.s32 $0x100;
	s3 =	simm.s32 $0x800;
	[sflag:s21] =	ssyncset.done $0x0  }
.LBB2_4:
0x57: {  	s22 =	sadd.s32 $0x80, s1  }
0x58: {  	[sflag:s21] =	ssyncadd.s32 $0xFFFFE0C0;
	s28 =	smov.u32 s3;
	s29 =	sadd.s32 $0x400, s3  }
0x59: {  	[tilespmem:s24], [sflag:$0x2] =	stream.indirect.gather [hbm4b:s14+s23], $0x40, s22, s23, $0xb8;
	[tilespmem:$0x1CE80] =	vst v63  }
0x5a: {  	p1 =	sne.s32 s3, $0x13800;
	_ =	swait.ge [sflag:s25], $0x1F40  }
0x5b: {  	[sflag:s25] =	ssyncset.done $0x0  }
0x5c: {  	s3 =	sadd.s32 $0x5000, s1;
	[sflag:s25] =	ssyncadd.s32 $0xFFFFE0C0  }
0x5d: {  	[spmem:s2] =	stream.indirect.scatter.add.f32 [tilespmem:s20], [sflag:$0x3], $0x40, s3, s23, $0xb8;
	[tilespmem:$0x1CE80] =	vst v63  }
0x5e: {  	_ =	swait.ge [sflag:s21], $0x1F40  }
0x5f: {  	[sflag:s21] =	ssyncset.done $0x0  }
0x60: {  	s3 =	sadd.s32 $0x100, s1;
	[sflag:s21] =	ssyncadd.s32 $0xFFFFE0C0  }
0x61: {  	[tilespmem:s20], [sflag:$0x1] =	stream.indirect.gather [hbm4b:s14+s23], $0x40, s3, s23, $0xb8;
	[tilespmem:$0x1CE80] =	vst v63  }
0x62: {  	_ =	swait.ge [sflag:s26], $0x1F40  }
.Ltmp1:
0x63: {  	[sflag:s26] =	ssyncset.done $0x0;
	(pc) =	sbr.rel @p1 .LBB2_4-.Ltmp1, $4  }
0x64: {  	s1 =	sadd.s32 $0x5080, s1;
	[sflag:s26] =	ssyncadd.s32 $0xFFFFE0C0  }
0x65: {  	[spmem:s2] =	stream.indirect.scatter.add.f32 [tilespmem:s24], [sflag:$0x3], $0x40, s1, s23, $0xb8;
	[tilespmem:$0x1CE80] =	vst v63  }
0x66: {  	_ =	swait.ge [sflag:s21], $0x1F40  }
0x67: {  	s3 =	smov.u32 s29;
	s1 =	sshra.s32 s28, $0x2;
	[sflag:s21] =	ssyncset.done $0x0  }
0x68: {  	s3 =	sadd.s32 $0x80, s1;
	[sflag:s21] =	ssyncadd.s32 $0xFFFFE0C0  }
0x69: {  	[tilespmem:s24], [sflag:$0x2] =	stream.indirect.gather [hbm4b:s14+s23], $0x40, s3, s23, $0xb8;
	[tilespmem:$0x1CE80] =	vst v63  }
0x6a: {  	_ =	swait.ge [sflag:s25], $0x1F40  }
0x6b: {  	[sflag:s25] =	ssyncset.done $0x0  }
0x6c: {  	s28 =	sadd.s32 $0x5000, s1;
	[sflag:s25] =	ssyncadd.s32 $0xFFFFE0C0  }
0x6d: {  	[spmem:s2] =	stream.indirect.scatter.add.f32 [tilespmem:s20], [sflag:$0x3], $0x40, s28, s23, $0xb8;
	[tilespmem:$0x1CE80] =	vst v63  }
0x6e: {  	_ =	swait.ge [sflag:s21], $0x1F40  }
0x6f: {  	[sflag:s21] =	ssyncset.done $0x0  }
0x70: {  	s29 =	sadd.s32 $0x100, s1;
	[sflag:s21] =	ssyncadd.s32 $0xFFFFE0C0  }
0x71: {  	[tilespmem:s20], [sflag:$0x1] =	stream.indirect.gather [hbm4b:s14+s23], $0x40, s29, s23, $0xb8;
	[tilespmem:$0x1CE80] =	vst v63  }
0x72: {  	_ =	swait.ge [sflag:s26], $0x1F40  }
0x73: {  	[sflag:s26] =	ssyncset.done $0x0  }
0x74: {  	s3 =	sadd.s32 $0x5080, s1;
	[sflag:s26] =	ssyncadd.s32 $0xFFFFE0C0  }
0x75: {  	[spmem:s2] =	stream.indirect.scatter.add.f32 [tilespmem:s24], [sflag:$0x3], $0x40, s3, s23, $0xb8;
	[tilespmem:$0x1CE80] =	vst v63  }
0x76: {  	_ =	swait.ge [sflag:s21], $0x1F40  }
0x77: {  	[sflag:s21] =	ssyncset.done $0x0  }
0x78: {  	s22 =	simm.s32 $0x4F80;
	[sflag:s21] =	ssyncadd.s32 $0xFFFFE0C0  }
0x79: {  	[tilespmem:s24], [sflag:$0x2] =	stream.indirect.gather [hbm4b:s14+s23], $0x40, s22, s23, $0xb8;
	[tilespmem:$0x1CE80] =	vst v63  }
0x7a: {  	_ =	swait.ge [sflag:s25], $0x1F40  }
0x7b: {  	[sflag:s25] =	ssyncset.done $0x0  }
0x7c: {  	s28 =	simm.s32 $0x9F00;
	[sflag:s25] =	ssyncadd.s32 $0xFFFFE0C0  }
0x7d: {  	[spmem:s2] =	stream.indirect.scatter.add.f32 [tilespmem:s20], [sflag:$0x3], $0x40, s28, s23, $0xb8;
	[tilespmem:$0x1CE80] =	vst v63  }
0x7e: {  	_ =	swait.ge [sflag:s21], $0x1F40  }
0x7f: {  	[sflag:s21] =	ssyncset.done $0x0  }
0x80: {  	[sflag:s21] =	ssyncadd.s32 $0xFFFFE0C0  }
0x81: {  	_ =	swait.ge [sflag:s26], $0x1F40  }
0x82: {  	[sflag:s26] =	ssyncset.done $0x0  }
0x83: {  	[sflag:s26] =	ssyncadd.s32 $0xFFFFE0C0  }
0x84: {  	[spmem:s2] =	stream.indirect.scatter.add.f32 [tilespmem:s24], [sflag:$0x3], $0x40, s30, s23, $0xb8;
	[tilespmem:$0x1CE80] =	vst v63  }
0x85: {  	_ =	swait.ge [sflag:s21], $0x1F40  }
0x86: {  	[sflag:s21] =	ssyncset.done $0x0  }
0x87: {  	[sflag:s21] =	ssyncadd.s32 $0xFFFFE0C0  }
0x88: {  	[bflag:$0x0] =	sbarrier.arrive $0xFFFF  }
0x89: {  	[tilespmem:s31], [sflag:$0x3] =	stream.linear.gather [spmem:s4], $0x5000, $0x38;
	[tilespmem:$0x1CE80] =	vst v63  }
0x8a: {  	_ =	swait.ge [sflag:s21], $0x5000  }
0x8b: {  	[sflag:s21] =	ssyncset.done $0x0  }
0x8c: {  	s29 =	simm.s32 $0x0;
	[sflag:s21] =	ssyncadd.s32 $0xFFFFB000  }
0x8d: {  	[hbm4b:s15+s29] =	stream.linear.scatter [tilespmem:s31], [sflag:$0x3], $0x5000, $0x38;
	[tilespmem:$0x1CE80] =	vst v63  }
0x8e: {  	_ =	swait.ge [sflag:s21], $0x5000  }
0x8f: {  	[sflag:s21] =	ssyncset.done $0x0  }
0x90: {  	s1 =	simm.s32 @p0 $0xDE80;
	s3 =	simm.s32 @p0 $0x3;
	[sflag:s21] =	ssyncadd.s32 $0xFFFFB000  }
0x91: {  	[tilespmem:s1], [sflag:$0x3] =	stream.linear.gather @p0 [spmem:s17], $0x1400, $0x38;
	[tilespmem:$0x1CE80] =	vst v63  }
0x92: {  	_ =	swait.ge @p0 [sflag:s3], $0x1400  }
0x93: {  	[sflag:s3] =	ssyncset.done @p0 $0x0  }
0x94: {  	s22 =	simm.s32 @p0 $0x0;
	[sflag:s3] =	ssyncadd.s32 @p0 $0xFFFFEC00  }
0x95: {  	[hbm4b:s18+s22] =	stream.linear.scatter @p0 [tilespmem:s1], [sflag:$0x3], $0x1400, $0x38;
	[tilespmem:$0x1CE80] =	vst v63  }
0x96: {  	_ =	swait.ge @p0 [sflag:s3], $0x1400  }
0x97: {  	[sflag:s3] =	ssyncset.done @p0 $0x0  }
0x98: {  	s1 =	simm.s32 @!p0 $0xDE80;
	[sflag:s3] =	ssyncadd.s32 @p0 $0xFFFFEC00;
	s3 =	simm.s32 @!p0 $0x3  }
0x99: {  	[tilespmem:s1], [sflag:$0x3] =	stream.linear.gather @!p0 [spmem:s8], $0x5000, $0x38;
	[tilespmem:$0x1CE80] =	vst v63  }
0x9a: {  	s0 =	sadd.s32 $0x1, s0;
	_ =	swait.ge @!p0 [sflag:s3], $0x5000  }
0x9b: {  	p1 =	sne.s32 s0, s19;
	[sflag:s3] =	ssyncset.done @!p0 $0x0  }
.Ltmp2:
0x9c: {  	s22 =	simm.s32 @!p0 $0x0;
	[sflag:s3] =	ssyncadd.s32 @!p0 $0xFFFFB000;
	(pc) =	sbr.rel @p1 .LBB2_1-.Ltmp2, $4  }
0x9d: {  	[hbm4b:s16+s22] =	stream.linear.scatter @!p0 [tilespmem:s1], [sflag:$0x3], $0x5000, $0x38;
	[tilespmem:$0x1CE80] =	vst v63  }
0x9e: {  	_ =	swait.ge @!p0 [sflag:s3], $0x5000  }
0x9f: {  	[sflag:s3] =	ssyncset.done @!p0 $0x0  }
0xa0: {  	[sflag:s3] =	ssyncadd.s32 @!p0 $0xFFFFB000  }
0xa1: {  	_ =	sfence.sel $0x180000  }
0xa2: {  	[bflag:$0x0] =	sbarrier.arrive $0xFFFF  }
0xa3: {  	_ =	strace $0x9000004D  }
0xa4: {  	s0 =	stileid.u32;
	[bflag:$0x2] =	sbarrier.arrive $0xFFFF  }
0xa5: {  	p0 =	sne.s32 s0, $0x0;
	s0 =	rddreg [dreg:$0x2]  }
0xa6: {  	s0 =	sadd.s32 @!p0 $0x100000, s0  }
0xa7: {  	[sflag:s0] =	ssyncadd.tile.s32 @!p0 $0x1;
	_ =	shalt  }
.Lfunc_end2:
_tile_overlayer_lowered:
.L_overlay_start_2:
0xa8: {  	(tag) =	ssettag $0x2  }
0xa9: {  	s0 =	rddreg [dreg:$0x0];
	s2 =	stileid.u32  }
0xaa: {  	s1 =	rddreg [dreg:$0x1];
	p0 =	sne.s32 s2, $0x0  }
0xab: {  	s3 =	rddreg [dreg:$0x2];
	[bflag:$0x3] =	sbarrier.arrive $0xFFFF;
	s2 =	simm.s32 @!p0 $0x1C03  }
0xac: {  	[timem:s3], [sflag:s2] =	dma.local @!p0 [hbm:s0], s1  }
0xad: {  	s0 =	simm.s32 @!p0 $0x3  }
0xae: {  	_ =	swait.ge @!p0 [sflag:s0], s1  }
0xaf: {  	s1 =	ssub.s32 @!p0 $0x0, s1;
	[sflag:s0] =	ssyncset.done @!p0 $0x0  }
0xb0: {  	[sflag:s0] =	ssyncadd.s32 @!p0 s1  }
0xb1: {  	[bflag:$0x3] =	sbarrier.arrive $0xFFFF  }
0xb2: {  	_ =	shalt  }

// kernel: kernel.8.cloned.1.call-start
scs
__scs_entry_jumppad:
0x0: {  	(pc) =	sbr.rel $0x88, $3  }
0x1: {  	(tag) =	ssettag $0x0;
	lr =	simm.s32 $0x1  }
0x2: {  	[smem:$0x3F8A] =	sst lr;
	_ =	strace $0xD0000000  }
0x3: {  	_ = 	snop  }
0x4: {  	_ = 	snop  }
0x5: {  	_ = 	snop  }
0x6: {  	_ = 	snop  }
0x7: {  	_ = 	snop  }
__scs_overlays_trampoline_lowered:
0x8: {  	[smem:$0x3F99] =	sst s0  }
0x9: {  	[smem:$0x3F9A] =	sst s1  }
0xa: {  	[smem:$0x3F9B] =	sst s2  }
0xb: {  	[smem:$0x3F9C] =	sst s3  }
0xc: {  	[smem:$0x3F9D] =	sst s4  }
0xd: {  	[smem:$0x3F9E] =	sst s5  }
0xe: {  	[smem:$0x3F9F] =	sst s6  }
0xf: {  	[smem:$0x3FA0] =	sst s7  }
0x10: {  	[smem:$0x3FA1] =	sst s8  }
0x11: {  	[smem:$0x3FA2] =	sst s9;
	s0 =	simm.s32 @!p0 $0x0  }
0x12: {  	s1 =	sld [smem:$0x3F88];
	s0 =	simm.s32 @p0 $0x1  }
0x13: {  	[smem:$0x3FA3] =	sst s0;
	s0 =	simm.s32 @!p1 $0x0  }
0x14: {  	s2 =	sld [smem:$0x3F87];
	s0 =	simm.s32 @p1 $0x1  }
0x15: {  	[smem:$0x3FA4] =	sst s0;
	s0 =	simm.s32 @!p2 $0x0  }
0x16: {  	s3 =	sld [smem:$0x3FDB];
	s0 =	simm.s32 @p2 $0x1  }
0x17: {  	s4 =	simm.s32 $0x1BF5;
	[smem:$0x3FA6] =	sst s0  }
0x18: {  	s0 =	sld [smem:$0x3F89];
	_ =	swait.ge [sflag:s4], $0x0  }
0x19: {  	s7 =	sld [smem:$0x3F8A]  }
0x1a: {  	s8 =	sadd.s32 $0xFFFFE003, lr  }
0x1b: {  	s9 =	sadd.s32 $0xFFFFFEF7, lr;
	s5 =	simm.s32 $0xFFFFFFFF;
	p2 =	slt.u32 s8, $0xFFFFF086  }
0x1c: {  	p1 =	slt.u32 s9, $0xF7A;
	s5 =	simm.s32 @!p2 $0x0  }
0x1d: {  	s5 =	simm.s32 @p1 $0x1;
	p0 =	seq.s32 s7, s2  }
0x1e: {  	s7 =	smul.u32 @!p0 $0xF7A, s2;
	p2 =	seq.s32 @!p0 s5, $0x0  }
0x1f: {  	s9 =	smul.u32 $0xF7A, s1;
	s8 =	simm.s32 @!p0 $0x1BF5;
	p2 =	por !p2, p0  }
0x20: {  	[sflag:s8] =	ssyncset.s32 @!p0 $0xFFFFF086;
	s6 =	sadd.s32 @!p0 s3, s7;
	s7 =	simm.s32 @!p0 $0x108  }
0x21: {  	s3 =	sadd.s32 s3, s9;
	s6 =	sadd.s32 @!p0 $0x88, s6;
	s7 =	simm.s32 @p2 $0x1082  }
0x22: {  	[simem:s7], [sflag:s8] =	dma.local @!p0 [hbm:s6], $0xF7A  }
0x23: {  	s9 =	sor.u32 $0xD0000000, s2;
	s6 =	simm.s32 $0x108;
	_ =	swait.ge @!p0 [sflag:s8], $0x0  }
0x24: {  	s3 =	sadd.s32 $0x88, s3;
	s6 =	simm.s32 @!p1 $0x1082;
	[sflag:s4] =	ssyncset.s32 $0xFFFFF086  }
0x25: {  	[simem:s6], [sflag:s4] =	dma.local [hbm:s3], $0xF7A  }
0x26: {  	[smem:$0x3F8A] =	sst s1;
	(tag) =	ssettag s2;
	_ =	strace s9  }
0x27: {  	s1 =	sld [smem:$0x3F9A]  }
0x28: {  	s2 =	sld [smem:$0x3F9B]  }
0x29: {  	s4 =	sld [smem:$0x3F9D]  }
0x2a: {  	p0 =	seq.s32 s5, $0x0;
	s5 =	sld [smem:$0x3F9E]  }
0x2b: {  	s6 =	sld [smem:$0x3F9F]  }
0x2c: {  	s7 =	sld [smem:$0x3FA0]  }
0x2d: {  	s3 =	simm.s32 $0x108;
	s8 =	sld [smem:$0x3FA1]  }
0x2e: {  	s3 =	simm.s32 @!p0 $0x1082;
	s9 =	sld [smem:$0x3FA2]  }
0x2f: {  	lr =	sadd.s32 s0, s3;
	s0 =	sld [smem:$0x3F99]  }
0x30: {  	s3 =	sld [smem:$0x3F9C]  }
0x31: {  	[smem:$0x3FA5] =	sst s10  }
0x32: {  	s10 =	sld [smem:$0x3FA3];
	_ =	sdelay $0x3  }
0x33: {  	p0 =	seq.s32 s10, $0x1;
	s10 =	sld [smem:$0x3FA5];
	_ =	sdelay $0x3  }
0x34: {  	[smem:$0x3FA5] =	sst s10  }
0x35: {  	s10 =	sld [smem:$0x3FA4];
	_ =	sdelay $0x3  }
0x36: {  	p1 =	seq.s32 s10, $0x1;
	s10 =	sld [smem:$0x3FA5];
	_ =	sdelay $0x3  }
0x37: {  	[smem:$0x3FA5] =	sst s10  }
0x38: {  	s10 =	sld [smem:$0x3FA6]  }
0x39: {  	_ = 	snop;
	(pc) =	sbr.ind lr, $3  }
0x3a: {  	_ = 	snop  }
0x3b: {  	_ = 	snop  }
0x3c: {  	p2 =	seq.s32 s10, $0x1;
	s10 =	sld [smem:$0x3FA5]  }
0x3d: {  	_ =	shalt  }
0x3e: {  	_ =	shalt  }
0x3f: {  	_ =	shalt  }
0x40: {  	_ =	shalt  }
0x41: {  	_ =	shalt  }
0x42: {  	_ =	shalt  }
0x43: {  	_ =	shalt  }
0x44: {  	_ =	shalt  }
0x45: {  	_ =	shalt  }
0x46: {  	_ =	shalt  }
0x47: {  	_ =	shalt  }
0x48: {  	_ =	shalt  }
0x49: {  	_ =	shalt  }
0x4a: {  	_ =	shalt  }
0x4b: {  	_ =	shalt  }
0x4c: {  	_ =	shalt  }
0x4d: {  	_ =	shalt  }
0x4e: {  	_ =	shalt  }
0x4f: {  	_ =	shalt  }
0x50: {  	_ =	shalt  }
0x51: {  	_ =	shalt  }
0x52: {  	_ =	shalt  }
0x53: {  	_ =	shalt  }
0x54: {  	_ =	shalt  }
0x55: {  	_ =	shalt  }
0x56: {  	_ =	shalt  }
0x57: {  	_ =	shalt  }
0x58: {  	_ =	shalt  }
0x59: {  	_ =	shalt  }
0x5a: {  	_ =	shalt  }
0x5b: {  	_ =	shalt  }
0x5c: {  	_ =	shalt  }
0x5d: {  	_ =	shalt  }
0x5e: {  	_ =	shalt  }
0x5f: {  	_ =	shalt  }
0x60: {  	_ =	shalt  }
0x61: {  	_ =	shalt  }
0x62: {  	_ =	shalt  }
0x63: {  	_ =	shalt  }
0x64: {  	_ =	shalt  }
0x65: {  	_ =	shalt  }
0x66: {  	_ =	shalt  }
0x67: {  	_ =	shalt  }
0x68: {  	_ =	shalt  }
0x69: {  	_ =	shalt  }
0x6a: {  	_ =	shalt  }
0x6b: {  	_ =	shalt  }
0x6c: {  	_ =	shalt  }
0x6d: {  	_ =	shalt  }
0x6e: {  	_ =	shalt  }
0x6f: {  	_ =	shalt  }
0x70: {  	_ =	shalt  }
0x71: {  	_ =	shalt  }
0x72: {  	_ =	shalt  }
0x73: {  	_ =	shalt  }
0x74: {  	_ =	shalt  }
0x75: {  	_ =	shalt  }
0x76: {  	_ =	shalt  }
0x77: {  	_ =	shalt  }
0x78: {  	_ =	shalt  }
0x79: {  	_ =	shalt  }
0x7a: {  	_ =	shalt  }
0x7b: {  	_ =	shalt  }
0x7c: {  	_ =	shalt  }
0x7d: {  	_ =	shalt  }
0x7e: {  	_ =	shalt  }
0x7f: {  	_ =	shalt  }
0x80: {  	_ =	shalt  }
0x81: {  	_ =	shalt  }
0x82: {  	_ =	shalt  }
0x83: {  	_ =	shalt  }
0x84: {  	_ =	shalt  }
0x85: {  	_ =	shalt  }
0x86: {  	_ =	shalt  }
0x87: {  	_ =	shalt  }
.Lfunc_end0:
.L_simem_size_0:
called_computation_lowered:
.L_overlay_start_0:
0x88: {  	s2 =	sld [smem:$0x3FD9]  }
0x89: {  	s3 =	sld [smem:$0x3FFE];
	_ =	sdelay $0x1  }
0x8a: {  	s1 =	srdreg.scid  }
0x8b: {  	s0 =	sand.u32 $0x1, s1  }
0x8c: {  	s17 =	sshll.u32 s0, $0xA;
	s2 =	sadd.s32 s3, s2  }
0x8d: {  	s2 =	sadd.s32 s2, s17  }
0x8e: {  	[smem:$0x3FB1] =	sst s2  }
0x8f: {  	_ = 	snop  }
0x90: {  	s2 =	sld [smem:$0x3FD0];
	(tm) =	ssettm $0x1  }
0x91: {  	s18 =	sld [smem:$0x3FFB];
	_ =	sdelay $0x3  }
0x92: {  	_ =	strace s18  }
0x93: {  	s3 =	sld [smem:$0x3FFC];
	_ =	sdelay $0x3  }
0x94: {  	_ =	strace s3  }
0x95: {  	s3 =	sld [smem:$0x3FFD];
	_ =	sdelay $0x3  }
0x96: {  	_ =	strace s3  }
0x97: {  	_ =	strace $0x8FFFFFFF  }
0x98: {  	s19 =	sld [smem:$0x3FDB];
	_ =	sdelay $0x1  }
0x99: {  	s4 =	simm.s32 $_scs_section_size  }
0x9a: {  	s5 =	simm.s32 $_size__tile_overlayer_lowered;
	s6 =	simm.s32 $_tile_overlayer_lowered  }
0x9b: {  	s22 =	simm.s32 $0x1BFF;
	s21 =	sshll.u32 s6, $0x1;
	s3 =	sadd.s32 s4, s19  }
0x9c: {  	s7 =	simm.s32 $0x0;
	s20 =	sshll.u32 s5, $0x1;
	s5 =	sadd.s32 s21, s3  }
0x9d: {  	[timem:s7], [sflag:s22] =	dma.local [hbm:s5], s20  }
0x9e: {  	_ =	swait.ge [sflag:s22], s20  }
0x9f: {  	s4 =	ssub.s32 $0x0, s20;
	[sflag:s22] =	ssyncset.done $0x0  }
0xa0: {  	[sflag:s22] =	ssyncadd.s32 s4;
	_ =	sdelay $0x1  }
0xa1: {  	s23 =	simm.s32 $0x1B8B  }
0xa2: {  	_ =	swait.ge [sflag:s23], $0x1  }
0xa3: {  	[sflag:s23] =	ssyncset.done $0x0  }
0xa4: {  	s25 =	simm.s32 $0x1B8E;
	s24 =	sld [smem:$0x3FFE];
	[sflag:s23] =	ssyncadd.s32 $0xFFFFFFFF  }
0xa5: {  	s26 =	simm.s32 $execute0_lowered;
	[smem:$0x3FD2] =	sst s25  }
0xa6: {  	s5 =	sshll.u32 s26, $0x1;
	_ =	strace $0x80000046;
	[dreg:$0x1] =	wrdreg $0xFFFFFFFF  }
0xa7: {  	s28 =	simm.s32 $_size_execute0_lowered;
	s3 =	sadd.s32 s3, s5;
	[dreg:$0x0] =	wrdreg $0x0  }
0xa8: {  	s5 =	sshll.u32 s28, $0x1;
	[dreg:$0x2] =	wrdreg s3  }
0xa9: {  	[dreg:$0x3] =	wrdreg s5  }
0xaa: {  	[dreg:$0x4] =	wrdreg $0xC0  }
0xab: {  	_ =	task [dreg:s7], $0x5FFFF  }
0xac: {  	[dreg:$0x1] =	wrdreg $0xFFFFFFFF  }
0xad: {  	[dreg:$0x0] =	wrdreg $0x60  }
0xae: {  	[dreg:$0x2] =	wrdreg s24  }
0xaf: {  	[dreg:$0x3] =	wrdreg s2  }
0xb0: {  	[dreg:$0x4] =	wrdreg $0x5CD00  }
0xb1: {  	[dreg:$0x5] =	wrdreg $0x9  }
0xb2: {  	_ =	task.clear_ibuf [dreg:s7], $0x6FFFF;
	_ =	strace $0x90000046  }
0xb3: {  	s29 =	simm.s32 $0x9;
	_ =	strace $0x80000048  }
0xb4: {  	_ =	swait.ge [sflag:s29], $0x1  }
0xb5: {  	[sflag:s29] =	ssyncadd.s32 $0xFFFFFFFF  }
0xb6: {  	_ =	strace $0x90000048  }
0xb7: {  	_ =	sfence  }
0xb8: {  	s30 =	sld [smem:$0x0];
	_ =	sdelay $0x2  }
0xb9: {  	s31 =	sshll.u32 s1, $0xD;
	s1 =	sshrl.u32 s1, $0x2  }
0xba: {  	s3 =	sand.u32 $0x4000, s31;
	s1 =	sadd.s32 s1, s30  }
0xbb: {  	s0 =	sor.u32 s3, s0;
	s1 =	sshll.u32 s1, $0x11  }
0xbc: {  	s0 =	sor.u32 s1, s0  }
0xbd: {  	s0 =	sadd.s32 $0x8F2B, s0  }
0xbe: {  	[sflag:s0] =	ssyncadd.remote.s32 $0x1  }
0xbf: {  	_ =	sfence.sel $0xFFFF  }
0xc0: {  	[dreg:$0x0] =	wrdreg $0xFFFFFFFF;
	(pc) =	sbr.abs _section_cstart, $3  }
0xc1: {  	[dreg:$0x1] =	wrdreg $0xFFFFFFFF  }
0xc2: {  	_ =	task.clear_ibuf [dreg:s7], $0x2FFFF;
	_ =	strace $0x9FFFFFFF  }
0xc3: {  	(tm) =	ssettm $0x7FFFFFFF  }
tec
execute0_lowered:
.L_overlay_start_1:
0x0: {  	(tag) =	ssettag $0x1  }
0x1: {  	s4 =	rddreg [dreg:$0x0]  }
0x2: {  	s1 =	srdreg.scid;
	s13 =	rddreg [dreg:$0x1]  }
0x3: {  	s0 =	stileid.u32;
	s2 =	rddreg [dreg:$0x2]  }
0x4: {  	s3 =	simm.s32 $0x0;
	s16 =	simm.s32 $0x1;
	s17 =	simm.s32 $0x7D  }
0x5: {  	s18 =	simm.s32 $0x2800;
	s19 =	simm.s32 $0x34D0;
	s20 =	simm.s32 $0x0  }
0x6: {  	s5 =	sand.u32 $0x1, s1;
	s1 =	rddreg [dreg:$0x3];
	s8 =	smul.u32 $0xA000, s0  }
0x7: {  	s30 =	sshll.u32 s0, $0x1;
	[smem:$0x7FF] =	sst s3;
	s10 =	smul.u32 $0x2800, s0  }
0x8: {  	s6 =	sor.u32 s5, s30;
	s7 =	ssub.s32 $0x2, s5;
	s15 =	smul.u32 $0x28000, s5  }
0x9: {  	s6 =	smul.u32 $0x500, s6;
	s9 =	sshrl.u32 s7, $0x1;
	s31 =	sshrl.u32 s8, $0x2  }
0xa: {  	_ =	strace $0x80000047;
	s14 =	ssub.s32 s7, s9;
	s11 =	sadd.s32 s31, s2  }
0xb: {  	s15 =	sadd.s32 s10, s15;
	s12 =	sadd.s32 s6, s4;
	s4 =	sadd.s32 s10, s2  }
0xc: {  	s5 =	sadd.s32 $0x500, s11;
	s6 =	sadd.s32 $0xA00, s11;
	s7 =	sadd.s32 $0xF00, s11  }
0xd: {  	s8 =	sadd.s32 $0x1400, s11;
	s9 =	sadd.s32 $0x1900, s11;
	s10 =	sadd.s32 $0x1E00, s11  }
0xe: {  	s11 =	sadd.s32 $0x2300, s11;
	s15 =	sshrl.u32 s15, $0x3;
	s14 =	smax.u32 s14, $0x1  }
0xf: {  	v0 =	vimm.f32 $1.000000000e+00;
	v1 =	vimm.f32 $0.0e+00;
	s12 =	sadd.s32 $0x4600, s12;
	s13 =	sadd.s32 s13, s15;
	s15 =	simm.s32 $0x2FD0  }
.LBB2_1:
0x10: {  	s21 =	simm.s32 $0x0  }
.LBB2_2:
0x11: {  	p0 =	sne.s32 s21, $0x1F00  }
.Ltmp0:
0x12: {  	_ = 	snop;
	(pc) =	sbr.rel @p0 .LBB2_2-.Ltmp0, $3  }
0x13: {  	_ =	sdelay $0x1  }
0x14: {  	s22 =	sshra.s32 s21, $0x2  }
0x15: {  	s21 =	sadd.s32 $0x40, s21;
	[tilespmem:s22+$0x2800] =	vst v0  }
0x16: {  	s21 =	simm.s32 $0x40;
	s22 =	simm.s32 $0x0  }
.LBB2_4:
0x17: {  	p0 =	sne.s32 s21, $0x13C0;
	[tilespmem:s22+$0x2FD0] =	vst v1;
	s22 =	smov.u32 s21;
	s21 =	sadd.s32 $0x40, s21  }
.Ltmp1:
0x18: {  	(pc) =	sbr.rel @p0 .LBB2_4-.Ltmp1, $2  }
0x19: {  	_ =	sdelay $0x2  }
0x1a: {  	s22 =	sshra.s32 s22, $0x2  }
0x1b: {  	[tilespmem:s22+$0x2FD0] =	vst v1  }
0x1c: {  	[spmem:s4] =	stream.linear.scatter [tilespmem:s15], [sflag:$0x1], $0x500, $0x38;
	[tilespmem:$0x84D0] =	vst v63  }
0x1d: {  	_ =	swait.ge [sflag:s16], $0x500  }
0x1e: {  	[sflag:s16] =	ssyncset.done $0x0  }
0x1f: {  	[sflag:s16] =	ssyncadd.s32 $0xFFFFFB00  }
0x20: {  	[spmem:s5] =	stream.linear.scatter [tilespmem:s15], [sflag:$0x1], $0x500, $0x38;
	[tilespmem:$0x84D0] =	vst v63  }
0x21: {  	_ =	swait.ge [sflag:s16], $0x500  }
0x22: {  	[sflag:s16] =	ssyncset.done $0x0  }
0x23: {  	[sflag:s16] =	ssyncadd.s32 $0xFFFFFB00  }
0x24: {  	[spmem:s6] =	stream.linear.scatter [tilespmem:s15], [sflag:$0x1], $0x500, $0x38;
	[tilespmem:$0x84D0] =	vst v63  }
0x25: {  	_ =	swait.ge [sflag:s16], $0x500  }
0x26: {  	[sflag:s16] =	ssyncset.done $0x0  }
0x27: {  	[sflag:s16] =	ssyncadd.s32 $0xFFFFFB00  }
0x28: {  	[spmem:s7] =	stream.linear.scatter [tilespmem:s15], [sflag:$0x1], $0x500, $0x38;
	[tilespmem:$0x84D0] =	vst v63  }
0x29: {  	_ =	swait.ge [sflag:s16], $0x500  }
0x2a: {  	[sflag:s16] =	ssyncset.done $0x0  }
0x2b: {  	[sflag:s16] =	ssyncadd.s32 $0xFFFFFB00  }
0x2c: {  	[spmem:s8] =	stream.linear.scatter [tilespmem:s15], [sflag:$0x1], $0x500, $0x38;
	[tilespmem:$0x84D0] =	vst v63  }
0x2d: {  	_ =	swait.ge [sflag:s16], $0x500  }
0x2e: {  	[sflag:s16] =	ssyncset.done $0x0  }
0x2f: {  	[sflag:s16] =	ssyncadd.s32 $0xFFFFFB00  }
0x30: {  	[spmem:s9] =	stream.linear.scatter [tilespmem:s15], [sflag:$0x1], $0x500, $0x38;
	[tilespmem:$0x84D0] =	vst v63  }
0x31: {  	_ =	swait.ge [sflag:s16], $0x500  }
0x32: {  	[sflag:s16] =	ssyncset.done $0x0  }
0x33: {  	[sflag:s16] =	ssyncadd.s32 $0xFFFFFB00  }
0x34: {  	[spmem:s10] =	stream.linear.scatter [tilespmem:s15], [sflag:$0x1], $0x500, $0x38;
	[tilespmem:$0x84D0] =	vst v63  }
0x35: {  	_ =	swait.ge [sflag:s16], $0x500  }
0x36: {  	[sflag:s16] =	ssyncset.done $0x0  }
0x37: {  	[sflag:s16] =	ssyncadd.s32 $0xFFFFFB00  }
0x38: {  	[spmem:s11] =	stream.linear.scatter [tilespmem:s15], [sflag:$0x1], $0x500, $0x38;
	[tilespmem:$0x84D0] =	vst v63  }
0x39: {  	_ =	swait.ge [sflag:s16], $0x500  }
0x3a: {  	[sflag:s16] =	ssyncset.done $0x0  }
0x3b: {  	[sflag:s16] =	ssyncadd.s32 $0xFFFFFB00  }
0x3c: {  	s21 =	simm.s32 $0x0;
	[bflag:$0x0] =	sbarrier.arrive $0xFFFF  }
0x3d: {  	[tilespmem:s21], [sflag:$0x1] =	stream.linear.gather [hbm4b:s12+s21], $0x2800, $0x38;
	[tilespmem:$0x84D0] =	vst v63  }
0x3e: {  	_ =	swait.ge [sflag:s16], $0x2800  }
0x3f: {  	[sflag:s16] =	ssyncset.done $0x0  }
0x40: {  	s31 =	simm.s32 $0x0;
	[sflag:s16] =	ssyncadd.s32 $0xFFFFD800  }
0x41: {  	[spmem:s2] =	stream.indirect.scatter.add.f32 [tilespmem:s18], [sflag:$0x1], $0x10, s31, s17, $0xb8;
	[tilespmem:$0x84D0] =	vst v63  }
0x42: {  	_ =	swait.ge [sflag:s16], $0x7D0  }
0x43: {  	s21 =	simm.s32 $0x200;
	[sflag:s16] =	ssyncset.done $0x0  }
.LBB2_6:
0x44: {  	s22 =	sshra.s32 s21, $0x2;
	[sflag:s16] =	ssyncadd.s32 $0xFFFFF830;
	p0 =	sne.s32 s21, $0x9E00  }
0x45: {  	[spmem:s2] =	stream.indirect.scatter.add.f32 [tilespmem:s18], [sflag:$0x1], $0x10, s22, s17, $0xb8;
	[tilespmem:$0x84D0] =	vst v63  }
.Ltmp2:
0x46: {  	_ = 	snop;
	(pc) =	sbr.rel @p0 .LBB2_6-.Ltmp2, $4  }
0x47: {  	_ = 	snop  }
0x48: {  	s21 =	sadd.s32 $0x200, s21  }
0x49: {  	_ =	swait.ge [sflag:s16], $0x7D0  }
0x4a: {  	[sflag:s16] =	ssyncset.done $0x0  }
0x4b: {  	[sflag:s16] =	ssyncadd.s32 $0xFFFFF830  }
0x4c: {  	[bflag:$0x0] =	sbarrier.arrive $0xFFFF  }
0x4d: {  	[tilespmem:s19], [sflag:$0x1] =	stream.linear.gather [spmem:s4], $0x2800, $0x38;
	[tilespmem:$0x84D0] =	vst v63  }
0x4e: {  	s20 =	sadd.s32 $0x1, s20;
	_ =	swait.ge [sflag:s16], $0x2800  }
0x4f: {  	p0 =	sne.s32 s20, s14;
	[sflag:s16] =	ssyncset.done $0x0  }
.Ltmp3:
0x50: {  	[sflag:s16] =	ssyncadd.s32 $0xFFFFD800;
	(pc) =	sbr.rel @p0 .LBB2_1-.Ltmp3, $4  }
0x51: {  	[hbm4b:s13+s3] =	stream.linear.scatter [tilespmem:s19], [sflag:$0x1], $0x2800, $0x38;
	[tilespmem:$0x84D0] =	vst v63  }
0x52: {  	_ =	swait.ge [sflag:s16], $0x2800  }
0x53: {  	[sflag:s16] =	ssyncset.done $0x0  }
0x54: {  	[sflag:s16] =	ssyncadd.s32 $0xFFFFD800  }
0x55: {  	_ =	sfence.sel $0x180000  }
0x56: {  	[bflag:$0x0] =	sbarrier.arrive $0xFFFF  }
0x57: {  	p0 =	sne.s32 s0, $0x0;
	_ =	strace $0x90000047  }
0x58: {  	s0 =	sadd.s32 @!p0 $0x100000, s1;
	[bflag:$0x2] =	sbarrier.arrive $0xFFFF  }
0x59: {  	[sflag:s0] =	ssyncadd.tile.s32 @!p0 $0x1;
	_ =	shalt  }
.Lfunc_end2:
_tile_overlayer_lowered:
.L_overlay_start_2:
0x5a: {  	(tag) =	ssettag $0x2  }
0x5b: {  	s0 =	rddreg [dreg:$0x0];
	s2 =	stileid.u32  }
0x5c: {  	s1 =	rddreg [dreg:$0x1];
	p0 =	sne.s32 s2, $0x0  }
0x5d: {  	s3 =	rddreg [dreg:$0x2];
	[bflag:$0x3] =	sbarrier.arrive $0xFFFF;
	s2 =	simm.s32 @!p0 $0x1C01  }
0x5e: {  	[timem:s3], [sflag:s2] =	dma.local @!p0 [hbm:s0], s1  }
0x5f: {  	s0 =	simm.s32 @!p0 $0x1  }
0x60: {  	_ =	swait.ge @!p0 [sflag:s0], s1  }
0x61: {  	s1 =	ssub.s32 @!p0 $0x0, s1;
	[sflag:s0] =	ssyncset.done @!p0 $0x0  }
0x62: {  	[sflag:s0] =	ssyncadd.s32 @!p0 s1  }
0x63: {  	[bflag:$0x3] =	sbarrier.arrive $0xFFFF  }
0x64: {  	_ =	shalt  }

</sc_bundles>
